<compile_context>
chip_gen: v7x
topology: tpu7x:2x2x1
jax: 0.10.2.dev20260603
libtpu: 0.0.44.dev20260713+nightly
codegen_flags: <defaults>
</compile_context>

<pallas_src>
import jax
import jax.numpy as jnp
from jax import lax
from jax.experimental import pallas as pl
from jax.experimental.pallas import tpu as pltpu
from jax.experimental.pallas import tpu_sc as plsc

_N = 10000
_E = 320000
_H = 128
_HH = 64
_TD = 384
_NL = 3
_NS = 16
_NPAD = 10240
_NZ = _NPAD // _NS
_EPT = _E // _NS
_DW = 800
_W = 128
_NWIN = _E // _W
_NWT = _NWIN // 32
_NTAIL = _NWIN - 32 * _NWT
_ZCH = 128
_RB = 1000

_f32 = jnp.float32



def _pool_body(te_ref, o_ref):
    o_ref[...] = jnp.mean(te_ref[...], axis=0, keepdims=True)


def _hyper_body(p_ref, wg_ref, o_ref):
    o_ref[0] = jnp.dot(p_ref[...], wg_ref[0],
                       preferred_element_type=_f32)


def _layer0_body(nf_ref, wp_ref, bp_ref, dego_ref, w_ref, o_ref):
    x = jnp.dot(nf_ref[...], wp_ref[...], preferred_element_type=_f32)
    x = x + bp_ref[...]
    s = lax.rsqrt(jnp.maximum(dego_ref[...], 1.0))
    o_ref[...] = jnp.dot(x * s, w_ref[...], preferred_element_type=_f32)


def _layermid_body(agg_ref, dego_ref, degi_ref, w_ref, o_ref):
    x = agg_ref[0] + agg_ref[1]
    t = lax.rsqrt(jnp.maximum(degi_ref[...], 1.0))
    s = lax.rsqrt(jnp.maximum(dego_ref[...], 1.0))
    x = jnp.maximum(x * t, 0.0) * s
    o_ref[...] = jnp.dot(x, w_ref[...], preferred_element_type=_f32)


def _head_body(agg_ref, degi_ref, w1_ref, b1_ref, w2_ref, b2_ref, o_ref):
    x = agg_ref[0] + agg_ref[1]
    t = lax.rsqrt(jnp.maximum(degi_ref[...], 1.0))
    x = x * t
    h = jnp.dot(x, w1_ref[...], preferred_element_type=_f32) + b1_ref[...]
    h = jnp.maximum(h, 0.0)
    o_ref[...] = jnp.dot(h, w2_ref[...], preferred_element_type=_f32) + b2_ref[...]


def _idx2_body(s_ref, d_ref, o_ref):
    o_ref[:, 0, :] = s_ref[...]
    o_ref[:, 1, :] = d_ref[...]


def _idx2_call(src, dst):
    return pl.pallas_call(
        _idx2_body,
        out_shape=jax.ShapeDtypeStruct((_NWIN, 2, _W), jnp.int32),
    )(src.reshape(_NWIN, _W), dst.reshape(_NWIN, _W))


def _pool_call(te):
    return pl.pallas_call(
        _pool_body,
        out_shape=jax.ShapeDtypeStruct((1, _TD), _f32),
    )(te)


def _hyper_call(pooled, Wg, l0, nl):
    return pl.pallas_call(
        _hyper_body,
        grid=(nl, 8),
        in_specs=[
            pl.BlockSpec((1, _TD), lambda l, j: (0, 0)),
            pl.BlockSpec((1, _TD, 2048), lambda l, j: (l + l0, 0, j)),
        ],
        out_specs=pl.BlockSpec((1, 1, 2048), lambda l, j: (l, 0, j)),
        out_shape=jax.ShapeDtypeStruct((nl, 1, _H * _H), _f32),
    )(pooled, Wg)


def _layer0_call(nf, Wp, bp, dego, W0):
    return pl.pallas_call(
        _layer0_body,
        grid=(_N // _RB,),
        in_specs=[
            pl.BlockSpec((_RB, _H), lambda i: (i, 0)),
            pl.BlockSpec((_H, _H), lambda i: (0, 0)),
            pl.BlockSpec((1, _H), lambda i: (0, 0)),
            pl.BlockSpec((_RB, 1), lambda i: (i, 0)),
            pl.BlockSpec((_H, _H), lambda i: (0, 0)),
        ],
        out_specs=pl.BlockSpec((_RB, _H), lambda i: (i, 0)),
        out_shape=jax.ShapeDtypeStruct((_N, _H), _f32),
    )(nf, Wp, bp, dego, W0)


def _layermid_call(agg, dego, degi, Wl):
    return pl.pallas_call(
        _layermid_body,
        grid=(_N // _RB,),
        in_specs=[
            pl.BlockSpec((2, _RB, _H), lambda i: (0, i, 0)),
            pl.BlockSpec((_RB, 1), lambda i: (i, 0)),
            pl.BlockSpec((_RB, 1), lambda i: (i, 0)),
            pl.BlockSpec((_H, _H), lambda i: (0, 0)),
        ],
        out_specs=pl.BlockSpec((_RB, _H), lambda i: (i, 0)),
        out_shape=jax.ShapeDtypeStruct((_N, _H), _f32),
    )(agg, dego, degi, Wl)


def _head_call(agg, degi, W1, b1, W2, b2):
    return pl.pallas_call(
        _head_body,
        grid=(_N // _RB,),
        in_specs=[
            pl.BlockSpec((2, _RB, _H), lambda i: (0, i, 0)),
            pl.BlockSpec((_RB, 1), lambda i: (i, 0)),
            pl.BlockSpec((_H, _HH), lambda i: (0, 0)),
            pl.BlockSpec((1, _HH), lambda i: (0, 0)),
            pl.BlockSpec((_HH, 1), lambda i: (0, 0)),
            pl.BlockSpec((1, 1), lambda i: (0, 0)),
        ],
        out_specs=pl.BlockSpec((_RB, 1), lambda i: (i, 0)),
        out_shape=jax.ShapeDtypeStruct((_N, 1), _f32),
    )(agg, degi, W1, b1, W2, b2)



def _vector_mesh():
    return plsc.VectorSubcoreMesh(
        core_axis_name="core", subcore_axis_name="subcore")


def _deg_call(src, dst):

    @pl.kernel(
        out_type=[jax.ShapeDtypeStruct((_NPAD,), _f32),
                  jax.ShapeDtypeStruct((_NPAD,), _f32)],
        mesh=_vector_mesh(),
        scratch_types=[
            pltpu.VMEM_SHARED((_NPAD,), _f32),
            pltpu.VMEM((1, _DW), jnp.int32),
            pltpu.VMEM((1, _DW), _f32),
        ],
    )
    def deg_kernel(src_hbm, dst_hbm, out0_hbm, out1_hbm, acc_sh, idx_v,
                   val_v):
        c = lax.axis_index("core")
        s = lax.axis_index("subcore")

        @pl.loop(0, _DW // 16)
        def _zero(i):
            val_v[0, pl.ds(i * 16, 16)] = jnp.zeros((16,), _f32)

        pltpu.sync_copy(val_v.at[0, pl.ds(0, _NZ)],
                        acc_sh.at[pl.ds(s * _NZ, _NZ)])
        plsc.subcore_barrier()

        @pl.loop(0, _DW // 16)
        def _ones(i):
            val_v[0, pl.ds(i * 16, 16)] = jnp.ones((16,), _f32)

        @pl.loop(0, _EPT // _DW)
        def _win(k):
            off = s * _EPT + k * _DW

            @pl.when(c == 0)
            def _():
                pltpu.sync_copy(src_hbm.at[pl.ds(off, _DW)], idx_v.at[0])

            @pl.when(c == 1)
            def _():
                pltpu.sync_copy(dst_hbm.at[pl.ds(off, _DW)], idx_v.at[0])

            pltpu.sync_copy(val_v.at[0], acc_sh.at[idx_v.at[0]], add=True)

        plsc.subcore_barrier()

        @pl.when(c == 0)
        def _():
            pltpu.sync_copy(acc_sh.at[pl.ds(s * _NZ, _NZ)],
                            out0_hbm.at[pl.ds(s * _NZ, _NZ)])

        @pl.when(c == 1)
        def _():
            pltpu.sync_copy(acc_sh.at[pl.ds(s * _NZ, _NZ)],
                            out1_hbm.at[pl.ds(s * _NZ, _NZ)])

    return deg_kernel(src, dst)


def _agg_call(y, idx2):

    @pl.kernel(
        out_type=jax.ShapeDtypeStruct((2, _NPAD, _H), _f32),
        mesh=_vector_mesh(),
        scratch_types=[
            pltpu.VMEM_SHARED((_NPAD, _H), _f32),
            pltpu.VMEM((2, _W), jnp.int32),
            pltpu.VMEM((2, _W), jnp.int32),
            pltpu.VMEM((2, _W), jnp.int32),
            pltpu.VMEM((2, _W), jnp.int32),
            pltpu.VMEM((_W, _H), _f32),
            pltpu.VMEM((_W, _H), _f32),
            pltpu.SemaphoreType.DMA,
            pltpu.SemaphoreType.DMA,
            pltpu.SemaphoreType.DMA,
            pltpu.SemaphoreType.DMA,
            pltpu.SemaphoreType.DMA,
            pltpu.SemaphoreType.DMA,
            pltpu.SemaphoreType.DMA,
            pltpu.SemaphoreType.DMA,
        ],
    )
    def agg_kernel(y_hbm, idx2_hbm, out_hbm, acc_sh, ib0, ib1, ib2, ib3,
                   rows0, rows1, si0, si1, si2, si3, ss0, ss1, sg0, sg1):
        c = lax.axis_index("core")
        s = lax.axis_index("subcore")
        tid = c * _NS + s
        w0 = tid * _NWT
        ibuf = (ib0, ib1, ib2, ib3)
        semi = (si0, si1, si2, si3)
        rows = (rows0, rows1)
        sems = (ss0, ss1)
        semg = (sg0, sg1)

        pltpu.async_copy(idx2_hbm.at[w0], ib0, si0)
        pltpu.async_copy(idx2_hbm.at[w0 + 1], ib1, si1)

        @pl.loop(0, _ZCH)
        def _zrow(i):
            @pl.loop(0, _H // 16)
            def _zcol(j):
                rows0[i, pl.ds(j * 16, 16)] = jnp.zeros((16,), _f32)

        @pl.loop(0, _NZ // _ZCH)
        def _zacc(i):
            pltpu.sync_copy(
                rows0.at[pl.ds(0, _ZCH)],
                acc_sh.at[pl.ds(s * _NZ + i * _ZCH, _ZCH)])

        pltpu.make_async_copy(idx2_hbm.at[w0], ib0, si0).wait()
        pltpu.async_copy(y_hbm.at[ib0.at[0]], rows0, sg0)
        pltpu.async_copy(idx2_hbm.at[w0 + 2], ib2, si2)

        plsc.subcore_barrier()

        def win_body(k, j, guard_prev, has_next, has_pre):
            bi = j % 4
            br = j % 2
            ni = (j + 1) % 4
            fi = (j + 3) % 4
            nr = 1 - br
            pltpu.make_async_copy(
                y_hbm.at[ibuf[bi].at[0]], rows[br], semg[br]).wait()
            pltpu.async_copy(
                rows[br], acc_sh.at[ibuf[bi].at[1]], sems[br], add=True)

            def drain_prev():
                pltpu.make_async_copy(
                    rows[nr], acc_sh.at[ibuf[fi].at[1]], sems[nr]).wait()

            if guard_prev:
                @pl.when(k >= 1)
                def _():
                    drain_prev()
            else:
                drain_prev()
            if has_next:
                pltpu.make_async_copy(
                    idx2_hbm.at[w0 + k + 1], ibuf[ni], semi[ni]).wait()
                pltpu.async_copy(
                    y_hbm.at[ibuf[ni].at[0]], rows[nr], semg[nr])
            if has_pre:
                pltpu.async_copy(idx2_hbm.at[w0 + k + 3], ibuf[fi],
                                 semi[fi])

        @pl.loop(0, _NWT - 2, step=4)
        def _win(k0):
            for j in range(4):
                win_body(k0 + j, j, True, True, True)

        win_body(_NWT - 2, (_NWT - 2) % 4, False, True, False)
        win_body(_NWT - 1, (_NWT - 1) % 4, False, False, False)

        pltpu.make_async_copy(
            rows[(_NWT - 1) % 2], acc_sh.at[ibuf[(_NWT - 1) % 4].at[1]],
            sems[(_NWT - 1) % 2]).wait()

        @pl.when(tid < _NTAIL)
        def _tail():
            wt = 32 * _NWT + tid
            pltpu.sync_copy(idx2_hbm.at[wt], ibuf[0])
            pltpu.sync_copy(y_hbm.at[ibuf[0].at[0]], rows[0])
            pltpu.sync_copy(rows[0], acc_sh.at[ibuf[0].at[1]], add=True)

        plsc.subcore_barrier()
        pltpu.sync_copy(acc_sh.at[pl.ds(s * _NZ, _NZ)],
                        out_hbm.at[c, pl.ds(s * _NZ, _NZ)])

    return agg_kernel(y, idx2)



def kernel(node_features, edge_index, text_embeddings, W_proj, b_proj,
           Wg, W1, b1, W2, b2):
    src = edge_index[0]
    dst = edge_index[1]
    idx2 = _idx2_call(src, dst)
    deg_o, deg_i = _deg_call(src, dst)
    dego = deg_o[:_N].reshape(_N, 1)
    degi = deg_i[:_N].reshape(_N, 1)

    pooled = _pool_call(text_embeddings)
    W0 = _hyper_call(pooled, Wg, 0, 1).reshape(_H, _H)
    W12 = _hyper_call(pooled, Wg, 1, 2).reshape(2, _H, _H)
    W_all = [W0, W12[0], W12[1]]

    y = _layer0_call(node_features, W_proj, b_proj.reshape(1, _H),
                     dego, W_all[0])
    for l in range(1, _NL):
        agg = _agg_call(y, idx2)
        y = _layermid_call(agg, dego, degi, W_all[l])
    agg = _agg_call(y, idx2)

    return _head_call(agg, degi, W1, b1.reshape(1, _HH),
                      W2, b2.reshape(1, 1))

# --- scband reference (transcript-rebuilt; emitter-appended) ---
"""Pipeline reference for scband-hyper-gnn-6914897347001 (READ-ONLY COPY).

The authoritative reference and input builder live on the scoring server;
editing this copy changes nothing except your own understanding.
"""

import jax, jax.numpy as jnp
import numpy as np

N = 10000
E = 320000
NODE_DIM = 128
HIDDEN = 128
TEXT_DIM = 384
NUM_LAYERS = 3


def setup_inputs(seed: int = 0) -> dict:
    key = jax.random.key(seed)
    ks = jax.random.split(key, 12)
    node_features = jax.random.normal(ks[0], (N, NODE_DIM), dtype=jnp.float32)
    edge_index = jax.random.randint(ks[1], (2, E), 0, N, dtype=jnp.int32)
    text_embeddings = jax.random.normal(ks[2], (N, TEXT_DIM), dtype=jnp.float32)
    # node projection (node_dim -> hidden)
    W_proj = jax.random.normal(ks[3], (NODE_DIM, HIDDEN), dtype=jnp.float32) / np.sqrt(NODE_DIM)
    b_proj = jnp.zeros((HIDDEN,), dtype=jnp.float32)
    # hypernetwork: pooled text embedding -> per-layer GCN weight matrices
    Wg = jax.random.normal(ks[4], (NUM_LAYERS, TEXT_DIM, HIDDEN * HIDDEN), dtype=jnp.float32) * 0.02
    # predictor MLP: hidden -> hidden//2 -> 1
    W1 = jax.random.normal(ks[5], (HIDDEN, HIDDEN // 2), dtype=jnp.float32) / np.sqrt(HIDDEN)
    b1 = jnp.zeros((HIDDEN // 2,), dtype=jnp.float32)
    W2 = jax.random.normal(ks[6], (HIDDEN // 2, 1), dtype=jnp.float32) / np.sqrt(HIDDEN // 2)
    b2 = jnp.zeros((1,), dtype=jnp.float32)
    return {
        'node_features': node_features,
        'edge_index': edge_index,
        'text_embeddings': text_embeddings,
        'W_proj': W_proj,
        'b_proj': b_proj,
        'Wg': Wg,
        'W1': W1,
        'b1': b1,
        'W2': W2,
        'b2': b2,
    }


def reference(node_features, edge_index, text_embeddings, W_proj, b_proj, Wg, W1, b1, W2, b2):
    # 1) node projection
    x = node_features @ W_proj + b_proj
    # 2) weight generation from pooled text embeddings (hypernetwork)
    pooled = jnp.mean(text_embeddings, axis=0)  # [TEXT_DIM]
    src = edge_index[0]
    dst = edge_index[1]
    # symmetric GCN normalization from edge degrees
    deg_out = jnp.zeros((N,), dtype=jnp.float32).at[src].add(1.0)
    deg_in = jnp.zeros((N,), dtype=jnp.float32).at[dst].add(1.0)
    deg_out = jnp.maximum(deg_out, 1.0)
    deg_in = jnp.maximum(deg_in, 1.0)
    norm = 1.0 / jnp.sqrt(deg_out[src] * deg_in[dst])  # [E]
    # 3) dynamic GCN layers with hypernetwork-generated weights
    for l in range(NUM_LAYERS):
        Wl = (pooled @ Wg[l]).reshape(HIDDEN, HIDDEN)
        h = x @ Wl
        msgs = h[src] * norm[:, None]              # gather (memory-bound)
        agg = jnp.zeros((N, HIDDEN), dtype=h.dtype).at[dst].add(msgs)  # scatter-add
        if l < NUM_LAYERS - 1:
            x = jax.nn.relu(agg)
        else:
            x = agg
    # 4) predictor head (dropout is identity in eval)
    hid = jax.nn.relu(x @ W1 + b1)
    predictions = hid @ W2 + b2
    return predictions

if __name__ == "__main__":
    import jax
    _d = setup_inputs()
    print(jax.jit(kernel)(*tuple(_d.values())))

</pallas_src>

<mosaic_0001>
#map = affine_map<(d0, d1) -> (0, 0)>
#map1 = affine_map<(d0, d1) -> (0, 0, 0)>
module attributes {stable_mosaic.version = 14 : i64} {
  func.func @agg_kernel(%arg0: i32, %arg1: i32, %arg2: memref<10000x128xf32, #tpu.memory_space<hbm>>, %arg3: memref<2500x2x128xi32, #tpu.memory_space<hbm>>, %arg4: memref<2x10240x128xf32, #tpu.memory_space<hbm>>, %arg5: memref<10240x128xf32, #tpu.memory_space<vmem_shared>>, %arg6: memref<2x128xi32, #tpu.memory_space<vmem>>, %arg7: memref<2x128xi32, #tpu.memory_space<vmem>>, %arg8: memref<2x128xi32, #tpu.memory_space<vmem>>, %arg9: memref<2x128xi32, #tpu.memory_space<vmem>>, %arg10: memref<128x128xf32, #tpu.memory_space<vmem>>, %arg11: memref<128x128xf32, #tpu.memory_space<vmem>>, %arg12: memref<!tpu.dma_semaphore, #tpu.memory_space<semaphore_mem>>, %arg13: memref<!tpu.dma_semaphore, #tpu.memory_space<semaphore_mem>>, %arg14: memref<!tpu.dma_semaphore, #tpu.memory_space<semaphore_mem>>, %arg15: memref<!tpu.dma_semaphore, #tpu.memory_space<semaphore_mem>>, %arg16: memref<!tpu.dma_semaphore, #tpu.memory_space<semaphore_mem>>, %arg17: memref<!tpu.dma_semaphore, #tpu.memory_space<semaphore_mem>>, %arg18: memref<!tpu.dma_semaphore, #tpu.memory_space<semaphore_mem>>, %arg19: memref<!tpu.dma_semaphore, #tpu.memory_space<semaphore_mem>>) attributes {dimension_semantics = [#tpu.dimension_semantics<core_parallel>, #tpu.dimension_semantics<subcore_parallel>], iteration_bounds = array<i64: 2, 16>, scalar_prefetch = 0 : i64, scratch_operands = 15 : i64, tpu.core_type = #tpu.core_type<sc_vector_subcore>, window_params = [{transform_indices = #map}, {transform_indices = #map1}, {transform_indices = #map1}]} {
    %mul3A = arith.constant 16 : i32
    %mul3A_0 = arith.muli %arg0, %mul3A : i32
    %add3A = arith.addi %mul3A_0, %arg1 : i32
    %mul3A_1 = arith.constant 78 : i32
    %mul3A_2 = arith.muli %add3A, %mul3A_1 : i32
    %dma_start3A = arith.constant 0 : i32
    %dma_start3A_3 = arith.constant 0 : i32
    %dma_start3A_4 = tpu.memref_slice %arg3[%mul3A_2, %dma_start3A, %dma_start3A_3] : memref<2500x2x128xi32, #tpu.memory_space<hbm>> -> memref<1x2x128xi32, #tpu.memory_space<hbm>>
    %dma_start3A_5 = tpu.memref_squeeze %dma_start3A_4 : memref<1x2x128xi32, #tpu.memory_space<hbm>> -> memref<2x128xi32, #tpu.memory_space<hbm>>
    %dma_start3A_6 = arith.constant 0 : i32
    %dma_start3A_7 = arith.constant 0 : i32
    %dma_start3A_8 = tpu.memref_slice %arg3[%mul3A_2, %dma_start3A_6, %dma_start3A_7] : memref<2500x2x128xi32, #tpu.memory_space<hbm>> -> memref<1x2x128xi32, #tpu.memory_space<hbm>>
    %dma_start3A_9 = tpu.memref_squeeze %dma_start3A_8 : memref<1x2x128xi32, #tpu.memory_space<hbm>> -> memref<2x128xi32, #tpu.memory_space<hbm>>
    tpu.enqueue_dma source(%dma_start3A_9 : memref<2x128xi32, #tpu.memory_space<hbm>>) target(%arg6 : memref<2x128xi32, #tpu.memory_space<vmem>>) target_semaphore(%arg12 : memref<!tpu.dma_semaphore, #tpu.memory_space<semaphore_mem>>)
    %add3A_10 = arith.constant 1 : i32
    %add3A_11 = arith.addi %mul3A_2, %add3A_10 : i32
    %dma_start3A_12 = arith.constant 0 : i32
    %dma_start3A_13 = arith.constant 0 : i32
    %dma_start3A_14 = tpu.memref_slice %arg3[%add3A_11, %dma_start3A_12, %dma_start3A_13] : memref<2500x2x128xi32, #tpu.memory_space<hbm>> -> memref<1x2x128xi32, #tpu.memory_space<hbm>>
    %dma_start3A_15 = tpu.memref_squeeze %dma_start3A_14 : memref<1x2x128xi32, #tpu.memory_space<hbm>> -> memref<2x128xi32, #tpu.memory_space<hbm>>
    %dma_start3A_16 = arith.constant 0 : i32
    %dma_start3A_17 = arith.constant 0 : i32
    %dma_start3A_18 = tpu.memref_slice %arg3[%add3A_11, %dma_start3A_16, %dma_start3A_17] : memref<2500x2x128xi32, #tpu.memory_space<hbm>> -> memref<1x2x128xi32, #tpu.memory_space<hbm>>
    %dma_start3A_19 = tpu.memref_squeeze %dma_start3A_18 : memref<1x2x128xi32, #tpu.memory_space<hbm>> -> memref<2x128xi32, #tpu.memory_space<hbm>>
    tpu.enqueue_dma source(%dma_start3A_19 : memref<2x128xi32, #tpu.memory_space<hbm>>) target(%arg7 : memref<2x128xi32, #tpu.memory_space<vmem>>) target_semaphore(%arg13 : memref<!tpu.dma_semaphore, #tpu.memory_space<semaphore_mem>>)
    %scan3A = arith.constant 0 : i32
    %scan3A_20 = arith.constant 128 : i32
    %scan3A_21 = arith.addi %scan3A, %scan3A_20 : i32
    %scan3A_22 = arith.constant 1 : i32
    scf.for %scan3A_133 = %scan3A to %scan3A_21 step %scan3A_22  : i32 {
      %mul3A_134 = arith.constant 1 : i32
      %mul3A_135 = arith.muli %scan3A_133, %mul3A_134 : i32
      %add3A_136 = arith.constant 0 : i32
      %add3A_137 = arith.addi %add3A_136, %mul3A_135 : i32
      %scan3A_138 = arith.constant 0 : i32
      %scan3A_139 = arith.constant 8 : i32
      %scan3A_140 = arith.addi %scan3A_138, %scan3A_139 : i32
      %scan3A_141 = arith.constant 1 : i32
      scf.for %scan3A_143 = %scan3A_138 to %scan3A_140 step %scan3A_141  : i32 {
        %mul3A_144 = arith.constant 1 : i32
        %mul3A_145 = arith.muli %scan3A_143, %mul3A_144 : i32
        %add3A_146 = arith.constant 0 : i32
        %add3A_147 = arith.addi %add3A_146, %mul3A_145 : i32
        %broadcast_in_dim3A = arith.constant 0.000000e+00 : f32
        %broadcast_in_dim3A_148 = vector.broadcast %broadcast_in_dim3A : f32 to vector<16xf32>
        %mul3A_149 = arith.constant 16 : i32
        %mul3A_150 = arith.muli %add3A_147, %mul3A_149 : i32
        %swap3A = arith.index_cast %add3A_137 : i32 to index
        %swap3A_151 = arith.index_cast %mul3A_150 : i32 to index
        %swap3A_152 = tpu.vector_load %arg10[%swap3A, %swap3A_151] {strides = array<i32>} : memref<128x128xf32, #tpu.memory_space<vmem>>, vector<1x16xf32>,
        %swap3A_153 = vector.shape_cast %swap3A_152 : vector<1x16xf32> to vector<16xf32>
        %swap3A_154 = vector.shape_cast %broadcast_in_dim3A_148 : vector<16xf32> to vector<1x16xf32>
        tpu.vector_store %arg10[%swap3A, %swap3A_151], %swap3A_154 {strides = array<i32>} : memref<128x128xf32, #tpu.memory_space<vmem>>, vector<1x16xf32>,
      }
      %scan3A_142 = arith.constant 8 : i32
    }
    %scan3A_23 = arith.constant 128 : i32
    %scan3A_24 = arith.constant 0 : i32
    %scan3A_25 = arith.constant 5 : i32
    %scan3A_26 = arith.addi %scan3A_24, %scan3A_25 : i32
    %scan3A_27 = arith.constant 1 : i32
    scf.for %scan3A_133 = %scan3A_24 to %scan3A_26 step %scan3A_27  : i32 {
      %mul3A_134 = arith.constant 1 : i32
      %mul3A_135 = arith.muli %scan3A_133, %mul3A_134 : i32
      %add3A_136 = arith.constant 0 : i32
      %add3A_137 = arith.addi %add3A_136, %mul3A_135 : i32
      %mul3A_138 = arith.constant 640 : i32
      %mul3A_139 = arith.muli %arg1, %mul3A_138 : i32
      %mul3A_140 = arith.constant 128 : i32
      %mul3A_141 = arith.muli %add3A_137, %mul3A_140 : i32
      %add3A_142 = arith.addi %mul3A_139, %mul3A_141 : i32
      "tpu.region"() ({
        %run_scoped3A = tpu.sem_alloc : memref<!tpu.dma_semaphore, #tpu.memory_space<semaphore_mem>>
        %dma_start3A_143 = arith.constant 0 : i32
        %dma_start3A_144 = arith.constant 0 : i32
        %dma_start3A_145 = tpu.memref_slice %arg10[%dma_start3A_143, %dma_start3A_144] : memref<128x128xf32, #tpu.memory_space<vmem>> -> memref<128x128xf32, #tpu.memory_space<vmem>>
        %dma_start3A_146 = arith.constant 0 : i32
        %dma_start3A_147 = tpu.memref_slice %arg5[%add3A_142, %dma_start3A_146] : memref<10240x128xf32, #tpu.memory_space<vmem_shared>> -> memref<128x128xf32, #tpu.memory_space<vmem_shared>>
        %dma_start3A_148 = arith.constant 0 : i32
        %dma_start3A_149 = tpu.memref_slice %arg5[%add3A_142, %dma_start3A_148] : memref<10240x128xf32, #tpu.memory_space<vmem_shared>> -> memref<128x128xf32, #tpu.memory_space<vmem_shared>>
        %dma_start3A_150 = arith.constant 0 : i32
        %dma_start3A_151 = arith.constant 0 : i32
        %dma_start3A_152 = tpu.memref_slice %arg10[%dma_start3A_150, %dma_start3A_151] : memref<128x128xf32, #tpu.memory_space<vmem>> -> memref<128x128xf32, #tpu.memory_space<vmem>>
        tpu.enqueue_dma source(%dma_start3A_152 : memref<128x128xf32, #tpu.memory_space<vmem>>) target(%dma_start3A_149 : memref<128x128xf32, #tpu.memory_space<vmem_shared>>) target_semaphore(%run_scoped3A : memref<!tpu.dma_semaphore, #tpu.memory_space<semaphore_mem>>)
        %dma_wait3A_153 = arith.constant 0 : i32
        %dma_wait3A_154 = arith.constant 0 : i32
        %dma_wait3A_155 = tpu.memref_slice %arg10[%dma_wait3A_153, %dma_wait3A_154] : memref<128x128xf32, #tpu.memory_space<vmem>> -> memref<128x128xf32, #tpu.memory_space<vmem>>
        %dma_wait3A_156 = arith.constant 0 : i32
        %dma_wait3A_157 = tpu.memref_slice %arg5[%add3A_142, %dma_wait3A_156] : memref<10240x128xf32, #tpu.memory_space<vmem_shared>> -> memref<128x128xf32, #tpu.memory_space<vmem_shared>>
        %dma_wait3A_158 = arith.constant 0 : i32
        %dma_wait3A_159 = tpu.memref_slice %arg5[%add3A_142, %dma_wait3A_158] : memref<10240x128xf32, #tpu.memory_space<vmem_shared>> -> memref<128x128xf32, #tpu.memory_space<vmem_shared>>
        %dma_wait3A_160 = arith.constant 0 : i32
        %dma_wait3A_161 = arith.constant 0 : i32
        %dma_wait3A_162 = tpu.memref_slice %arg10[%dma_wait3A_160, %dma_wait3A_161] : memref<128x128xf32, #tpu.memory_space<vmem>> -> memref<128x128xf32, #tpu.memory_space<vmem>>
        tpu.wait_dma2 semaphore(%run_scoped3A : memref<!tpu.dma_semaphore, #tpu.memory_space<semaphore_mem>>) src(%dma_wait3A_162 : memref<128x128xf32, #tpu.memory_space<vmem>>) dst(%dma_wait3A_159 : memref<128x128xf32, #tpu.memory_space<vmem_shared>>)
        tpu.yield
      }) : () -> ()
    }
    %scan3A_28 = arith.constant 5 : i32
    %dma_wait3A = arith.constant 0 : i32
    %dma_wait3A_29 = arith.constant 0 : i32
    %dma_wait3A_30 = tpu.memref_slice %arg3[%mul3A_2, %dma_wait3A, %dma_wait3A_29] : memref<2500x2x128xi32, #tpu.memory_space<hbm>> -> memref<1x2x128xi32, #tpu.memory_space<hbm>>
    %dma_wait3A_31 = tpu.memref_squeeze %dma_wait3A_30 : memref<1x2x128xi32, #tpu.memory_space<hbm>> -> memref<2x128xi32, #tpu.memory_space<hbm>>
    %dma_wait3A_32 = arith.constant 0 : i32
    %dma_wait3A_33 = arith.constant 0 : i32
    %dma_wait3A_34 = tpu.memref_slice %arg3[%mul3A_2, %dma_wait3A_32, %dma_wait3A_33] : memref<2500x2x128xi32, #tpu.memory_space<hbm>> -> memref<1x2x128xi32, #tpu.memory_space<hbm>>
    %dma_wait3A_35 = tpu.memref_squeeze %dma_wait3A_34 : memref<1x2x128xi32, #tpu.memory_space<hbm>> -> memref<2x128xi32, #tpu.memory_space<hbm>>
    tpu.wait_dma2 semaphore(%arg12 : memref<!tpu.dma_semaphore, #tpu.memory_space<semaphore_mem>>) src(%dma_wait3A_35 : memref<2x128xi32, #tpu.memory_space<hbm>>) dst(%arg6 : memref<2x128xi32, #tpu.memory_space<vmem>>)
    %dma_start3A_36 = arith.constant 0 : i32
    %dma_start3A_37 = arith.constant 0 : i32
    %dma_start3A_38 = tpu.memref_slice %arg6[%dma_start3A_36, %dma_start3A_37] : memref<2x128xi32, #tpu.memory_space<vmem>> -> memref<1x128xi32, #tpu.memory_space<vmem>>
    %dma_start3A_39 = tpu.memref_squeeze %dma_start3A_38 : memref<1x128xi32, #tpu.memory_space<vmem>> -> memref<128xi32, #tpu.memory_space<vmem>>
    %dma_start3A_40 = arith.constant 0 : i32
    %dma_start3A_41 = arith.constant 0 : i32
    %dma_start3A_42 = tpu.memref_slice %arg2[%dma_start3A_40, %dma_start3A_41] : memref<10000x128xf32, #tpu.memory_space<hbm>> -> memref<10000x128xf32, #tpu.memory_space<hbm>>
    tpu.enqueue_indirect_dma source(%dma_start3A_42 : memref<10000x128xf32, #tpu.memory_space<hbm>>) target(%arg10 : memref<128x128xf32, #tpu.memory_space<vmem>>) offsets(%dma_start3A_39 : memref<128xi32, #tpu.memory_space<vmem>>) semaphore(%arg18 : memref<!tpu.dma_semaphore, #tpu.memory_space<semaphore_mem>>)
    %add3A_43 = arith.constant 2 : i32
    %add3A_44 = arith.addi %mul3A_2, %add3A_43 : i32
    %dma_start3A_45 = arith.constant 0 : i32
    %dma_start3A_46 = arith.constant 0 : i32
    %dma_start3A_47 = tpu.memref_slice %arg3[%add3A_44, %dma_start3A_45, %dma_start3A_46] : memref<2500x2x128xi32, #tpu.memory_space<hbm>> -> memref<1x2x128xi32, #tpu.memory_space<hbm>>
    %dma_start3A_48 = tpu.memref_squeeze %dma_start3A_47 : memref<1x2x128xi32, #tpu.memory_space<hbm>> -> memref<2x128xi32, #tpu.memory_space<hbm>>
    %dma_start3A_49 = arith.constant 0 : i32
    %dma_start3A_50 = arith.constant 0 : i32
    %dma_start3A_51 = tpu.memref_slice %arg3[%add3A_44, %dma_start3A_49, %dma_start3A_50] : memref<2500x2x128xi32, #tpu.memory_space<hbm>> -> memref<1x2x128xi32, #tpu.memory_space<hbm>>
    %dma_start3A_52 = tpu.memref_squeeze %dma_start3A_51 : memref<1x2x128xi32, #tpu.memory_space<hbm>> -> memref<2x128xi32, #tpu.memory_space<hbm>>
    tpu.enqueue_dma source(%dma_start3A_52 : memref<2x128xi32, #tpu.memory_space<hbm>>) target(%arg8 : memref<2x128xi32, #tpu.memory_space<vmem>>) target_semaphore(%arg14 : memref<!tpu.dma_semaphore, #tpu.memory_space<semaphore_mem>>)
    %barrier3A = arith.constant 0 : index
    tpu.barrier barrier_id(%barrier3A)
    %scan3A_53 = arith.constant 0 : i32
    %scan3A_54 = arith.constant 19 : i32
    %scan3A_55 = arith.addi %scan3A_53, %scan3A_54 : i32
    %scan3A_56 = arith.constant 1 : i32
    scf.for %scan3A_133 = %scan3A_53 to %scan3A_55 step %scan3A_56  : i32 {
      %mul3A_134 = arith.constant 4 : i32
      %mul3A_135 = arith.muli %scan3A_133, %mul3A_134 : i32
      %add3A_136 = arith.constant 0 : i32
      %add3A_137 = arith.addi %add3A_136, %mul3A_135 : i32
      %add3A_138 = arith.constant 0 : i32
      %add3A_139 = arith.addi %add3A_137, %add3A_138 : i32
      %dma_wait3A_140 = arith.constant 0 : i32
      %dma_wait3A_141 = arith.constant 0 : i32
      %dma_wait3A_142 = tpu.memref_slice %arg6[%dma_wait3A_140, %dma_wait3A_141] : memref<2x128xi32, #tpu.memory_space<vmem>> -> memref<1x128xi32, #tpu.memory_space<vmem>>
      %dma_wait3A_143 = tpu.memref_squeeze %dma_wait3A_142 : memref<1x128xi32, #tpu.memory_space<vmem>> -> memref<128xi32, #tpu.memory_space<vmem>>
      %dma_wait3A_144 = arith.constant 0 : i32
      %dma_wait3A_145 = arith.constant 0 : i32
      %dma_wait3A_146 = tpu.memref_slice %arg2[%dma_wait3A_144, %dma_wait3A_145] : memref<10000x128xf32, #tpu.memory_space<hbm>> -> memref<10000x128xf32, #tpu.memory_space<hbm>>
      tpu.wait_indirect_dma semaphore(%arg18 : memref<!tpu.dma_semaphore, #tpu.memory_space<semaphore_mem>>) src(%dma_wait3A_146 : memref<10000x128xf32, #tpu.memory_space<hbm>>) dst(%arg10 : memref<128x128xf32, #tpu.memory_space<vmem>>)
      %dma_start3A_147 = arith.constant 1 : i32
      %dma_start3A_148 = arith.constant 0 : i32
      %dma_start3A_149 = tpu.memref_slice %arg6[%dma_start3A_147, %dma_start3A_148] : memref<2x128xi32, #tpu.memory_space<vmem>> -> memref<1x128xi32, #tpu.memory_space<vmem>>
      %dma_start3A_150 = tpu.memref_squeeze %dma_start3A_149 : memref<1x128xi32, #tpu.memory_space<vmem>> -> memref<128xi32, #tpu.memory_space<vmem>>
      %dma_start3A_151 = arith.constant 0 : i32
      %dma_start3A_152 = arith.constant 0 : i32
      %dma_start3A_153 = tpu.memref_slice %arg5[%dma_start3A_151, %dma_start3A_152] : memref<10240x128xf32, #tpu.memory_space<vmem_shared>> -> memref<10240x128xf32, #tpu.memory_space<vmem_shared>>
      tpu.enqueue_indirect_dma source(%arg10 : memref<128x128xf32, #tpu.memory_space<vmem>>) target(%dma_start3A_153 : memref<10240x128xf32, #tpu.memory_space<vmem_shared>>) offsets(%dma_start3A_150 : memref<128xi32, #tpu.memory_space<vmem>>) semaphore(%arg16 : memref<!tpu.dma_semaphore, #tpu.memory_space<semaphore_mem>>) {add = true}
      %ge3A = arith.constant 1 : i32
      %ge3A_154 = arith.cmpi sge, %add3A_139, %ge3A : i32
      %convert_element_type3A_155 = arith.extui %ge3A_154 : i1 to i32
      %cond3A_156 = arith.constant 0 : i32
      %cond3A_157 = arith.cmpi ne, %convert_element_type3A_155, %cond3A_156 : i32
      scf.if %cond3A_157 {
        %dma_wait3A_337 = arith.constant 1 : i32
        %dma_wait3A_338 = arith.constant 0 : i32
        %dma_wait3A_339 = tpu.memref_slice %arg9[%dma_wait3A_337, %dma_wait3A_338] : memref<2x128xi32, #tpu.memory_space<vmem>> -> memref<1x128xi32, #tpu.memory_space<vmem>>
        %dma_wait3A_340 = tpu.memref_squeeze %dma_wait3A_339 : memref<1x128xi32, #tpu.memory_space<vmem>> -> memref<128xi32, #tpu.memory_space<vmem>>
        %dma_wait3A_341 = arith.constant 0 : i32
        %dma_wait3A_342 = arith.constant 0 : i32
        %dma_wait3A_343 = tpu.memref_slice %arg5[%dma_wait3A_341, %dma_wait3A_342] : memref<10240x128xf32, #tpu.memory_space<vmem_shared>> -> memref<10240x128xf32, #tpu.memory_space<vmem_shared>>
        tpu.wait_indirect_dma semaphore(%arg17 : memref<!tpu.dma_semaphore, #tpu.memory_space<semaphore_mem>>) src(%arg11 : memref<128x128xf32, #tpu.memory_space<vmem>>) dst(%dma_wait3A_343 : memref<10240x128xf32, #tpu.memory_space<vmem_shared>>)
      } else {
      }
      %add3A_158 = arith.addi %mul3A_2, %add3A_139 : i32
      %add3A_159 = arith.constant 1 : i32
      %add3A_160 = arith.addi %add3A_158, %add3A_159 : i32
      %dma_wait3A_161 = arith.constant 0 : i32
      %dma_wait3A_162 = arith.constant 0 : i32
      %dma_wait3A_163 = tpu.memref_slice %arg3[%add3A_160, %dma_wait3A_161, %dma_wait3A_162] : memref<2500x2x128xi32, #tpu.memory_space<hbm>> -> memref<1x2x128xi32, #tpu.memory_space<hbm>>
      %dma_wait3A_164 = tpu.memref_squeeze %dma_wait3A_163 : memref<1x2x128xi32, #tpu.memory_space<hbm>> -> memref<2x128xi32, #tpu.memory_space<hbm>>
      %dma_wait3A_165 = arith.constant 0 : i32
      %dma_wait3A_166 = arith.constant 0 : i32
      %dma_wait3A_167 = tpu.memref_slice %arg3[%add3A_160, %dma_wait3A_165, %dma_wait3A_166] : memref<2500x2x128xi32, #tpu.memory_space<hbm>> -> memref<1x2x128xi32, #tpu.memory_space<hbm>>
      %dma_wait3A_168 = tpu.memref_squeeze %dma_wait3A_167 : memref<1x2x128xi32, #tpu.memory_space<hbm>> -> memref<2x128xi32, #tpu.memory_space<hbm>>
      tpu.wait_dma2 semaphore(%arg13 : memref<!tpu.dma_semaphore, #tpu.memory_space<semaphore_mem>>) src(%dma_wait3A_168 : memref<2x128xi32, #tpu.memory_space<hbm>>) dst(%arg7 : memref<2x128xi32, #tpu.memory_space<vmem>>)
      %dma_start3A_169 = arith.constant 0 : i32
      %dma_start3A_170 = arith.constant 0 : i32
      %dma_start3A_171 = tpu.memref_slice %arg7[%dma_start3A_169, %dma_start3A_170] : memref<2x128xi32, #tpu.memory_space<vmem>> -> memref<1x128xi32, #tpu.memory_space<vmem>>
      %dma_start3A_172 = tpu.memref_squeeze %dma_start3A_171 : memref<1x128xi32, #tpu.memory_space<vmem>> -> memref<128xi32, #tpu.memory_space<vmem>>
      %dma_start3A_173 = arith.constant 0 : i32
      %dma_start3A_174 = arith.constant 0 : i32
      %dma_start3A_175 = tpu.memref_slice %arg2[%dma_start3A_173, %dma_start3A_174] : memref<10000x128xf32, #tpu.memory_space<hbm>> -> memref<10000x128xf32, #tpu.memory_space<hbm>>
      tpu.enqueue_indirect_dma source(%dma_start3A_175 : memref<10000x128xf32, #tpu.memory_space<hbm>>) target(%arg11 : memref<128x128xf32, #tpu.memory_space<vmem>>) offsets(%dma_start3A_172 : memref<128xi32, #tpu.memory_space<vmem>>) semaphore(%arg19 : memref<!tpu.dma_semaphore, #tpu.memory_space<semaphore_mem>>)
      %add3A_176 = arith.addi %mul3A_2, %add3A_139 : i32
      %add3A_177 = arith.constant 3 : i32
      %add3A_178 = arith.addi %add3A_176, %add3A_177 : i32
      %dma_start3A_179 = arith.constant 0 : i32
      %dma_start3A_180 = arith.constant 0 : i32
      %dma_start3A_181 = tpu.memref_slice %arg3[%add3A_178, %dma_start3A_179, %dma_start3A_180] : memref<2500x2x128xi32, #tpu.memory_space<hbm>> -> memref<1x2x128xi32, #tpu.memory_space<hbm>>
      %dma_start3A_182 = tpu.memref_squeeze %dma_start3A_181 : memref<1x2x128xi32, #tpu.memory_space<hbm>> -> memref<2x128xi32, #tpu.memory_space<hbm>>
      %dma_start3A_183 = arith.constant 0 : i32
      %dma_start3A_184 = arith.constant 0 : i32
      %dma_start3A_185 = tpu.memref_slice %arg3[%add3A_178, %dma_start3A_183, %dma_start3A_184] : memref<2500x2x128xi32, #tpu.memory_space<hbm>> -> memref<1x2x128xi32, #tpu.memory_space<hbm>>
      %dma_start3A_186 = tpu.memref_squeeze %dma_start3A_185 : memref<1x2x128xi32, #tpu.memory_space<hbm>> -> memref<2x128xi32, #tpu.memory_space<hbm>>
      tpu.enqueue_dma source(%dma_start3A_186 : memref<2x128xi32, #tpu.memory_space<hbm>>) target(%arg9 : memref<2x128xi32, #tpu.memory_space<vmem>>) target_semaphore(%arg15 : memref<!tpu.dma_semaphore, #tpu.memory_space<semaphore_mem>>)
      %add3A_187 = arith.constant 1 : i32
      %add3A_188 = arith.addi %add3A_137, %add3A_187 : i32
      %dma_wait3A_189 = arith.constant 0 : i32
      %dma_wait3A_190 = arith.constant 0 : i32
      %dma_wait3A_191 = tpu.memref_slice %arg7[%dma_wait3A_189, %dma_wait3A_190] : memref<2x128xi32, #tpu.memory_space<vmem>> -> memref<1x128xi32, #tpu.memory_space<vmem>>
      %dma_wait3A_192 = tpu.memref_squeeze %dma_wait3A_191 : memref<1x128xi32, #tpu.memory_space<vmem>> -> memref<128xi32, #tpu.memory_space<vmem>>
      %dma_wait3A_193 = arith.constant 0 : i32
      %dma_wait3A_194 = arith.constant 0 : i32
      %dma_wait3A_195 = tpu.memref_slice %arg2[%dma_wait3A_193, %dma_wait3A_194] : memref<10000x128xf32, #tpu.memory_space<hbm>> -> memref<10000x128xf32, #tpu.memory_space<hbm>>
      tpu.wait_indirect_dma semaphore(%arg19 : memref<!tpu.dma_semaphore, #tpu.memory_space<semaphore_mem>>) src(%dma_wait3A_195 : memref<10000x128xf32, #tpu.memory_space<hbm>>) dst(%arg11 : memref<128x128xf32, #tpu.memory_space<vmem>>)
      %dma_start3A_196 = arith.constant 1 : i32
      %dma_start3A_197 = arith.constant 0 : i32
      %dma_start3A_198 = tpu.memref_slice %arg7[%dma_start3A_196, %dma_start3A_197] : memref<2x128xi32, #tpu.memory_space<vmem>> -> memref<1x128xi32, #tpu.memory_space<vmem>>
      %dma_start3A_199 = tpu.memref_squeeze %dma_start3A_198 : memref<1x128xi32, #tpu.memory_space<vmem>> -> memref<128xi32, #tpu.memory_space<vmem>>
      %dma_start3A_200 = arith.constant 0 : i32
      %dma_start3A_201 = arith.constant 0 : i32
      %dma_start3A_202 = tpu.memref_slice %arg5[%dma_start3A_200, %dma_start3A_201] : memref<10240x128xf32, #tpu.memory_space<vmem_shared>> -> memref<10240x128xf32, #tpu.memory_space<vmem_shared>>
      tpu.enqueue_indirect_dma source(%arg11 : memref<128x128xf32, #tpu.memory_space<vmem>>) target(%dma_start3A_202 : memref<10240x128xf32, #tpu.memory_space<vmem_shared>>) offsets(%dma_start3A_199 : memref<128xi32, #tpu.memory_space<vmem>>) semaphore(%arg17 : memref<!tpu.dma_semaphore, #tpu.memory_space<semaphore_mem>>) {add = true}
      %ge3A_203 = arith.constant 1 : i32
      %ge3A_204 = arith.cmpi sge, %add3A_188, %ge3A_203 : i32
      %convert_element_type3A_205 = arith.extui %ge3A_204 : i1 to i32
      %cond3A_206 = arith.constant 0 : i32
      %cond3A_207 = arith.cmpi ne, %convert_element_type3A_205, %cond3A_206 : i32
      scf.if %cond3A_207 {
        %dma_wait3A_337 = arith.constant 1 : i32
        %dma_wait3A_338 = arith.constant 0 : i32
        %dma_wait3A_339 = tpu.memref_slice %arg6[%dma_wait3A_337, %dma_wait3A_338] : memref<2x128xi32, #tpu.memory_space<vmem>> -> memref<1x128xi32, #tpu.memory_space<vmem>>
        %dma_wait3A_340 = tpu.memref_squeeze %dma_wait3A_339 : memref<1x128xi32, #tpu.memory_space<vmem>> -> memref<128xi32, #tpu.memory_space<vmem>>
        %dma_wait3A_341 = arith.constant 0 : i32
        %dma_wait3A_342 = arith.constant 0 : i32
        %dma_wait3A_343 = tpu.memref_slice %arg5[%dma_wait3A_341, %dma_wait3A_342] : memref<10240x128xf32, #tpu.memory_space<vmem_shared>> -> memref<10240x128xf32, #tpu.memory_space<vmem_shared>>
        tpu.wait_indirect_dma semaphore(%arg16 : memref<!tpu.dma_semaphore, #tpu.memory_space<semaphore_mem>>) src(%arg10 : memref<128x128xf32, #tpu.memory_space<vmem>>) dst(%dma_wait3A_343 : memref<10240x128xf32, #tpu.memory_space<vmem_shared>>)
      } else {
      }
      %add3A_208 = arith.addi %mul3A_2, %add3A_188 : i32
      %add3A_209 = arith.constant 1 : i32
      %add3A_210 = arith.addi %add3A_208, %add3A_209 : i32
      %dma_wait3A_211 = arith.constant 0 : i32
      %dma_wait3A_212 = arith.constant 0 : i32
      %dma_wait3A_213 = tpu.memref_slice %arg3[%add3A_210, %dma_wait3A_211, %dma_wait3A_212] : memref<2500x2x128xi32, #tpu.memory_space<hbm>> -> memref<1x2x128xi32, #tpu.memory_space<hbm>>
      %dma_wait3A_214 = tpu.memref_squeeze %dma_wait3A_213 : memref<1x2x128xi32, #tpu.memory_space<hbm>> -> memref<2x128xi32, #tpu.memory_space<hbm>>
      %dma_wait3A_215 = arith.constant 0 : i32
      %dma_wait3A_216 = arith.constant 0 : i32
      %dma_wait3A_217 = tpu.memref_slice %arg3[%add3A_210, %dma_wait3A_215, %dma_wait3A_216] : memref<2500x2x128xi32, #tpu.memory_space<hbm>> -> memref<1x2x128xi32, #tpu.memory_space<hbm>>
      %dma_wait3A_218 = tpu.memref_squeeze %dma_wait3A_217 : memref<1x2x128xi32, #tpu.memory_space<hbm>> -> memref<2x128xi32, #tpu.memory_space<hbm>>
      tpu.wait_dma2 semaphore(%arg14 : memref<!tpu.dma_semaphore, #tpu.memory_space<semaphore_mem>>) src(%dma_wait3A_218 : memref<2x128xi32, #tpu.memory_space<hbm>>) dst(%arg8 : memref<2x128xi32, #tpu.memory_space<vmem>>)
      %dma_start3A_219 = arith.constant 0 : i32
      %dma_start3A_220 = arith.constant 0 : i32
      %dma_start3A_221 = tpu.memref_slice %arg8[%dma_start3A_219, %dma_start3A_220] : memref<2x128xi32, #tpu.memory_space<vmem>> -> memref<1x128xi32, #tpu.memory_space<vmem>>
      %dma_start3A_222 = tpu.memref_squeeze %dma_start3A_221 : memref<1x128xi32, #tpu.memory_space<vmem>> -> memref<128xi32, #tpu.memory_space<vmem>>
      %dma_start3A_223 = arith.constant 0 : i32
      %dma_start3A_224 = arith.constant 0 : i32
      %dma_start3A_225 = tpu.memref_slice %arg2[%dma_start3A_223, %dma_start3A_224] : memref<10000x128xf32, #tpu.memory_space<hbm>> -> memref<10000x128xf32, #tpu.memory_space<hbm>>
      tpu.enqueue_indirect_dma source(%dma_start3A_225 : memref<10000x128xf32, #tpu.memory_space<hbm>>) target(%arg10 : memref<128x128xf32, #tpu.memory_space<vmem>>) offsets(%dma_start3A_222 : memref<128xi32, #tpu.memory_space<vmem>>) semaphore(%arg18 : memref<!tpu.dma_semaphore, #tpu.memory_space<semaphore_mem>>)
      %add3A_226 = arith.addi %mul3A_2, %add3A_188 : i32
      %add3A_227 = arith.constant 3 : i32
      %add3A_228 = arith.addi %add3A_226, %add3A_227 : i32
      %dma_start3A_229 = arith.constant 0 : i32
      %dma_start3A_230 = arith.constant 0 : i32
      %dma_start3A_231 = tpu.memref_slice %arg3[%add3A_228, %dma_start3A_229, %dma_start3A_230] : memref<2500x2x128xi32, #tpu.memory_space<hbm>> -> memref<1x2x128xi32, #tpu.memory_space<hbm>>
      %dma_start3A_232 = tpu.memref_squeeze %dma_start3A_231 : memref<1x2x128xi32, #tpu.memory_space<hbm>> -> memref<2x128xi32, #tpu.memory_space<hbm>>
      %dma_start3A_233 = arith.constant 0 : i32
      %dma_start3A_234 = arith.constant 0 : i32
      %dma_start3A_235 = tpu.memref_slice %arg3[%add3A_228, %dma_start3A_233, %dma_start3A_234] : memref<2500x2x128xi32, #tpu.memory_space<hbm>> -> memref<1x2x128xi32, #tpu.memory_space<hbm>>
      %dma_start3A_236 = tpu.memref_squeeze %dma_start3A_235 : memref<1x2x128xi32, #tpu.memory_space<hbm>> -> memref<2x128xi32, #tpu.memory_space<hbm>>
      tpu.enqueue_dma source(%dma_start3A_236 : memref<2x128xi32, #tpu.memory_space<hbm>>) target(%arg6 : memref<2x128xi32, #tpu.memory_space<vmem>>) target_semaphore(%arg12 : memref<!tpu.dma_semaphore, #tpu.memory_space<semaphore_mem>>)
      %add3A_237 = arith.constant 2 : i32
      %add3A_238 = arith.addi %add3A_137, %add3A_237 : i32
      %dma_wait3A_239 = arith.constant 0 : i32
      %dma_wait3A_240 = arith.constant 0 : i32
      %dma_wait3A_241 = tpu.memref_slice %arg8[%dma_wait3A_239, %dma_wait3A_240] : memref<2x128xi32, #tpu.memory_space<vmem>> -> memref<1x128xi32, #tpu.memory_space<vmem>>
      %dma_wait3A_242 = tpu.memref_squeeze %dma_wait3A_241 : memref<1x128xi32, #tpu.memory_space<vmem>> -> memref<128xi32, #tpu.memory_space<vmem>>
      %dma_wait3A_243 = arith.constant 0 : i32
      %dma_wait3A_244 = arith.constant 0 : i32
      %dma_wait3A_245 = tpu.memref_slice %arg2[%dma_wait3A_243, %dma_wait3A_244] : memref<10000x128xf32, #tpu.memory_space<hbm>> -> memref<10000x128xf32, #tpu.memory_space<hbm>>
      tpu.wait_indirect_dma semaphore(%arg18 : memref<!tpu.dma_semaphore, #tpu.memory_space<semaphore_mem>>) src(%dma_wait3A_245 : memref<10000x128xf32, #tpu.memory_space<hbm>>) dst(%arg10 : memref<128x128xf32, #tpu.memory_space<vmem>>)
      %dma_start3A_246 = arith.constant 1 : i32
      %dma_start3A_247 = arith.constant 0 : i32
      %dma_start3A_248 = tpu.memref_slice %arg8[%dma_start3A_246, %dma_start3A_247] : memref<2x128xi32, #tpu.memory_space<vmem>> -> memref<1x128xi32, #tpu.memory_space<vmem>>
      %dma_start3A_249 = tpu.memref_squeeze %dma_start3A_248 : memref<1x128xi32, #tpu.memory_space<vmem>> -> memref<128xi32, #tpu.memory_space<vmem>>
      %dma_start3A_250 = arith.constant 0 : i32
      %dma_start3A_251 = arith.constant 0 : i32
      %dma_start3A_252 = tpu.memref_slice %arg5[%dma_start3A_250, %dma_start3A_251] : memref<10240x128xf32, #tpu.memory_space<vmem_shared>> -> memref<10240x128xf32, #tpu.memory_space<vmem_shared>>
      tpu.enqueue_indirect_dma source(%arg10 : memref<128x128xf32, #tpu.memory_space<vmem>>) target(%dma_start3A_252 : memref<10240x128xf32, #tpu.memory_space<vmem_shared>>) offsets(%dma_start3A_249 : memref<128xi32, #tpu.memory_space<vmem>>) semaphore(%arg16 : memref<!tpu.dma_semaphore, #tpu.memory_space<semaphore_mem>>) {add = true}
      %ge3A_253 = arith.constant 1 : i32
      %ge3A_254 = arith.cmpi sge, %add3A_238, %ge3A_253 : i32
      %convert_element_type3A_255 = arith.extui %ge3A_254 : i1 to i32
      %cond3A_256 = arith.constant 0 : i32
      %cond3A_257 = arith.cmpi ne, %convert_element_type3A_255, %cond3A_256 : i32
      scf.if %cond3A_257 {
        %dma_wait3A_337 = arith.constant 1 : i32
        %dma_wait3A_338 = arith.constant 0 : i32
        %dma_wait3A_339 = tpu.memref_slice %arg7[%dma_wait3A_337, %dma_wait3A_338] : memref<2x128xi32, #tpu.memory_space<vmem>> -> memref<1x128xi32, #tpu.memory_space<vmem>>
        %dma_wait3A_340 = tpu.memref_squeeze %dma_wait3A_339 : memref<1x128xi32, #tpu.memory_space<vmem>> -> memref<128xi32, #tpu.memory_space<vmem>>
        %dma_wait3A_341 = arith.constant 0 : i32
        %dma_wait3A_342 = arith.constant 0 : i32
        %dma_wait3A_343 = tpu.memref_slice %arg5[%dma_wait3A_341, %dma_wait3A_342] : memref<10240x128xf32, #tpu.memory_space<vmem_shared>> -> memref<10240x128xf32, #tpu.memory_space<vmem_shared>>
        tpu.wait_indirect_dma semaphore(%arg17 : memref<!tpu.dma_semaphore, #tpu.memory_space<semaphore_mem>>) src(%arg11 : memref<128x128xf32, #tpu.memory_space<vmem>>) dst(%dma_wait3A_343 : memref<10240x128xf32, #tpu.memory_space<vmem_shared>>)
      } else {
      }
      %add3A_258 = arith.addi %mul3A_2, %add3A_238 : i32
      %add3A_259 = arith.constant 1 : i32
      %add3A_260 = arith.addi %add3A_258, %add3A_259 : i32
      %dma_wait3A_261 = arith.constant 0 : i32
      %dma_wait3A_262 = arith.constant 0 : i32
      %dma_wait3A_263 = tpu.memref_slice %arg3[%add3A_260, %dma_wait3A_261, %dma_wait3A_262] : memref<2500x2x128xi32, #tpu.memory_space<hbm>> -> memref<1x2x128xi32, #tpu.memory_space<hbm>>
      %dma_wait3A_264 = tpu.memref_squeeze %dma_wait3A_263 : memref<1x2x128xi32, #tpu.memory_space<hbm>> -> memref<2x128xi32, #tpu.memory_space<hbm>>
      %dma_wait3A_265 = arith.constant 0 : i32
      %dma_wait3A_266 = arith.constant 0 : i32
      %dma_wait3A_267 = tpu.memref_slice %arg3[%add3A_260, %dma_wait3A_265, %dma_wait3A_266] : memref<2500x2x128xi32, #tpu.memory_space<hbm>> -> memref<1x2x128xi32, #tpu.memory_space<hbm>>
      %dma_wait3A_268 = tpu.memref_squeeze %dma_wait3A_267 : memref<1x2x128xi32, #tpu.memory_space<hbm>> -> memref<2x128xi32, #tpu.memory_space<hbm>>
      tpu.wait_dma2 semaphore(%arg15 : memref<!tpu.dma_semaphore, #tpu.memory_space<semaphore_mem>>) src(%dma_wait3A_268 : memref<2x128xi32, #tpu.memory_space<hbm>>) dst(%arg9 : memref<2x128xi32, #tpu.memory_space<vmem>>)
      %dma_start3A_269 = arith.constant 0 : i32
      %dma_start3A_270 = arith.constant 0 : i32
      %dma_start3A_271 = tpu.memref_slice %arg9[%dma_start3A_269, %dma_start3A_270] : memref<2x128xi32, #tpu.memory_space<vmem>> -> memref<1x128xi32, #tpu.memory_space<vmem>>
      %dma_start3A_272 = tpu.memref_squeeze %dma_start3A_271 : memref<1x128xi32, #tpu.memory_space<vmem>> -> memref<128xi32, #tpu.memory_space<vmem>>
      %dma_start3A_273 = arith.constant 0 : i32
      %dma_start3A_274 = arith.constant 0 : i32
      %dma_start3A_275 = tpu.memref_slice %arg2[%dma_start3A_273, %dma_start3A_274] : memref<10000x128xf32, #tpu.memory_space<hbm>> -> memref<10000x128xf32, #tpu.memory_space<hbm>>
      tpu.enqueue_indirect_dma source(%dma_start3A_275 : memref<10000x128xf32, #tpu.memory_space<hbm>>) target(%arg11 : memref<128x128xf32, #tpu.memory_space<vmem>>) offsets(%dma_start3A_272 : memref<128xi32, #tpu.memory_space<vmem>>) semaphore(%arg19 : memref<!tpu.dma_semaphore, #tpu.memory_space<semaphore_mem>>)
      %add3A_276 = arith.addi %mul3A_2, %add3A_238 : i32
      %add3A_277 = arith.constant 3 : i32
      %add3A_278 = arith.addi %add3A_276, %add3A_277 : i32
      %dma_start3A_279 = arith.constant 0 : i32
      %dma_start3A_280 = arith.constant 0 : i32
      %dma_start3A_281 = tpu.memref_slice %arg3[%add3A_278, %dma_start3A_279, %dma_start3A_280] : memref<2500x2x128xi32, #tpu.memory_space<hbm>> -> memref<1x2x128xi32, #tpu.memory_space<hbm>>
      %dma_start3A_282 = tpu.memref_squeeze %dma_start3A_281 : memref<1x2x128xi32, #tpu.memory_space<hbm>> -> memref<2x128xi32, #tpu.memory_space<hbm>>
      %dma_start3A_283 = arith.constant 0 : i32
      %dma_start3A_284 = arith.constant 0 : i32
      %dma_start3A_285 = tpu.memref_slice %arg3[%add3A_278, %dma_start3A_283, %dma_start3A_284] : memref<2500x2x128xi32, #tpu.memory_space<hbm>> -> memref<1x2x128xi32, #tpu.memory_space<hbm>>
      %dma_start3A_286 = tpu.memref_squeeze %dma_start3A_285 : memref<1x2x128xi32, #tpu.memory_space<hbm>> -> memref<2x128xi32, #tpu.memory_space<hbm>>
      tpu.enqueue_dma source(%dma_start3A_286 : memref<2x128xi32, #tpu.memory_space<hbm>>) target(%arg7 : memref<2x128xi32, #tpu.memory_space<vmem>>) target_semaphore(%arg13 : memref<!tpu.dma_semaphore, #tpu.memory_space<semaphore_mem>>)
      %add3A_287 = arith.constant 3 : i32
      %add3A_288 = arith.addi %add3A_137, %add3A_287 : i32
      %dma_wait3A_289 = arith.constant 0 : i32
      %dma_wait3A_290 = arith.constant 0 : i32
      %dma_wait3A_291 = tpu.memref_slice %arg9[%dma_wait3A_289, %dma_wait3A_290] : memref<2x128xi32, #tpu.memory_space<vmem>> -> memref<1x128xi32, #tpu.memory_space<vmem>>
      %dma_wait3A_292 = tpu.memref_squeeze %dma_wait3A_291 : memref<1x128xi32, #tpu.memory_space<vmem>> -> memref<128xi32, #tpu.memory_space<vmem>>
      %dma_wait3A_293 = arith.constant 0 : i32
      %dma_wait3A_294 = arith.constant 0 : i32
      %dma_wait3A_295 = tpu.memref_slice %arg2[%dma_wait3A_293, %dma_wait3A_294] : memref<10000x128xf32, #tpu.memory_space<hbm>> -> memref<10000x128xf32, #tpu.memory_space<hbm>>
      tpu.wait_indirect_dma semaphore(%arg19 : memref<!tpu.dma_semaphore, #tpu.memory_space<semaphore_mem>>) src(%dma_wait3A_295 : memref<10000x128xf32, #tpu.memory_space<hbm>>) dst(%arg11 : memref<128x128xf32, #tpu.memory_space<vmem>>)
      %dma_start3A_296 = arith.constant 1 : i32
      %dma_start3A_297 = arith.constant 0 : i32
      %dma_start3A_298 = tpu.memref_slice %arg9[%dma_start3A_296, %dma_start3A_297] : memref<2x128xi32, #tpu.memory_space<vmem>> -> memref<1x128xi32, #tpu.memory_space<vmem>>
      %dma_start3A_299 = tpu.memref_squeeze %dma_start3A_298 : memref<1x128xi32, #tpu.memory_space<vmem>> -> memref<128xi32, #tpu.memory_space<vmem>>
      %dma_start3A_300 = arith.constant 0 : i32
      %dma_start3A_301 = arith.constant 0 : i32
      %dma_start3A_302 = tpu.memref_slice %arg5[%dma_start3A_300, %dma_start3A_301] : memref<10240x128xf32, #tpu.memory_space<vmem_shared>> -> memref<10240x128xf32, #tpu.memory_space<vmem_shared>>
      tpu.enqueue_indirect_dma source(%arg11 : memref<128x128xf32, #tpu.memory_space<vmem>>) target(%dma_start3A_302 : memref<10240x128xf32, #tpu.memory_space<vmem_shared>>) offsets(%dma_start3A_299 : memref<128xi32, #tpu.memory_space<vmem>>) semaphore(%arg17 : memref<!tpu.dma_semaphore, #tpu.memory_space<semaphore_mem>>) {add = true}
      %ge3A_303 = arith.constant 1 : i32
      %ge3A_304 = arith.cmpi sge, %add3A_288, %ge3A_303 : i32
      %convert_element_type3A_305 = arith.extui %ge3A_304 : i1 to i32
      %cond3A_306 = arith.constant 0 : i32
      %cond3A_307 = arith.cmpi ne, %convert_element_type3A_305, %cond3A_306 : i32
      scf.if %cond3A_307 {
        %dma_wait3A_337 = arith.constant 1 : i32
        %dma_wait3A_338 = arith.constant 0 : i32
        %dma_wait3A_339 = tpu.memref_slice %arg8[%dma_wait3A_337, %dma_wait3A_338] : memref<2x128xi32, #tpu.memory_space<vmem>> -> memref<1x128xi32, #tpu.memory_space<vmem>>
        %dma_wait3A_340 = tpu.memref_squeeze %dma_wait3A_339 : memref<1x128xi32, #tpu.memory_space<vmem>> -> memref<128xi32, #tpu.memory_space<vmem>>
        %dma_wait3A_341 = arith.constant 0 : i32
        %dma_wait3A_342 = arith.constant 0 : i32
        %dma_wait3A_343 = tpu.memref_slice %arg5[%dma_wait3A_341, %dma_wait3A_342] : memref<10240x128xf32, #tpu.memory_space<vmem_shared>> -> memref<10240x128xf32, #tpu.memory_space<vmem_shared>>
        tpu.wait_indirect_dma semaphore(%arg16 : memref<!tpu.dma_semaphore, #tpu.memory_space<semaphore_mem>>) src(%arg10 : memref<128x128xf32, #tpu.memory_space<vmem>>) dst(%dma_wait3A_343 : memref<10240x128xf32, #tpu.memory_space<vmem_shared>>)
      } else {
      }
      %add3A_308 = arith.addi %mul3A_2, %add3A_288 : i32
      %add3A_309 = arith.constant 1 : i32
      %add3A_310 = arith.addi %add3A_308, %add3A_309 : i32
      %dma_wait3A_311 = arith.constant 0 : i32
      %dma_wait3A_312 = arith.constant 0 : i32
      %dma_wait3A_313 = tpu.memref_slice %arg3[%add3A_310, %dma_wait3A_311, %dma_wait3A_312] : memref<2500x2x128xi32, #tpu.memory_space<hbm>> -> memref<1x2x128xi32, #tpu.memory_space<hbm>>
      %dma_wait3A_314 = tpu.memref_squeeze %dma_wait3A_313 : memref<1x2x128xi32, #tpu.memory_space<hbm>> -> memref<2x128xi32, #tpu.memory_space<hbm>>
      %dma_wait3A_315 = arith.constant 0 : i32
      %dma_wait3A_316 = arith.constant 0 : i32
      %dma_wait3A_317 = tpu.memref_slice %arg3[%add3A_310, %dma_wait3A_315, %dma_wait3A_316] : memref<2500x2x128xi32, #tpu.memory_space<hbm>> -> memref<1x2x128xi32, #tpu.memory_space<hbm>>
      %dma_wait3A_318 = tpu.memref_squeeze %dma_wait3A_317 : memref<1x2x128xi32, #tpu.memory_space<hbm>> -> memref<2x128xi32, #tpu.memory_space<hbm>>
      tpu.wait_dma2 semaphore(%arg12 : memref<!tpu.dma_semaphore, #tpu.memory_space<semaphore_mem>>) src(%dma_wait3A_318 : memref<2x128xi32, #tpu.memory_space<hbm>>) dst(%arg6 : memref<2x128xi32, #tpu.memory_space<vmem>>)
      %dma_start3A_319 = arith.constant 0 : i32
      %dma_start3A_320 = arith.constant 0 : i32
      %dma_start3A_321 = tpu.memref_slice %arg6[%dma_start3A_319, %dma_start3A_320] : memref<2x128xi32, #tpu.memory_space<vmem>> -> memref<1x128xi32, #tpu.memory_space<vmem>>
      %dma_start3A_322 = tpu.memref_squeeze %dma_start3A_321 : memref<1x128xi32, #tpu.memory_space<vmem>> -> memref<128xi32, #tpu.memory_space<vmem>>
      %dma_start3A_323 = arith.constant 0 : i32
      %dma_start3A_324 = arith.constant 0 : i32
      %dma_start3A_325 = tpu.memref_slice %arg2[%dma_start3A_323, %dma_start3A_324] : memref<10000x128xf32, #tpu.memory_space<hbm>> -> memref<10000x128xf32, #tpu.memory_space<hbm>>
      tpu.enqueue_indirect_dma source(%dma_start3A_325 : memref<10000x128xf32, #tpu.memory_space<hbm>>) target(%arg10 : memref<128x128xf32, #tpu.memory_space<vmem>>) offsets(%dma_start3A_322 : memref<128xi32, #tpu.memory_space<vmem>>) semaphore(%arg18 : memref<!tpu.dma_semaphore, #tpu.memory_space<semaphore_mem>>)
      %add3A_326 = arith.addi %mul3A_2, %add3A_288 : i32
      %add3A_327 = arith.constant 3 : i32
      %add3A_328 = arith.addi %add3A_326, %add3A_327 : i32
      %dma_start3A_329 = arith.constant 0 : i32
      %dma_start3A_330 = arith.constant 0 : i32
      %dma_start3A_331 = tpu.memref_slice %arg3[%add3A_328, %dma_start3A_329, %dma_start3A_330] : memref<2500x2x128xi32, #tpu.memory_space<hbm>> -> memref<1x2x128xi32, #tpu.memory_space<hbm>>
      %dma_start3A_332 = tpu.memref_squeeze %dma_start3A_331 : memref<1x2x128xi32, #tpu.memory_space<hbm>> -> memref<2x128xi32, #tpu.memory_space<hbm>>
      %dma_start3A_333 = arith.constant 0 : i32
      %dma_start3A_334 = arith.constant 0 : i32
      %dma_start3A_335 = tpu.memref_slice %arg3[%add3A_328, %dma_start3A_333, %dma_start3A_334] : memref<2500x2x128xi32, #tpu.memory_space<hbm>> -> memref<1x2x128xi32, #tpu.memory_space<hbm>>
      %dma_start3A_336 = tpu.memref_squeeze %dma_start3A_335 : memref<1x2x128xi32, #tpu.memory_space<hbm>> -> memref<2x128xi32, #tpu.memory_space<hbm>>
      tpu.enqueue_dma source(%dma_start3A_336 : memref<2x128xi32, #tpu.memory_space<hbm>>) target(%arg8 : memref<2x128xi32, #tpu.memory_space<vmem>>) target_semaphore(%arg14 : memref<!tpu.dma_semaphore, #tpu.memory_space<semaphore_mem>>)
    }
    %scan3A_57 = arith.constant 19 : i32
    %dma_wait3A_58 = arith.constant 0 : i32
    %dma_wait3A_59 = arith.constant 0 : i32
    %dma_wait3A_60 = tpu.memref_slice %arg6[%dma_wait3A_58, %dma_wait3A_59] : memref<2x128xi32, #tpu.memory_space<vmem>> -> memref<1x128xi32, #tpu.memory_space<vmem>>
    %dma_wait3A_61 = tpu.memref_squeeze %dma_wait3A_60 : memref<1x128xi32, #tpu.memory_space<vmem>> -> memref<128xi32, #tpu.memory_space<vmem>>
    %dma_wait3A_62 = arith.constant 0 : i32
    %dma_wait3A_63 = arith.constant 0 : i32
    %dma_wait3A_64 = tpu.memref_slice %arg2[%dma_wait3A_62, %dma_wait3A_63] : memref<10000x128xf32, #tpu.memory_space<hbm>> -> memref<10000x128xf32, #tpu.memory_space<hbm>>
    tpu.wait_indirect_dma semaphore(%arg18 : memref<!tpu.dma_semaphore, #tpu.memory_space<semaphore_mem>>) src(%dma_wait3A_64 : memref<10000x128xf32, #tpu.memory_space<hbm>>) dst(%arg10 : memref<128x128xf32, #tpu.memory_space<vmem>>)
    %dma_start3A_65 = arith.constant 1 : i32
    %dma_start3A_66 = arith.constant 0 : i32
    %dma_start3A_67 = tpu.memref_slice %arg6[%dma_start3A_65, %dma_start3A_66] : memref<2x128xi32, #tpu.memory_space<vmem>> -> memref<1x128xi32, #tpu.memory_space<vmem>>
    %dma_start3A_68 = tpu.memref_squeeze %dma_start3A_67 : memref<1x128xi32, #tpu.memory_space<vmem>> -> memref<128xi32, #tpu.memory_space<vmem>>
    %dma_start3A_69 = arith.constant 0 : i32
    %dma_start3A_70 = arith.constant 0 : i32
    %dma_start3A_71 = tpu.memref_slice %arg5[%dma_start3A_69, %dma_start3A_70] : memref<10240x128xf32, #tpu.memory_space<vmem_shared>> -> memref<10240x128xf32, #tpu.memory_space<vmem_shared>>
    tpu.enqueue_indirect_dma source(%arg10 : memref<128x128xf32, #tpu.memory_space<vmem>>) target(%dma_start3A_71 : memref<10240x128xf32, #tpu.memory_space<vmem_shared>>) offsets(%dma_start3A_68 : memref<128xi32, #tpu.memory_space<vmem>>) semaphore(%arg16 : memref<!tpu.dma_semaphore, #tpu.memory_space<semaphore_mem>>) {add = true}
    %dma_wait3A_72 = arith.constant 1 : i32
    %dma_wait3A_73 = arith.constant 0 : i32
    %dma_wait3A_74 = tpu.memref_slice %arg9[%dma_wait3A_72, %dma_wait3A_73] : memref<2x128xi32, #tpu.memory_space<vmem>> -> memref<1x128xi32, #tpu.memory_space<vmem>>
    %dma_wait3A_75 = tpu.memref_squeeze %dma_wait3A_74 : memref<1x128xi32, #tpu.memory_space<vmem>> -> memref<128xi32, #tpu.memory_space<vmem>>
    %dma_wait3A_76 = arith.constant 0 : i32
    %dma_wait3A_77 = arith.constant 0 : i32
    %dma_wait3A_78 = tpu.memref_slice %arg5[%dma_wait3A_76, %dma_wait3A_77] : memref<10240x128xf32, #tpu.memory_space<vmem_shared>> -> memref<10240x128xf32, #tpu.memory_space<vmem_shared>>
    tpu.wait_indirect_dma semaphore(%arg17 : memref<!tpu.dma_semaphore, #tpu.memory_space<semaphore_mem>>) src(%arg11 : memref<128x128xf32, #tpu.memory_space<vmem>>) dst(%dma_wait3A_78 : memref<10240x128xf32, #tpu.memory_space<vmem_shared>>)
    %add3A_79 = arith.constant 76 : i32
    %add3A_80 = arith.addi %mul3A_2, %add3A_79 : i32
    %add3A_81 = arith.constant 1 : i32
    %add3A_82 = arith.addi %add3A_80, %add3A_81 : i32
    %dma_wait3A_83 = arith.constant 0 : i32
    %dma_wait3A_84 = arith.constant 0 : i32
    %dma_wait3A_85 = tpu.memref_slice %arg3[%add3A_82, %dma_wait3A_83, %dma_wait3A_84] : memref<2500x2x128xi32, #tpu.memory_space<hbm>> -> memref<1x2x128xi32, #tpu.memory_space<hbm>>
    %dma_wait3A_86 = tpu.memref_squeeze %dma_wait3A_85 : memref<1x2x128xi32, #tpu.memory_space<hbm>> -> memref<2x128xi32, #tpu.memory_space<hbm>>
    %dma_wait3A_87 = arith.constant 0 : i32
    %dma_wait3A_88 = arith.constant 0 : i32
    %dma_wait3A_89 = tpu.memref_slice %arg3[%add3A_82, %dma_wait3A_87, %dma_wait3A_88] : memref<2500x2x128xi32, #tpu.memory_space<hbm>> -> memref<1x2x128xi32, #tpu.memory_space<hbm>>
    %dma_wait3A_90 = tpu.memref_squeeze %dma_wait3A_89 : memref<1x2x128xi32, #tpu.memory_space<hbm>> -> memref<2x128xi32, #tpu.memory_space<hbm>>
    tpu.wait_dma2 semaphore(%arg13 : memref<!tpu.dma_semaphore, #tpu.memory_space<semaphore_mem>>) src(%dma_wait3A_90 : memref<2x128xi32, #tpu.memory_space<hbm>>) dst(%arg7 : memref<2x128xi32, #tpu.memory_space<vmem>>)
    %dma_start3A_91 = arith.constant 0 : i32
    %dma_start3A_92 = arith.constant 0 : i32
    %dma_start3A_93 = tpu.memref_slice %arg7[%dma_start3A_91, %dma_start3A_92] : memref<2x128xi32, #tpu.memory_space<vmem>> -> memref<1x128xi32, #tpu.memory_space<vmem>>
    %dma_start3A_94 = tpu.memref_squeeze %dma_start3A_93 : memref<1x128xi32, #tpu.memory_space<vmem>> -> memref<128xi32, #tpu.memory_space<vmem>>
    %dma_start3A_95 = arith.constant 0 : i32
    %dma_start3A_96 = arith.constant 0 : i32
    %dma_start3A_97 = tpu.memref_slice %arg2[%dma_start3A_95, %dma_start3A_96] : memref<10000x128xf32, #tpu.memory_space<hbm>> -> memref<10000x128xf32, #tpu.memory_space<hbm>>
    tpu.enqueue_indirect_dma source(%dma_start3A_97 : memref<10000x128xf32, #tpu.memory_space<hbm>>) target(%arg11 : memref<128x128xf32, #tpu.memory_space<vmem>>) offsets(%dma_start3A_94 : memref<128xi32, #tpu.memory_space<vmem>>) semaphore(%arg19 : memref<!tpu.dma_semaphore, #tpu.memory_space<semaphore_mem>>)
    %dma_wait3A_98 = arith.constant 0 : i32
    %dma_wait3A_99 = arith.constant 0 : i32
    %dma_wait3A_100 = tpu.memref_slice %arg7[%dma_wait3A_98, %dma_wait3A_99] : memref<2x128xi32, #tpu.memory_space<vmem>> -> memref<1x128xi32, #tpu.memory_space<vmem>>
    %dma_wait3A_101 = tpu.memref_squeeze %dma_wait3A_100 : memref<1x128xi32, #tpu.memory_space<vmem>> -> memref<128xi32, #tpu.memory_space<vmem>>
    %dma_wait3A_102 = arith.constant 0 : i32
    %dma_wait3A_103 = arith.constant 0 : i32
    %dma_wait3A_104 = tpu.memref_slice %arg2[%dma_wait3A_102, %dma_wait3A_103] : memref<10000x128xf32, #tpu.memory_space<hbm>> -> memref<10000x128xf32, #tpu.memory_space<hbm>>
    tpu.wait_indirect_dma semaphore(%arg19 : memref<!tpu.dma_semaphore, #tpu.memory_space<semaphore_mem>>) src(%dma_wait3A_104 : memref<10000x128xf32, #tpu.memory_space<hbm>>) dst(%arg11 : memref<128x128xf32, #tpu.memory_space<vmem>>)
    %dma_start3A_105 = arith.constant 1 : i32
    %dma_start3A_106 = arith.constant 0 : i32
    %dma_start3A_107 = tpu.memref_slice %arg7[%dma_start3A_105, %dma_start3A_106] : memref<2x128xi32, #tpu.memory_space<vmem>> -> memref<1x128xi32, #tpu.memory_space<vmem>>
    %dma_start3A_108 = tpu.memref_squeeze %dma_start3A_107 : memref<1x128xi32, #tpu.memory_space<vmem>> -> memref<128xi32, #tpu.memory_space<vmem>>
    %dma_start3A_109 = arith.constant 0 : i32
    %dma_start3A_110 = arith.constant 0 : i32
    %dma_start3A_111 = tpu.memref_slice %arg5[%dma_start3A_109, %dma_start3A_110] : memref<10240x128xf32, #tpu.memory_space<vmem_shared>> -> memref<10240x128xf32, #tpu.memory_space<vmem_shared>>
    tpu.enqueue_indirect_dma source(%arg11 : memref<128x128xf32, #tpu.memory_space<vmem>>) target(%dma_start3A_111 : memref<10240x128xf32, #tpu.memory_space<vmem_shared>>) offsets(%dma_start3A_108 : memref<128xi32, #tpu.memory_space<vmem>>) semaphore(%arg17 : memref<!tpu.dma_semaphore, #tpu.memory_space<semaphore_mem>>) {add = true}
    %dma_wait3A_112 = arith.constant 1 : i32
    %dma_wait3A_113 = arith.constant 0 : i32
    %dma_wait3A_114 = tpu.memref_slice %arg6[%dma_wait3A_112, %dma_wait3A_113] : memref<2x128xi32, #tpu.memory_space<vmem>> -> memref<1x128xi32, #tpu.memory_space<vmem>>
    %dma_wait3A_115 = tpu.memref_squeeze %dma_wait3A_114 : memref<1x128xi32, #tpu.memory_space<vmem>> -> memref<128xi32, #tpu.memory_space<vmem>>
    %dma_wait3A_116 = arith.constant 0 : i32
    %dma_wait3A_117 = arith.constant 0 : i32
    %dma_wait3A_118 = tpu.memref_slice %arg5[%dma_wait3A_116, %dma_wait3A_117] : memref<10240x128xf32, #tpu.memory_space<vmem_shared>> -> memref<10240x128xf32, #tpu.memory_space<vmem_shared>>
    tpu.wait_indirect_dma semaphore(%arg16 : memref<!tpu.dma_semaphore, #tpu.memory_space<semaphore_mem>>) src(%arg10 : memref<128x128xf32, #tpu.memory_space<vmem>>) dst(%dma_wait3A_118 : memref<10240x128xf32, #tpu.memory_space<vmem_shared>>)
    %dma_wait3A_119 = arith.constant 1 : i32
    %dma_wait3A_120 = arith.constant 0 : i32
    %dma_wait3A_121 = tpu.memref_slice %arg7[%dma_wait3A_119, %dma_wait3A_120] : memref<2x128xi32, #tpu.memory_space<vmem>> -> memref<1x128xi32, #tpu.memory_space<vmem>>
    %dma_wait3A_122 = tpu.memref_squeeze %dma_wait3A_121 : memref<1x128xi32, #tpu.memory_space<vmem>> -> memref<128xi32, #tpu.memory_space<vmem>>
    %dma_wait3A_123 = arith.constant 0 : i32
    %dma_wait3A_124 = arith.constant 0 : i32
    %dma_wait3A_125 = tpu.memref_slice %arg5[%dma_wait3A_123, %dma_wait3A_124] : memref<10240x128xf32, #tpu.memory_space<vmem_shared>> -> memref<10240x128xf32, #tpu.memory_space<vmem_shared>>
    tpu.wait_indirect_dma semaphore(%arg17 : memref<!tpu.dma_semaphore, #tpu.memory_space<semaphore_mem>>) src(%arg11 : memref<128x128xf32, #tpu.memory_space<vmem>>) dst(%dma_wait3A_125 : memref<10240x128xf32, #tpu.memory_space<vmem_shared>>)
    %lt3A = arith.constant 4 : i32
    %lt3A_126 = arith.cmpi slt, %add3A, %lt3A : i32
    %convert_element_type3A = arith.extui %lt3A_126 : i1 to i32
    %cond3A = arith.constant 0 : i32
    %cond3A_127 = arith.cmpi ne, %convert_element_type3A, %cond3A : i32
    scf.if %cond3A_127 {
      %add3A_133 = arith.constant 2496 : i32
      %add3A_134 = arith.addi %add3A_133, %add3A : i32
      "tpu.region"() ({
        %run_scoped3A_136 = tpu.sem_alloc : memref<!tpu.dma_semaphore, #tpu.memory_space<semaphore_mem>>
        %dma_start3A_137 = arith.constant 0 : i32
        %dma_start3A_138 = arith.constant 0 : i32
        %dma_start3A_139 = tpu.memref_slice %arg3[%add3A_134, %dma_start3A_137, %dma_start3A_138] : memref<2500x2x128xi32, #tpu.memory_space<hbm>> -> memref<1x2x128xi32, #tpu.memory_space<hbm>>
        %dma_start3A_140 = tpu.memref_squeeze %dma_start3A_139 : memref<1x2x128xi32, #tpu.memory_space<hbm>> -> memref<2x128xi32, #tpu.memory_space<hbm>>
        %dma_start3A_141 = arith.constant 0 : i32
        %dma_start3A_142 = arith.constant 0 : i32
        %dma_start3A_143 = tpu.memref_slice %arg3[%add3A_134, %dma_start3A_141, %dma_start3A_142] : memref<2500x2x128xi32, #tpu.memory_space<hbm>> -> memref<1x2x128xi32, #tpu.memory_space<hbm>>
        %dma_start3A_144 = tpu.memref_squeeze %dma_start3A_143 : memref<1x2x128xi32, #tpu.memory_space<hbm>> -> memref<2x128xi32, #tpu.memory_space<hbm>>
        tpu.enqueue_dma source(%dma_start3A_144 : memref<2x128xi32, #tpu.memory_space<hbm>>) target(%arg6 : memref<2x128xi32, #tpu.memory_space<vmem>>) target_semaphore(%run_scoped3A_136 : memref<!tpu.dma_semaphore, #tpu.memory_space<semaphore_mem>>)
        %dma_wait3A_145 = arith.constant 0 : i32
        %dma_wait3A_146 = arith.constant 0 : i32
        %dma_wait3A_147 = tpu.memref_slice %arg3[%add3A_134, %dma_wait3A_145, %dma_wait3A_146] : memref<2500x2x128xi32, #tpu.memory_space<hbm>> -> memref<1x2x128xi32, #tpu.memory_space<hbm>>
        %dma_wait3A_148 = tpu.memref_squeeze %dma_wait3A_147 : memref<1x2x128xi32, #tpu.memory_space<hbm>> -> memref<2x128xi32, #tpu.memory_space<hbm>>
        %dma_wait3A_149 = arith.constant 0 : i32
        %dma_wait3A_150 = arith.constant 0 : i32
        %dma_wait3A_151 = tpu.memref_slice %arg3[%add3A_134, %dma_wait3A_149, %dma_wait3A_150] : memref<2500x2x128xi32, #tpu.memory_space<hbm>> -> memref<1x2x128xi32, #tpu.memory_space<hbm>>
        %dma_wait3A_152 = tpu.memref_squeeze %dma_wait3A_151 : memref<1x2x128xi32, #tpu.memory_space<hbm>> -> memref<2x128xi32, #tpu.memory_space<hbm>>
        tpu.wait_dma2 semaphore(%run_scoped3A_136 : memref<!tpu.dma_semaphore, #tpu.memory_space<semaphore_mem>>) src(%dma_wait3A_152 : memref<2x128xi32, #tpu.memory_space<hbm>>) dst(%arg6 : memref<2x128xi32, #tpu.memory_space<vmem>>)
        tpu.yield
      }) : () -> ()
      %run_scoped3A = arith.constant 0 : i32
      "tpu.region"() ({
        %run_scoped3A_136 = tpu.sem_alloc : memref<!tpu.dma_semaphore, #tpu.memory_space<semaphore_mem>>
        %dma_start3A_137 = arith.constant 0 : i32
        %dma_start3A_138 = tpu.memref_slice %arg6[%run_scoped3A, %dma_start3A_137] : memref<2x128xi32, #tpu.memory_space<vmem>> -> memref<1x128xi32, #tpu.memory_space<vmem>>
        %dma_start3A_139 = tpu.memref_squeeze %dma_start3A_138 : memref<1x128xi32, #tpu.memory_space<vmem>> -> memref<128xi32, #tpu.memory_space<vmem>>
        %dma_start3A_140 = arith.constant 0 : i32
        %dma_start3A_141 = arith.constant 0 : i32
        %dma_start3A_142 = tpu.memref_slice %arg2[%dma_start3A_140, %dma_start3A_141] : memref<10000x128xf32, #tpu.memory_space<hbm>> -> memref<10000x128xf32, #tpu.memory_space<hbm>>
        tpu.enqueue_indirect_dma source(%dma_start3A_142 : memref<10000x128xf32, #tpu.memory_space<hbm>>) target(%arg10 : memref<128x128xf32, #tpu.memory_space<vmem>>) offsets(%dma_start3A_139 : memref<128xi32, #tpu.memory_space<vmem>>) semaphore(%run_scoped3A_136 : memref<!tpu.dma_semaphore, #tpu.memory_space<semaphore_mem>>)
        %dma_wait3A_143 = arith.constant 0 : i32
        %dma_wait3A_144 = tpu.memref_slice %arg6[%run_scoped3A, %dma_wait3A_143] : memref<2x128xi32, #tpu.memory_space<vmem>> -> memref<1x128xi32, #tpu.memory_space<vmem>>
        %dma_wait3A_145 = tpu.memref_squeeze %dma_wait3A_144 : memref<1x128xi32, #tpu.memory_space<vmem>> -> memref<128xi32, #tpu.memory_space<vmem>>
        %dma_wait3A_146 = arith.constant 0 : i32
        %dma_wait3A_147 = arith.constant 0 : i32
        %dma_wait3A_148 = tpu.memref_slice %arg2[%dma_wait3A_146, %dma_wait3A_147] : memref<10000x128xf32, #tpu.memory_space<hbm>> -> memref<10000x128xf32, #tpu.memory_space<hbm>>
        tpu.wait_indirect_dma semaphore(%run_scoped3A_136 : memref<!tpu.dma_semaphore, #tpu.memory_space<semaphore_mem>>) src(%dma_wait3A_148 : memref<10000x128xf32, #tpu.memory_space<hbm>>) dst(%arg10 : memref<128x128xf32, #tpu.memory_space<vmem>>)
        tpu.yield
      }) : () -> ()
      %run_scoped3A_135 = arith.constant 1 : i32
      "tpu.region"() ({
        %run_scoped3A_136 = tpu.sem_alloc : memref<!tpu.dma_semaphore, #tpu.memory_space<semaphore_mem>>
        %dma_start3A_137 = arith.constant 0 : i32
        %dma_start3A_138 = tpu.memref_slice %arg6[%run_scoped3A_135, %dma_start3A_137] : memref<2x128xi32, #tpu.memory_space<vmem>> -> memref<1x128xi32, #tpu.memory_space<vmem>>
        %dma_start3A_139 = tpu.memref_squeeze %dma_start3A_138 : memref<1x128xi32, #tpu.memory_space<vmem>> -> memref<128xi32, #tpu.memory_space<vmem>>
        %dma_start3A_140 = arith.constant 0 : i32
        %dma_start3A_141 = arith.constant 0 : i32
        %dma_start3A_142 = tpu.memref_slice %arg5[%dma_start3A_140, %dma_start3A_141] : memref<10240x128xf32, #tpu.memory_space<vmem_shared>> -> memref<10240x128xf32, #tpu.memory_space<vmem_shared>>
        tpu.enqueue_indirect_dma source(%arg10 : memref<128x128xf32, #tpu.memory_space<vmem>>) target(%dma_start3A_142 : memref<10240x128xf32, #tpu.memory_space<vmem_shared>>) offsets(%dma_start3A_139 : memref<128xi32, #tpu.memory_space<vmem>>) semaphore(%run_scoped3A_136 : memref<!tpu.dma_semaphore, #tpu.memory_space<semaphore_mem>>) {add = true}
        %dma_wait3A_143 = arith.constant 0 : i32
        %dma_wait3A_144 = tpu.memref_slice %arg6[%run_scoped3A_135, %dma_wait3A_143] : memref<2x128xi32, #tpu.memory_space<vmem>> -> memref<1x128xi32, #tpu.memory_space<vmem>>
        %dma_wait3A_145 = tpu.memref_squeeze %dma_wait3A_144 : memref<1x128xi32, #tpu.memory_space<vmem>> -> memref<128xi32, #tpu.memory_space<vmem>>
        %dma_wait3A_146 = arith.constant 0 : i32
        %dma_wait3A_147 = arith.constant 0 : i32
        %dma_wait3A_148 = tpu.memref_slice %arg5[%dma_wait3A_146, %dma_wait3A_147] : memref<10240x128xf32, #tpu.memory_space<vmem_shared>> -> memref<10240x128xf32, #tpu.memory_space<vmem_shared>>
        tpu.wait_indirect_dma semaphore(%run_scoped3A_136 : memref<!tpu.dma_semaphore, #tpu.memory_space<semaphore_mem>>) src(%arg10 : memref<128x128xf32, #tpu.memory_space<vmem>>) dst(%dma_wait3A_148 : memref<10240x128xf32, #tpu.memory_space<vmem_shared>>)
        tpu.yield
      }) : () -> ()
    } else {
    }
    %barrier3A_128 = arith.constant 0 : index
    tpu.barrier barrier_id(%barrier3A_128)
    %mul3A_129 = arith.constant 640 : i32
    %mul3A_130 = arith.muli %arg1, %mul3A_129 : i32
    %mul3A_131 = arith.constant 640 : i32
    %mul3A_132 = arith.muli %arg1, %mul3A_131 : i32
    "tpu.region"() ({
      %run_scoped3A = tpu.sem_alloc : memref<!tpu.dma_semaphore, #tpu.memory_space<semaphore_mem>>
      %dma_start3A_133 = arith.constant 0 : i32
      %dma_start3A_134 = tpu.memref_slice %arg4[%arg0, %mul3A_132, %dma_start3A_133] : memref<2x10240x128xf32, #tpu.memory_space<hbm>> -> memref<1x640x128xf32, #tpu.memory_space<hbm>>
      %dma_start3A_135 = tpu.memref_squeeze %dma_start3A_134 : memref<1x640x128xf32, #tpu.memory_space<hbm>> -> memref<640x128xf32, #tpu.memory_space<hbm>>
      %dma_start3A_136 = arith.constant 0 : i32
      %dma_start3A_137 = tpu.memref_slice %arg5[%mul3A_130, %dma_start3A_136] : memref<10240x128xf32, #tpu.memory_space<vmem_shared>> -> memref<640x128xf32, #tpu.memory_space<vmem_shared>>
      tpu.enqueue_dma source(%dma_start3A_137 : memref<640x128xf32, #tpu.memory_space<vmem_shared>>) target(%dma_start3A_135 : memref<640x128xf32, #tpu.memory_space<hbm>>) target_semaphore(%run_scoped3A : memref<!tpu.dma_semaphore, #tpu.memory_space<semaphore_mem>>)
      %dma_wait3A_138 = arith.constant 0 : i32
      %dma_wait3A_139 = tpu.memref_slice %arg4[%arg0, %mul3A_132, %dma_wait3A_138] : memref<2x10240x128xf32, #tpu.memory_space<hbm>> -> memref<1x640x128xf32, #tpu.memory_space<hbm>>
      %dma_wait3A_140 = tpu.memref_squeeze %dma_wait3A_139 : memref<1x640x128xf32, #tpu.memory_space<hbm>> -> memref<640x128xf32, #tpu.memory_space<hbm>>
      %dma_wait3A_141 = arith.constant 0 : i32
      %dma_wait3A_142 = tpu.memref_slice %arg5[%mul3A_130, %dma_wait3A_141] : memref<10240x128xf32, #tpu.memory_space<vmem_shared>> -> memref<640x128xf32, #tpu.memory_space<vmem_shared>>
      tpu.wait_dma2 semaphore(%run_scoped3A : memref<!tpu.dma_semaphore, #tpu.memory_space<semaphore_mem>>) src(%dma_wait3A_142 : memref<640x128xf32, #tpu.memory_space<vmem_shared>>) dst(%dma_wait3A_140 : memref<640x128xf32, #tpu.memory_space<hbm>>)
      tpu.yield
    }) : () -> ()
    return
  }
}

#map = affine_map<(d0, d1) -> (0, 0)>
#map1 = affine_map<(d0, d1) -> (0, 0, 0)>
module attributes {stable_mosaic.version = 14 : i64} {
  func.func @agg_kernel(%arg0: i32, %arg1: i32, %arg2: memref<10000x128xf32, #tpu.memory_space<hbm>>, %arg3: memref<2500x2x128xi32, #tpu.memory_space<hbm>>, %arg4: memref<2x10240x128xf32, #tpu.memory_space<hbm>>, %arg5: memref<10240x128xf32, #tpu.memory_space<vmem_shared>>, %arg6: memref<2x128xi32, #tpu.memory_space<vmem>>, %arg7: memref<2x128xi32, #tpu.memory_space<vmem>>, %arg8: memref<2x128xi32, #tpu.memory_space<vmem>>, %arg9: memref<2x128xi32, #tpu.memory_space<vmem>>, %arg10: memref<128x128xf32, #tpu.memory_space<vmem>>, %arg11: memref<128x128xf32, #tpu.memory_space<vmem>>, %arg12: memref<!tpu.dma_semaphore, #tpu.memory_space<semaphore_mem>>, %arg13: memref<!tpu.dma_semaphore, #tpu.memory_space<semaphore_mem>>, %arg14: memref<!tpu.dma_semaphore, #tpu.memory_space<semaphore_mem>>, %arg15: memref<!tpu.dma_semaphore, #tpu.memory_space<semaphore_mem>>, %arg16: memref<!tpu.dma_semaphore, #tpu.memory_space<semaphore_mem>>, %arg17: memref<!tpu.dma_semaphore, #tpu.memory_space<semaphore_mem>>, %arg18: memref<!tpu.dma_semaphore, #tpu.memory_space<semaphore_mem>>, %arg19: memref<!tpu.dma_semaphore, #tpu.memory_space<semaphore_mem>>) attributes {dimension_semantics = [#tpu.dimension_semantics<core_parallel>, #tpu.dimension_semantics<subcore_parallel>], iteration_bounds = array<i64: 2, 16>, scalar_prefetch = 0 : i64, scratch_operands = 15 : i64, tpu.core_type = #tpu.core_type<sc_vector_subcore>, window_params = [{transform_indices = #map}, {transform_indices = #map1}, {transform_indices = #map1}]} {
    %mul3A = arith.constant 16 : i32
    %mul3A_0 = arith.muli %arg0, %mul3A : i32
    %add3A = arith.addi %mul3A_0, %arg1 : i32
    %mul3A_1 = arith.constant 78 : i32
    %mul3A_2 = arith.muli %add3A, %mul3A_1 : i32
    %dma_start3A = arith.constant 0 : i32
    %dma_start3A_3 = arith.constant 0 : i32
    %dma_start3A_4 = tpu.memref_slice %arg3[%mul3A_2, %dma_start3A, %dma_start3A_3] : memref<2500x2x128xi32, #tpu.memory_space<hbm>> -> memref<1x2x128xi32, #tpu.memory_space<hbm>>
    %dma_start3A_5 = tpu.memref_squeeze %dma_start3A_4 : memref<1x2x128xi32, #tpu.memory_space<hbm>> -> memref<2x128xi32, #tpu.memory_space<hbm>>
    %dma_start3A_6 = arith.constant 0 : i32
    %dma_start3A_7 = arith.constant 0 : i32
    %dma_start3A_8 = tpu.memref_slice %arg3[%mul3A_2, %dma_start3A_6, %dma_start3A_7] : memref<2500x2x128xi32, #tpu.memory_space<hbm>> -> memref<1x2x128xi32, #tpu.memory_space<hbm>>
    %dma_start3A_9 = tpu.memref_squeeze %dma_start3A_8 : memref<1x2x128xi32, #tpu.memory_space<hbm>> -> memref<2x128xi32, #tpu.memory_space<hbm>>
    tpu.enqueue_dma source(%dma_start3A_9 : memref<2x128xi32, #tpu.memory_space<hbm>>) target(%arg6 : memref<2x128xi32, #tpu.memory_space<vmem>>) target_semaphore(%arg12 : memref<!tpu.dma_semaphore, #tpu.memory_space<semaphore_mem>>)
    %add3A_10 = arith.constant 1 : i32
    %add3A_11 = arith.addi %mul3A_2, %add3A_10 : i32
    %dma_start3A_12 = arith.constant 0 : i32
    %dma_start3A_13 = arith.constant 0 : i32
    %dma_start3A_14 = tpu.memref_slice %arg3[%add3A_11, %dma_start3A_12, %dma_start3A_13] : memref<2500x2x128xi32, #tpu.memory_space<hbm>> -> memref<1x2x128xi32, #tpu.memory_space<hbm>>
    %dma_start3A_15 = tpu.memref_squeeze %dma_start3A_14 : memref<1x2x128xi32, #tpu.memory_space<hbm>> -> memref<2x128xi32, #tpu.memory_space<hbm>>
    %dma_start3A_16 = arith.constant 0 : i32
    %dma_start3A_17 = arith.constant 0 : i32
    %dma_start3A_18 = tpu.memref_slice %arg3[%add3A_11, %dma_start3A_16, %dma_start3A_17] : memref<2500x2x128xi32, #tpu.memory_space<hbm>> -> memref<1x2x128xi32, #tpu.memory_space<hbm>>
    %dma_start3A_19 = tpu.memref_squeeze %dma_start3A_18 : memref<1x2x128xi32, #tpu.memory_space<hbm>> -> memref<2x128xi32, #tpu.memory_space<hbm>>
    tpu.enqueue_dma source(%dma_start3A_19 : memref<2x128xi32, #tpu.memory_space<hbm>>) target(%arg7 : memref<2x128xi32, #tpu.memory_space<vmem>>) target_semaphore(%arg13 : memref<!tpu.dma_semaphore, #tpu.memory_space<semaphore_mem>>)
    %scan3A = arith.constant 0 : i32
    %scan3A_20 = arith.constant 128 : i32
    %scan3A_21 = arith.addi %scan3A, %scan3A_20 : i32
    %scan3A_22 = arith.constant 1 : i32
    scf.for %scan3A_133 = %scan3A to %scan3A_21 step %scan3A_22  : i32 {
      %mul3A_134 = arith.constant 1 : i32
      %mul3A_135 = arith.muli %scan3A_133, %mul3A_134 : i32
      %add3A_136 = arith.constant 0 : i32
      %add3A_137 = arith.addi %add3A_136, %mul3A_135 : i32
      %scan3A_138 = arith.constant 0 : i32
      %scan3A_139 = arith.constant 8 : i32
      %scan3A_140 = arith.addi %scan3A_138, %scan3A_139 : i32
      %scan3A_141 = arith.constant 1 : i32
      scf.for %scan3A_143 = %scan3A_138 to %scan3A_140 step %scan3A_141  : i32 {
        %mul3A_144 = arith.constant 1 : i32
        %mul3A_145 = arith.muli %scan3A_143, %mul3A_144 : i32
        %add3A_146 = arith.constant 0 : i32
        %add3A_147 = arith.addi %add3A_146, %mul3A_145 : i32
        %broadcast_in_dim3A = arith.constant 0.000000e+00 : f32
        %broadcast_in_dim3A_148 = vector.broadcast %broadcast_in_dim3A : f32 to vector<16xf32>
        %mul3A_149 = arith.constant 16 : i32
        %mul3A_150 = arith.muli %add3A_147, %mul3A_149 : i32
        %swap3A = arith.index_cast %add3A_137 : i32 to index
        %swap3A_151 = arith.index_cast %mul3A_150 : i32 to index
        %swap3A_152 = tpu.vector_load %arg10[%swap3A, %swap3A_151] {strides = array<i32>} : memref<128x128xf32, #tpu.memory_space<vmem>>, vector<1x16xf32>,
        %swap3A_153 = vector.shape_cast %swap3A_152 : vector<1x16xf32> to vector<16xf32>
        %swap3A_154 = vector.shape_cast %broadcast_in_dim3A_148 : vector<16xf32> to vector<1x16xf32>
        tpu.vector_store %arg10[%swap3A, %swap3A_151], %swap3A_154 {strides = array<i32>} : memref<128x128xf32, #tpu.memory_space<vmem>>, vector<1x16xf32>,
      }
      %scan3A_142 = arith.constant 8 : i32
    }
    %scan3A_23 = arith.constant 128 : i32
    %scan3A_24 = arith.constant 0 : i32
    %scan3A_25 = arith.constant 5 : i32
    %scan3A_26 = arith.addi %scan3A_24, %scan3A_25 : i32
    %scan3A_27 = arith.constant 1 : i32
    scf.for %scan3A_133 = %scan3A_24 to %scan3A_26 step %scan3A_27  : i32 {
      %mul3A_134 = arith.constant 1 : i32
      %mul3A_135 = arith.muli %scan3A_133, %mul3A_134 : i32
      %add3A_136 = arith.constant 0 : i32
      %add3A_137 = arith.addi %add3A_136, %mul3A_135 : i32
      %mul3A_138 = arith.constant 640 : i32
      %mul3A_139 = arith.muli %arg1, %mul3A_138 : i32
      %mul3A_140 = arith.constant 128 : i32
      %mul3A_141 = arith.muli %add3A_137, %mul3A_140 : i32
      %add3A_142 = arith.addi %mul3A_139, %mul3A_141 : i32
      "tpu.region"() ({
        %run_scoped3A = tpu.sem_alloc : memref<!tpu.dma_semaphore, #tpu.memory_space<semaphore_mem>>
        %dma_start3A_143 = arith.constant 0 : i32
        %dma_start3A_144 = arith.constant 0 : i32
        %dma_start3A_145 = tpu.memref_slice %arg10[%dma_start3A_143, %dma_start3A_144] : memref<128x128xf32, #tpu.memory_space<vmem>> -> memref<128x128xf32, #tpu.memory_space<vmem>>
        %dma_start3A_146 = arith.constant 0 : i32
        %dma_start3A_147 = tpu.memref_slice %arg5[%add3A_142, %dma_start3A_146] : memref<10240x128xf32, #tpu.memory_space<vmem_shared>> -> memref<128x128xf32, #tpu.memory_space<vmem_shared>>
        %dma_start3A_148 = arith.constant 0 : i32
        %dma_start3A_149 = tpu.memref_slice %arg5[%add3A_142, %dma_start3A_148] : memref<10240x128xf32, #tpu.memory_space<vmem_shared>> -> memref<128x128xf32, #tpu.memory_space<vmem_shared>>
        %dma_start3A_150 = arith.constant 0 : i32
        %dma_start3A_151 = arith.constant 0 : i32
        %dma_start3A_152 = tpu.memref_slice %arg10[%dma_start3A_150, %dma_start3A_151] : memref<128x128xf32, #tpu.memory_space<vmem>> -> memref<128x128xf32, #tpu.memory_space<vmem>>
        tpu.enqueue_dma source(%dma_start3A_152 : memref<128x128xf32, #tpu.memory_space<vmem>>) target(%dma_start3A_149 : memref<128x128xf32, #tpu.memory_space<vmem_shared>>) target_semaphore(%run_scoped3A : memref<!tpu.dma_semaphore, #tpu.memory_space<semaphore_mem>>)
        %dma_wait3A_153 = arith.constant 0 : i32
        %dma_wait3A_154 = arith.constant 0 : i32
        %dma_wait3A_155 = tpu.memref_slice %arg10[%dma_wait3A_153, %dma_wait3A_154] : memref<128x128xf32, #tpu.memory_space<vmem>> -> memref<128x128xf32, #tpu.memory_space<vmem>>
        %dma_wait3A_156 = arith.constant 0 : i32
        %dma_wait3A_157 = tpu.memref_slice %arg5[%add3A_142, %dma_wait3A_156] : memref<10240x128xf32, #tpu.memory_space<vmem_shared>> -> memref<128x128xf32, #tpu.memory_space<vmem_shared>>
        %dma_wait3A_158 = arith.constant 0 : i32
        %dma_wait3A_159 = tpu.memref_slice %arg5[%add3A_142, %dma_wait3A_158] : memref<10240x128xf32, #tpu.memory_space<vmem_shared>> -> memref<128x128xf32, #tpu.memory_space<vmem_shared>>
        %dma_wait3A_160 = arith.constant 0 : i32
        %dma_wait3A_161 = arith.constant 0 : i32
        %dma_wait3A_162 = tpu.memref_slice %arg10[%dma_wait3A_160, %dma_wait3A_161] : memref<128x128xf32, #tpu.memory_space<vmem>> -> memref<128x128xf32, #tpu.memory_space<vmem>>
        tpu.wait_dma2 semaphore(%run_scoped3A : memref<!tpu.dma_semaphore, #tpu.memory_space<semaphore_mem>>) src(%dma_wait3A_162 : memref<128x128xf32, #tpu.memory_space<vmem>>) dst(%dma_wait3A_159 : memref<128x128xf32, #tpu.memory_space<vmem_shared>>)
        tpu.yield
      }) : () -> ()
    }
    %scan3A_28 = arith.constant 5 : i32
    %dma_wait3A = arith.constant 0 : i32
    %dma_wait3A_29 = arith.constant 0 : i32
    %dma_wait3A_30 = tpu.memref_slice %arg3[%mul3A_2, %dma_wait3A, %dma_wait3A_29] : memref<2500x2x128xi32, #tpu.memory_space<hbm>> -> memref<1x2x128xi32, #tpu.memory_space<hbm>>
    %dma_wait3A_31 = tpu.memref_squeeze %dma_wait3A_30 : memref<1x2x128xi32, #tpu.memory_space<hbm>> -> memref<2x128xi32, #tpu.memory_space<hbm>>
    %dma_wait3A_32 = arith.constant 0 : i32
    %dma_wait3A_33 = arith.constant 0 : i32
    %dma_wait3A_34 = tpu.memref_slice %arg3[%mul3A_2, %dma_wait3A_32, %dma_wait3A_33] : memref<2500x2x128xi32, #tpu.memory_space<hbm>> -> memref<1x2x128xi32, #tpu.memory_space<hbm>>
    %dma_wait3A_35 = tpu.memref_squeeze %dma_wait3A_34 : memref<1x2x128xi32, #tpu.memory_space<hbm>> -> memref<2x128xi32, #tpu.memory_space<hbm>>
    tpu.wait_dma2 semaphore(%arg12 : memref<!tpu.dma_semaphore, #tpu.memory_space<semaphore_mem>>) src(%dma_wait3A_35 : memref<2x128xi32, #tpu.memory_space<hbm>>) dst(%arg6 : memref<2x128xi32, #tpu.memory_space<vmem>>)
    %dma_start3A_36 = arith.constant 0 : i32
    %dma_start3A_37 = arith.constant 0 : i32
    %dma_start3A_38 = tpu.memref_slice %arg6[%dma_start3A_36, %dma_start3A_37] : memref<2x128xi32, #tpu.memory_space<vmem>> -> memref<1x128xi32, #tpu.memory_space<vmem>>
    %dma_start3A_39 = tpu.memref_squeeze %dma_start3A_38 : memref<1x128xi32, #tpu.memory_space<vmem>> -> memref<128xi32, #tpu.memory_space<vmem>>
    %dma_start3A_40 = arith.constant 0 : i32
    %dma_start3A_41 = arith.constant 0 : i32
    %dma_start3A_42 = tpu.memref_slice %arg2[%dma_start3A_40, %dma_start3A_41] : memref<10000x128xf32, #tpu.memory_space<hbm>> -> memref<10000x128xf32, #tpu.memory_space<hbm>>
    tpu.enqueue_indirect_dma source(%dma_start3A_42 : memref<10000x128xf32, #tpu.memory_space<hbm>>) target(%arg10 : memref<128x128xf32, #tpu.memory_space<vmem>>) offsets(%dma_start3A_39 : memref<128xi32, #tpu.memory_space<vmem>>) semaphore(%arg18 : memref<!tpu.dma_semaphore, #tpu.memory_space<semaphore_mem>>)
    %add3A_43 = arith.constant 2 : i32
    %add3A_44 = arith.addi %mul3A_2, %add3A_43 : i32
    %dma_start3A_45 = arith.constant 0 : i32
    %dma_start3A_46 = arith.constant 0 : i32
    %dma_start3A_47 = tpu.memref_slice %arg3[%add3A_44, %dma_start3A_45, %dma_start3A_46] : memref<2500x2x128xi32, #tpu.memory_space<hbm>> -> memref<1x2x128xi32, #tpu.memory_space<hbm>>
    %dma_start3A_48 = tpu.memref_squeeze %dma_start3A_47 : memref<1x2x128xi32, #tpu.memory_space<hbm>> -> memref<2x128xi32, #tpu.memory_space<hbm>>
    %dma_start3A_49 = arith.constant 0 : i32
    %dma_start3A_50 = arith.constant 0 : i32
    %dma_start3A_51 = tpu.memref_slice %arg3[%add3A_44, %dma_start3A_49, %dma_start3A_50] : memref<2500x2x128xi32, #tpu.memory_space<hbm>> -> memref<1x2x128xi32, #tpu.memory_space<hbm>>
    %dma_start3A_52 = tpu.memref_squeeze %dma_start3A_51 : memref<1x2x128xi32, #tpu.memory_space<hbm>> -> memref<2x128xi32, #tpu.memory_space<hbm>>
    tpu.enqueue_dma source(%dma_start3A_52 : memref<2x128xi32, #tpu.memory_space<hbm>>) target(%arg8 : memref<2x128xi32, #tpu.memory_space<vmem>>) target_semaphore(%arg14 : memref<!tpu.dma_semaphore, #tpu.memory_space<semaphore_mem>>)
    %barrier3A = arith.constant 0 : index
    tpu.barrier barrier_id(%barrier3A)
    %scan3A_53 = arith.constant 0 : i32
    %scan3A_54 = arith.constant 19 : i32
    %scan3A_55 = arith.addi %scan3A_53, %scan3A_54 : i32
    %scan3A_56 = arith.constant 1 : i32
    scf.for %scan3A_133 = %scan3A_53 to %scan3A_55 step %scan3A_56  : i32 {
      %mul3A_134 = arith.constant 4 : i32
      %mul3A_135 = arith.muli %scan3A_133, %mul3A_134 : i32
      %add3A_136 = arith.constant 0 : i32
      %add3A_137 = arith.addi %add3A_136, %mul3A_135 : i32
      %add3A_138 = arith.constant 0 : i32
      %add3A_139 = arith.addi %add3A_137, %add3A_138 : i32
      %dma_wait3A_140 = arith.constant 0 : i32
      %dma_wait3A_141 = arith.constant 0 : i32
      %dma_wait3A_142 = tpu.memref_slice %arg6[%dma_wait3A_140, %dma_wait3A_141] : memref<2x128xi32, #tpu.memory_space<vmem>> -> memref<1x128xi32, #tpu.memory_space<vmem>>
      %dma_wait3A_143 = tpu.memref_squeeze %dma_wait3A_142 : memref<1x128xi32, #tpu.memory_space<vmem>> -> memref<128xi32, #tpu.memory_space<vmem>>
      %dma_wait3A_144 = arith.constant 0 : i32
      %dma_wait3A_145 = arith.constant 0 : i32
      %dma_wait3A_146 = tpu.memref_slice %arg2[%dma_wait3A_144, %dma_wait3A_145] : memref<10000x128xf32, #tpu.memory_space<hbm>> -> memref<10000x128xf32, #tpu.memory_space<hbm>>
      tpu.wait_indirect_dma semaphore(%arg18 : memref<!tpu.dma_semaphore, #tpu.memory_space<semaphore_mem>>) src(%dma_wait3A_146 : memref<10000x128xf32, #tpu.memory_space<hbm>>) dst(%arg10 : memref<128x128xf32, #tpu.memory_space<vmem>>)
      %dma_start3A_147 = arith.constant 1 : i32
      %dma_start3A_148 = arith.constant 0 : i32
      %dma_start3A_149 = tpu.memref_slice %arg6[%dma_start3A_147, %dma_start3A_148] : memref<2x128xi32, #tpu.memory_space<vmem>> -> memref<1x128xi32, #tpu.memory_space<vmem>>
      %dma_start3A_150 = tpu.memref_squeeze %dma_start3A_149 : memref<1x128xi32, #tpu.memory_space<vmem>> -> memref<128xi32, #tpu.memory_space<vmem>>
      %dma_start3A_151 = arith.constant 0 : i32
      %dma_start3A_152 = arith.constant 0 : i32
      %dma_start3A_153 = tpu.memref_slice %arg5[%dma_start3A_151, %dma_start3A_152] : memref<10240x128xf32, #tpu.memory_space<vmem_shared>> -> memref<10240x128xf32, #tpu.memory_space<vmem_shared>>
      tpu.enqueue_indirect_dma source(%arg10 : memref<128x128xf32, #tpu.memory_space<vmem>>) target(%dma_start3A_153 : memref<10240x128xf32, #tpu.memory_space<vmem_shared>>) offsets(%dma_start3A_150 : memref<128xi32, #tpu.memory_space<vmem>>) semaphore(%arg16 : memref<!tpu.dma_semaphore, #tpu.memory_space<semaphore_mem>>) {add = true}
      %ge3A = arith.constant 1 : i32
      %ge3A_154 = arith.cmpi sge, %add3A_139, %ge3A : i32
      %convert_element_type3A_155 = arith.extui %ge3A_154 : i1 to i32
      %cond3A_156 = arith.constant 0 : i32
      %cond3A_157 = arith.cmpi ne, %convert_element_type3A_155, %cond3A_156 : i32
      scf.if %cond3A_157 {
        %dma_wait3A_337 = arith.constant 1 : i32
        %dma_wait3A_338 = arith.constant 0 : i32
        %dma_wait3A_339 = tpu.memref_slice %arg9[%dma_wait3A_337, %dma_wait3A_338] : memref<2x128xi32, #tpu.memory_space<vmem>> -> memref<1x128xi32, #tpu.memory_space<vmem>>
        %dma_wait3A_340 = tpu.memref_squeeze %dma_wait3A_339 : memref<1x128xi32, #tpu.memory_space<vmem>> -> memref<128xi32, #tpu.memory_space<vmem>>
        %dma_wait3A_341 = arith.constant 0 : i32
        %dma_wait3A_342 = arith.constant 0 : i32
        %dma_wait3A_343 = tpu.memref_slice %arg5[%dma_wait3A_341, %dma_wait3A_342] : memref<10240x128xf32, #tpu.memory_space<vmem_shared>> -> memref<10240x128xf32, #tpu.memory_space<vmem_shared>>
        tpu.wait_indirect_dma semaphore(%arg17 : memref<!tpu.dma_semaphore, #tpu.memory_space<semaphore_mem>>) src(%arg11 : memref<128x128xf32, #tpu.memory_space<vmem>>) dst(%dma_wait3A_343 : memref<10240x128xf32, #tpu.memory_space<vmem_shared>>)
      } else {
      }
      %add3A_158 = arith.addi %mul3A_2, %add3A_139 : i32
      %add3A_159 = arith.constant 1 : i32
      %add3A_160 = arith.addi %add3A_158, %add3A_159 : i32
      %dma_wait3A_161 = arith.constant 0 : i32
      %dma_wait3A_162 = arith.constant 0 : i32
      %dma_wait3A_163 = tpu.memref_slice %arg3[%add3A_160, %dma_wait3A_161, %dma_wait3A_162] : memref<2500x2x128xi32, #tpu.memory_space<hbm>> -> memref<1x2x128xi32, #tpu.memory_space<hbm>>
      %dma_wait3A_164 = tpu.memref_squeeze %dma_wait3A_163 : memref<1x2x128xi32, #tpu.memory_space<hbm>> -> memref<2x128xi32, #tpu.memory_space<hbm>>
      %dma_wait3A_165 = arith.constant 0 : i32
      %dma_wait3A_166 = arith.constant 0 : i32
      %dma_wait3A_167 = tpu.memref_slice %arg3[%add3A_160, %dma_wait3A_165, %dma_wait3A_166] : memref<2500x2x128xi32, #tpu.memory_space<hbm>> -> memref<1x2x128xi32, #tpu.memory_space<hbm>>
      %dma_wait3A_168 = tpu.memref_squeeze %dma_wait3A_167 : memref<1x2x128xi32, #tpu.memory_space<hbm>> -> memref<2x128xi32, #tpu.memory_space<hbm>>
      tpu.wait_dma2 semaphore(%arg13 : memref<!tpu.dma_semaphore, #tpu.memory_space<semaphore_mem>>) src(%dma_wait3A_168 : memref<2x128xi32, #tpu.memory_space<hbm>>) dst(%arg7 : memref<2x128xi32, #tpu.memory_space<vmem>>)
      %dma_start3A_169 = arith.constant 0 : i32
      %dma_start3A_170 = arith.constant 0 : i32
      %dma_start3A_171 = tpu.memref_slice %arg7[%dma_start3A_169, %dma_start3A_170] : memref<2x128xi32, #tpu.memory_space<vmem>> -> memref<1x128xi32, #tpu.memory_space<vmem>>
      %dma_start3A_172 = tpu.memref_squeeze %dma_start3A_171 : memref<1x128xi32, #tpu.memory_space<vmem>> -> memref<128xi32, #tpu.memory_space<vmem>>
      %dma_start3A_173 = arith.constant 0 : i32
      %dma_start3A_174 = arith.constant 0 : i32
      %dma_start3A_175 = tpu.memref_slice %arg2[%dma_start3A_173, %dma_start3A_174] : memref<10000x128xf32, #tpu.memory_space<hbm>> -> memref<10000x128xf32, #tpu.memory_space<hbm>>
      tpu.enqueue_indirect_dma source(%dma_start3A_175 : memref<10000x128xf32, #tpu.memory_space<hbm>>) target(%arg11 : memref<128x128xf32, #tpu.memory_space<vmem>>) offsets(%dma_start3A_172 : memref<128xi32, #tpu.memory_space<vmem>>) semaphore(%arg19 : memref<!tpu.dma_semaphore, #tpu.memory_space<semaphore_mem>>)
      %add3A_176 = arith.addi %mul3A_2, %add3A_139 : i32
      %add3A_177 = arith.constant 3 : i32
      %add3A_178 = arith.addi %add3A_176, %add3A_177 : i32
      %dma_start3A_179 = arith.constant 0 : i32
      %dma_start3A_180 = arith.constant 0 : i32
      %dma_start3A_181 = tpu.memref_slice %arg3[%add3A_178, %dma_start3A_179, %dma_start3A_180] : memref<2500x2x128xi32, #tpu.memory_space<hbm>> -> memref<1x2x128xi32, #tpu.memory_space<hbm>>
      %dma_start3A_182 = tpu.memref_squeeze %dma_start3A_181 : memref<1x2x128xi32, #tpu.memory_space<hbm>> -> memref<2x128xi32, #tpu.memory_space<hbm>>
      %dma_start3A_183 = arith.constant 0 : i32
      %dma_start3A_184 = arith.constant 0 : i32
      %dma_start3A_185 = tpu.memref_slice %arg3[%add3A_178, %dma_start3A_183, %dma_start3A_184] : memref<2500x2x128xi32, #tpu.memory_space<hbm>> -> memref<1x2x128xi32, #tpu.memory_space<hbm>>
      %dma_start3A_186 = tpu.memref_squeeze %dma_start3A_185 : memref<1x2x128xi32, #tpu.memory_space<hbm>> -> memref<2x128xi32, #tpu.memory_space<hbm>>
      tpu.enqueue_dma source(%dma_start3A_186 : memref<2x128xi32, #tpu.memory_space<hbm>>) target(%arg9 : memref<2x128xi32, #tpu.memory_space<vmem>>) target_semaphore(%arg15 : memref<!tpu.dma_semaphore, #tpu.memory_space<semaphore_mem>>)
      %add3A_187 = arith.constant 1 : i32
      %add3A_188 = arith.addi %add3A_137, %add3A_187 : i32
      %dma_wait3A_189 = arith.constant 0 : i32
      %dma_wait3A_190 = arith.constant 0 : i32
      %dma_wait3A_191 = tpu.memref_slice %arg7[%dma_wait3A_189, %dma_wait3A_190] : memref<2x128xi32, #tpu.memory_space<vmem>> -> memref<1x128xi32, #tpu.memory_space<vmem>>
      %dma_wait3A_192 = tpu.memref_squeeze %dma_wait3A_191 : memref<1x128xi32, #tpu.memory_space<vmem>> -> memref<128xi32, #tpu.memory_space<vmem>>
      %dma_wait3A_193 = arith.constant 0 : i32
      %dma_wait3A_194 = arith.constant 0 : i32
      %dma_wait3A_195 = tpu.memref_slice %arg2[%dma_wait3A_193, %dma_wait3A_194] : memref<10000x128xf32, #tpu.memory_space<hbm>> -> memref<10000x128xf32, #tpu.memory_space<hbm>>
      tpu.wait_indirect_dma semaphore(%arg19 : memref<!tpu.dma_semaphore, #tpu.memory_space<semaphore_mem>>) src(%dma_wait3A_195 : memref<10000x128xf32, #tpu.memory_space<hbm>>) dst(%arg11 : memref<128x128xf32, #tpu.memory_space<vmem>>)
      %dma_start3A_196 = arith.constant 1 : i32
      %dma_start3A_197 = arith.constant 0 : i32
      %dma_start3A_198 = tpu.memref_slice %arg7[%dma_start3A_196, %dma_start3A_197] : memref<2x128xi32, #tpu.memory_space<vmem>> -> memref<1x128xi32, #tpu.memory_space<vmem>>
      %dma_start3A_199 = tpu.memref_squeeze %dma_start3A_198 : memref<1x128xi32, #tpu.memory_space<vmem>> -> memref<128xi32, #tpu.memory_space<vmem>>
      %dma_start3A_200 = arith.constant 0 : i32
      %dma_start3A_201 = arith.constant 0 : i32
      %dma_start3A_202 = tpu.memref_slice %arg5[%dma_start3A_200, %dma_start3A_201] : memref<10240x128xf32, #tpu.memory_space<vmem_shared>> -> memref<10240x128xf32, #tpu.memory_space<vmem_shared>>
      tpu.enqueue_indirect_dma source(%arg11 : memref<128x128xf32, #tpu.memory_space<vmem>>) target(%dma_start3A_202 : memref<10240x128xf32, #tpu.memory_space<vmem_shared>>) offsets(%dma_start3A_199 : memref<128xi32, #tpu.memory_space<vmem>>) semaphore(%arg17 : memref<!tpu.dma_semaphore, #tpu.memory_space<semaphore_mem>>) {add = true}
      %ge3A_203 = arith.constant 1 : i32
      %ge3A_204 = arith.cmpi sge, %add3A_188, %ge3A_203 : i32
      %convert_element_type3A_205 = arith.extui %ge3A_204 : i1 to i32
      %cond3A_206 = arith.constant 0 : i32
      %cond3A_207 = arith.cmpi ne, %convert_element_type3A_205, %cond3A_206 : i32
      scf.if %cond3A_207 {
        %dma_wait3A_337 = arith.constant 1 : i32
        %dma_wait3A_338 = arith.constant 0 : i32
        %dma_wait3A_339 = tpu.memref_slice %arg6[%dma_wait3A_337, %dma_wait3A_338] : memref<2x128xi32, #tpu.memory_space<vmem>> -> memref<1x128xi32, #tpu.memory_space<vmem>>
        %dma_wait3A_340 = tpu.memref_squeeze %dma_wait3A_339 : memref<1x128xi32, #tpu.memory_space<vmem>> -> memref<128xi32, #tpu.memory_space<vmem>>
        %dma_wait3A_341 = arith.constant 0 : i32
        %dma_wait3A_342 = arith.constant 0 : i32
        %dma_wait3A_343 = tpu.memref_slice %arg5[%dma_wait3A_341, %dma_wait3A_342] : memref<10240x128xf32, #tpu.memory_space<vmem_shared>> -> memref<10240x128xf32, #tpu.memory_space<vmem_shared>>
        tpu.wait_indirect_dma semaphore(%arg16 : memref<!tpu.dma_semaphore, #tpu.memory_space<semaphore_mem>>) src(%arg10 : memref<128x128xf32, #tpu.memory_space<vmem>>) dst(%dma_wait3A_343 : memref<10240x128xf32, #tpu.memory_space<vmem_shared>>)
      } else {
      }
      %add3A_208 = arith.addi %mul3A_2, %add3A_188 : i32
      %add3A_209 = arith.constant 1 : i32
      %add3A_210 = arith.addi %add3A_208, %add3A_209 : i32
      %dma_wait3A_211 = arith.constant 0 : i32
      %dma_wait3A_212 = arith.constant 0 : i32
      %dma_wait3A_213 = tpu.memref_slice %arg3[%add3A_210, %dma_wait3A_211, %dma_wait3A_212] : memref<2500x2x128xi32, #tpu.memory_space<hbm>> -> memref<1x2x128xi32, #tpu.memory_space<hbm>>
      %dma_wait3A_214 = tpu.memref_squeeze %dma_wait3A_213 : memref<1x2x128xi32, #tpu.memory_space<hbm>> -> memref<2x128xi32, #tpu.memory_space<hbm>>
      %dma_wait3A_215 = arith.constant 0 : i32
      %dma_wait3A_216 = arith.constant 0 : i32
      %dma_wait3A_217 = tpu.memref_slice %arg3[%add3A_210, %dma_wait3A_215, %dma_wait3A_216] : memref<2500x2x128xi32, #tpu.memory_space<hbm>> -> memref<1x2x128xi32, #tpu.memory_space<hbm>>
      %dma_wait3A_218 = tpu.memref_squeeze %dma_wait3A_217 : memref<1x2x128xi32, #tpu.memory_space<hbm>> -> memref<2x128xi32, #tpu.memory_space<hbm>>
      tpu.wait_dma2 semaphore(%arg14 : memref<!tpu.dma_semaphore, #tpu.memory_space<semaphore_mem>>) src(%dma_wait3A_218 : memref<2x128xi32, #tpu.memory_space<hbm>>) dst(%arg8 : memref<2x128xi32, #tpu.memory_space<vmem>>)
      %dma_start3A_219 = arith.constant 0 : i32
      %dma_start3A_220 = arith.constant 0 : i32
      %dma_start3A_221 = tpu.memref_slice %arg8[%dma_start3A_219, %dma_start3A_220] : memref<2x128xi32, #tpu.memory_space<vmem>> -> memref<1x128xi32, #tpu.memory_space<vmem>>
      %dma_start3A_222 = tpu.memref_squeeze %dma_start3A_221 : memref<1x128xi32, #tpu.memory_space<vmem>> -> memref<128xi32, #tpu.memory_space<vmem>>
      %dma_start3A_223 = arith.constant 0 : i32
      %dma_start3A_224 = arith.constant 0 : i32
      %dma_start3A_225 = tpu.memref_slice %arg2[%dma_start3A_223, %dma_start3A_224] : memref<10000x128xf32, #tpu.memory_space<hbm>> -> memref<10000x128xf32, #tpu.memory_space<hbm>>
      tpu.enqueue_indirect_dma source(%dma_start3A_225 : memref<10000x128xf32, #tpu.memory_space<hbm>>) target(%arg10 : memref<128x128xf32, #tpu.memory_space<vmem>>) offsets(%dma_start3A_222 : memref<128xi32, #tpu.memory_space<vmem>>) semaphore(%arg18 : memref<!tpu.dma_semaphore, #tpu.memory_space<semaphore_mem>>)
      %add3A_226 = arith.addi %mul3A_2, %add3A_188 : i32
      %add3A_227 = arith.constant 3 : i32
      %add3A_228 = arith.addi %add3A_226, %add3A_227 : i32
      %dma_start3A_229 = arith.constant 0 : i32
      %dma_start3A_230 = arith.constant 0 : i32
      %dma_start3A_231 = tpu.memref_slice %arg3[%add3A_228, %dma_start3A_229, %dma_start3A_230] : memref<2500x2x128xi32, #tpu.memory_space<hbm>> -> memref<1x2x128xi32, #tpu.memory_space<hbm>>
      %dma_start3A_232 = tpu.memref_squeeze %dma_start3A_231 : memref<1x2x128xi32, #tpu.memory_space<hbm>> -> memref<2x128xi32, #tpu.memory_space<hbm>>
      %dma_start3A_233 = arith.constant 0 : i32
      %dma_start3A_234 = arith.constant 0 : i32
      %dma_start3A_235 = tpu.memref_slice %arg3[%add3A_228, %dma_start3A_233, %dma_start3A_234] : memref<2500x2x128xi32, #tpu.memory_space<hbm>> -> memref<1x2x128xi32, #tpu.memory_space<hbm>>
      %dma_start3A_236 = tpu.memref_squeeze %dma_start3A_235 : memref<1x2x128xi32, #tpu.memory_space<hbm>> -> memref<2x128xi32, #tpu.memory_space<hbm>>
      tpu.enqueue_dma source(%dma_start3A_236 : memref<2x128xi32, #tpu.memory_space<hbm>>) target(%arg6 : memref<2x128xi32, #tpu.memory_space<vmem>>) target_semaphore(%arg12 : memref<!tpu.dma_semaphore, #tpu.memory_space<semaphore_mem>>)
      %add3A_237 = arith.constant 2 : i32
      %add3A_238 = arith.addi %add3A_137, %add3A_237 : i32
      %dma_wait3A_239 = arith.constant 0 : i32
      %dma_wait3A_240 = arith.constant 0 : i32
      %dma_wait3A_241 = tpu.memref_slice %arg8[%dma_wait3A_239, %dma_wait3A_240] : memref<2x128xi32, #tpu.memory_space<vmem>> -> memref<1x128xi32, #tpu.memory_space<vmem>>
      %dma_wait3A_242 = tpu.memref_squeeze %dma_wait3A_241 : memref<1x128xi32, #tpu.memory_space<vmem>> -> memref<128xi32, #tpu.memory_space<vmem>>
      %dma_wait3A_243 = arith.constant 0 : i32
      %dma_wait3A_244 = arith.constant 0 : i32
      %dma_wait3A_245 = tpu.memref_slice %arg2[%dma_wait3A_243, %dma_wait3A_244] : memref<10000x128xf32, #tpu.memory_space<hbm>> -> memref<10000x128xf32, #tpu.memory_space<hbm>>
      tpu.wait_indirect_dma semaphore(%arg18 : memref<!tpu.dma_semaphore, #tpu.memory_space<semaphore_mem>>) src(%dma_wait3A_245 : memref<10000x128xf32, #tpu.memory_space<hbm>>) dst(%arg10 : memref<128x128xf32, #tpu.memory_space<vmem>>)
      %dma_start3A_246 = arith.constant 1 : i32
      %dma_start3A_247 = arith.constant 0 : i32
      %dma_start3A_248 = tpu.memref_slice %arg8[%dma_start3A_246, %dma_start3A_247] : memref<2x128xi32, #tpu.memory_space<vmem>> -> memref<1x128xi32, #tpu.memory_space<vmem>>
      %dma_start3A_249 = tpu.memref_squeeze %dma_start3A_248 : memref<1x128xi32, #tpu.memory_space<vmem>> -> memref<128xi32, #tpu.memory_space<vmem>>
      %dma_start3A_250 = arith.constant 0 : i32
      %dma_start3A_251 = arith.constant 0 : i32
      %dma_start3A_252 = tpu.memref_slice %arg5[%dma_start3A_250, %dma_start3A_251] : memref<10240x128xf32, #tpu.memory_space<vmem_shared>> -> memref<10240x128xf32, #tpu.memory_space<vmem_shared>>
      tpu.enqueue_indirect_dma source(%arg10 : memref<128x128xf32, #tpu.memory_space<vmem>>) target(%dma_start3A_252 : memref<10240x128xf32, #tpu.memory_space<vmem_shared>>) offsets(%dma_start3A_249 : memref<128xi32, #tpu.memory_space<vmem>>) semaphore(%arg16 : memref<!tpu.dma_semaphore, #tpu.memory_space<semaphore_mem>>) {add = true}
      %ge3A_253 = arith.constant 1 : i32
      %ge3A_254 = arith.cmpi sge, %add3A_238, %ge3A_253 : i32
      %convert_element_type3A_255 = arith.extui %ge3A_254 : i1 to i32
      %cond3A_256 = arith.constant 0 : i32
      %cond3A_257 = arith.cmpi ne, %convert_element_type3A_255, %cond3A_256 : i32
      scf.if %cond3A_257 {
        %dma_wait3A_337 = arith.constant 1 : i32
        %dma_wait3A_338 = arith.constant 0 : i32
        %dma_wait3A_339 = tpu.memref_slice %arg7[%dma_wait3A_337, %dma_wait3A_338] : memref<2x128xi32, #tpu.memory_space<vmem>> -> memref<1x128xi32, #tpu.memory_space<vmem>>
        %dma_wait3A_340 = tpu.memref_squeeze %dma_wait3A_339 : memref<1x128xi32, #tpu.memory_space<vmem>> -> memref<128xi32, #tpu.memory_space<vmem>>
        %dma_wait3A_341 = arith.constant 0 : i32
        %dma_wait3A_342 = arith.constant 0 : i32
        %dma_wait3A_343 = tpu.memref_slice %arg5[%dma_wait3A_341, %dma_wait3A_342] : memref<10240x128xf32, #tpu.memory_space<vmem_shared>> -> memref<10240x128xf32, #tpu.memory_space<vmem_shared>>
        tpu.wait_indirect_dma semaphore(%arg17 : memref<!tpu.dma_semaphore, #tpu.memory_space<semaphore_mem>>) src(%arg11 : memref<128x128xf32, #tpu.memory_space<vmem>>) dst(%dma_wait3A_343 : memref<10240x128xf32, #tpu.memory_space<vmem_shared>>)
      } else {
      }
      %add3A_258 = arith.addi %mul3A_2, %add3A_238 : i32
      %add3A_259 = arith.constant 1 : i32
      %add3A_260 = arith.addi %add3A_258, %add3A_259 : i32
      %dma_wait3A_261 = arith.constant 0 : i32
      %dma_wait3A_262 = arith.constant 0 : i32
      %dma_wait3A_263 = tpu.memref_slice %arg3[%add3A_260, %dma_wait3A_261, %dma_wait3A_262] : memref<2500x2x128xi32, #tpu.memory_space<hbm>> -> memref<1x2x128xi32, #tpu.memory_space<hbm>>
      %dma_wait3A_264 = tpu.memref_squeeze %dma_wait3A_263 : memref<1x2x128xi32, #tpu.memory_space<hbm>> -> memref<2x128xi32, #tpu.memory_space<hbm>>
      %dma_wait3A_265 = arith.constant 0 : i32
      %dma_wait3A_266 = arith.constant 0 : i32
      %dma_wait3A_267 = tpu.memref_slice %arg3[%add3A_260, %dma_wait3A_265, %dma_wait3A_266] : memref<2500x2x128xi32, #tpu.memory_space<hbm>> -> memref<1x2x128xi32, #tpu.memory_space<hbm>>
      %dma_wait3A_268 = tpu.memref_squeeze %dma_wait3A_267 : memref<1x2x128xi32, #tpu.memory_space<hbm>> -> memref<2x128xi32, #tpu.memory_space<hbm>>
      tpu.wait_dma2 semaphore(%arg15 : memref<!tpu.dma_semaphore, #tpu.memory_space<semaphore_mem>>) src(%dma_wait3A_268 : memref<2x128xi32, #tpu.memory_space<hbm>>) dst(%arg9 : memref<2x128xi32, #tpu.memory_space<vmem>>)
      %dma_start3A_269 = arith.constant 0 : i32
      %dma_start3A_270 = arith.constant 0 : i32
      %dma_start3A_271 = tpu.memref_slice %arg9[%dma_start3A_269, %dma_start3A_270] : memref<2x128xi32, #tpu.memory_space<vmem>> -> memref<1x128xi32, #tpu.memory_space<vmem>>
      %dma_start3A_272 = tpu.memref_squeeze %dma_start3A_271 : memref<1x128xi32, #tpu.memory_space<vmem>> -> memref<128xi32, #tpu.memory_space<vmem>>
      %dma_start3A_273 = arith.constant 0 : i32
      %dma_start3A_274 = arith.constant 0 : i32
      %dma_start3A_275 = tpu.memref_slice %arg2[%dma_start3A_273, %dma_start3A_274] : memref<10000x128xf32, #tpu.memory_space<hbm>> -> memref<10000x128xf32, #tpu.memory_space<hbm>>
      tpu.enqueue_indirect_dma source(%dma_start3A_275 : memref<10000x128xf32, #tpu.memory_space<hbm>>) target(%arg11 : memref<128x128xf32, #tpu.memory_space<vmem>>) offsets(%dma_start3A_272 : memref<128xi32, #tpu.memory_space<vmem>>) semaphore(%arg19 : memref<!tpu.dma_semaphore, #tpu.memory_space<semaphore_mem>>)
      %add3A_276 = arith.addi %mul3A_2, %add3A_238 : i32
      %add3A_277 = arith.constant 3 : i32
      %add3A_278 = arith.addi %add3A_276, %add3A_277 : i32
      %dma_start3A_279 = arith.constant 0 : i32
      %dma_start3A_280 = arith.constant 0 : i32
      %dma_start3A_281 = tpu.memref_slice %arg3[%add3A_278, %dma_start3A_279, %dma_start3A_280] : memref<2500x2x128xi32, #tpu.memory_space<hbm>> -> memref<1x2x128xi32, #tpu.memory_space<hbm>>
      %dma_start3A_282 = tpu.memref_squeeze %dma_start3A_281 : memref<1x2x128xi32, #tpu.memory_space<hbm>> -> memref<2x128xi32, #tpu.memory_space<hbm>>
      %dma_start3A_283 = arith.constant 0 : i32
      %dma_start3A_284 = arith.constant 0 : i32
      %dma_start3A_285 = tpu.memref_slice %arg3[%add3A_278, %dma_start3A_283, %dma_start3A_284] : memref<2500x2x128xi32, #tpu.memory_space<hbm>> -> memref<1x2x128xi32, #tpu.memory_space<hbm>>
      %dma_start3A_286 = tpu.memref_squeeze %dma_start3A_285 : memref<1x2x128xi32, #tpu.memory_space<hbm>> -> memref<2x128xi32, #tpu.memory_space<hbm>>
      tpu.enqueue_dma source(%dma_start3A_286 : memref<2x128xi32, #tpu.memory_space<hbm>>) target(%arg7 : memref<2x128xi32, #tpu.memory_space<vmem>>) target_semaphore(%arg13 : memref<!tpu.dma_semaphore, #tpu.memory_space<semaphore_mem>>)
      %add3A_287 = arith.constant 3 : i32
      %add3A_288 = arith.addi %add3A_137, %add3A_287 : i32
      %dma_wait3A_289 = arith.constant 0 : i32
      %dma_wait3A_290 = arith.constant 0 : i32
      %dma_wait3A_291 = tpu.memref_slice %arg9[%dma_wait3A_289, %dma_wait3A_290] : memref<2x128xi32, #tpu.memory_space<vmem>> -> memref<1x128xi32, #tpu.memory_space<vmem>>
      %dma_wait3A_292 = tpu.memref_squeeze %dma_wait3A_291 : memref<1x128xi32, #tpu.memory_space<vmem>> -> memref<128xi32, #tpu.memory_space<vmem>>
      %dma_wait3A_293 = arith.constant 0 : i32
      %dma_wait3A_294 = arith.constant 0 : i32
      %dma_wait3A_295 = tpu.memref_slice %arg2[%dma_wait3A_293, %dma_wait3A_294] : memref<10000x128xf32, #tpu.memory_space<hbm>> -> memref<10000x128xf32, #tpu.memory_space<hbm>>
      tpu.wait_indirect_dma semaphore(%arg19 : memref<!tpu.dma_semaphore, #tpu.memory_space<semaphore_mem>>) src(%dma_wait3A_295 : memref<10000x128xf32, #tpu.memory_space<hbm>>) dst(%arg11 : memref<128x128xf32, #tpu.memory_space<vmem>>)
      %dma_start3A_296 = arith.constant 1 : i32
      %dma_start3A_297 = arith.constant 0 : i32
      %dma_start3A_298 = tpu.memref_slice %arg9[%dma_start3A_296, %dma_start3A_297] : memref<2x128xi32, #tpu.memory_space<vmem>> -> memref<1x128xi32, #tpu.memory_space<vmem>>
      %dma_start3A_299 = tpu.memref_squeeze %dma_start3A_298 : memref<1x128xi32, #tpu.memory_space<vmem>> -> memref<128xi32, #tpu.memory_space<vmem>>
      %dma_start3A_300 = arith.constant 0 : i32
      %dma_start3A_301 = arith.constant 0 : i32
      %dma_start3A_302 = tpu.memref_slice %arg5[%dma_start3A_300, %dma_start3A_301] : memref<10240x128xf32, #tpu.memory_space<vmem_shared>> -> memref<10240x128xf32, #tpu.memory_space<vmem_shared>>
      tpu.enqueue_indirect_dma source(%arg11 : memref<128x128xf32, #tpu.memory_space<vmem>>) target(%dma_start3A_302 : memref<10240x128xf32, #tpu.memory_space<vmem_shared>>) offsets(%dma_start3A_299 : memref<128xi32, #tpu.memory_space<vmem>>) semaphore(%arg17 : memref<!tpu.dma_semaphore, #tpu.memory_space<semaphore_mem>>) {add = true}
      %ge3A_303 = arith.constant 1 : i32
      %ge3A_304 = arith.cmpi sge, %add3A_288, %ge3A_303 : i32
      %convert_element_type3A_305 = arith.extui %ge3A_304 : i1 to i32
      %cond3A_306 = arith.constant 0 : i32
      %cond3A_307 = arith.cmpi ne, %convert_element_type3A_305, %cond3A_306 : i32
      scf.if %cond3A_307 {
        %dma_wait3A_337 = arith.constant 1 : i32
        %dma_wait3A_338 = arith.constant 0 : i32
        %dma_wait3A_339 = tpu.memref_slice %arg8[%dma_wait3A_337, %dma_wait3A_338] : memref<2x128xi32, #tpu.memory_space<vmem>> -> memref<1x128xi32, #tpu.memory_space<vmem>>
        %dma_wait3A_340 = tpu.memref_squeeze %dma_wait3A_339 : memref<1x128xi32, #tpu.memory_space<vmem>> -> memref<128xi32, #tpu.memory_space<vmem>>
        %dma_wait3A_341 = arith.constant 0 : i32
        %dma_wait3A_342 = arith.constant 0 : i32
        %dma_wait3A_343 = tpu.memref_slice %arg5[%dma_wait3A_341, %dma_wait3A_342] : memref<10240x128xf32, #tpu.memory_space<vmem_shared>> -> memref<10240x128xf32, #tpu.memory_space<vmem_shared>>
        tpu.wait_indirect_dma semaphore(%arg16 : memref<!tpu.dma_semaphore, #tpu.memory_space<semaphore_mem>>) src(%arg10 : memref<128x128xf32, #tpu.memory_space<vmem>>) dst(%dma_wait3A_343 : memref<10240x128xf32, #tpu.memory_space<vmem_shared>>)
      } else {
      }
      %add3A_308 = arith.addi %mul3A_2, %add3A_288 : i32
      %add3A_309 = arith.constant 1 : i32
      %add3A_310 = arith.addi %add3A_308, %add3A_309 : i32
      %dma_wait3A_311 = arith.constant 0 : i32
      %dma_wait3A_312 = arith.constant 0 : i32
      %dma_wait3A_313 = tpu.memref_slice %arg3[%add3A_310, %dma_wait3A_311, %dma_wait3A_312] : memref<2500x2x128xi32, #tpu.memory_space<hbm>> -> memref<1x2x128xi32, #tpu.memory_space<hbm>>
      %dma_wait3A_314 = tpu.memref_squeeze %dma_wait3A_313 : memref<1x2x128xi32, #tpu.memory_space<hbm>> -> memref<2x128xi32, #tpu.memory_space<hbm>>
      %dma_wait3A_315 = arith.constant 0 : i32
      %dma_wait3A_316 = arith.constant 0 : i32
      %dma_wait3A_317 = tpu.memref_slice %arg3[%add3A_310, %dma_wait3A_315, %dma_wait3A_316] : memref<2500x2x128xi32, #tpu.memory_space<hbm>> -> memref<1x2x128xi32, #tpu.memory_space<hbm>>
      %dma_wait3A_318 = tpu.memref_squeeze %dma_wait3A_317 : memref<1x2x128xi32, #tpu.memory_space<hbm>> -> memref<2x128xi32, #tpu.memory_space<hbm>>
      tpu.wait_dma2 semaphore(%arg12 : memref<!tpu.dma_semaphore, #tpu.memory_space<semaphore_mem>>) src(%dma_wait3A_318 : memref<2x128xi32, #tpu.memory_space<hbm>>) dst(%arg6 : memref<2x128xi32, #tpu.memory_space<vmem>>)
      %dma_start3A_319 = arith.constant 0 : i32
      %dma_start3A_320 = arith.constant 0 : i32
      %dma_start3A_321 = tpu.memref_slice %arg6[%dma_start3A_319, %dma_start3A_320] : memref<2x128xi32, #tpu.memory_space<vmem>> -> memref<1x128xi32, #tpu.memory_space<vmem>>
      %dma_start3A_322 = tpu.memref_squeeze %dma_start3A_321 : memref<1x128xi32, #tpu.memory_space<vmem>> -> memref<128xi32, #tpu.memory_space<vmem>>
      %dma_start3A_323 = arith.constant 0 : i32
      %dma_start3A_324 = arith.constant 0 : i32
      %dma_start3A_325 = tpu.memref_slice %arg2[%dma_start3A_323, %dma_start3A_324] : memref<10000x128xf32, #tpu.memory_space<hbm>> -> memref<10000x128xf32, #tpu.memory_space<hbm>>
      tpu.enqueue_indirect_dma source(%dma_start3A_325 : memref<10000x128xf32, #tpu.memory_space<hbm>>) target(%arg10 : memref<128x128xf32, #tpu.memory_space<vmem>>) offsets(%dma_start3A_322 : memref<128xi32, #tpu.memory_space<vmem>>) semaphore(%arg18 : memref<!tpu.dma_semaphore, #tpu.memory_space<semaphore_mem>>)
      %add3A_326 = arith.addi %mul3A_2, %add3A_288 : i32
      %add3A_327 = arith.constant 3 : i32
      %add3A_328 = arith.addi %add3A_326, %add3A_327 : i32
      %dma_start3A_329 = arith.constant 0 : i32
      %dma_start3A_330 = arith.constant 0 : i32
      %dma_start3A_331 = tpu.memref_slice %arg3[%add3A_328, %dma_start3A_329, %dma_start3A_330] : memref<2500x2x128xi32, #tpu.memory_space<hbm>> -> memref<1x2x128xi32, #tpu.memory_space<hbm>>
      %dma_start3A_332 = tpu.memref_squeeze %dma_start3A_331 : memref<1x2x128xi32, #tpu.memory_space<hbm>> -> memref<2x128xi32, #tpu.memory_space<hbm>>
      %dma_start3A_333 = arith.constant 0 : i32
      %dma_start3A_334 = arith.constant 0 : i32
      %dma_start3A_335 = tpu.memref_slice %arg3[%add3A_328, %dma_start3A_333, %dma_start3A_334] : memref<2500x2x128xi32, #tpu.memory_space<hbm>> -> memref<1x2x128xi32, #tpu.memory_space<hbm>>
      %dma_start3A_336 = tpu.memref_squeeze %dma_start3A_335 : memref<1x2x128xi32, #tpu.memory_space<hbm>> -> memref<2x128xi32, #tpu.memory_space<hbm>>
      tpu.enqueue_dma source(%dma_start3A_336 : memref<2x128xi32, #tpu.memory_space<hbm>>) target(%arg8 : memref<2x128xi32, #tpu.memory_space<vmem>>) target_semaphore(%arg14 : memref<!tpu.dma_semaphore, #tpu.memory_space<semaphore_mem>>)
    }
    %scan3A_57 = arith.constant 19 : i32
    %dma_wait3A_58 = arith.constant 0 : i32
    %dma_wait3A_59 = arith.constant 0 : i32
    %dma_wait3A_60 = tpu.memref_slice %arg6[%dma_wait3A_58, %dma_wait3A_59] : memref<2x128xi32, #tpu.memory_space<vmem>> -> memref<1x128xi32, #tpu.memory_space<vmem>>
    %dma_wait3A_61 = tpu.memref_squeeze %dma_wait3A_60 : memref<1x128xi32, #tpu.memory_space<vmem>> -> memref<128xi32, #tpu.memory_space<vmem>>
    %dma_wait3A_62 = arith.constant 0 : i32
    %dma_wait3A_63 = arith.constant 0 : i32
    %dma_wait3A_64 = tpu.memref_slice %arg2[%dma_wait3A_62, %dma_wait3A_63] : memref<10000x128xf32, #tpu.memory_space<hbm>> -> memref<10000x128xf32, #tpu.memory_space<hbm>>
    tpu.wait_indirect_dma semaphore(%arg18 : memref<!tpu.dma_semaphore, #tpu.memory_space<semaphore_mem>>) src(%dma_wait3A_64 : memref<10000x128xf32, #tpu.memory_space<hbm>>) dst(%arg10 : memref<128x128xf32, #tpu.memory_space<vmem>>)
    %dma_start3A_65 = arith.constant 1 : i32
    %dma_start3A_66 = arith.constant 0 : i32
    %dma_start3A_67 = tpu.memref_slice %arg6[%dma_start3A_65, %dma_start3A_66] : memref<2x128xi32, #tpu.memory_space<vmem>> -> memref<1x128xi32, #tpu.memory_space<vmem>>
    %dma_start3A_68 = tpu.memref_squeeze %dma_start3A_67 : memref<1x128xi32, #tpu.memory_space<vmem>> -> memref<128xi32, #tpu.memory_space<vmem>>
    %dma_start3A_69 = arith.constant 0 : i32
    %dma_start3A_70 = arith.constant 0 : i32
    %dma_start3A_71 = tpu.memref_slice %arg5[%dma_start3A_69, %dma_start3A_70] : memref<10240x128xf32, #tpu.memory_space<vmem_shared>> -> memref<10240x128xf32, #tpu.memory_space<vmem_shared>>
    tpu.enqueue_indirect_dma source(%arg10 : memref<128x128xf32, #tpu.memory_space<vmem>>) target(%dma_start3A_71 : memref<10240x128xf32, #tpu.memory_space<vmem_shared>>) offsets(%dma_start3A_68 : memref<128xi32, #tpu.memory_space<vmem>>) semaphore(%arg16 : memref<!tpu.dma_semaphore, #tpu.memory_space<semaphore_mem>>) {add = true}
    %dma_wait3A_72 = arith.constant 1 : i32
    %dma_wait3A_73 = arith.constant 0 : i32
    %dma_wait3A_74 = tpu.memref_slice %arg9[%dma_wait3A_72, %dma_wait3A_73] : memref<2x128xi32, #tpu.memory_space<vmem>> -> memref<1x128xi32, #tpu.memory_space<vmem>>
    %dma_wait3A_75 = tpu.memref_squeeze %dma_wait3A_74 : memref<1x128xi32, #tpu.memory_space<vmem>> -> memref<128xi32, #tpu.memory_space<vmem>>
    %dma_wait3A_76 = arith.constant 0 : i32
    %dma_wait3A_77 = arith.constant 0 : i32
    %dma_wait3A_78 = tpu.memref_slice %arg5[%dma_wait3A_76, %dma_wait3A_77] : memref<10240x128xf32, #tpu.memory_space<vmem_shared>> -> memref<10240x128xf32, #tpu.memory_space<vmem_shared>>
    tpu.wait_indirect_dma semaphore(%arg17 : memref<!tpu.dma_semaphore, #tpu.memory_space<semaphore_mem>>) src(%arg11 : memref<128x128xf32, #tpu.memory_space<vmem>>) dst(%dma_wait3A_78 : memref<10240x128xf32, #tpu.memory_space<vmem_shared>>)
    %add3A_79 = arith.constant 76 : i32
    %add3A_80 = arith.addi %mul3A_2, %add3A_79 : i32
    %add3A_81 = arith.constant 1 : i32
    %add3A_82 = arith.addi %add3A_80, %add3A_81 : i32
    %dma_wait3A_83 = arith.constant 0 : i32
    %dma_wait3A_84 = arith.constant 0 : i32
    %dma_wait3A_85 = tpu.memref_slice %arg3[%add3A_82, %dma_wait3A_83, %dma_wait3A_84] : memref<2500x2x128xi32, #tpu.memory_space<hbm>> -> memref<1x2x128xi32, #tpu.memory_space<hbm>>
    %dma_wait3A_86 = tpu.memref_squeeze %dma_wait3A_85 : memref<1x2x128xi32, #tpu.memory_space<hbm>> -> memref<2x128xi32, #tpu.memory_space<hbm>>
    %dma_wait3A_87 = arith.constant 0 : i32
    %dma_wait3A_88 = arith.constant 0 : i32
    %dma_wait3A_89 = tpu.memref_slice %arg3[%add3A_82, %dma_wait3A_87, %dma_wait3A_88] : memref<2500x2x128xi32, #tpu.memory_space<hbm>> -> memref<1x2x128xi32, #tpu.memory_space<hbm>>
    %dma_wait3A_90 = tpu.memref_squeeze %dma_wait3A_89 : memref<1x2x128xi32, #tpu.memory_space<hbm>> -> memref<2x128xi32, #tpu.memory_space<hbm>>
    tpu.wait_dma2 semaphore(%arg13 : memref<!tpu.dma_semaphore, #tpu.memory_space<semaphore_mem>>) src(%dma_wait3A_90 : memref<2x128xi32, #tpu.memory_space<hbm>>) dst(%arg7 : memref<2x128xi32, #tpu.memory_space<vmem>>)
    %dma_start3A_91 = arith.constant 0 : i32
    %dma_start3A_92 = arith.constant 0 : i32
    %dma_start3A_93 = tpu.memref_slice %arg7[%dma_start3A_91, %dma_start3A_92] : memref<2x128xi32, #tpu.memory_space<vmem>> -> memref<1x128xi32, #tpu.memory_space<vmem>>
    %dma_start3A_94 = tpu.memref_squeeze %dma_start3A_93 : memref<1x128xi32, #tpu.memory_space<vmem>> -> memref<128xi32, #tpu.memory_space<vmem>>
    %dma_start3A_95 = arith.constant 0 : i32
    %dma_start3A_96 = arith.constant 0 : i32
    %dma_start3A_97 = tpu.memref_slice %arg2[%dma_start3A_95, %dma_start3A_96] : memref<10000x128xf32, #tpu.memory_space<hbm>> -> memref<10000x128xf32, #tpu.memory_space<hbm>>
    tpu.enqueue_indirect_dma source(%dma_start3A_97 : memref<10000x128xf32, #tpu.memory_space<hbm>>) target(%arg11 : memref<128x128xf32, #tpu.memory_space<vmem>>) offsets(%dma_start3A_94 : memref<128xi32, #tpu.memory_space<vmem>>) semaphore(%arg19 : memref<!tpu.dma_semaphore, #tpu.memory_space<semaphore_mem>>)
    %dma_wait3A_98 = arith.constant 0 : i32
    %dma_wait3A_99 = arith.constant 0 : i32
    %dma_wait3A_100 = tpu.memref_slice %arg7[%dma_wait3A_98, %dma_wait3A_99] : memref<2x128xi32, #tpu.memory_space<vmem>> -> memref<1x128xi32, #tpu.memory_space<vmem>>
    %dma_wait3A_101 = tpu.memref_squeeze %dma_wait3A_100 : memref<1x128xi32, #tpu.memory_space<vmem>> -> memref<128xi32, #tpu.memory_space<vmem>>
    %dma_wait3A_102 = arith.constant 0 : i32
    %dma_wait3A_103 = arith.constant 0 : i32
    %dma_wait3A_104 = tpu.memref_slice %arg2[%dma_wait3A_102, %dma_wait3A_103] : memref<10000x128xf32, #tpu.memory_space<hbm>> -> memref<10000x128xf32, #tpu.memory_space<hbm>>
    tpu.wait_indirect_dma semaphore(%arg19 : memref<!tpu.dma_semaphore, #tpu.memory_space<semaphore_mem>>) src(%dma_wait3A_104 : memref<10000x128xf32, #tpu.memory_space<hbm>>) dst(%arg11 : memref<128x128xf32, #tpu.memory_space<vmem>>)
    %dma_start3A_105 = arith.constant 1 : i32
    %dma_start3A_106 = arith.constant 0 : i32
    %dma_start3A_107 = tpu.memref_slice %arg7[%dma_start3A_105, %dma_start3A_106] : memref<2x128xi32, #tpu.memory_space<vmem>> -> memref<1x128xi32, #tpu.memory_space<vmem>>
    %dma_start3A_108 = tpu.memref_squeeze %dma_start3A_107 : memref<1x128xi32, #tpu.memory_space<vmem>> -> memref<128xi32, #tpu.memory_space<vmem>>
    %dma_start3A_109 = arith.constant 0 : i32
    %dma_start3A_110 = arith.constant 0 : i32
    %dma_start3A_111 = tpu.memref_slice %arg5[%dma_start3A_109, %dma_start3A_110] : memref<10240x128xf32, #tpu.memory_space<vmem_shared>> -> memref<10240x128xf32, #tpu.memory_space<vmem_shared>>
    tpu.enqueue_indirect_dma source(%arg11 : memref<128x128xf32, #tpu.memory_space<vmem>>) target(%dma_start3A_111 : memref<10240x128xf32, #tpu.memory_space<vmem_shared>>) offsets(%dma_start3A_108 : memref<128xi32, #tpu.memory_space<vmem>>) semaphore(%arg17 : memref<!tpu.dma_semaphore, #tpu.memory_space<semaphore_mem>>) {add = true}
    %dma_wait3A_112 = arith.constant 1 : i32
    %dma_wait3A_113 = arith.constant 0 : i32
    %dma_wait3A_114 = tpu.memref_slice %arg6[%dma_wait3A_112, %dma_wait3A_113] : memref<2x128xi32, #tpu.memory_space<vmem>> -> memref<1x128xi32, #tpu.memory_space<vmem>>
    %dma_wait3A_115 = tpu.memref_squeeze %dma_wait3A_114 : memref<1x128xi32, #tpu.memory_space<vmem>> -> memref<128xi32, #tpu.memory_space<vmem>>
    %dma_wait3A_116 = arith.constant 0 : i32
    %dma_wait3A_117 = arith.constant 0 : i32
    %dma_wait3A_118 = tpu.memref_slice %arg5[%dma_wait3A_116, %dma_wait3A_117] : memref<10240x128xf32, #tpu.memory_space<vmem_shared>> -> memref<10240x128xf32, #tpu.memory_space<vmem_shared>>
    tpu.wait_indirect_dma semaphore(%arg16 : memref<!tpu.dma_semaphore, #tpu.memory_space<semaphore_mem>>) src(%arg10 : memref<128x128xf32, #tpu.memory_space<vmem>>) dst(%dma_wait3A_118 : memref<10240x128xf32, #tpu.memory_space<vmem_shared>>)
    %dma_wait3A_119 = arith.constant 1 : i32
    %dma_wait3A_120 = arith.constant 0 : i32
    %dma_wait3A_121 = tpu.memref_slice %arg7[%dma_wait3A_119, %dma_wait3A_120] : memref<2x128xi32, #tpu.memory_space<vmem>> -> memref<1x128xi32, #tpu.memory_space<vmem>>
    %dma_wait3A_122 = tpu.memref_squeeze %dma_wait3A_121 : memref<1x128xi32, #tpu.memory_space<vmem>> -> memref<128xi32, #tpu.memory_space<vmem>>
    %dma_wait3A_123 = arith.constant 0 : i32
    %dma_wait3A_124 = arith.constant 0 : i32
    %dma_wait3A_125 = tpu.memref_slice %arg5[%dma_wait3A_123, %dma_wait3A_124] : memref<10240x128xf32, #tpu.memory_space<vmem_shared>> -> memref<10240x128xf32, #tpu.memory_space<vmem_shared>>
    tpu.wait_indirect_dma semaphore(%arg17 : memref<!tpu.dma_semaphore, #tpu.memory_space<semaphore_mem>>) src(%arg11 : memref<128x128xf32, #tpu.memory_space<vmem>>) dst(%dma_wait3A_125 : memref<10240x128xf32, #tpu.memory_space<vmem_shared>>)
    %lt3A = arith.constant 4 : i32
    %lt3A_126 = arith.cmpi slt, %add3A, %lt3A : i32
    %convert_element_type3A = arith.extui %lt3A_126 : i1 to i32
    %cond3A = arith.constant 0 : i32
    %cond3A_127 = arith.cmpi ne, %convert_element_type3A, %cond3A : i32
    scf.if %cond3A_127 {
      %add3A_133 = arith.constant 2496 : i32
      %add3A_134 = arith.addi %add3A_133, %add3A : i32
      "tpu.region"() ({
        %run_scoped3A_136 = tpu.sem_alloc : memref<!tpu.dma_semaphore, #tpu.memory_space<semaphore_mem>>
        %dma_start3A_137 = arith.constant 0 : i32
        %dma_start3A_138 = arith.constant 0 : i32
        %dma_start3A_139 = tpu.memref_slice %arg3[%add3A_134, %dma_start3A_137, %dma_start3A_138] : memref<2500x2x128xi32, #tpu.memory_space<hbm>> -> memref<1x2x128xi32, #tpu.memory_space<hbm>>
        %dma_start3A_140 = tpu.memref_squeeze %dma_start3A_139 : memref<1x2x128xi32, #tpu.memory_space<hbm>> -> memref<2x128xi32, #tpu.memory_space<hbm>>
        %dma_start3A_141 = arith.constant 0 : i32
        %dma_start3A_142 = arith.constant 0 : i32
        %dma_start3A_143 = tpu.memref_slice %arg3[%add3A_134, %dma_start3A_141, %dma_start3A_142] : memref<2500x2x128xi32, #tpu.memory_space<hbm>> -> memref<1x2x128xi32, #tpu.memory_space<hbm>>
        %dma_start3A_144 = tpu.memref_squeeze %dma_start3A_143 : memref<1x2x128xi32, #tpu.memory_space<hbm>> -> memref<2x128xi32, #tpu.memory_space<hbm>>
        tpu.enqueue_dma source(%dma_start3A_144 : memref<2x128xi32, #tpu.memory_space<hbm>>) target(%arg6 : memref<2x128xi32, #tpu.memory_space<vmem>>) target_semaphore(%run_scoped3A_136 : memref<!tpu.dma_semaphore, #tpu.memory_space<semaphore_mem>>)
        %dma_wait3A_145 = arith.constant 0 : i32
        %dma_wait3A_146 = arith.constant 0 : i32
        %dma_wait3A_147 = tpu.memref_slice %arg3[%add3A_134, %dma_wait3A_145, %dma_wait3A_146] : memref<2500x2x128xi32, #tpu.memory_space<hbm>> -> memref<1x2x128xi32, #tpu.memory_space<hbm>>
        %dma_wait3A_148 = tpu.memref_squeeze %dma_wait3A_147 : memref<1x2x128xi32, #tpu.memory_space<hbm>> -> memref<2x128xi32, #tpu.memory_space<hbm>>
        %dma_wait3A_149 = arith.constant 0 : i32
        %dma_wait3A_150 = arith.constant 0 : i32
        %dma_wait3A_151 = tpu.memref_slice %arg3[%add3A_134, %dma_wait3A_149, %dma_wait3A_150] : memref<2500x2x128xi32, #tpu.memory_space<hbm>> -> memref<1x2x128xi32, #tpu.memory_space<hbm>>
        %dma_wait3A_152 = tpu.memref_squeeze %dma_wait3A_151 : memref<1x2x128xi32, #tpu.memory_space<hbm>> -> memref<2x128xi32, #tpu.memory_space<hbm>>
        tpu.wait_dma2 semaphore(%run_scoped3A_136 : memref<!tpu.dma_semaphore, #tpu.memory_space<semaphore_mem>>) src(%dma_wait3A_152 : memref<2x128xi32, #tpu.memory_space<hbm>>) dst(%arg6 : memref<2x128xi32, #tpu.memory_space<vmem>>)
        tpu.yield
      }) : () -> ()
      %run_scoped3A = arith.constant 0 : i32
      "tpu.region"() ({
        %run_scoped3A_136 = tpu.sem_alloc : memref<!tpu.dma_semaphore, #tpu.memory_space<semaphore_mem>>
        %dma_start3A_137 = arith.constant 0 : i32
        %dma_start3A_138 = tpu.memref_slice %arg6[%run_scoped3A, %dma_start3A_137] : memref<2x128xi32, #tpu.memory_space<vmem>> -> memref<1x128xi32, #tpu.memory_space<vmem>>
        %dma_start3A_139 = tpu.memref_squeeze %dma_start3A_138 : memref<1x128xi32, #tpu.memory_space<vmem>> -> memref<128xi32, #tpu.memory_space<vmem>>
        %dma_start3A_140 = arith.constant 0 : i32
        %dma_start3A_141 = arith.constant 0 : i32
        %dma_start3A_142 = tpu.memref_slice %arg2[%dma_start3A_140, %dma_start3A_141] : memref<10000x128xf32, #tpu.memory_space<hbm>> -> memref<10000x128xf32, #tpu.memory_space<hbm>>
        tpu.enqueue_indirect_dma source(%dma_start3A_142 : memref<10000x128xf32, #tpu.memory_space<hbm>>) target(%arg10 : memref<128x128xf32, #tpu.memory_space<vmem>>) offsets(%dma_start3A_139 : memref<128xi32, #tpu.memory_space<vmem>>) semaphore(%run_scoped3A_136 : memref<!tpu.dma_semaphore, #tpu.memory_space<semaphore_mem>>)
        %dma_wait3A_143 = arith.constant 0 : i32
        %dma_wait3A_144 = tpu.memref_slice %arg6[%run_scoped3A, %dma_wait3A_143] : memref<2x128xi32, #tpu.memory_space<vmem>> -> memref<1x128xi32, #tpu.memory_space<vmem>>
        %dma_wait3A_145 = tpu.memref_squeeze %dma_wait3A_144 : memref<1x128xi32, #tpu.memory_space<vmem>> -> memref<128xi32, #tpu.memory_space<vmem>>
        %dma_wait3A_146 = arith.constant 0 : i32
        %dma_wait3A_147 = arith.constant 0 : i32
        %dma_wait3A_148 = tpu.memref_slice %arg2[%dma_wait3A_146, %dma_wait3A_147] : memref<10000x128xf32, #tpu.memory_space<hbm>> -> memref<10000x128xf32, #tpu.memory_space<hbm>>
        tpu.wait_indirect_dma semaphore(%run_scoped3A_136 : memref<!tpu.dma_semaphore, #tpu.memory_space<semaphore_mem>>) src(%dma_wait3A_148 : memref<10000x128xf32, #tpu.memory_space<hbm>>) dst(%arg10 : memref<128x128xf32, #tpu.memory_space<vmem>>)
        tpu.yield
      }) : () -> ()
      %run_scoped3A_135 = arith.constant 1 : i32
      "tpu.region"() ({
        %run_scoped3A_136 = tpu.sem_alloc : memref<!tpu.dma_semaphore, #tpu.memory_space<semaphore_mem>>
        %dma_start3A_137 = arith.constant 0 : i32
        %dma_start3A_138 = tpu.memref_slice %arg6[%run_scoped3A_135, %dma_start3A_137] : memref<2x128xi32, #tpu.memory_space<vmem>> -> memref<1x128xi32, #tpu.memory_space<vmem>>
        %dma_start3A_139 = tpu.memref_squeeze %dma_start3A_138 : memref<1x128xi32, #tpu.memory_space<vmem>> -> memref<128xi32, #tpu.memory_space<vmem>>
        %dma_start3A_140 = arith.constant 0 : i32
        %dma_start3A_141 = arith.constant 0 : i32
        %dma_start3A_142 = tpu.memref_slice %arg5[%dma_start3A_140, %dma_start3A_141] : memref<10240x128xf32, #tpu.memory_space<vmem_shared>> -> memref<10240x128xf32, #tpu.memory_space<vmem_shared>>
        tpu.enqueue_indirect_dma source(%arg10 : memref<128x128xf32, #tpu.memory_space<vmem>>) target(%dma_start3A_142 : memref<10240x128xf32, #tpu.memory_space<vmem_shared>>) offsets(%dma_start3A_139 : memref<128xi32, #tpu.memory_space<vmem>>) semaphore(%run_scoped3A_136 : memref<!tpu.dma_semaphore, #tpu.memory_space<semaphore_mem>>) {add = true}
        %dma_wait3A_143 = arith.constant 0 : i32
        %dma_wait3A_144 = tpu.memref_slice %arg6[%run_scoped3A_135, %dma_wait3A_143] : memref<2x128xi32, #tpu.memory_space<vmem>> -> memref<1x128xi32, #tpu.memory_space<vmem>>
        %dma_wait3A_145 = tpu.memref_squeeze %dma_wait3A_144 : memref<1x128xi32, #tpu.memory_space<vmem>> -> memref<128xi32, #tpu.memory_space<vmem>>
        %dma_wait3A_146 = arith.constant 0 : i32
        %dma_wait3A_147 = arith.constant 0 : i32
        %dma_wait3A_148 = tpu.memref_slice %arg5[%dma_wait3A_146, %dma_wait3A_147] : memref<10240x128xf32, #tpu.memory_space<vmem_shared>> -> memref<10240x128xf32, #tpu.memory_space<vmem_shared>>
        tpu.wait_indirect_dma semaphore(%run_scoped3A_136 : memref<!tpu.dma_semaphore, #tpu.memory_space<semaphore_mem>>) src(%arg10 : memref<128x128xf32, #tpu.memory_space<vmem>>) dst(%dma_wait3A_148 : memref<10240x128xf32, #tpu.memory_space<vmem_shared>>)
        tpu.yield
      }) : () -> ()
    } else {
    }
    %barrier3A_128 = arith.constant 0 : index
    tpu.barrier barrier_id(%barrier3A_128)
    %mul3A_129 = arith.constant 640 : i32
    %mul3A_130 = arith.muli %arg1, %mul3A_129 : i32
    %mul3A_131 = arith.constant 640 : i32
    %mul3A_132 = arith.muli %arg1, %mul3A_131 : i32
    "tpu.region"() ({
      %run_scoped3A = tpu.sem_alloc : memref<!tpu.dma_semaphore, #tpu.memory_space<semaphore_mem>>
      %dma_start3A_133 = arith.constant 0 : i32
      %dma_start3A_134 = tpu.memref_slice %arg4[%arg0, %mul3A_132, %dma_start3A_133] : memref<2x10240x128xf32, #tpu.memory_space<hbm>> -> memref<1x640x128xf32, #tpu.memory_space<hbm>>
      %dma_start3A_135 = tpu.memref_squeeze %dma_start3A_134 : memref<1x640x128xf32, #tpu.memory_space<hbm>> -> memref<640x128xf32, #tpu.memory_space<hbm>>
      %dma_start3A_136 = arith.constant 0 : i32
      %dma_start3A_137 = tpu.memref_slice %arg5[%mul3A_130, %dma_start3A_136] : memref<10240x128xf32, #tpu.memory_space<vmem_shared>> -> memref<640x128xf32, #tpu.memory_space<vmem_shared>>
      tpu.enqueue_dma source(%dma_start3A_137 : memref<640x128xf32, #tpu.memory_space<vmem_shared>>) target(%dma_start3A_135 : memref<640x128xf32, #tpu.memory_space<hbm>>) target_semaphore(%run_scoped3A : memref<!tpu.dma_semaphore, #tpu.memory_space<semaphore_mem>>)
      %dma_wait3A_138 = arith.constant 0 : i32
      %dma_wait3A_139 = tpu.memref_slice %arg4[%arg0, %mul3A_132, %dma_wait3A_138] : memref<2x10240x128xf32, #tpu.memory_space<hbm>> -> memref<1x640x128xf32, #tpu.memory_space<hbm>>
      %dma_wait3A_140 = tpu.memref_squeeze %dma_wait3A_139 : memref<1x640x128xf32, #tpu.memory_space<hbm>> -> memref<640x128xf32, #tpu.memory_space<hbm>>
      %dma_wait3A_141 = arith.constant 0 : i32
      %dma_wait3A_142 = tpu.memref_slice %arg5[%mul3A_130, %dma_wait3A_141] : memref<10240x128xf32, #tpu.memory_space<vmem_shared>> -> memref<640x128xf32, #tpu.memory_space<vmem_shared>>
      tpu.wait_dma2 semaphore(%run_scoped3A : memref<!tpu.dma_semaphore, #tpu.memory_space<semaphore_mem>>) src(%dma_wait3A_142 : memref<640x128xf32, #tpu.memory_space<vmem_shared>>) dst(%dma_wait3A_140 : memref<640x128xf32, #tpu.memory_space<hbm>>)
      tpu.yield
    }) : () -> ()
    return
  }
}

#map = affine_map<(d0, d1) -> (0, 0)>
#map1 = affine_map<(d0, d1) -> (0, 0, 0)>
module attributes {stable_mosaic.version = 14 : i64} {
  func.func @agg_kernel(%arg0: i32, %arg1: i32, %arg2: memref<10000x128xf32, #tpu.memory_space<hbm>>, %arg3: memref<2500x2x128xi32, #tpu.memory_space<hbm>>, %arg4: memref<2x10240x128xf32, #tpu.memory_space<hbm>>, %arg5: memref<10240x128xf32, #tpu.memory_space<vmem_shared>>, %arg6: memref<2x128xi32, #tpu.memory_space<vmem>>, %arg7: memref<2x128xi32, #tpu.memory_space<vmem>>, %arg8: memref<2x128xi32, #tpu.memory_space<vmem>>, %arg9: memref<2x128xi32, #tpu.memory_space<vmem>>, %arg10: memref<128x128xf32, #tpu.memory_space<vmem>>, %arg11: memref<128x128xf32, #tpu.memory_space<vmem>>, %arg12: memref<!tpu.dma_semaphore, #tpu.memory_space<semaphore_mem>>, %arg13: memref<!tpu.dma_semaphore, #tpu.memory_space<semaphore_mem>>, %arg14: memref<!tpu.dma_semaphore, #tpu.memory_space<semaphore_mem>>, %arg15: memref<!tpu.dma_semaphore, #tpu.memory_space<semaphore_mem>>, %arg16: memref<!tpu.dma_semaphore, #tpu.memory_space<semaphore_mem>>, %arg17: memref<!tpu.dma_semaphore, #tpu.memory_space<semaphore_mem>>, %arg18: memref<!tpu.dma_semaphore, #tpu.memory_space<semaphore_mem>>, %arg19: memref<!tpu.dma_semaphore, #tpu.memory_space<semaphore_mem>>) attributes {dimension_semantics = [#tpu.dimension_semantics<core_parallel>, #tpu.dimension_semantics<subcore_parallel>], iteration_bounds = array<i64: 2, 16>, scalar_prefetch = 0 : i64, scratch_operands = 15 : i64, tpu.core_type = #tpu.core_type<sc_vector_subcore>, window_params = [{transform_indices = #map}, {transform_indices = #map1}, {transform_indices = #map1}]} {
    %mul3A = arith.constant 16 : i32
    %mul3A_0 = arith.muli %arg0, %mul3A : i32
    %add3A = arith.addi %mul3A_0, %arg1 : i32
    %mul3A_1 = arith.constant 78 : i32
    %mul3A_2 = arith.muli %add3A, %mul3A_1 : i32
    %dma_start3A = arith.constant 0 : i32
    %dma_start3A_3 = arith.constant 0 : i32
    %dma_start3A_4 = tpu.memref_slice %arg3[%mul3A_2, %dma_start3A, %dma_start3A_3] : memref<2500x2x128xi32, #tpu.memory_space<hbm>> -> memref<1x2x128xi32, #tpu.memory_space<hbm>>
    %dma_start3A_5 = tpu.memref_squeeze %dma_start3A_4 : memref<1x2x128xi32, #tpu.memory_space<hbm>> -> memref<2x128xi32, #tpu.memory_space<hbm>>
    %dma_start3A_6 = arith.constant 0 : i32
    %dma_start3A_7 = arith.constant 0 : i32
    %dma_start3A_8 = tpu.memref_slice %arg3[%mul3A_2, %dma_start3A_6, %dma_start3A_7] : memref<2500x2x128xi32, #tpu.memory_space<hbm>> -> memref<1x2x128xi32, #tpu.memory_space<hbm>>
    %dma_start3A_9 = tpu.memref_squeeze %dma_start3A_8 : memref<1x2x128xi32, #tpu.memory_space<hbm>> -> memref<2x128xi32, #tpu.memory_space<hbm>>
    tpu.enqueue_dma source(%dma_start3A_9 : memref<2x128xi32, #tpu.memory_space<hbm>>) target(%arg6 : memref<2x128xi32, #tpu.memory_space<vmem>>) target_semaphore(%arg12 : memref<!tpu.dma_semaphore, #tpu.memory_space<semaphore_mem>>)
    %add3A_10 = arith.constant 1 : i32
    %add3A_11 = arith.addi %mul3A_2, %add3A_10 : i32
    %dma_start3A_12 = arith.constant 0 : i32
    %dma_start3A_13 = arith.constant 0 : i32
    %dma_start3A_14 = tpu.memref_slice %arg3[%add3A_11, %dma_start3A_12, %dma_start3A_13] : memref<2500x2x128xi32, #tpu.memory_space<hbm>> -> memref<1x2x128xi32, #tpu.memory_space<hbm>>
    %dma_start3A_15 = tpu.memref_squeeze %dma_start3A_14 : memref<1x2x128xi32, #tpu.memory_space<hbm>> -> memref<2x128xi32, #tpu.memory_space<hbm>>
    %dma_start3A_16 = arith.constant 0 : i32
    %dma_start3A_17 = arith.constant 0 : i32
    %dma_start3A_18 = tpu.memref_slice %arg3[%add3A_11, %dma_start3A_16, %dma_start3A_17] : memref<2500x2x128xi32, #tpu.memory_space<hbm>> -> memref<1x2x128xi32, #tpu.memory_space<hbm>>
    %dma_start3A_19 = tpu.memref_squeeze %dma_start3A_18 : memref<1x2x128xi32, #tpu.memory_space<hbm>> -> memref<2x128xi32, #tpu.memory_space<hbm>>
    tpu.enqueue_dma source(%dma_start3A_19 : memref<2x128xi32, #tpu.memory_space<hbm>>) target(%arg7 : memref<2x128xi32, #tpu.memory_space<vmem>>) target_semaphore(%arg13 : memref<!tpu.dma_semaphore, #tpu.memory_space<semaphore_mem>>)
    %scan3A = arith.constant 0 : i32
    %scan3A_20 = arith.constant 128 : i32
    %scan3A_21 = arith.addi %scan3A, %scan3A_20 : i32
    %scan3A_22 = arith.constant 1 : i32
    scf.for %scan3A_133 = %scan3A to %scan3A_21 step %scan3A_22  : i32 {
      %mul3A_134 = arith.constant 1 : i32
      %mul3A_135 = arith.muli %scan3A_133, %mul3A_134 : i32
      %add3A_136 = arith.constant 0 : i32
      %add3A_137 = arith.addi %add3A_136, %mul3A_135 : i32
      %scan3A_138 = arith.constant 0 : i32
      %scan3A_139 = arith.constant 8 : i32
      %scan3A_140 = arith.addi %scan3A_138, %scan3A_139 : i32
      %scan3A_141 = arith.constant 1 : i32
      scf.for %scan3A_143 = %scan3A_138 to %scan3A_140 step %scan3A_141  : i32 {
        %mul3A_144 = arith.constant 1 : i32
        %mul3A_145 = arith.muli %scan3A_143, %mul3A_144 : i32
        %add3A_146 = arith.constant 0 : i32
        %add3A_147 = arith.addi %add3A_146, %mul3A_145 : i32
        %broadcast_in_dim3A = arith.constant 0.000000e+00 : f32
        %broadcast_in_dim3A_148 = vector.broadcast %broadcast_in_dim3A : f32 to vector<16xf32>
        %mul3A_149 = arith.constant 16 : i32
        %mul3A_150 = arith.muli %add3A_147, %mul3A_149 : i32
        %swap3A = arith.index_cast %add3A_137 : i32 to index
        %swap3A_151 = arith.index_cast %mul3A_150 : i32 to index
        %swap3A_152 = tpu.vector_load %arg10[%swap3A, %swap3A_151] {strides = array<i32>} : memref<128x128xf32, #tpu.memory_space<vmem>>, vector<1x16xf32>,
        %swap3A_153 = vector.shape_cast %swap3A_152 : vector<1x16xf32> to vector<16xf32>
        %swap3A_154 = vector.shape_cast %broadcast_in_dim3A_148 : vector<16xf32> to vector<1x16xf32>
        tpu.vector_store %arg10[%swap3A, %swap3A_151], %swap3A_154 {strides = array<i32>} : memref<128x128xf32, #tpu.memory_space<vmem>>, vector<1x16xf32>,
      }
      %scan3A_142 = arith.constant 8 : i32
    }
    %scan3A_23 = arith.constant 128 : i32
    %scan3A_24 = arith.constant 0 : i32
    %scan3A_25 = arith.constant 5 : i32
    %scan3A_26 = arith.addi %scan3A_24, %scan3A_25 : i32
    %scan3A_27 = arith.constant 1 : i32
    scf.for %scan3A_133 = %scan3A_24 to %scan3A_26 step %scan3A_27  : i32 {
      %mul3A_134 = arith.constant 1 : i32
      %mul3A_135 = arith.muli %scan3A_133, %mul3A_134 : i32
      %add3A_136 = arith.constant 0 : i32
      %add3A_137 = arith.addi %add3A_136, %mul3A_135 : i32
      %mul3A_138 = arith.constant 640 : i32
      %mul3A_139 = arith.muli %arg1, %mul3A_138 : i32
      %mul3A_140 = arith.constant 128 : i32
      %mul3A_141 = arith.muli %add3A_137, %mul3A_140 : i32
      %add3A_142 = arith.addi %mul3A_139, %mul3A_141 : i32
      "tpu.region"() ({
        %run_scoped3A = tpu.sem_alloc : memref<!tpu.dma_semaphore, #tpu.memory_space<semaphore_mem>>
        %dma_start3A_143 = arith.constant 0 : i32
        %dma_start3A_144 = arith.constant 0 : i32
        %dma_start3A_145 = tpu.memref_slice %arg10[%dma_start3A_143, %dma_start3A_144] : memref<128x128xf32, #tpu.memory_space<vmem>> -> memref<128x128xf32, #tpu.memory_space<vmem>>
        %dma_start3A_146 = arith.constant 0 : i32
        %dma_start3A_147 = tpu.memref_slice %arg5[%add3A_142, %dma_start3A_146] : memref<10240x128xf32, #tpu.memory_space<vmem_shared>> -> memref<128x128xf32, #tpu.memory_space<vmem_shared>>
        %dma_start3A_148 = arith.constant 0 : i32
        %dma_start3A_149 = tpu.memref_slice %arg5[%add3A_142, %dma_start3A_148] : memref<10240x128xf32, #tpu.memory_space<vmem_shared>> -> memref<128x128xf32, #tpu.memory_space<vmem_shared>>
        %dma_start3A_150 = arith.constant 0 : i32
        %dma_start3A_151 = arith.constant 0 : i32
        %dma_start3A_152 = tpu.memref_slice %arg10[%dma_start3A_150, %dma_start3A_151] : memref<128x128xf32, #tpu.memory_space<vmem>> -> memref<128x128xf32, #tpu.memory_space<vmem>>
        tpu.enqueue_dma source(%dma_start3A_152 : memref<128x128xf32, #tpu.memory_space<vmem>>) target(%dma_start3A_149 : memref<128x128xf32, #tpu.memory_space<vmem_shared>>) target_semaphore(%run_scoped3A : memref<!tpu.dma_semaphore, #tpu.memory_space<semaphore_mem>>)
        %dma_wait3A_153 = arith.constant 0 : i32
        %dma_wait3A_154 = arith.constant 0 : i32
        %dma_wait3A_155 = tpu.memref_slice %arg10[%dma_wait3A_153, %dma_wait3A_154] : memref<128x128xf32, #tpu.memory_space<vmem>> -> memref<128x128xf32, #tpu.memory_space<vmem>>
        %dma_wait3A_156 = arith.constant 0 : i32
        %dma_wait3A_157 = tpu.memref_slice %arg5[%add3A_142, %dma_wait3A_156] : memref<10240x128xf32, #tpu.memory_space<vmem_shared>> -> memref<128x128xf32, #tpu.memory_space<vmem_shared>>
        %dma_wait3A_158 = arith.constant 0 : i32
        %dma_wait3A_159 = tpu.memref_slice %arg5[%add3A_142, %dma_wait3A_158] : memref<10240x128xf32, #tpu.memory_space<vmem_shared>> -> memref<128x128xf32, #tpu.memory_space<vmem_shared>>
        %dma_wait3A_160 = arith.constant 0 : i32
        %dma_wait3A_161 = arith.constant 0 : i32
        %dma_wait3A_162 = tpu.memref_slice %arg10[%dma_wait3A_160, %dma_wait3A_161] : memref<128x128xf32, #tpu.memory_space<vmem>> -> memref<128x128xf32, #tpu.memory_space<vmem>>
        tpu.wait_dma2 semaphore(%run_scoped3A : memref<!tpu.dma_semaphore, #tpu.memory_space<semaphore_mem>>) src(%dma_wait3A_162 : memref<128x128xf32, #tpu.memory_space<vmem>>) dst(%dma_wait3A_159 : memref<128x128xf32, #tpu.memory_space<vmem_shared>>)
        tpu.yield
      }) : () -> ()
    }
    %scan3A_28 = arith.constant 5 : i32
    %dma_wait3A = arith.constant 0 : i32
    %dma_wait3A_29 = arith.constant 0 : i32
    %dma_wait3A_30 = tpu.memref_slice %arg3[%mul3A_2, %dma_wait3A, %dma_wait3A_29] : memref<2500x2x128xi32, #tpu.memory_space<hbm>> -> memref<1x2x128xi32, #tpu.memory_space<hbm>>
    %dma_wait3A_31 = tpu.memref_squeeze %dma_wait3A_30 : memref<1x2x128xi32, #tpu.memory_space<hbm>> -> memref<2x128xi32, #tpu.memory_space<hbm>>
    %dma_wait3A_32 = arith.constant 0 : i32
    %dma_wait3A_33 = arith.constant 0 : i32
    %dma_wait3A_34 = tpu.memref_slice %arg3[%mul3A_2, %dma_wait3A_32, %dma_wait3A_33] : memref<2500x2x128xi32, #tpu.memory_space<hbm>> -> memref<1x2x128xi32, #tpu.memory_space<hbm>>
    %dma_wait3A_35 = tpu.memref_squeeze %dma_wait3A_34 : memref<1x2x128xi32, #tpu.memory_space<hbm>> -> memref<2x128xi32, #tpu.memory_space<hbm>>
    tpu.wait_dma2 semaphore(%arg12 : memref<!tpu.dma_semaphore, #tpu.memory_space<semaphore_mem>>) src(%dma_wait3A_35 : memref<2x128xi32, #tpu.memory_space<hbm>>) dst(%arg6 : memref<2x128xi32, #tpu.memory_space<vmem>>)
    %dma_start3A_36 = arith.constant 0 : i32
    %dma_start3A_37 = arith.constant 0 : i32
    %dma_start3A_38 = tpu.memref_slice %arg6[%dma_start3A_36, %dma_start3A_37] : memref<2x128xi32, #tpu.memory_space<vmem>> -> memref<1x128xi32, #tpu.memory_space<vmem>>
    %dma_start3A_39 = tpu.memref_squeeze %dma_start3A_38 : memref<1x128xi32, #tpu.memory_space<vmem>> -> memref<128xi32, #tpu.memory_space<vmem>>
    %dma_start3A_40 = arith.constant 0 : i32
    %dma_start3A_41 = arith.constant 0 : i32
    %dma_start3A_42 = tpu.memref_slice %arg2[%dma_start3A_40, %dma_start3A_41] : memref<10000x128xf32, #tpu.memory_space<hbm>> -> memref<10000x128xf32, #tpu.memory_space<hbm>>
    tpu.enqueue_indirect_dma source(%dma_start3A_42 : memref<10000x128xf32, #tpu.memory_space<hbm>>) target(%arg10 : memref<128x128xf32, #tpu.memory_space<vmem>>) offsets(%dma_start3A_39 : memref<128xi32, #tpu.memory_space<vmem>>) semaphore(%arg18 : memref<!tpu.dma_semaphore, #tpu.memory_space<semaphore_mem>>)
    %add3A_43 = arith.constant 2 : i32
    %add3A_44 = arith.addi %mul3A_2, %add3A_43 : i32
    %dma_start3A_45 = arith.constant 0 : i32
    %dma_start3A_46 = arith.constant 0 : i32
    %dma_start3A_47 = tpu.memref_slice %arg3[%add3A_44, %dma_start3A_45, %dma_start3A_46] : memref<2500x2x128xi32, #tpu.memory_space<hbm>> -> memref<1x2x128xi32, #tpu.memory_space<hbm>>
    %dma_start3A_48 = tpu.memref_squeeze %dma_start3A_47 : memref<1x2x128xi32, #tpu.memory_space<hbm>> -> memref<2x128xi32, #tpu.memory_space<hbm>>
    %dma_start3A_49 = arith.constant 0 : i32
    %dma_start3A_50 = arith.constant 0 : i32
    %dma_start3A_51 = tpu.memref_slice %arg3[%add3A_44, %dma_start3A_49, %dma_start3A_50] : memref<2500x2x128xi32, #tpu.memory_space<hbm>> -> memref<1x2x128xi32, #tpu.memory_space<hbm>>
    %dma_start3A_52 = tpu.memref_squeeze %dma_start3A_51 : memref<1x2x128xi32, #tpu.memory_space<hbm>> -> memref<2x128xi32, #tpu.memory_space<hbm>>
    tpu.enqueue_dma source(%dma_start3A_52 : memref<2x128xi32, #tpu.memory_space<hbm>>) target(%arg8 : memref<2x128xi32, #tpu.memory_space<vmem>>) target_semaphore(%arg14 : memref<!tpu.dma_semaphore, #tpu.memory_space<semaphore_mem>>)
    %barrier3A = arith.constant 0 : index
    tpu.barrier barrier_id(%barrier3A)
    %scan3A_53 = arith.constant 0 : i32
    %scan3A_54 = arith.constant 19 : i32
    %scan3A_55 = arith.addi %scan3A_53, %scan3A_54 : i32
    %scan3A_56 = arith.constant 1 : i32
    scf.for %scan3A_133 = %scan3A_53 to %scan3A_55 step %scan3A_56  : i32 {
      %mul3A_134 = arith.constant 4 : i32
      %mul3A_135 = arith.muli %scan3A_133, %mul3A_134 : i32
      %add3A_136 = arith.constant 0 : i32
      %add3A_137 = arith.addi %add3A_136, %mul3A_135 : i32
      %add3A_138 = arith.constant 0 : i32
      %add3A_139 = arith.addi %add3A_137, %add3A_138 : i32
      %dma_wait3A_140 = arith.constant 0 : i32
      %dma_wait3A_141 = arith.constant 0 : i32
      %dma_wait3A_142 = tpu.memref_slice %arg6[%dma_wait3A_140, %dma_wait3A_141] : memref<2x128xi32, #tpu.memory_space<vmem>> -> memref<1x128xi32, #tpu.memory_space<vmem>>
      %dma_wait3A_143 = tpu.memref_squeeze %dma_wait3A_142 : memref<1x128xi32, #tpu.memory_space<vmem>> -> memref<128xi32, #tpu.memory_space<vmem>>
      %dma_wait3A_144 = arith.constant 0 : i32
      %dma_wait3A_145 = arith.constant 0 : i32
      %dma_wait3A_146 = tpu.memref_slice %arg2[%dma_wait3A_144, %dma_wait3A_145] : memref<10000x128xf32, #tpu.memory_space<hbm>> -> memref<10000x128xf32, #tpu.memory_space<hbm>>
      tpu.wait_indirect_dma semaphore(%arg18 : memref<!tpu.dma_semaphore, #tpu.memory_space<semaphore_mem>>) src(%dma_wait3A_146 : memref<10000x128xf32, #tpu.memory_space<hbm>>) dst(%arg10 : memref<128x128xf32, #tpu.memory_space<vmem>>)
      %dma_start3A_147 = arith.constant 1 : i32
      %dma_start3A_148 = arith.constant 0 : i32
      %dma_start3A_149 = tpu.memref_slice %arg6[%dma_start3A_147, %dma_start3A_148] : memref<2x128xi32, #tpu.memory_space<vmem>> -> memref<1x128xi32, #tpu.memory_space<vmem>>
      %dma_start3A_150 = tpu.memref_squeeze %dma_start3A_149 : memref<1x128xi32, #tpu.memory_space<vmem>> -> memref<128xi32, #tpu.memory_space<vmem>>
      %dma_start3A_151 = arith.constant 0 : i32
      %dma_start3A_152 = arith.constant 0 : i32
      %dma_start3A_153 = tpu.memref_slice %arg5[%dma_start3A_151, %dma_start3A_152] : memref<10240x128xf32, #tpu.memory_space<vmem_shared>> -> memref<10240x128xf32, #tpu.memory_space<vmem_shared>>
      tpu.enqueue_indirect_dma source(%arg10 : memref<128x128xf32, #tpu.memory_space<vmem>>) target(%dma_start3A_153 : memref<10240x128xf32, #tpu.memory_space<vmem_shared>>) offsets(%dma_start3A_150 : memref<128xi32, #tpu.memory_space<vmem>>) semaphore(%arg16 : memref<!tpu.dma_semaphore, #tpu.memory_space<semaphore_mem>>) {add = true}
      %ge3A = arith.constant 1 : i32
      %ge3A_154 = arith.cmpi sge, %add3A_139, %ge3A : i32
      %convert_element_type3A_155 = arith.extui %ge3A_154 : i1 to i32
      %cond3A_156 = arith.constant 0 : i32
      %cond3A_157 = arith.cmpi ne, %convert_element_type3A_155, %cond3A_156 : i32
      scf.if %cond3A_157 {
        %dma_wait3A_337 = arith.constant 1 : i32
        %dma_wait3A_338 = arith.constant 0 : i32
        %dma_wait3A_339 = tpu.memref_slice %arg9[%dma_wait3A_337, %dma_wait3A_338] : memref<2x128xi32, #tpu.memory_space<vmem>> -> memref<1x128xi32, #tpu.memory_space<vmem>>
        %dma_wait3A_340 = tpu.memref_squeeze %dma_wait3A_339 : memref<1x128xi32, #tpu.memory_space<vmem>> -> memref<128xi32, #tpu.memory_space<vmem>>
        %dma_wait3A_341 = arith.constant 0 : i32
        %dma_wait3A_342 = arith.constant 0 : i32
        %dma_wait3A_343 = tpu.memref_slice %arg5[%dma_wait3A_341, %dma_wait3A_342] : memref<10240x128xf32, #tpu.memory_space<vmem_shared>> -> memref<10240x128xf32, #tpu.memory_space<vmem_shared>>
        tpu.wait_indirect_dma semaphore(%arg17 : memref<!tpu.dma_semaphore, #tpu.memory_space<semaphore_mem>>) src(%arg11 : memref<128x128xf32, #tpu.memory_space<vmem>>) dst(%dma_wait3A_343 : memref<10240x128xf32, #tpu.memory_space<vmem_shared>>)
      } else {
      }
      %add3A_158 = arith.addi %mul3A_2, %add3A_139 : i32
      %add3A_159 = arith.constant 1 : i32
      %add3A_160 = arith.addi %add3A_158, %add3A_159 : i32
      %dma_wait3A_161 = arith.constant 0 : i32
      %dma_wait3A_162 = arith.constant 0 : i32
      %dma_wait3A_163 = tpu.memref_slice %arg3[%add3A_160, %dma_wait3A_161, %dma_wait3A_162] : memref<2500x2x128xi32, #tpu.memory_space<hbm>> -> memref<1x2x128xi32, #tpu.memory_space<hbm>>
      %dma_wait3A_164 = tpu.memref_squeeze %dma_wait3A_163 : memref<1x2x128xi32, #tpu.memory_space<hbm>> -> memref<2x128xi32, #tpu.memory_space<hbm>>
      %dma_wait3A_165 = arith.constant 0 : i32
      %dma_wait3A_166 = arith.constant 0 : i32
      %dma_wait3A_167 = tpu.memref_slice %arg3[%add3A_160, %dma_wait3A_165, %dma_wait3A_166] : memref<2500x2x128xi32, #tpu.memory_space<hbm>> -> memref<1x2x128xi32, #tpu.memory_space<hbm>>
      %dma_wait3A_168 = tpu.memref_squeeze %dma_wait3A_167 : memref<1x2x128xi32, #tpu.memory_space<hbm>> -> memref<2x128xi32, #tpu.memory_space<hbm>>
      tpu.wait_dma2 semaphore(%arg13 : memref<!tpu.dma_semaphore, #tpu.memory_space<semaphore_mem>>) src(%dma_wait3A_168 : memref<2x128xi32, #tpu.memory_space<hbm>>) dst(%arg7 : memref<2x128xi32, #tpu.memory_space<vmem>>)
      %dma_start3A_169 = arith.constant 0 : i32
      %dma_start3A_170 = arith.constant 0 : i32
      %dma_start3A_171 = tpu.memref_slice %arg7[%dma_start3A_169, %dma_start3A_170] : memref<2x128xi32, #tpu.memory_space<vmem>> -> memref<1x128xi32, #tpu.memory_space<vmem>>
      %dma_start3A_172 = tpu.memref_squeeze %dma_start3A_171 : memref<1x128xi32, #tpu.memory_space<vmem>> -> memref<128xi32, #tpu.memory_space<vmem>>
      %dma_start3A_173 = arith.constant 0 : i32
      %dma_start3A_174 = arith.constant 0 : i32
      %dma_start3A_175 = tpu.memref_slice %arg2[%dma_start3A_173, %dma_start3A_174] : memref<10000x128xf32, #tpu.memory_space<hbm>> -> memref<10000x128xf32, #tpu.memory_space<hbm>>
      tpu.enqueue_indirect_dma source(%dma_start3A_175 : memref<10000x128xf32, #tpu.memory_space<hbm>>) target(%arg11 : memref<128x128xf32, #tpu.memory_space<vmem>>) offsets(%dma_start3A_172 : memref<128xi32, #tpu.memory_space<vmem>>) semaphore(%arg19 : memref<!tpu.dma_semaphore, #tpu.memory_space<semaphore_mem>>)
      %add3A_176 = arith.addi %mul3A_2, %add3A_139 : i32
      %add3A_177 = arith.constant 3 : i32
      %add3A_178 = arith.addi %add3A_176, %add3A_177 : i32
      %dma_start3A_179 = arith.constant 0 : i32
      %dma_start3A_180 = arith.constant 0 : i32
      %dma_start3A_181 = tpu.memref_slice %arg3[%add3A_178, %dma_start3A_179, %dma_start3A_180] : memref<2500x2x128xi32, #tpu.memory_space<hbm>> -> memref<1x2x128xi32, #tpu.memory_space<hbm>>
      %dma_start3A_182 = tpu.memref_squeeze %dma_start3A_181 : memref<1x2x128xi32, #tpu.memory_space<hbm>> -> memref<2x128xi32, #tpu.memory_space<hbm>>
      %dma_start3A_183 = arith.constant 0 : i32
      %dma_start3A_184 = arith.constant 0 : i32
      %dma_start3A_185 = tpu.memref_slice %arg3[%add3A_178, %dma_start3A_183, %dma_start3A_184] : memref<2500x2x128xi32, #tpu.memory_space<hbm>> -> memref<1x2x128xi32, #tpu.memory_space<hbm>>
      %dma_start3A_186 = tpu.memref_squeeze %dma_start3A_185 : memref<1x2x128xi32, #tpu.memory_space<hbm>> -> memref<2x128xi32, #tpu.memory_space<hbm>>
      tpu.enqueue_dma source(%dma_start3A_186 : memref<2x128xi32, #tpu.memory_space<hbm>>) target(%arg9 : memref<2x128xi32, #tpu.memory_space<vmem>>) target_semaphore(%arg15 : memref<!tpu.dma_semaphore, #tpu.memory_space<semaphore_mem>>)
      %add3A_187 = arith.constant 1 : i32
      %add3A_188 = arith.addi %add3A_137, %add3A_187 : i32
      %dma_wait3A_189 = arith.constant 0 : i32
      %dma_wait3A_190 = arith.constant 0 : i32
      %dma_wait3A_191 = tpu.memref_slice %arg7[%dma_wait3A_189, %dma_wait3A_190] : memref<2x128xi32, #tpu.memory_space<vmem>> -> memref<1x128xi32, #tpu.memory_space<vmem>>
      %dma_wait3A_192 = tpu.memref_squeeze %dma_wait3A_191 : memref<1x128xi32, #tpu.memory_space<vmem>> -> memref<128xi32, #tpu.memory_space<vmem>>
      %dma_wait3A_193 = arith.constant 0 : i32
      %dma_wait3A_194 = arith.constant 0 : i32
      %dma_wait3A_195 = tpu.memref_slice %arg2[%dma_wait3A_193, %dma_wait3A_194] : memref<10000x128xf32, #tpu.memory_space<hbm>> -> memref<10000x128xf32, #tpu.memory_space<hbm>>
      tpu.wait_indirect_dma semaphore(%arg19 : memref<!tpu.dma_semaphore, #tpu.memory_space<semaphore_mem>>) src(%dma_wait3A_195 : memref<10000x128xf32, #tpu.memory_space<hbm>>) dst(%arg11 : memref<128x128xf32, #tpu.memory_space<vmem>>)
      %dma_start3A_196 = arith.constant 1 : i32
      %dma_start3A_197 = arith.constant 0 : i32
      %dma_start3A_198 = tpu.memref_slice %arg7[%dma_start3A_196, %dma_start3A_197] : memref<2x128xi32, #tpu.memory_space<vmem>> -> memref<1x128xi32, #tpu.memory_space<vmem>>
      %dma_start3A_199 = tpu.memref_squeeze %dma_start3A_198 : memref<1x128xi32, #tpu.memory_space<vmem>> -> memref<128xi32, #tpu.memory_space<vmem>>
      %dma_start3A_200 = arith.constant 0 : i32
      %dma_start3A_201 = arith.constant 0 : i32
      %dma_start3A_202 = tpu.memref_slice %arg5[%dma_start3A_200, %dma_start3A_201] : memref<10240x128xf32, #tpu.memory_space<vmem_shared>> -> memref<10240x128xf32, #tpu.memory_space<vmem_shared>>
      tpu.enqueue_indirect_dma source(%arg11 : memref<128x128xf32, #tpu.memory_space<vmem>>) target(%dma_start3A_202 : memref<10240x128xf32, #tpu.memory_space<vmem_shared>>) offsets(%dma_start3A_199 : memref<128xi32, #tpu.memory_space<vmem>>) semaphore(%arg17 : memref<!tpu.dma_semaphore, #tpu.memory_space<semaphore_mem>>) {add = true}
      %ge3A_203 = arith.constant 1 : i32
      %ge3A_204 = arith.cmpi sge, %add3A_188, %ge3A_203 : i32
      %convert_element_type3A_205 = arith.extui %ge3A_204 : i1 to i32
      %cond3A_206 = arith.constant 0 : i32
      %cond3A_207 = arith.cmpi ne, %convert_element_type3A_205, %cond3A_206 : i32
      scf.if %cond3A_207 {
        %dma_wait3A_337 = arith.constant 1 : i32
        %dma_wait3A_338 = arith.constant 0 : i32
        %dma_wait3A_339 = tpu.memref_slice %arg6[%dma_wait3A_337, %dma_wait3A_338] : memref<2x128xi32, #tpu.memory_space<vmem>> -> memref<1x128xi32, #tpu.memory_space<vmem>>
        %dma_wait3A_340 = tpu.memref_squeeze %dma_wait3A_339 : memref<1x128xi32, #tpu.memory_space<vmem>> -> memref<128xi32, #tpu.memory_space<vmem>>
        %dma_wait3A_341 = arith.constant 0 : i32
        %dma_wait3A_342 = arith.constant 0 : i32
        %dma_wait3A_343 = tpu.memref_slice %arg5[%dma_wait3A_341, %dma_wait3A_342] : memref<10240x128xf32, #tpu.memory_space<vmem_shared>> -> memref<10240x128xf32, #tpu.memory_space<vmem_shared>>
        tpu.wait_indirect_dma semaphore(%arg16 : memref<!tpu.dma_semaphore, #tpu.memory_space<semaphore_mem>>) src(%arg10 : memref<128x128xf32, #tpu.memory_space<vmem>>) dst(%dma_wait3A_343 : memref<10240x128xf32, #tpu.memory_space<vmem_shared>>)
      } else {
      }
      %add3A_208 = arith.addi %mul3A_2, %add3A_188 : i32
      %add3A_209 = arith.constant 1 : i32
      %add3A_210 = arith.addi %add3A_208, %add3A_209 : i32
      %dma_wait3A_211 = arith.constant 0 : i32
      %dma_wait3A_212 = arith.constant 0 : i32
      %dma_wait3A_213 = tpu.memref_slice %arg3[%add3A_210, %dma_wait3A_211, %dma_wait3A_212] : memref<2500x2x128xi32, #tpu.memory_space<hbm>> -> memref<1x2x128xi32, #tpu.memory_space<hbm>>
      %dma_wait3A_214 = tpu.memref_squeeze %dma_wait3A_213 : memref<1x2x128xi32, #tpu.memory_space<hbm>> -> memref<2x128xi32, #tpu.memory_space<hbm>>
      %dma_wait3A_215 = arith.constant 0 : i32
      %dma_wait3A_216 = arith.constant 0 : i32
      %dma_wait3A_217 = tpu.memref_slice %arg3[%add3A_210, %dma_wait3A_215, %dma_wait3A_216] : memref<2500x2x128xi32, #tpu.memory_space<hbm>> -> memref<1x2x128xi32, #tpu.memory_space<hbm>>
      %dma_wait3A_218 = tpu.memref_squeeze %dma_wait3A_217 : memref<1x2x128xi32, #tpu.memory_space<hbm>> -> memref<2x128xi32, #tpu.memory_space<hbm>>
      tpu.wait_dma2 semaphore(%arg14 : memref<!tpu.dma_semaphore, #tpu.memory_space<semaphore_mem>>) src(%dma_wait3A_218 : memref<2x128xi32, #tpu.memory_space<hbm>>) dst(%arg8 : memref<2x128xi32, #tpu.memory_space<vmem>>)
      %dma_start3A_219 = arith.constant 0 : i32
      %dma_start3A_220 = arith.constant 0 : i32
      %dma_start3A_221 = tpu.memref_slice %arg8[%dma_start3A_219, %dma_start3A_220] : memref<2x128xi32, #tpu.memory_space<vmem>> -> memref<1x128xi32, #tpu.memory_space<vmem>>
      %dma_start3A_222 = tpu.memref_squeeze %dma_start3A_221 : memref<1x128xi32, #tpu.memory_space<vmem>> -> memref<128xi32, #tpu.memory_space<vmem>>
      %dma_start3A_223 = arith.constant 0 : i32
      %dma_start3A_224 = arith.constant 0 : i32
      %dma_start3A_225 = tpu.memref_slice %arg2[%dma_start3A_223, %dma_start3A_224] : memref<10000x128xf32, #tpu.memory_space<hbm>> -> memref<10000x128xf32, #tpu.memory_space<hbm>>
      tpu.enqueue_indirect_dma source(%dma_start3A_225 : memref<10000x128xf32, #tpu.memory_space<hbm>>) target(%arg10 : memref<128x128xf32, #tpu.memory_space<vmem>>) offsets(%dma_start3A_222 : memref<128xi32, #tpu.memory_space<vmem>>) semaphore(%arg18 : memref<!tpu.dma_semaphore, #tpu.memory_space<semaphore_mem>>)
      %add3A_226 = arith.addi %mul3A_2, %add3A_188 : i32
      %add3A_227 = arith.constant 3 : i32
      %add3A_228 = arith.addi %add3A_226, %add3A_227 : i32
      %dma_start3A_229 = arith.constant 0 : i32
      %dma_start3A_230 = arith.constant 0 : i32
      %dma_start3A_231 = tpu.memref_slice %arg3[%add3A_228, %dma_start3A_229, %dma_start3A_230] : memref<2500x2x128xi32, #tpu.memory_space<hbm>> -> memref<1x2x128xi32, #tpu.memory_space<hbm>>
      %dma_start3A_232 = tpu.memref_squeeze %dma_start3A_231 : memref<1x2x128xi32, #tpu.memory_space<hbm>> -> memref<2x128xi32, #tpu.memory_space<hbm>>
      %dma_start3A_233 = arith.constant 0 : i32
      %dma_start3A_234 = arith.constant 0 : i32
      %dma_start3A_235 = tpu.memref_slice %arg3[%add3A_228, %dma_start3A_233, %dma_start3A_234] : memref<2500x2x128xi32, #tpu.memory_space<hbm>> -> memref<1x2x128xi32, #tpu.memory_space<hbm>>
      %dma_start3A_236 = tpu.memref_squeeze %dma_start3A_235 : memref<1x2x128xi32, #tpu.memory_space<hbm>> -> memref<2x128xi32, #tpu.memory_space<hbm>>
      tpu.enqueue_dma source(%dma_start3A_236 : memref<2x128xi32, #tpu.memory_space<hbm>>) target(%arg6 : memref<2x128xi32, #tpu.memory_space<vmem>>) target_semaphore(%arg12 : memref<!tpu.dma_semaphore, #tpu.memory_space<semaphore_mem>>)
      %add3A_237 = arith.constant 2 : i32
      %add3A_238 = arith.addi %add3A_137, %add3A_237 : i32
      %dma_wait3A_239 = arith.constant 0 : i32
      %dma_wait3A_240 = arith.constant 0 : i32
      %dma_wait3A_241 = tpu.memref_slice %arg8[%dma_wait3A_239, %dma_wait3A_240] : memref<2x128xi32, #tpu.memory_space<vmem>> -> memref<1x128xi32, #tpu.memory_space<vmem>>
      %dma_wait3A_242 = tpu.memref_squeeze %dma_wait3A_241 : memref<1x128xi32, #tpu.memory_space<vmem>> -> memref<128xi32, #tpu.memory_space<vmem>>
      %dma_wait3A_243 = arith.constant 0 : i32
      %dma_wait3A_244 = arith.constant 0 : i32
      %dma_wait3A_245 = tpu.memref_slice %arg2[%dma_wait3A_243, %dma_wait3A_244] : memref<10000x128xf32, #tpu.memory_space<hbm>> -> memref<10000x128xf32, #tpu.memory_space<hbm>>
      tpu.wait_indirect_dma semaphore(%arg18 : memref<!tpu.dma_semaphore, #tpu.memory_space<semaphore_mem>>) src(%dma_wait3A_245 : memref<10000x128xf32, #tpu.memory_space<hbm>>) dst(%arg10 : memref<128x128xf32, #tpu.memory_space<vmem>>)
      %dma_start3A_246 = arith.constant 1 : i32
      %dma_start3A_247 = arith.constant 0 : i32
      %dma_start3A_248 = tpu.memref_slice %arg8[%dma_start3A_246, %dma_start3A_247] : memref<2x128xi32, #tpu.memory_space<vmem>> -> memref<1x128xi32, #tpu.memory_space<vmem>>
      %dma_start3A_249 = tpu.memref_squeeze %dma_start3A_248 : memref<1x128xi32, #tpu.memory_space<vmem>> -> memref<128xi32, #tpu.memory_space<vmem>>
      %dma_start3A_250 = arith.constant 0 : i32
      %dma_start3A_251 = arith.constant 0 : i32
      %dma_start3A_252 = tpu.memref_slice %arg5[%dma_start3A_250, %dma_start3A_251] : memref<10240x128xf32, #tpu.memory_space<vmem_shared>> -> memref<10240x128xf32, #tpu.memory_space<vmem_shared>>
      tpu.enqueue_indirect_dma source(%arg10 : memref<128x128xf32, #tpu.memory_space<vmem>>) target(%dma_start3A_252 : memref<10240x128xf32, #tpu.memory_space<vmem_shared>>) offsets(%dma_start3A_249 : memref<128xi32, #tpu.memory_space<vmem>>) semaphore(%arg16 : memref<!tpu.dma_semaphore, #tpu.memory_space<semaphore_mem>>) {add = true}
      %ge3A_253 = arith.constant 1 : i32
      %ge3A_254 = arith.cmpi sge, %add3A_238, %ge3A_253 : i32
      %convert_element_type3A_255 = arith.extui %ge3A_254 : i1 to i32
      %cond3A_256 = arith.constant 0 : i32
      %cond3A_257 = arith.cmpi ne, %convert_element_type3A_255, %cond3A_256 : i32
      scf.if %cond3A_257 {
        %dma_wait3A_337 = arith.constant 1 : i32
        %dma_wait3A_338 = arith.constant 0 : i32
        %dma_wait3A_339 = tpu.memref_slice %arg7[%dma_wait3A_337, %dma_wait3A_338] : memref<2x128xi32, #tpu.memory_space<vmem>> -> memref<1x128xi32, #tpu.memory_space<vmem>>
        %dma_wait3A_340 = tpu.memref_squeeze %dma_wait3A_339 : memref<1x128xi32, #tpu.memory_space<vmem>> -> memref<128xi32, #tpu.memory_space<vmem>>
        %dma_wait3A_341 = arith.constant 0 : i32
        %dma_wait3A_342 = arith.constant 0 : i32
        %dma_wait3A_343 = tpu.memref_slice %arg5[%dma_wait3A_341, %dma_wait3A_342] : memref<10240x128xf32, #tpu.memory_space<vmem_shared>> -> memref<10240x128xf32, #tpu.memory_space<vmem_shared>>
        tpu.wait_indirect_dma semaphore(%arg17 : memref<!tpu.dma_semaphore, #tpu.memory_space<semaphore_mem>>) src(%arg11 : memref<128x128xf32, #tpu.memory_space<vmem>>) dst(%dma_wait3A_343 : memref<10240x128xf32, #tpu.memory_space<vmem_shared>>)
      } else {
      }
      %add3A_258 = arith.addi %mul3A_2, %add3A_238 : i32
      %add3A_259 = arith.constant 1 : i32
      %add3A_260 = arith.addi %add3A_258, %add3A_259 : i32
      %dma_wait3A_261 = arith.constant 0 : i32
      %dma_wait3A_262 = arith.constant 0 : i32
      %dma_wait3A_263 = tpu.memref_slice %arg3[%add3A_260, %dma_wait3A_261, %dma_wait3A_262] : memref<2500x2x128xi32, #tpu.memory_space<hbm>> -> memref<1x2x128xi32, #tpu.memory_space<hbm>>
      %dma_wait3A_264 = tpu.memref_squeeze %dma_wait3A_263 : memref<1x2x128xi32, #tpu.memory_space<hbm>> -> memref<2x128xi32, #tpu.memory_space<hbm>>
      %dma_wait3A_265 = arith.constant 0 : i32
      %dma_wait3A_266 = arith.constant 0 : i32
      %dma_wait3A_267 = tpu.memref_slice %arg3[%add3A_260, %dma_wait3A_265, %dma_wait3A_266] : memref<2500x2x128xi32, #tpu.memory_space<hbm>> -> memref<1x2x128xi32, #tpu.memory_space<hbm>>
      %dma_wait3A_268 = tpu.memref_squeeze %dma_wait3A_267 : memref<1x2x128xi32, #tpu.memory_space<hbm>> -> memref<2x128xi32, #tpu.memory_space<hbm>>
      tpu.wait_dma2 semaphore(%arg15 : memref<!tpu.dma_semaphore, #tpu.memory_space<semaphore_mem>>) src(%dma_wait3A_268 : memref<2x128xi32, #tpu.memory_space<hbm>>) dst(%arg9 : memref<2x128xi32, #tpu.memory_space<vmem>>)
      %dma_start3A_269 = arith.constant 0 : i32
      %dma_start3A_270 = arith.constant 0 : i32
      %dma_start3A_271 = tpu.memref_slice %arg9[%dma_start3A_269, %dma_start3A_270] : memref<2x128xi32, #tpu.memory_space<vmem>> -> memref<1x128xi32, #tpu.memory_space<vmem>>
      %dma_start3A_272 = tpu.memref_squeeze %dma_start3A_271 : memref<1x128xi32, #tpu.memory_space<vmem>> -> memref<128xi32, #tpu.memory_space<vmem>>
      %dma_start3A_273 = arith.constant 0 : i32
      %dma_start3A_274 = arith.constant 0 : i32
      %dma_start3A_275 = tpu.memref_slice %arg2[%dma_start3A_273, %dma_start3A_274] : memref<10000x128xf32, #tpu.memory_space<hbm>> -> memref<10000x128xf32, #tpu.memory_space<hbm>>
      tpu.enqueue_indirect_dma source(%dma_start3A_275 : memref<10000x128xf32, #tpu.memory_space<hbm>>) target(%arg11 : memref<128x128xf32, #tpu.memory_space<vmem>>) offsets(%dma_start3A_272 : memref<128xi32, #tpu.memory_space<vmem>>) semaphore(%arg19 : memref<!tpu.dma_semaphore, #tpu.memory_space<semaphore_mem>>)
      %add3A_276 = arith.addi %mul3A_2, %add3A_238 : i32
      %add3A_277 = arith.constant 3 : i32
      %add3A_278 = arith.addi %add3A_276, %add3A_277 : i32
      %dma_start3A_279 = arith.constant 0 : i32
      %dma_start3A_280 = arith.constant 0 : i32
      %dma_start3A_281 = tpu.memref_slice %arg3[%add3A_278, %dma_start3A_279, %dma_start3A_280] : memref<2500x2x128xi32, #tpu.memory_space<hbm>> -> memref<1x2x128xi32, #tpu.memory_space<hbm>>
      %dma_start3A_282 = tpu.memref_squeeze %dma_start3A_281 : memref<1x2x128xi32, #tpu.memory_space<hbm>> -> memref<2x128xi32, #tpu.memory_space<hbm>>
      %dma_start3A_283 = arith.constant 0 : i32
      %dma_start3A_284 = arith.constant 0 : i32
      %dma_start3A_285 = tpu.memref_slice %arg3[%add3A_278, %dma_start3A_283, %dma_start3A_284] : memref<2500x2x128xi32, #tpu.memory_space<hbm>> -> memref<1x2x128xi32, #tpu.memory_space<hbm>>
      %dma_start3A_286 = tpu.memref_squeeze %dma_start3A_285 : memref<1x2x128xi32, #tpu.memory_space<hbm>> -> memref<2x128xi32, #tpu.memory_space<hbm>>
      tpu.enqueue_dma source(%dma_start3A_286 : memref<2x128xi32, #tpu.memory_space<hbm>>) target(%arg7 : memref<2x128xi32, #tpu.memory_space<vmem>>) target_semaphore(%arg13 : memref<!tpu.dma_semaphore, #tpu.memory_space<semaphore_mem>>)
      %add3A_287 = arith.constant 3 : i32
      %add3A_288 = arith.addi %add3A_137, %add3A_287 : i32
      %dma_wait3A_289 = arith.constant 0 : i32
      %dma_wait3A_290 = arith.constant 0 : i32
      %dma_wait3A_291 = tpu.memref_slice %arg9[%dma_wait3A_289, %dma_wait3A_290] : memref<2x128xi32, #tpu.memory_space<vmem>> -> memref<1x128xi32, #tpu.memory_space<vmem>>
      %dma_wait3A_292 = tpu.memref_squeeze %dma_wait3A_291 : memref<1x128xi32, #tpu.memory_space<vmem>> -> memref<128xi32, #tpu.memory_space<vmem>>
      %dma_wait3A_293 = arith.constant 0 : i32
      %dma_wait3A_294 = arith.constant 0 : i32
      %dma_wait3A_295 = tpu.memref_slice %arg2[%dma_wait3A_293, %dma_wait3A_294] : memref<10000x128xf32, #tpu.memory_space<hbm>> -> memref<10000x128xf32, #tpu.memory_space<hbm>>
      tpu.wait_indirect_dma semaphore(%arg19 : memref<!tpu.dma_semaphore, #tpu.memory_space<semaphore_mem>>) src(%dma_wait3A_295 : memref<10000x128xf32, #tpu.memory_space<hbm>>) dst(%arg11 : memref<128x128xf32, #tpu.memory_space<vmem>>)
      %dma_start3A_296 = arith.constant 1 : i32
      %dma_start3A_297 = arith.constant 0 : i32
      %dma_start3A_298 = tpu.memref_slice %arg9[%dma_start3A_296, %dma_start3A_297] : memref<2x128xi32, #tpu.memory_space<vmem>> -> memref<1x128xi32, #tpu.memory_space<vmem>>
      %dma_start3A_299 = tpu.memref_squeeze %dma_start3A_298 : memref<1x128xi32, #tpu.memory_space<vmem>> -> memref<128xi32, #tpu.memory_space<vmem>>
      %dma_start3A_300 = arith.constant 0 : i32
      %dma_start3A_301 = arith.constant 0 : i32
      %dma_start3A_302 = tpu.memref_slice %arg5[%dma_start3A_300, %dma_start3A_301] : memref<10240x128xf32, #tpu.memory_space<vmem_shared>> -> memref<10240x128xf32, #tpu.memory_space<vmem_shared>>
      tpu.enqueue_indirect_dma source(%arg11 : memref<128x128xf32, #tpu.memory_space<vmem>>) target(%dma_start3A_302 : memref<10240x128xf32, #tpu.memory_space<vmem_shared>>) offsets(%dma_start3A_299 : memref<128xi32, #tpu.memory_space<vmem>>) semaphore(%arg17 : memref<!tpu.dma_semaphore, #tpu.memory_space<semaphore_mem>>) {add = true}
      %ge3A_303 = arith.constant 1 : i32
      %ge3A_304 = arith.cmpi sge, %add3A_288, %ge3A_303 : i32
      %convert_element_type3A_305 = arith.extui %ge3A_304 : i1 to i32
      %cond3A_306 = arith.constant 0 : i32
      %cond3A_307 = arith.cmpi ne, %convert_element_type3A_305, %cond3A_306 : i32
      scf.if %cond3A_307 {
        %dma_wait3A_337 = arith.constant 1 : i32
        %dma_wait3A_338 = arith.constant 0 : i32
        %dma_wait3A_339 = tpu.memref_slice %arg8[%dma_wait3A_337, %dma_wait3A_338] : memref<2x128xi32, #tpu.memory_space<vmem>> -> memref<1x128xi32, #tpu.memory_space<vmem>>
        %dma_wait3A_340 = tpu.memref_squeeze %dma_wait3A_339 : memref<1x128xi32, #tpu.memory_space<vmem>> -> memref<128xi32, #tpu.memory_space<vmem>>
        %dma_wait3A_341 = arith.constant 0 : i32
        %dma_wait3A_342 = arith.constant 0 : i32
        %dma_wait3A_343 = tpu.memref_slice %arg5[%dma_wait3A_341, %dma_wait3A_342] : memref<10240x128xf32, #tpu.memory_space<vmem_shared>> -> memref<10240x128xf32, #tpu.memory_space<vmem_shared>>
        tpu.wait_indirect_dma semaphore(%arg16 : memref<!tpu.dma_semaphore, #tpu.memory_space<semaphore_mem>>) src(%arg10 : memref<128x128xf32, #tpu.memory_space<vmem>>) dst(%dma_wait3A_343 : memref<10240x128xf32, #tpu.memory_space<vmem_shared>>)
      } else {
      }
      %add3A_308 = arith.addi %mul3A_2, %add3A_288 : i32
      %add3A_309 = arith.constant 1 : i32
      %add3A_310 = arith.addi %add3A_308, %add3A_309 : i32
      %dma_wait3A_311 = arith.constant 0 : i32
      %dma_wait3A_312 = arith.constant 0 : i32
      %dma_wait3A_313 = tpu.memref_slice %arg3[%add3A_310, %dma_wait3A_311, %dma_wait3A_312] : memref<2500x2x128xi32, #tpu.memory_space<hbm>> -> memref<1x2x128xi32, #tpu.memory_space<hbm>>
      %dma_wait3A_314 = tpu.memref_squeeze %dma_wait3A_313 : memref<1x2x128xi32, #tpu.memory_space<hbm>> -> memref<2x128xi32, #tpu.memory_space<hbm>>
      %dma_wait3A_315 = arith.constant 0 : i32
      %dma_wait3A_316 = arith.constant 0 : i32
      %dma_wait3A_317 = tpu.memref_slice %arg3[%add3A_310, %dma_wait3A_315, %dma_wait3A_316] : memref<2500x2x128xi32, #tpu.memory_space<hbm>> -> memref<1x2x128xi32, #tpu.memory_space<hbm>>
      %dma_wait3A_318 = tpu.memref_squeeze %dma_wait3A_317 : memref<1x2x128xi32, #tpu.memory_space<hbm>> -> memref<2x128xi32, #tpu.memory_space<hbm>>
      tpu.wait_dma2 semaphore(%arg12 : memref<!tpu.dma_semaphore, #tpu.memory_space<semaphore_mem>>) src(%dma_wait3A_318 : memref<2x128xi32, #tpu.memory_space<hbm>>) dst(%arg6 : memref<2x128xi32, #tpu.memory_space<vmem>>)
      %dma_start3A_319 = arith.constant 0 : i32
      %dma_start3A_320 = arith.constant 0 : i32
      %dma_start3A_321 = tpu.memref_slice %arg6[%dma_start3A_319, %dma_start3A_320] : memref<2x128xi32, #tpu.memory_space<vmem>> -> memref<1x128xi32, #tpu.memory_space<vmem>>
      %dma_start3A_322 = tpu.memref_squeeze %dma_start3A_321 : memref<1x128xi32, #tpu.memory_space<vmem>> -> memref<128xi32, #tpu.memory_space<vmem>>
      %dma_start3A_323 = arith.constant 0 : i32
      %dma_start3A_324 = arith.constant 0 : i32
      %dma_start3A_325 = tpu.memref_slice %arg2[%dma_start3A_323, %dma_start3A_324] : memref<10000x128xf32, #tpu.memory_space<hbm>> -> memref<10000x128xf32, #tpu.memory_space<hbm>>
      tpu.enqueue_indirect_dma source(%dma_start3A_325 : memref<10000x128xf32, #tpu.memory_space<hbm>>) target(%arg10 : memref<128x128xf32, #tpu.memory_space<vmem>>) offsets(%dma_start3A_322 : memref<128xi32, #tpu.memory_space<vmem>>) semaphore(%arg18 : memref<!tpu.dma_semaphore, #tpu.memory_space<semaphore_mem>>)
      %add3A_326 = arith.addi %mul3A_2, %add3A_288 : i32
      %add3A_327 = arith.constant 3 : i32
      %add3A_328 = arith.addi %add3A_326, %add3A_327 : i32
      %dma_start3A_329 = arith.constant 0 : i32
      %dma_start3A_330 = arith.constant 0 : i32
      %dma_start3A_331 = tpu.memref_slice %arg3[%add3A_328, %dma_start3A_329, %dma_start3A_330] : memref<2500x2x128xi32, #tpu.memory_space<hbm>> -> memref<1x2x128xi32, #tpu.memory_space<hbm>>
      %dma_start3A_332 = tpu.memref_squeeze %dma_start3A_331 : memref<1x2x128xi32, #tpu.memory_space<hbm>> -> memref<2x128xi32, #tpu.memory_space<hbm>>
      %dma_start3A_333 = arith.constant 0 : i32
      %dma_start3A_334 = arith.constant 0 : i32
      %dma_start3A_335 = tpu.memref_slice %arg3[%add3A_328, %dma_start3A_333, %dma_start3A_334] : memref<2500x2x128xi32, #tpu.memory_space<hbm>> -> memref<1x2x128xi32, #tpu.memory_space<hbm>>
      %dma_start3A_336 = tpu.memref_squeeze %dma_start3A_335 : memref<1x2x128xi32, #tpu.memory_space<hbm>> -> memref<2x128xi32, #tpu.memory_space<hbm>>
      tpu.enqueue_dma source(%dma_start3A_336 : memref<2x128xi32, #tpu.memory_space<hbm>>) target(%arg8 : memref<2x128xi32, #tpu.memory_space<vmem>>) target_semaphore(%arg14 : memref<!tpu.dma_semaphore, #tpu.memory_space<semaphore_mem>>)
    }
    %scan3A_57 = arith.constant 19 : i32
    %dma_wait3A_58 = arith.constant 0 : i32
    %dma_wait3A_59 = arith.constant 0 : i32
    %dma_wait3A_60 = tpu.memref_slice %arg6[%dma_wait3A_58, %dma_wait3A_59] : memref<2x128xi32, #tpu.memory_space<vmem>> -> memref<1x128xi32, #tpu.memory_space<vmem>>
    %dma_wait3A_61 = tpu.memref_squeeze %dma_wait3A_60 : memref<1x128xi32, #tpu.memory_space<vmem>> -> memref<128xi32, #tpu.memory_space<vmem>>
    %dma_wait3A_62 = arith.constant 0 : i32
    %dma_wait3A_63 = arith.constant 0 : i32
    %dma_wait3A_64 = tpu.memref_slice %arg2[%dma_wait3A_62, %dma_wait3A_63] : memref<10000x128xf32, #tpu.memory_space<hbm>> -> memref<10000x128xf32, #tpu.memory_space<hbm>>
    tpu.wait_indirect_dma semaphore(%arg18 : memref<!tpu.dma_semaphore, #tpu.memory_space<semaphore_mem>>) src(%dma_wait3A_64 : memref<10000x128xf32, #tpu.memory_space<hbm>>) dst(%arg10 : memref<128x128xf32, #tpu.memory_space<vmem>>)
    %dma_start3A_65 = arith.constant 1 : i32
    %dma_start3A_66 = arith.constant 0 : i32
    %dma_start3A_67 = tpu.memref_slice %arg6[%dma_start3A_65, %dma_start3A_66] : memref<2x128xi32, #tpu.memory_space<vmem>> -> memref<1x128xi32, #tpu.memory_space<vmem>>
    %dma_start3A_68 = tpu.memref_squeeze %dma_start3A_67 : memref<1x128xi32, #tpu.memory_space<vmem>> -> memref<128xi32, #tpu.memory_space<vmem>>
    %dma_start3A_69 = arith.constant 0 : i32
    %dma_start3A_70 = arith.constant 0 : i32
    %dma_start3A_71 = tpu.memref_slice %arg5[%dma_start3A_69, %dma_start3A_70] : memref<10240x128xf32, #tpu.memory_space<vmem_shared>> -> memref<10240x128xf32, #tpu.memory_space<vmem_shared>>
    tpu.enqueue_indirect_dma source(%arg10 : memref<128x128xf32, #tpu.memory_space<vmem>>) target(%dma_start3A_71 : memref<10240x128xf32, #tpu.memory_space<vmem_shared>>) offsets(%dma_start3A_68 : memref<128xi32, #tpu.memory_space<vmem>>) semaphore(%arg16 : memref<!tpu.dma_semaphore, #tpu.memory_space<semaphore_mem>>) {add = true}
    %dma_wait3A_72 = arith.constant 1 : i32
    %dma_wait3A_73 = arith.constant 0 : i32
    %dma_wait3A_74 = tpu.memref_slice %arg9[%dma_wait3A_72, %dma_wait3A_73] : memref<2x128xi32, #tpu.memory_space<vmem>> -> memref<1x128xi32, #tpu.memory_space<vmem>>
    %dma_wait3A_75 = tpu.memref_squeeze %dma_wait3A_74 : memref<1x128xi32, #tpu.memory_space<vmem>> -> memref<128xi32, #tpu.memory_space<vmem>>
    %dma_wait3A_76 = arith.constant 0 : i32
    %dma_wait3A_77 = arith.constant 0 : i32
    %dma_wait3A_78 = tpu.memref_slice %arg5[%dma_wait3A_76, %dma_wait3A_77] : memref<10240x128xf32, #tpu.memory_space<vmem_shared>> -> memref<10240x128xf32, #tpu.memory_space<vmem_shared>>
    tpu.wait_indirect_dma semaphore(%arg17 : memref<!tpu.dma_semaphore, #tpu.memory_space<semaphore_mem>>) src(%arg11 : memref<128x128xf32, #tpu.memory_space<vmem>>) dst(%dma_wait3A_78 : memref<10240x128xf32, #tpu.memory_space<vmem_shared>>)
    %add3A_79 = arith.constant 76 : i32
    %add3A_80 = arith.addi %mul3A_2, %add3A_79 : i32
    %add3A_81 = arith.constant 1 : i32
    %add3A_82 = arith.addi %add3A_80, %add3A_81 : i32
    %dma_wait3A_83 = arith.constant 0 : i32
    %dma_wait3A_84 = arith.constant 0 : i32
    %dma_wait3A_85 = tpu.memref_slice %arg3[%add3A_82, %dma_wait3A_83, %dma_wait3A_84] : memref<2500x2x128xi32, #tpu.memory_space<hbm>> -> memref<1x2x128xi32, #tpu.memory_space<hbm>>
    %dma_wait3A_86 = tpu.memref_squeeze %dma_wait3A_85 : memref<1x2x128xi32, #tpu.memory_space<hbm>> -> memref<2x128xi32, #tpu.memory_space<hbm>>
    %dma_wait3A_87 = arith.constant 0 : i32
    %dma_wait3A_88 = arith.constant 0 : i32
    %dma_wait3A_89 = tpu.memref_slice %arg3[%add3A_82, %dma_wait3A_87, %dma_wait3A_88] : memref<2500x2x128xi32, #tpu.memory_space<hbm>> -> memref<1x2x128xi32, #tpu.memory_space<hbm>>
    %dma_wait3A_90 = tpu.memref_squeeze %dma_wait3A_89 : memref<1x2x128xi32, #tpu.memory_space<hbm>> -> memref<2x128xi32, #tpu.memory_space<hbm>>
    tpu.wait_dma2 semaphore(%arg13 : memref<!tpu.dma_semaphore, #tpu.memory_space<semaphore_mem>>) src(%dma_wait3A_90 : memref<2x128xi32, #tpu.memory_space<hbm>>) dst(%arg7 : memref<2x128xi32, #tpu.memory_space<vmem>>)
    %dma_start3A_91 = arith.constant 0 : i32
    %dma_start3A_92 = arith.constant 0 : i32
    %dma_start3A_93 = tpu.memref_slice %arg7[%dma_start3A_91, %dma_start3A_92] : memref<2x128xi32, #tpu.memory_space<vmem>> -> memref<1x128xi32, #tpu.memory_space<vmem>>
    %dma_start3A_94 = tpu.memref_squeeze %dma_start3A_93 : memref<1x128xi32, #tpu.memory_space<vmem>> -> memref<128xi32, #tpu.memory_space<vmem>>
    %dma_start3A_95 = arith.constant 0 : i32
    %dma_start3A_96 = arith.constant 0 : i32
    %dma_start3A_97 = tpu.memref_slice %arg2[%dma_start3A_95, %dma_start3A_96] : memref<10000x128xf32, #tpu.memory_space<hbm>> -> memref<10000x128xf32, #tpu.memory_space<hbm>>
    tpu.enqueue_indirect_dma source(%dma_start3A_97 : memref<10000x128xf32, #tpu.memory_space<hbm>>) target(%arg11 : memref<128x128xf32, #tpu.memory_space<vmem>>) offsets(%dma_start3A_94 : memref<128xi32, #tpu.memory_space<vmem>>) semaphore(%arg19 : memref<!tpu.dma_semaphore, #tpu.memory_space<semaphore_mem>>)
    %dma_wait3A_98 = arith.constant 0 : i32
    %dma_wait3A_99 = arith.constant 0 : i32
    %dma_wait3A_100 = tpu.memref_slice %arg7[%dma_wait3A_98, %dma_wait3A_99] : memref<2x128xi32, #tpu.memory_space<vmem>> -> memref<1x128xi32, #tpu.memory_space<vmem>>
    %dma_wait3A_101 = tpu.memref_squeeze %dma_wait3A_100 : memref<1x128xi32, #tpu.memory_space<vmem>> -> memref<128xi32, #tpu.memory_space<vmem>>
    %dma_wait3A_102 = arith.constant 0 : i32
    %dma_wait3A_103 = arith.constant 0 : i32
    %dma_wait3A_104 = tpu.memref_slice %arg2[%dma_wait3A_102, %dma_wait3A_103] : memref<10000x128xf32, #tpu.memory_space<hbm>> -> memref<10000x128xf32, #tpu.memory_space<hbm>>
    tpu.wait_indirect_dma semaphore(%arg19 : memref<!tpu.dma_semaphore, #tpu.memory_space<semaphore_mem>>) src(%dma_wait3A_104 : memref<10000x128xf32, #tpu.memory_space<hbm>>) dst(%arg11 : memref<128x128xf32, #tpu.memory_space<vmem>>)
    %dma_start3A_105 = arith.constant 1 : i32
    %dma_start3A_106 = arith.constant 0 : i32
    %dma_start3A_107 = tpu.memref_slice %arg7[%dma_start3A_105, %dma_start3A_106] : memref<2x128xi32, #tpu.memory_space<vmem>> -> memref<1x128xi32, #tpu.memory_space<vmem>>
    %dma_start3A_108 = tpu.memref_squeeze %dma_start3A_107 : memref<1x128xi32, #tpu.memory_space<vmem>> -> memref<128xi32, #tpu.memory_space<vmem>>
    %dma_start3A_109 = arith.constant 0 : i32
    %dma_start3A_110 = arith.constant 0 : i32
    %dma_start3A_111 = tpu.memref_slice %arg5[%dma_start3A_109, %dma_start3A_110] : memref<10240x128xf32, #tpu.memory_space<vmem_shared>> -> memref<10240x128xf32, #tpu.memory_space<vmem_shared>>
    tpu.enqueue_indirect_dma source(%arg11 : memref<128x128xf32, #tpu.memory_space<vmem>>) target(%dma_start3A_111 : memref<10240x128xf32, #tpu.memory_space<vmem_shared>>) offsets(%dma_start3A_108 : memref<128xi32, #tpu.memory_space<vmem>>) semaphore(%arg17 : memref<!tpu.dma_semaphore, #tpu.memory_space<semaphore_mem>>) {add = true}
    %dma_wait3A_112 = arith.constant 1 : i32
    %dma_wait3A_113 = arith.constant 0 : i32
    %dma_wait3A_114 = tpu.memref_slice %arg6[%dma_wait3A_112, %dma_wait3A_113] : memref<2x128xi32, #tpu.memory_space<vmem>> -> memref<1x128xi32, #tpu.memory_space<vmem>>
    %dma_wait3A_115 = tpu.memref_squeeze %dma_wait3A_114 : memref<1x128xi32, #tpu.memory_space<vmem>> -> memref<128xi32, #tpu.memory_space<vmem>>
    %dma_wait3A_116 = arith.constant 0 : i32
    %dma_wait3A_117 = arith.constant 0 : i32
    %dma_wait3A_118 = tpu.memref_slice %arg5[%dma_wait3A_116, %dma_wait3A_117] : memref<10240x128xf32, #tpu.memory_space<vmem_shared>> -> memref<10240x128xf32, #tpu.memory_space<vmem_shared>>
    tpu.wait_indirect_dma semaphore(%arg16 : memref<!tpu.dma_semaphore, #tpu.memory_space<semaphore_mem>>) src(%arg10 : memref<128x128xf32, #tpu.memory_space<vmem>>) dst(%dma_wait3A_118 : memref<10240x128xf32, #tpu.memory_space<vmem_shared>>)
    %dma_wait3A_119 = arith.constant 1 : i32
    %dma_wait3A_120 = arith.constant 0 : i32
    %dma_wait3A_121 = tpu.memref_slice %arg7[%dma_wait3A_119, %dma_wait3A_120] : memref<2x128xi32, #tpu.memory_space<vmem>> -> memref<1x128xi32, #tpu.memory_space<vmem>>
    %dma_wait3A_122 = tpu.memref_squeeze %dma_wait3A_121 : memref<1x128xi32, #tpu.memory_space<vmem>> -> memref<128xi32, #tpu.memory_space<vmem>>
    %dma_wait3A_123 = arith.constant 0 : i32
    %dma_wait3A_124 = arith.constant 0 : i32
    %dma_wait3A_125 = tpu.memref_slice %arg5[%dma_wait3A_123, %dma_wait3A_124] : memref<10240x128xf32, #tpu.memory_space<vmem_shared>> -> memref<10240x128xf32, #tpu.memory_space<vmem_shared>>
    tpu.wait_indirect_dma semaphore(%arg17 : memref<!tpu.dma_semaphore, #tpu.memory_space<semaphore_mem>>) src(%arg11 : memref<128x128xf32, #tpu.memory_space<vmem>>) dst(%dma_wait3A_125 : memref<10240x128xf32, #tpu.memory_space<vmem_shared>>)
    %lt3A = arith.constant 4 : i32
    %lt3A_126 = arith.cmpi slt, %add3A, %lt3A : i32
    %convert_element_type3A = arith.extui %lt3A_126 : i1 to i32
    %cond3A = arith.constant 0 : i32
    %cond3A_127 = arith.cmpi ne, %convert_element_type3A, %cond3A : i32
    scf.if %cond3A_127 {
      %add3A_133 = arith.constant 2496 : i32
      %add3A_134 = arith.addi %add3A_133, %add3A : i32
      "tpu.region"() ({
        %run_scoped3A_136 = tpu.sem_alloc : memref<!tpu.dma_semaphore, #tpu.memory_space<semaphore_mem>>
        %dma_start3A_137 = arith.constant 0 : i32
        %dma_start3A_138 = arith.constant 0 : i32
        %dma_start3A_139 = tpu.memref_slice %arg3[%add3A_134, %dma_start3A_137, %dma_start3A_138] : memref<2500x2x128xi32, #tpu.memory_space<hbm>> -> memref<1x2x128xi32, #tpu.memory_space<hbm>>
        %dma_start3A_140 = tpu.memref_squeeze %dma_start3A_139 : memref<1x2x128xi32, #tpu.memory_space<hbm>> -> memref<2x128xi32, #tpu.memory_space<hbm>>
        %dma_start3A_141 = arith.constant 0 : i32
        %dma_start3A_142 = arith.constant 0 : i32
        %dma_start3A_143 = tpu.memref_slice %arg3[%add3A_134, %dma_start3A_141, %dma_start3A_142] : memref<2500x2x128xi32, #tpu.memory_space<hbm>> -> memref<1x2x128xi32, #tpu.memory_space<hbm>>
        %dma_start3A_144 = tpu.memref_squeeze %dma_start3A_143 : memref<1x2x128xi32, #tpu.memory_space<hbm>> -> memref<2x128xi32, #tpu.memory_space<hbm>>
        tpu.enqueue_dma source(%dma_start3A_144 : memref<2x128xi32, #tpu.memory_space<hbm>>) target(%arg6 : memref<2x128xi32, #tpu.memory_space<vmem>>) target_semaphore(%run_scoped3A_136 : memref<!tpu.dma_semaphore, #tpu.memory_space<semaphore_mem>>)
        %dma_wait3A_145 = arith.constant 0 : i32
        %dma_wait3A_146 = arith.constant 0 : i32
        %dma_wait3A_147 = tpu.memref_slice %arg3[%add3A_134, %dma_wait3A_145, %dma_wait3A_146] : memref<2500x2x128xi32, #tpu.memory_space<hbm>> -> memref<1x2x128xi32, #tpu.memory_space<hbm>>
        %dma_wait3A_148 = tpu.memref_squeeze %dma_wait3A_147 : memref<1x2x128xi32, #tpu.memory_space<hbm>> -> memref<2x128xi32, #tpu.memory_space<hbm>>
        %dma_wait3A_149 = arith.constant 0 : i32
        %dma_wait3A_150 = arith.constant 0 : i32
        %dma_wait3A_151 = tpu.memref_slice %arg3[%add3A_134, %dma_wait3A_149, %dma_wait3A_150] : memref<2500x2x128xi32, #tpu.memory_space<hbm>> -> memref<1x2x128xi32, #tpu.memory_space<hbm>>
        %dma_wait3A_152 = tpu.memref_squeeze %dma_wait3A_151 : memref<1x2x128xi32, #tpu.memory_space<hbm>> -> memref<2x128xi32, #tpu.memory_space<hbm>>
        tpu.wait_dma2 semaphore(%run_scoped3A_136 : memref<!tpu.dma_semaphore, #tpu.memory_space<semaphore_mem>>) src(%dma_wait3A_152 : memref<2x128xi32, #tpu.memory_space<hbm>>) dst(%arg6 : memref<2x128xi32, #tpu.memory_space<vmem>>)
        tpu.yield
      }) : () -> ()
      %run_scoped3A = arith.constant 0 : i32
      "tpu.region"() ({
        %run_scoped3A_136 = tpu.sem_alloc : memref<!tpu.dma_semaphore, #tpu.memory_space<semaphore_mem>>
        %dma_start3A_137 = arith.constant 0 : i32
        %dma_start3A_138 = tpu.memref_slice %arg6[%run_scoped3A, %dma_start3A_137] : memref<2x128xi32, #tpu.memory_space<vmem>> -> memref<1x128xi32, #tpu.memory_space<vmem>>
        %dma_start3A_139 = tpu.memref_squeeze %dma_start3A_138 : memref<1x128xi32, #tpu.memory_space<vmem>> -> memref<128xi32, #tpu.memory_space<vmem>>
        %dma_start3A_140 = arith.constant 0 : i32
        %dma_start3A_141 = arith.constant 0 : i32
        %dma_start3A_142 = tpu.memref_slice %arg2[%dma_start3A_140, %dma_start3A_141] : memref<10000x128xf32, #tpu.memory_space<hbm>> -> memref<10000x128xf32, #tpu.memory_space<hbm>>
        tpu.enqueue_indirect_dma source(%dma_start3A_142 : memref<10000x128xf32, #tpu.memory_space<hbm>>) target(%arg10 : memref<128x128xf32, #tpu.memory_space<vmem>>) offsets(%dma_start3A_139 : memref<128xi32, #tpu.memory_space<vmem>>) semaphore(%run_scoped3A_136 : memref<!tpu.dma_semaphore, #tpu.memory_space<semaphore_mem>>)
        %dma_wait3A_143 = arith.constant 0 : i32
        %dma_wait3A_144 = tpu.memref_slice %arg6[%run_scoped3A, %dma_wait3A_143] : memref<2x128xi32, #tpu.memory_space<vmem>> -> memref<1x128xi32, #tpu.memory_space<vmem>>
        %dma_wait3A_145 = tpu.memref_squeeze %dma_wait3A_144 : memref<1x128xi32, #tpu.memory_space<vmem>> -> memref<128xi32, #tpu.memory_space<vmem>>
        %dma_wait3A_146 = arith.constant 0 : i32
        %dma_wait3A_147 = arith.constant 0 : i32
        %dma_wait3A_148 = tpu.memref_slice %arg2[%dma_wait3A_146, %dma_wait3A_147] : memref<10000x128xf32, #tpu.memory_space<hbm>> -> memref<10000x128xf32, #tpu.memory_space<hbm>>
        tpu.wait_indirect_dma semaphore(%run_scoped3A_136 : memref<!tpu.dma_semaphore, #tpu.memory_space<semaphore_mem>>) src(%dma_wait3A_148 : memref<10000x128xf32, #tpu.memory_space<hbm>>) dst(%arg10 : memref<128x128xf32, #tpu.memory_space<vmem>>)
        tpu.yield
      }) : () -> ()
      %run_scoped3A_135 = arith.constant 1 : i32
      "tpu.region"() ({
        %run_scoped3A_136 = tpu.sem_alloc : memref<!tpu.dma_semaphore, #tpu.memory_space<semaphore_mem>>
        %dma_start3A_137 = arith.constant 0 : i32
        %dma_start3A_138 = tpu.memref_slice %arg6[%run_scoped3A_135, %dma_start3A_137] : memref<2x128xi32, #tpu.memory_space<vmem>> -> memref<1x128xi32, #tpu.memory_space<vmem>>
        %dma_start3A_139 = tpu.memref_squeeze %dma_start3A_138 : memref<1x128xi32, #tpu.memory_space<vmem>> -> memref<128xi32, #tpu.memory_space<vmem>>
        %dma_start3A_140 = arith.constant 0 : i32
        %dma_start3A_141 = arith.constant 0 : i32
        %dma_start3A_142 = tpu.memref_slice %arg5[%dma_start3A_140, %dma_start3A_141] : memref<10240x128xf32, #tpu.memory_space<vmem_shared>> -> memref<10240x128xf32, #tpu.memory_space<vmem_shared>>
        tpu.enqueue_indirect_dma source(%arg10 : memref<128x128xf32, #tpu.memory_space<vmem>>) target(%dma_start3A_142 : memref<10240x128xf32, #tpu.memory_space<vmem_shared>>) offsets(%dma_start3A_139 : memref<128xi32, #tpu.memory_space<vmem>>) semaphore(%run_scoped3A_136 : memref<!tpu.dma_semaphore, #tpu.memory_space<semaphore_mem>>) {add = true}
        %dma_wait3A_143 = arith.constant 0 : i32
        %dma_wait3A_144 = tpu.memref_slice %arg6[%run_scoped3A_135, %dma_wait3A_143] : memref<2x128xi32, #tpu.memory_space<vmem>> -> memref<1x128xi32, #tpu.memory_space<vmem>>
        %dma_wait3A_145 = tpu.memref_squeeze %dma_wait3A_144 : memref<1x128xi32, #tpu.memory_space<vmem>> -> memref<128xi32, #tpu.memory_space<vmem>>
        %dma_wait3A_146 = arith.constant 0 : i32
        %dma_wait3A_147 = arith.constant 0 : i32
        %dma_wait3A_148 = tpu.memref_slice %arg5[%dma_wait3A_146, %dma_wait3A_147] : memref<10240x128xf32, #tpu.memory_space<vmem_shared>> -> memref<10240x128xf32, #tpu.memory_space<vmem_shared>>
        tpu.wait_indirect_dma semaphore(%run_scoped3A_136 : memref<!tpu.dma_semaphore, #tpu.memory_space<semaphore_mem>>) src(%arg10 : memref<128x128xf32, #tpu.memory_space<vmem>>) dst(%dma_wait3A_148 : memref<10240x128xf32, #tpu.memory_space<vmem_shared>>)
        tpu.yield
      }) : () -> ()
    } else {
    }
    %barrier3A_128 = arith.constant 0 : index
    tpu.barrier barrier_id(%barrier3A_128)
    %mul3A_129 = arith.constant 640 : i32
    %mul3A_130 = arith.muli %arg1, %mul3A_129 : i32
    %mul3A_131 = arith.constant 640 : i32
    %mul3A_132 = arith.muli %arg1, %mul3A_131 : i32
    "tpu.region"() ({
      %run_scoped3A = tpu.sem_alloc : memref<!tpu.dma_semaphore, #tpu.memory_space<semaphore_mem>>
      %dma_start3A_133 = arith.constant 0 : i32
      %dma_start3A_134 = tpu.memref_slice %arg4[%arg0, %mul3A_132, %dma_start3A_133] : memref<2x10240x128xf32, #tpu.memory_space<hbm>> -> memref<1x640x128xf32, #tpu.memory_space<hbm>>
      %dma_start3A_135 = tpu.memref_squeeze %dma_start3A_134 : memref<1x640x128xf32, #tpu.memory_space<hbm>> -> memref<640x128xf32, #tpu.memory_space<hbm>>
      %dma_start3A_136 = arith.constant 0 : i32
      %dma_start3A_137 = tpu.memref_slice %arg5[%mul3A_130, %dma_start3A_136] : memref<10240x128xf32, #tpu.memory_space<vmem_shared>> -> memref<640x128xf32, #tpu.memory_space<vmem_shared>>
      tpu.enqueue_dma source(%dma_start3A_137 : memref<640x128xf32, #tpu.memory_space<vmem_shared>>) target(%dma_start3A_135 : memref<640x128xf32, #tpu.memory_space<hbm>>) target_semaphore(%run_scoped3A : memref<!tpu.dma_semaphore, #tpu.memory_space<semaphore_mem>>)
      %dma_wait3A_138 = arith.constant 0 : i32
      %dma_wait3A_139 = tpu.memref_slice %arg4[%arg0, %mul3A_132, %dma_wait3A_138] : memref<2x10240x128xf32, #tpu.memory_space<hbm>> -> memref<1x640x128xf32, #tpu.memory_space<hbm>>
      %dma_wait3A_140 = tpu.memref_squeeze %dma_wait3A_139 : memref<1x640x128xf32, #tpu.memory_space<hbm>> -> memref<640x128xf32, #tpu.memory_space<hbm>>
      %dma_wait3A_141 = arith.constant 0 : i32
      %dma_wait3A_142 = tpu.memref_slice %arg5[%mul3A_130, %dma_wait3A_141] : memref<10240x128xf32, #tpu.memory_space<vmem_shared>> -> memref<640x128xf32, #tpu.memory_space<vmem_shared>>
      tpu.wait_dma2 semaphore(%run_scoped3A : memref<!tpu.dma_semaphore, #tpu.memory_space<semaphore_mem>>) src(%dma_wait3A_142 : memref<640x128xf32, #tpu.memory_space<vmem_shared>>) dst(%dma_wait3A_140 : memref<640x128xf32, #tpu.memory_space<hbm>>)
      tpu.yield
    }) : () -> ()
    return
  }
}

#map = affine_map<(d0, d1) -> (0)>
module attributes {stable_mosaic.version = 14 : i64} {
  func.func @deg_kernel(%arg0: i32, %arg1: i32, %arg2: memref<320000xi32, #tpu.memory_space<hbm>>, %arg3: memref<320000xi32, #tpu.memory_space<hbm>>, %arg4: memref<10240xf32, #tpu.memory_space<hbm>>, %arg5: memref<10240xf32, #tpu.memory_space<hbm>>, %arg6: memref<10240xf32, #tpu.memory_space<vmem_shared>>, %arg7: memref<1x800xi32, #tpu.memory_space<vmem>>, %arg8: memref<1x800xf32, #tpu.memory_space<vmem>>) attributes {dimension_semantics = [#tpu.dimension_semantics<core_parallel>, #tpu.dimension_semantics<subcore_parallel>], iteration_bounds = array<i64: 2, 16>, scalar_prefetch = 0 : i64, scratch_operands = 3 : i64, tpu.core_type = #tpu.core_type<sc_vector_subcore>, window_params = [{transform_indices = #map}, {transform_indices = #map}, {transform_indices = #map}, {transform_indices = #map}]} {
    %scan3A = arith.constant 0 : i32
    %scan3A_0 = arith.constant 50 : i32
    %scan3A_1 = arith.addi %scan3A, %scan3A_0 : i32
    %scan3A_2 = arith.constant 1 : i32
    scf.for %scan3A_23 = %scan3A to %scan3A_1 step %scan3A_2  : i32 {
      %mul3A_24 = arith.constant 1 : i32
      %mul3A_25 = arith.muli %scan3A_23, %mul3A_24 : i32
      %add3A = arith.constant 0 : i32
      %add3A_26 = arith.addi %add3A, %mul3A_25 : i32
      %broadcast_in_dim3A = arith.constant 0.000000e+00 : f32
      %broadcast_in_dim3A_27 = vector.broadcast %broadcast_in_dim3A : f32 to vector<16xf32>
      %mul3A_28 = arith.constant 16 : i32
      %mul3A_29 = arith.muli %add3A_26, %mul3A_28 : i32
      %swap3A = arith.constant 0 : i32
      %swap3A_30 = arith.index_cast %swap3A : i32 to index
      %swap3A_31 = arith.index_cast %mul3A_29 : i32 to index
      %swap3A_32 = tpu.vector_load %arg8[%swap3A_30, %swap3A_31] {strides = array<i32>} : memref<1x800xf32, #tpu.memory_space<vmem>>, vector<1x16xf32>,
      %swap3A_33 = vector.shape_cast %swap3A_32 : vector<1x16xf32> to vector<16xf32>
      %swap3A_34 = vector.shape_cast %broadcast_in_dim3A_27 : vector<16xf32> to vector<1x16xf32>
      tpu.vector_store %arg8[%swap3A_30, %swap3A_31], %swap3A_34 {strides = array<i32>} : memref<1x800xf32, #tpu.memory_space<vmem>>, vector<1x16xf32>,
    }
    %scan3A_3 = arith.constant 50 : i32
    %mul3A = arith.constant 640 : i32
    %mul3A_4 = arith.muli %arg1, %mul3A : i32
    %run_scoped3A = arith.constant 0 : i32
    "tpu.region"() ({
      %run_scoped3A_23 = tpu.sem_alloc : memref<!tpu.dma_semaphore, #tpu.memory_space<semaphore_mem>>
      %dma_start3A = arith.constant 0 : i32
      %dma_start3A_24 = tpu.memref_slice %arg8[%run_scoped3A, %dma_start3A] : memref<1x800xf32, #tpu.memory_space<vmem>> -> memref<1x640xf32, #tpu.memory_space<vmem>>
      %dma_start3A_25 = tpu.memref_squeeze %dma_start3A_24 : memref<1x640xf32, #tpu.memory_space<vmem>> -> memref<640xf32, #tpu.memory_space<vmem>>
      %dma_start3A_26 = tpu.memref_slice %arg6[%mul3A_4] : memref<10240xf32, #tpu.memory_space<vmem_shared>> -> memref<640xf32, #tpu.memory_space<vmem_shared>>
      %dma_start3A_27 = tpu.memref_slice %arg6[%mul3A_4] : memref<10240xf32, #tpu.memory_space<vmem_shared>> -> memref<640xf32, #tpu.memory_space<vmem_shared>>
      %dma_start3A_28 = arith.constant 0 : i32
      %dma_start3A_29 = tpu.memref_slice %arg8[%run_scoped3A, %dma_start3A_28] : memref<1x800xf32, #tpu.memory_space<vmem>> -> memref<1x640xf32, #tpu.memory_space<vmem>>
      %dma_start3A_30 = tpu.memref_squeeze %dma_start3A_29 : memref<1x640xf32, #tpu.memory_space<vmem>> -> memref<640xf32, #tpu.memory_space<vmem>>
      tpu.enqueue_dma source(%dma_start3A_30 : memref<640xf32, #tpu.memory_space<vmem>>) target(%dma_start3A_27 : memref<640xf32, #tpu.memory_space<vmem_shared>>) target_semaphore(%run_scoped3A_23 : memref<!tpu.dma_semaphore, #tpu.memory_space<semaphore_mem>>)
      %dma_wait3A = arith.constant 0 : i32
      %dma_wait3A_31 = tpu.memref_slice %arg8[%run_scoped3A, %dma_wait3A] : memref<1x800xf32, #tpu.memory_space<vmem>> -> memref<1x640xf32, #tpu.memory_space<vmem>>
      %dma_wait3A_32 = tpu.memref_squeeze %dma_wait3A_31 : memref<1x640xf32, #tpu.memory_space<vmem>> -> memref<640xf32, #tpu.memory_space<vmem>>
      %dma_wait3A_33 = tpu.memref_slice %arg6[%mul3A_4] : memref<10240xf32, #tpu.memory_space<vmem_shared>> -> memref<640xf32, #tpu.memory_space<vmem_shared>>
      %dma_wait3A_34 = tpu.memref_slice %arg6[%mul3A_4] : memref<10240xf32, #tpu.memory_space<vmem_shared>> -> memref<640xf32, #tpu.memory_space<vmem_shared>>
      %dma_wait3A_35 = arith.constant 0 : i32
      %dma_wait3A_36 = tpu.memref_slice %arg8[%run_scoped3A, %dma_wait3A_35] : memref<1x800xf32, #tpu.memory_space<vmem>> -> memref<1x640xf32, #tpu.memory_space<vmem>>
      %dma_wait3A_37 = tpu.memref_squeeze %dma_wait3A_36 : memref<1x640xf32, #tpu.memory_space<vmem>> -> memref<640xf32, #tpu.memory_space<vmem>>
      tpu.wait_dma2 semaphore(%run_scoped3A_23 : memref<!tpu.dma_semaphore, #tpu.memory_space<semaphore_mem>>) src(%dma_wait3A_37 : memref<640xf32, #tpu.memory_space<vmem>>) dst(%dma_wait3A_34 : memref<640xf32, #tpu.memory_space<vmem_shared>>)
      tpu.yield
    }) : () -> ()
    %barrier3A = arith.constant 0 : index
    tpu.barrier barrier_id(%barrier3A)
    %scan3A_5 = arith.constant 0 : i32
    %scan3A_6 = arith.constant 50 : i32
    %scan3A_7 = arith.addi %scan3A_5, %scan3A_6 : i32
    %scan3A_8 = arith.constant 1 : i32
    scf.for %scan3A_23 = %scan3A_5 to %scan3A_7 step %scan3A_8  : i32 {
      %mul3A_24 = arith.constant 1 : i32
      %mul3A_25 = arith.muli %scan3A_23, %mul3A_24 : i32
      %add3A = arith.constant 0 : i32
      %add3A_26 = arith.addi %add3A, %mul3A_25 : i32
      %broadcast_in_dim3A = arith.constant 1.000000e+00 : f32
      %broadcast_in_dim3A_27 = vector.broadcast %broadcast_in_dim3A : f32 to vector<16xf32>
      %mul3A_28 = arith.constant 16 : i32
      %mul3A_29 = arith.muli %add3A_26, %mul3A_28 : i32
      %swap3A = arith.constant 0 : i32
      %swap3A_30 = arith.index_cast %swap3A : i32 to index
      %swap3A_31 = arith.index_cast %mul3A_29 : i32 to index
      %swap3A_32 = tpu.vector_load %arg8[%swap3A_30, %swap3A_31] {strides = array<i32>} : memref<1x800xf32, #tpu.memory_space<vmem>>, vector<1x16xf32>,
      %swap3A_33 = vector.shape_cast %swap3A_32 : vector<1x16xf32> to vector<16xf32>
      %swap3A_34 = vector.shape_cast %broadcast_in_dim3A_27 : vector<16xf32> to vector<1x16xf32>
      tpu.vector_store %arg8[%swap3A_30, %swap3A_31], %swap3A_34 {strides = array<i32>} : memref<1x800xf32, #tpu.memory_space<vmem>>, vector<1x16xf32>,
    }
    %scan3A_9 = arith.constant 50 : i32
    %scan3A_10 = arith.constant 0 : i32
    %scan3A_11 = arith.constant 25 : i32
    %scan3A_12 = arith.addi %scan3A_10, %scan3A_11 : i32
    %scan3A_13 = arith.constant 1 : i32
    scf.for %scan3A_23 = %scan3A_10 to %scan3A_12 step %scan3A_13  : i32 {
      %mul3A_24 = arith.constant 1 : i32
      %mul3A_25 = arith.muli %scan3A_23, %mul3A_24 : i32
      %add3A = arith.constant 0 : i32
      %add3A_26 = arith.addi %add3A, %mul3A_25 : i32
      %mul3A_27 = arith.constant 20000 : i32
      %mul3A_28 = arith.muli %arg1, %mul3A_27 : i32
      %mul3A_29 = arith.constant 800 : i32
      %mul3A_30 = arith.muli %add3A_26, %mul3A_29 : i32
      %add3A_31 = arith.addi %mul3A_28, %mul3A_30 : i32
      %eq3A_32 = arith.constant 0 : i32
      %eq3A_33 = arith.cmpi eq, %arg0, %eq3A_32 : i32
      %convert_element_type3A_34 = arith.extui %eq3A_33 : i1 to i32
      %cond3A_35 = arith.constant 0 : i32
      %cond3A_36 = arith.cmpi ne, %convert_element_type3A_34, %cond3A_35 : i32
      scf.if %cond3A_36 {
        %run_scoped3A_44 = arith.constant 0 : i32
        "tpu.region"() ({
          %run_scoped3A_45 = tpu.sem_alloc : memref<!tpu.dma_semaphore, #tpu.memory_space<semaphore_mem>>
          %dma_start3A = arith.constant 0 : i32
          %dma_start3A_46 = tpu.memref_slice %arg7[%run_scoped3A_44, %dma_start3A] : memref<1x800xi32, #tpu.memory_space<vmem>> -> memref<1x800xi32, #tpu.memory_space<vmem>>
          %dma_start3A_47 = tpu.memref_squeeze %dma_start3A_46 : memref<1x800xi32, #tpu.memory_space<vmem>> -> memref<800xi32, #tpu.memory_space<vmem>>
          %dma_start3A_48 = tpu.memref_slice %arg2[%add3A_31] : memref<320000xi32, #tpu.memory_space<hbm>> -> memref<800xi32, #tpu.memory_space<hbm>>
          %dma_start3A_49 = arith.constant 0 : i32
          %dma_start3A_50 = tpu.memref_slice %arg7[%run_scoped3A_44, %dma_start3A_49] : memref<1x800xi32, #tpu.memory_space<vmem>> -> memref<1x800xi32, #tpu.memory_space<vmem>>
          %dma_start3A_51 = tpu.memref_squeeze %dma_start3A_50 : memref<1x800xi32, #tpu.memory_space<vmem>> -> memref<800xi32, #tpu.memory_space<vmem>>
          %dma_start3A_52 = tpu.memref_slice %arg2[%add3A_31] : memref<320000xi32, #tpu.memory_space<hbm>> -> memref<800xi32, #tpu.memory_space<hbm>>
          tpu.enqueue_dma source(%dma_start3A_52 : memref<800xi32, #tpu.memory_space<hbm>>) target(%dma_start3A_51 : memref<800xi32, #tpu.memory_space<vmem>>) target_semaphore(%run_scoped3A_45 : memref<!tpu.dma_semaphore, #tpu.memory_space<semaphore_mem>>)
          %dma_wait3A = arith.constant 0 : i32
          %dma_wait3A_53 = tpu.memref_slice %arg7[%run_scoped3A_44, %dma_wait3A] : memref<1x800xi32, #tpu.memory_space<vmem>> -> memref<1x800xi32, #tpu.memory_space<vmem>>
          %dma_wait3A_54 = tpu.memref_squeeze %dma_wait3A_53 : memref<1x800xi32, #tpu.memory_space<vmem>> -> memref<800xi32, #tpu.memory_space<vmem>>
          %dma_wait3A_55 = tpu.memref_slice %arg2[%add3A_31] : memref<320000xi32, #tpu.memory_space<hbm>> -> memref<800xi32, #tpu.memory_space<hbm>>
          %dma_wait3A_56 = arith.constant 0 : i32
          %dma_wait3A_57 = tpu.memref_slice %arg7[%run_scoped3A_44, %dma_wait3A_56] : memref<1x800xi32, #tpu.memory_space<vmem>> -> memref<1x800xi32, #tpu.memory_space<vmem>>
          %dma_wait3A_58 = tpu.memref_squeeze %dma_wait3A_57 : memref<1x800xi32, #tpu.memory_space<vmem>> -> memref<800xi32, #tpu.memory_space<vmem>>
          %dma_wait3A_59 = tpu.memref_slice %arg2[%add3A_31] : memref<320000xi32, #tpu.memory_space<hbm>> -> memref<800xi32, #tpu.memory_space<hbm>>
          tpu.wait_dma2 semaphore(%run_scoped3A_45 : memref<!tpu.dma_semaphore, #tpu.memory_space<semaphore_mem>>) src(%dma_wait3A_59 : memref<800xi32, #tpu.memory_space<hbm>>) dst(%dma_wait3A_58 : memref<800xi32, #tpu.memory_space<vmem>>)
          tpu.yield
        }) : () -> ()
      } else {
      }
      %eq3A_37 = arith.constant 1 : i32
      %eq3A_38 = arith.cmpi eq, %arg0, %eq3A_37 : i32
      %convert_element_type3A_39 = arith.extui %eq3A_38 : i1 to i32
      %cond3A_40 = arith.constant 0 : i32
      %cond3A_41 = arith.cmpi ne, %convert_element_type3A_39, %cond3A_40 : i32
      scf.if %cond3A_41 {
        %run_scoped3A_44 = arith.constant 0 : i32
        "tpu.region"() ({
          %run_scoped3A_45 = tpu.sem_alloc : memref<!tpu.dma_semaphore, #tpu.memory_space<semaphore_mem>>
          %dma_start3A = arith.constant 0 : i32
          %dma_start3A_46 = tpu.memref_slice %arg7[%run_scoped3A_44, %dma_start3A] : memref<1x800xi32, #tpu.memory_space<vmem>> -> memref<1x800xi32, #tpu.memory_space<vmem>>
          %dma_start3A_47 = tpu.memref_squeeze %dma_start3A_46 : memref<1x800xi32, #tpu.memory_space<vmem>> -> memref<800xi32, #tpu.memory_space<vmem>>
          %dma_start3A_48 = tpu.memref_slice %arg3[%add3A_31] : memref<320000xi32, #tpu.memory_space<hbm>> -> memref<800xi32, #tpu.memory_space<hbm>>
          %dma_start3A_49 = arith.constant 0 : i32
          %dma_start3A_50 = tpu.memref_slice %arg7[%run_scoped3A_44, %dma_start3A_49] : memref<1x800xi32, #tpu.memory_space<vmem>> -> memref<1x800xi32, #tpu.memory_space<vmem>>
          %dma_start3A_51 = tpu.memref_squeeze %dma_start3A_50 : memref<1x800xi32, #tpu.memory_space<vmem>> -> memref<800xi32, #tpu.memory_space<vmem>>
          %dma_start3A_52 = tpu.memref_slice %arg3[%add3A_31] : memref<320000xi32, #tpu.memory_space<hbm>> -> memref<800xi32, #tpu.memory_space<hbm>>
          tpu.enqueue_dma source(%dma_start3A_52 : memref<800xi32, #tpu.memory_space<hbm>>) target(%dma_start3A_51 : memref<800xi32, #tpu.memory_space<vmem>>) target_semaphore(%run_scoped3A_45 : memref<!tpu.dma_semaphore, #tpu.memory_space<semaphore_mem>>)
          %dma_wait3A = arith.constant 0 : i32
          %dma_wait3A_53 = tpu.memref_slice %arg7[%run_scoped3A_44, %dma_wait3A] : memref<1x800xi32, #tpu.memory_space<vmem>> -> memref<1x800xi32, #tpu.memory_space<vmem>>
          %dma_wait3A_54 = tpu.memref_squeeze %dma_wait3A_53 : memref<1x800xi32, #tpu.memory_space<vmem>> -> memref<800xi32, #tpu.memory_space<vmem>>
          %dma_wait3A_55 = tpu.memref_slice %arg3[%add3A_31] : memref<320000xi32, #tpu.memory_space<hbm>> -> memref<800xi32, #tpu.memory_space<hbm>>
          %dma_wait3A_56 = arith.constant 0 : i32
          %dma_wait3A_57 = tpu.memref_slice %arg7[%run_scoped3A_44, %dma_wait3A_56] : memref<1x800xi32, #tpu.memory_space<vmem>> -> memref<1x800xi32, #tpu.memory_space<vmem>>
          %dma_wait3A_58 = tpu.memref_squeeze %dma_wait3A_57 : memref<1x800xi32, #tpu.memory_space<vmem>> -> memref<800xi32, #tpu.memory_space<vmem>>
          %dma_wait3A_59 = tpu.memref_slice %arg3[%add3A_31] : memref<320000xi32, #tpu.memory_space<hbm>> -> memref<800xi32, #tpu.memory_space<hbm>>
          tpu.wait_dma2 semaphore(%run_scoped3A_45 : memref<!tpu.dma_semaphore, #tpu.memory_space<semaphore_mem>>) src(%dma_wait3A_59 : memref<800xi32, #tpu.memory_space<hbm>>) dst(%dma_wait3A_58 : memref<800xi32, #tpu.memory_space<vmem>>)
          tpu.yield
        }) : () -> ()
      } else {
      }
      %run_scoped3A_42 = arith.constant 0 : i32
      %run_scoped3A_43 = arith.constant 0 : i32
      "tpu.region"() ({
        %run_scoped3A_44 = tpu.sem_alloc : memref<!tpu.dma_semaphore, #tpu.memory_space<semaphore_mem>>
        %dma_start3A = arith.constant 0 : i32
        %dma_start3A_45 = tpu.memref_slice %arg8[%run_scoped3A_42, %dma_start3A] : memref<1x800xf32, #tpu.memory_space<vmem>> -> memref<1x800xf32, #tpu.memory_space<vmem>>
        %dma_start3A_46 = tpu.memref_squeeze %dma_start3A_45 : memref<1x800xf32, #tpu.memory_space<vmem>> -> memref<800xf32, #tpu.memory_space<vmem>>
        %dma_start3A_47 = arith.constant 0 : i32
        %dma_start3A_48 = tpu.memref_slice %arg7[%run_scoped3A_43, %dma_start3A_47] : memref<1x800xi32, #tpu.memory_space<vmem>> -> memref<1x800xi32, #tpu.memory_space<vmem>>
        %dma_start3A_49 = tpu.memref_squeeze %dma_start3A_48 : memref<1x800xi32, #tpu.memory_space<vmem>> -> memref<800xi32, #tpu.memory_space<vmem>>
        %dma_start3A_50 = arith.constant 0 : i32
        %dma_start3A_51 = tpu.memref_slice %arg6[%dma_start3A_50] : memref<10240xf32, #tpu.memory_space<vmem_shared>> -> memref<10240xf32, #tpu.memory_space<vmem_shared>>
        tpu.enqueue_indirect_dma source(%dma_start3A_46 : memref<800xf32, #tpu.memory_space<vmem>>) target(%dma_start3A_51 : memref<10240xf32, #tpu.memory_space<vmem_shared>>) offsets(%dma_start3A_49 : memref<800xi32, #tpu.memory_space<vmem>>) semaphore(%run_scoped3A_44 : memref<!tpu.dma_semaphore, #tpu.memory_space<semaphore_mem>>) {add = true}
        %dma_wait3A = arith.constant 0 : i32
        %dma_wait3A_52 = tpu.memref_slice %arg8[%run_scoped3A_42, %dma_wait3A] : memref<1x800xf32, #tpu.memory_space<vmem>> -> memref<1x800xf32, #tpu.memory_space<vmem>>
        %dma_wait3A_53 = tpu.memref_squeeze %dma_wait3A_52 : memref<1x800xf32, #tpu.memory_space<vmem>> -> memref<800xf32, #tpu.memory_space<vmem>>
        %dma_wait3A_54 = arith.constant 0 : i32
        %dma_wait3A_55 = tpu.memref_slice %arg7[%run_scoped3A_43, %dma_wait3A_54] : memref<1x800xi32, #tpu.memory_space<vmem>> -> memref<1x800xi32, #tpu.memory_space<vmem>>
        %dma_wait3A_56 = tpu.memref_squeeze %dma_wait3A_55 : memref<1x800xi32, #tpu.memory_space<vmem>> -> memref<800xi32, #tpu.memory_space<vmem>>
        %dma_wait3A_57 = arith.constant 0 : i32
        %dma_wait3A_58 = tpu.memref_slice %arg6[%dma_wait3A_57] : memref<10240xf32, #tpu.memory_space<vmem_shared>> -> memref<10240xf32, #tpu.memory_space<vmem_shared>>
        tpu.wait_indirect_dma semaphore(%run_scoped3A_44 : memref<!tpu.dma_semaphore, #tpu.memory_space<semaphore_mem>>) src(%dma_wait3A_53 : memref<800xf32, #tpu.memory_space<vmem>>) dst(%dma_wait3A_58 : memref<10240xf32, #tpu.memory_space<vmem_shared>>)
        tpu.yield
      }) : () -> ()
    }
    %scan3A_14 = arith.constant 25 : i32
    %barrier3A_15 = arith.constant 0 : index
    tpu.barrier barrier_id(%barrier3A_15)
    %eq3A = arith.constant 0 : i32
    %eq3A_16 = arith.cmpi eq, %arg0, %eq3A : i32
    %convert_element_type3A = arith.extui %eq3A_16 : i1 to i32
    %cond3A = arith.constant 0 : i32
    %cond3A_17 = arith.cmpi ne, %convert_element_type3A, %cond3A : i32
    scf.if %cond3A_17 {
      %mul3A_23 = arith.constant 640 : i32
      %mul3A_24 = arith.muli %arg1, %mul3A_23 : i32
      %mul3A_25 = arith.constant 640 : i32
      %mul3A_26 = arith.muli %arg1, %mul3A_25 : i32
      "tpu.region"() ({
        %run_scoped3A_27 = tpu.sem_alloc : memref<!tpu.dma_semaphore, #tpu.memory_space<semaphore_mem>>
        %dma_start3A = tpu.memref_slice %arg4[%mul3A_26] : memref<10240xf32, #tpu.memory_space<hbm>> -> memref<640xf32, #tpu.memory_space<hbm>>
        %dma_start3A_28 = tpu.memref_slice %arg6[%mul3A_24] : memref<10240xf32, #tpu.memory_space<vmem_shared>> -> memref<640xf32, #tpu.memory_space<vmem_shared>>
        tpu.enqueue_dma source(%dma_start3A_28 : memref<640xf32, #tpu.memory_space<vmem_shared>>) target(%dma_start3A : memref<640xf32, #tpu.memory_space<hbm>>) target_semaphore(%run_scoped3A_27 : memref<!tpu.dma_semaphore, #tpu.memory_space<semaphore_mem>>)
        %dma_wait3A = tpu.memref_slice %arg4[%mul3A_26] : memref<10240xf32, #tpu.memory_space<hbm>> -> memref<640xf32, #tpu.memory_space<hbm>>
        %dma_wait3A_29 = tpu.memref_slice %arg6[%mul3A_24] : memref<10240xf32, #tpu.memory_space<vmem_shared>> -> memref<640xf32, #tpu.memory_space<vmem_shared>>
        tpu.wait_dma2 semaphore(%run_scoped3A_27 : memref<!tpu.dma_semaphore, #tpu.memory_space<semaphore_mem>>) src(%dma_wait3A_29 : memref<640xf32, #tpu.memory_space<vmem_shared>>) dst(%dma_wait3A : memref<640xf32, #tpu.memory_space<hbm>>)
        tpu.yield
      }) : () -> ()
    } else {
    }
    %eq3A_18 = arith.constant 1 : i32
    %eq3A_19 = arith.cmpi eq, %arg0, %eq3A_18 : i32
    %convert_element_type3A_20 = arith.extui %eq3A_19 : i1 to i32
    %cond3A_21 = arith.constant 0 : i32
    %cond3A_22 = arith.cmpi ne, %convert_element_type3A_20, %cond3A_21 : i32
    scf.if %cond3A_22 {
      %mul3A_23 = arith.constant 640 : i32
      %mul3A_24 = arith.muli %arg1, %mul3A_23 : i32
      %mul3A_25 = arith.constant 640 : i32
      %mul3A_26 = arith.muli %arg1, %mul3A_25 : i32
      "tpu.region"() ({
        %run_scoped3A_27 = tpu.sem_alloc : memref<!tpu.dma_semaphore, #tpu.memory_space<semaphore_mem>>
        %dma_start3A = tpu.memref_slice %arg5[%mul3A_26] : memref<10240xf32, #tpu.memory_space<hbm>> -> memref<640xf32, #tpu.memory_space<hbm>>
        %dma_start3A_28 = tpu.memref_slice %arg6[%mul3A_24] : memref<10240xf32, #tpu.memory_space<vmem_shared>> -> memref<640xf32, #tpu.memory_space<vmem_shared>>
        tpu.enqueue_dma source(%dma_start3A_28 : memref<640xf32, #tpu.memory_space<vmem_shared>>) target(%dma_start3A : memref<640xf32, #tpu.memory_space<hbm>>) target_semaphore(%run_scoped3A_27 : memref<!tpu.dma_semaphore, #tpu.memory_space<semaphore_mem>>)
        %dma_wait3A = tpu.memref_slice %arg5[%mul3A_26] : memref<10240xf32, #tpu.memory_space<hbm>> -> memref<640xf32, #tpu.memory_space<hbm>>
        %dma_wait3A_29 = tpu.memref_slice %arg6[%mul3A_24] : memref<10240xf32, #tpu.memory_space<vmem_shared>> -> memref<640xf32, #tpu.memory_space<vmem_shared>>
        tpu.wait_dma2 semaphore(%run_scoped3A_27 : memref<!tpu.dma_semaphore, #tpu.memory_space<semaphore_mem>>) src(%dma_wait3A_29 : memref<640xf32, #tpu.memory_space<vmem_shared>>) dst(%dma_wait3A : memref<640xf32, #tpu.memory_space<hbm>>)
        tpu.yield
      }) : () -> ()
    } else {
    }
    return
  }
}

module attributes {stable_mosaic.version = 14 : i64} {
  func.func @_idx2_body(%arg0: memref<2500x128xi32, #tpu.memory_space<vmem>>, %arg1: memref<2500x128xi32, #tpu.memory_space<vmem>>, %arg2: memref<2500x2x128xi32, #tpu.memory_space<vmem>>) attributes {dimension_semantics = [], scalar_prefetch = 0 : i64, scratch_operands = 0 : i64, tpu.core_type = #tpu.core_type<tc>} {
    %get3A = arith.constant 0 : index
    %get3A_0 = arith.constant 0 : index
    %get3A_1 = vector.load %arg0[%get3A, %get3A_0] : memref<2500x128xi32, #tpu.memory_space<vmem>>, vector<2500x128xi32>
    %swap3A = arith.constant 0 : index
    %swap3A_2 = arith.constant 0 : index
    %swap3A_3 = arith.constant 0 : index
    %swap3A_4 = vector.load %arg2[%swap3A, %swap3A_2, %swap3A_3] : memref<2500x2x128xi32, #tpu.memory_space<vmem>>, vector<2500x1x128xi32>
    %swap3A_5 = vector.shape_cast %swap3A_4 : vector<2500x1x128xi32> to vector<2500x128xi32>
    %swap3A_6 = vector.shape_cast %get3A_1 : vector<2500x128xi32> to vector<2500x1x128xi32>
    tpu.vector_store %arg2[%swap3A, %swap3A_2, %swap3A_3], %swap3A_6 {strides = array<i32>} : memref<2500x2x128xi32, #tpu.memory_space<vmem>>, vector<2500x1x128xi32>,
    %get3A_7 = arith.constant 0 : index
    %get3A_8 = arith.constant 0 : index
    %get3A_9 = vector.load %arg1[%get3A_7, %get3A_8] : memref<2500x128xi32, #tpu.memory_space<vmem>>, vector<2500x128xi32>
    %swap3A_10 = arith.constant 0 : index
    %swap3A_11 = arith.constant 1 : index
    %swap3A_12 = arith.constant 0 : index
    %swap3A_13 = vector.load %arg2[%swap3A_10, %swap3A_11, %swap3A_12] : memref<2500x2x128xi32, #tpu.memory_space<vmem>>, vector<2500x1x128xi32>
    %swap3A_14 = vector.shape_cast %swap3A_13 : vector<2500x1x128xi32> to vector<2500x128xi32>
    %swap3A_15 = vector.shape_cast %get3A_9 : vector<2500x128xi32> to vector<2500x1x128xi32>
    tpu.vector_store %arg2[%swap3A_10, %swap3A_11, %swap3A_12], %swap3A_15 {strides = array<i32>} : memref<2500x2x128xi32, #tpu.memory_space<vmem>>, vector<2500x1x128xi32>,
    return
  }
}

module attributes {stable_mosaic.version = 14 : i64} {
  func.func @_pool_body(%arg0: memref<10000x384xf32, #tpu.memory_space<vmem>>, %arg1: memref<1x384xf32, #tpu.memory_space<vmem>>) attributes {dimension_semantics = [], scalar_prefetch = 0 : i64, scratch_operands = 0 : i64, tpu.core_type = #tpu.core_type<tc>} {
    %get3A = arith.constant 0 : index
    %get3A_0 = arith.constant 0 : index
    %get3A_1 = vector.load %arg0[%get3A, %get3A_0] : memref<10000x384xf32, #tpu.memory_space<vmem>>, vector<10000x384xf32>
    %reduce_sum3A = arith.constant dense<0.000000e+00> : vector<384xf32>
    %reduce_sum3A_2 = vector.multi_reduction <add>, %get3A_1, %reduce_sum3A [0] : vector<10000x384xf32> to vector<384xf32>
    %broadcast_in_dim3A = vector.shape_cast %reduce_sum3A_2 : vector<384xf32> to vector<1x384xf32>
    %div3A = arith.constant 1.000000e+04 : f32
    %div3A_3 = vector.broadcast %div3A : f32 to vector<1x384xf32>
    %div3A_4 = arith.divf %broadcast_in_dim3A, %div3A_3 : vector<1x384xf32>
    %swap3A = arith.constant 0 : index
    %swap3A_5 = arith.constant 0 : index
    %swap3A_6 = vector.load %arg1[%swap3A, %swap3A_5] : memref<1x384xf32, #tpu.memory_space<vmem>>, vector<1x384xf32>
    tpu.vector_store %arg1[%swap3A, %swap3A_5], %div3A_4 {strides = array<i32>} : memref<1x384xf32, #tpu.memory_space<vmem>>, vector<1x384xf32>,
    return
  }
}

module attributes {stable_mosaic.version = 14 : i64} {
  func.func @_hyper_body(%arg0: i32, %arg1: i32, %arg2: memref<1x384xf32, #tpu.memory_space<vmem>>, %arg3: memref<1x384x2048xf32, #tpu.memory_space<vmem>>, %arg4: memref<1x1x2048xf32, #tpu.memory_space<vmem>>) attributes {dimension_semantics = [#tpu.dimension_semantics<arbitrary>, #tpu.dimension_semantics<arbitrary>], iteration_bounds = array<i64: 1, 8>, scalar_prefetch = 0 : i64, scratch_operands = 0 : i64, tpu.core_type = #tpu.core_type<tc>, window_params = [{pipeline_mode = #tpu.pipeline_mode<synchronous>, transform_indices = @transform_0, window_bounds = array<i64: 1, 384>}, {transform_indices = @transform_1, window_bounds = array<i64: 1, 384, 2048>}, {transform_indices = @transform_2, window_bounds = array<i64: 1, 1, 2048>}]} {
    %get3A = arith.constant 0 : index
    %get3A_0 = arith.constant 0 : index
    %get3A_1 = vector.load %arg2[%get3A, %get3A_0] : memref<1x384xf32, #tpu.memory_space<vmem>>, vector<1x384xf32>
    %get3A_2 = arith.constant 0 : index
    %get3A_3 = arith.constant 0 : index
    %get3A_4 = arith.constant 0 : index
    %get3A_5 = vector.load %arg3[%get3A_2, %get3A_3, %get3A_4] : memref<1x384x2048xf32, #tpu.memory_space<vmem>>, vector<1x384x2048xf32>
    %get3A_6 = vector.shape_cast %get3A_5 : vector<1x384x2048xf32> to vector<384x2048xf32>
    %dot_general3A = arith.constant dense<0.000000e+00> : vector<1x2048xf32>
    %dot_general3A_7 = tpu.matmul %get3A_1, %get3A_6, %dot_general3A {dimension_numbers = #tpu.dot_dimension_numbers<[1], [0], [0], [1], [0, 0, 1, 1], [], []>, transpose_lhs_hint = false} : vector<1x384xf32>, vector<384x2048xf32>, vector<1x2048xf32> -> vector<1x2048xf32>
    %swap3A = arith.constant 0 : index
    %swap3A_8 = arith.constant 0 : index
    %swap3A_9 = arith.constant 0 : index
    %swap3A_10 = vector.load %arg4[%swap3A, %swap3A_8, %swap3A_9] : memref<1x1x2048xf32, #tpu.memory_space<vmem>>, vector<1x1x2048xf32>
    %swap3A_11 = vector.shape_cast %swap3A_10 : vector<1x1x2048xf32> to vector<1x2048xf32>
    %swap3A_12 = vector.shape_cast %dot_general3A_7 : vector<1x2048xf32> to vector<1x1x2048xf32>
    tpu.vector_store %arg4[%swap3A, %swap3A_8, %swap3A_9], %swap3A_12 {strides = array<i32>} : memref<1x1x2048xf32, #tpu.memory_space<vmem>>, vector<1x1x2048xf32>,
    return
  }
  func.func @transform_0(%arg0: i32, %arg1: i32) -> (i32, i32) {
    %c0_i32 = arith.constant 0 : i32
    %c0_i32_0 = arith.constant 0 : i32
    %c0_i32_1 = arith.constant 0 : i32
    return %c0_i32, %c0_i32_0 : i32, i32
  }
  func.func @transform_1(%arg0: i32, %arg1: i32) -> (i32, i32, i32) {
    %add3A = arith.constant 0 : i32
    %add3A_0 = arith.addi %arg0, %add3A : i32
    %c0_i32 = arith.constant 0 : i32
    %c0_i32_1 = arith.constant 0 : i32
    return %add3A_0, %c0_i32, %arg1 : i32, i32, i32
  }
  func.func @transform_2(%arg0: i32, %arg1: i32) -> (i32, i32, i32) {
    %c0_i32 = arith.constant 0 : i32
    %c0_i32_0 = arith.constant 0 : i32
    return %arg0, %c0_i32, %arg1 : i32, i32, i32
  }
}

module attributes {stable_mosaic.version = 14 : i64} {
  func.func @_layer0_body(%arg0: i32, %arg1: memref<1000x128xf32, #tpu.memory_space<vmem>>, %arg2: memref<128x128xf32, #tpu.memory_space<vmem>>, %arg3: memref<1x128xf32, #tpu.memory_space<vmem>>, %arg4: memref<1000x1xf32, #tpu.memory_space<vmem>>, %arg5: memref<128x128xf32, #tpu.memory_space<vmem>>, %arg6: memref<1000x128xf32, #tpu.memory_space<vmem>>) attributes {dimension_semantics = [#tpu.dimension_semantics<arbitrary>], iteration_bounds = array<i64: 10>, scalar_prefetch = 0 : i64, scratch_operands = 0 : i64, tpu.core_type = #tpu.core_type<tc>, window_params = [{transform_indices = @transform_0, window_bounds = array<i64: 1000, 128>}, {pipeline_mode = #tpu.pipeline_mode<synchronous>, transform_indices = @transform_1, window_bounds = array<i64: 128, 128>}, {pipeline_mode = #tpu.pipeline_mode<synchronous>, transform_indices = @transform_2, window_bounds = array<i64: 1, 128>}, {transform_indices = @transform_3, window_bounds = array<i64: 1000, 1>}, {pipeline_mode = #tpu.pipeline_mode<synchronous>, transform_indices = @transform_4, window_bounds = array<i64: 128, 128>}, {transform_indices = @transform_5, window_bounds = array<i64: 1000, 128>}]} {
    %get3A = arith.constant 0 : index
    %get3A_0 = arith.constant 0 : index
    %get3A_1 = vector.load %arg1[%get3A, %get3A_0] : memref<1000x128xf32, #tpu.memory_space<vmem>>, vector<1000x128xf32>
    %get3A_2 = arith.constant 0 : index
    %get3A_3 = arith.constant 0 : index
    %get3A_4 = vector.load %arg2[%get3A_2, %get3A_3] : memref<128x128xf32, #tpu.memory_space<vmem>>, vector<128x128xf32>
    %dot_general3A = arith.constant dense<0.000000e+00> : vector<1000x128xf32>
    %dot_general3A_5 = tpu.matmul %get3A_1, %get3A_4, %dot_general3A {dimension_numbers = #tpu.dot_dimension_numbers<[1], [0], [0], [1], [0, 0, 1, 1], [], []>, transpose_lhs_hint = false} : vector<1000x128xf32>, vector<128x128xf32>, vector<1000x128xf32> -> vector<1000x128xf32>
    %get3A_6 = arith.constant 0 : index
    %get3A_7 = arith.constant 0 : index
    %get3A_8 = vector.load %arg3[%get3A_6, %get3A_7] : memref<1x128xf32, #tpu.memory_space<vmem>>, vector<1x128xf32>
    %add3A = vector.broadcast %get3A_8 : vector<1x128xf32> to vector<1000x128xf32>
    %add3A_9 = arith.addf %dot_general3A_5, %add3A : vector<1000x128xf32>
    %get3A_10 = arith.constant 0 : index
    %get3A_11 = arith.constant 0 : index
    %get3A_12 = vector.load %arg4[%get3A_10, %get3A_11] : memref<1000x1xf32, #tpu.memory_space<vmem>>, vector<1000x1xf32>
    %max3A = arith.constant 1.000000e+00 : f32
    %max3A_13 = vector.broadcast %max3A : f32 to vector<1000x1xf32>
    %max3A_14 = arith.maximumf %get3A_12, %max3A_13 : vector<1000x1xf32>
    %rsqrt3A = math.rsqrt %max3A_14 : vector<1000x1xf32>
    %mul3A = vector.broadcast %rsqrt3A : vector<1000x1xf32> to vector<1000x128xf32>
    %mul3A_15 = arith.mulf %add3A_9, %mul3A : vector<1000x128xf32>
    %get3A_16 = arith.constant 0 : index
    %get3A_17 = arith.constant 0 : index
    %get3A_18 = vector.load %arg5[%get3A_16, %get3A_17] : memref<128x128xf32, #tpu.memory_space<vmem>>, vector<128x128xf32>
    %dot_general3A_19 = arith.constant dense<0.000000e+00> : vector<1000x128xf32>
    %dot_general3A_20 = tpu.matmul %mul3A_15, %get3A_18, %dot_general3A_19 {dimension_numbers = #tpu.dot_dimension_numbers<[1], [0], [0], [1], [0, 0, 1, 1], [], []>, transpose_lhs_hint = false} : vector<1000x128xf32>, vector<128x128xf32>, vector<1000x128xf32> -> vector<1000x128xf32>
    %swap3A = arith.constant 0 : index
    %swap3A_21 = arith.constant 0 : index
    %swap3A_22 = vector.load %arg6[%swap3A, %swap3A_21] : memref<1000x128xf32, #tpu.memory_space<vmem>>, vector<1000x128xf32>
    tpu.vector_store %arg6[%swap3A, %swap3A_21], %dot_general3A_20 {strides = array<i32>} : memref<1000x128xf32, #tpu.memory_space<vmem>>, vector<1000x128xf32>,
    return
  }
  func.func @transform_0(%arg0: i32) -> (i32, i32) {
    %c0_i32 = arith.constant 0 : i32
    %c0_i32_0 = arith.constant 0 : i32
    return %arg0, %c0_i32 : i32, i32
  }
  func.func @transform_1(%arg0: i32) -> (i32, i32) {
    %c0_i32 = arith.constant 0 : i32
    %c0_i32_0 = arith.constant 0 : i32
    %c0_i32_1 = arith.constant 0 : i32
    return %c0_i32, %c0_i32_0 : i32, i32
  }
  func.func @transform_2(%arg0: i32) -> (i32, i32) {
    %c0_i32 = arith.constant 0 : i32
    %c0_i32_0 = arith.constant 0 : i32
    %c0_i32_1 = arith.constant 0 : i32
    return %c0_i32, %c0_i32_0 : i32, i32
  }
  func.func @transform_3(%arg0: i32) -> (i32, i32) {
    %c0_i32 = arith.constant 0 : i32
    %c0_i32_0 = arith.constant 0 : i32
    return %arg0, %c0_i32 : i32, i32
  }
  func.func @transform_4(%arg0: i32) -> (i32, i32) {
    %c0_i32 = arith.constant 0 : i32
    %c0_i32_0 = arith.constant 0 : i32
    %c0_i32_1 = arith.constant 0 : i32
    return %c0_i32, %c0_i32_0 : i32, i32
  }
  func.func @transform_5(%arg0: i32) -> (i32, i32) {
    %c0_i32 = arith.constant 0 : i32
    %c0_i32_0 = arith.constant 0 : i32
    return %arg0, %c0_i32 : i32, i32
  }
}

module attributes {stable_mosaic.version = 14 : i64} {
  func.func @_hyper_body(%arg0: i32, %arg1: i32, %arg2: memref<1x384xf32, #tpu.memory_space<vmem>>, %arg3: memref<1x384x2048xf32, #tpu.memory_space<vmem>>, %arg4: memref<1x1x2048xf32, #tpu.memory_space<vmem>>) attributes {dimension_semantics = [#tpu.dimension_semantics<arbitrary>, #tpu.dimension_semantics<arbitrary>], iteration_bounds = array<i64: 2, 8>, scalar_prefetch = 0 : i64, scratch_operands = 0 : i64, tpu.core_type = #tpu.core_type<tc>, window_params = [{pipeline_mode = #tpu.pipeline_mode<synchronous>, transform_indices = @transform_0, window_bounds = array<i64: 1, 384>}, {transform_indices = @transform_1, window_bounds = array<i64: 1, 384, 2048>}, {transform_indices = @transform_2, window_bounds = array<i64: 1, 1, 2048>}]} {
    %get3A = arith.constant 0 : index
    %get3A_0 = arith.constant 0 : index
    %get3A_1 = vector.load %arg2[%get3A, %get3A_0] : memref<1x384xf32, #tpu.memory_space<vmem>>, vector<1x384xf32>
    %get3A_2 = arith.constant 0 : index
    %get3A_3 = arith.constant 0 : index
    %get3A_4 = arith.constant 0 : index
    %get3A_5 = vector.load %arg3[%get3A_2, %get3A_3, %get3A_4] : memref<1x384x2048xf32, #tpu.memory_space<vmem>>, vector<1x384x2048xf32>
    %get3A_6 = vector.shape_cast %get3A_5 : vector<1x384x2048xf32> to vector<384x2048xf32>
    %dot_general3A = arith.constant dense<0.000000e+00> : vector<1x2048xf32>
    %dot_general3A_7 = tpu.matmul %get3A_1, %get3A_6, %dot_general3A {dimension_numbers = #tpu.dot_dimension_numbers<[1], [0], [0], [1], [0, 0, 1, 1], [], []>, transpose_lhs_hint = false} : vector<1x384xf32>, vector<384x2048xf32>, vector<1x2048xf32> -> vector<1x2048xf32>
    %swap3A = arith.constant 0 : index
    %swap3A_8 = arith.constant 0 : index
    %swap3A_9 = arith.constant 0 : index
    %swap3A_10 = vector.load %arg4[%swap3A, %swap3A_8, %swap3A_9] : memref<1x1x2048xf32, #tpu.memory_space<vmem>>, vector<1x1x2048xf32>
    %swap3A_11 = vector.shape_cast %swap3A_10 : vector<1x1x2048xf32> to vector<1x2048xf32>
    %swap3A_12 = vector.shape_cast %dot_general3A_7 : vector<1x2048xf32> to vector<1x1x2048xf32>
    tpu.vector_store %arg4[%swap3A, %swap3A_8, %swap3A_9], %swap3A_12 {strides = array<i32>} : memref<1x1x2048xf32, #tpu.memory_space<vmem>>, vector<1x1x2048xf32>,
    return
  }
  func.func @transform_0(%arg0: i32, %arg1: i32) -> (i32, i32) {
    %c0_i32 = arith.constant 0 : i32
    %c0_i32_0 = arith.constant 0 : i32
    %c0_i32_1 = arith.constant 0 : i32
    return %c0_i32, %c0_i32_0 : i32, i32
  }
  func.func @transform_1(%arg0: i32, %arg1: i32) -> (i32, i32, i32) {
    %add3A = arith.constant 1 : i32
    %add3A_0 = arith.addi %arg0, %add3A : i32
    %c0_i32 = arith.constant 0 : i32
    %c0_i32_1 = arith.constant 0 : i32
    return %add3A_0, %c0_i32, %arg1 : i32, i32, i32
  }
  func.func @transform_2(%arg0: i32, %arg1: i32) -> (i32, i32, i32) {
    %c0_i32 = arith.constant 0 : i32
    %c0_i32_0 = arith.constant 0 : i32
    return %arg0, %c0_i32, %arg1 : i32, i32, i32
  }
}

module attributes {stable_mosaic.version = 14 : i64} {
  func.func @_layermid_body(%arg0: i32, %arg1: memref<2x1000x128xf32, #tpu.memory_space<vmem>>, %arg2: memref<1000x1xf32, #tpu.memory_space<vmem>>, %arg3: memref<1000x1xf32, #tpu.memory_space<vmem>>, %arg4: memref<128x128xf32, #tpu.memory_space<vmem>>, %arg5: memref<1000x128xf32, #tpu.memory_space<vmem>>) attributes {dimension_semantics = [#tpu.dimension_semantics<arbitrary>], iteration_bounds = array<i64: 10>, scalar_prefetch = 0 : i64, scratch_operands = 0 : i64, tpu.core_type = #tpu.core_type<tc>, window_params = [{transform_indices = @transform_0, window_bounds = array<i64: 2, 1000, 128>}, {transform_indices = @transform_1, window_bounds = array<i64: 1000, 1>}, {transform_indices = @transform_2, window_bounds = array<i64: 1000, 1>}, {pipeline_mode = #tpu.pipeline_mode<synchronous>, transform_indices = @transform_3, window_bounds = array<i64: 128, 128>}, {transform_indices = @transform_4, window_bounds = array<i64: 1000, 128>}]} {
    %get3A = arith.constant 0 : index
    %get3A_0 = arith.constant 0 : index
    %get3A_1 = arith.constant 0 : index
    %get3A_2 = vector.load %arg1[%get3A, %get3A_0, %get3A_1] : memref<2x1000x128xf32, #tpu.memory_space<vmem>>, vector<1x1000x128xf32>
    %get3A_3 = vector.shape_cast %get3A_2 : vector<1x1000x128xf32> to vector<1000x128xf32>
    %get3A_4 = arith.constant 1 : index
    %get3A_5 = arith.constant 0 : index
    %get3A_6 = arith.constant 0 : index
    %get3A_7 = vector.load %arg1[%get3A_4, %get3A_5, %get3A_6] : memref<2x1000x128xf32, #tpu.memory_space<vmem>>, vector<1x1000x128xf32>
    %get3A_8 = vector.shape_cast %get3A_7 : vector<1x1000x128xf32> to vector<1000x128xf32>
    %add3A = arith.addf %get3A_3, %get3A_8 : vector<1000x128xf32>
    %get3A_9 = arith.constant 0 : index
    %get3A_10 = arith.constant 0 : index
    %get3A_11 = vector.load %arg3[%get3A_9, %get3A_10] : memref<1000x1xf32, #tpu.memory_space<vmem>>, vector<1000x1xf32>
    %max3A = arith.constant 1.000000e+00 : f32
    %max3A_12 = vector.broadcast %max3A : f32 to vector<1000x1xf32>
    %max3A_13 = arith.maximumf %get3A_11, %max3A_12 : vector<1000x1xf32>
    %rsqrt3A = math.rsqrt %max3A_13 : vector<1000x1xf32>
    %get3A_14 = arith.constant 0 : index
    %get3A_15 = arith.constant 0 : index
    %get3A_16 = vector.load %arg2[%get3A_14, %get3A_15] : memref<1000x1xf32, #tpu.memory_space<vmem>>, vector<1000x1xf32>
    %max3A_17 = arith.constant 1.000000e+00 : f32
    %max3A_18 = vector.broadcast %max3A_17 : f32 to vector<1000x1xf32>
    %max3A_19 = arith.maximumf %get3A_16, %max3A_18 : vector<1000x1xf32>
    %rsqrt3A_20 = math.rsqrt %max3A_19 : vector<1000x1xf32>
    %mul3A = vector.broadcast %rsqrt3A : vector<1000x1xf32> to vector<1000x128xf32>
    %mul3A_21 = arith.mulf %add3A, %mul3A : vector<1000x128xf32>
    %max3A_22 = arith.constant 0.000000e+00 : f32
    %max3A_23 = vector.broadcast %max3A_22 : f32 to vector<1000x128xf32>
    %max3A_24 = arith.maximumf %mul3A_21, %max3A_23 : vector<1000x128xf32>
    %mul3A_25 = vector.broadcast %rsqrt3A_20 : vector<1000x1xf32> to vector<1000x128xf32>
    %mul3A_26 = arith.mulf %max3A_24, %mul3A_25 : vector<1000x128xf32>
    %get3A_27 = arith.constant 0 : index
    %get3A_28 = arith.constant 0 : index
    %get3A_29 = vector.load %arg4[%get3A_27, %get3A_28] : memref<128x128xf32, #tpu.memory_space<vmem>>, vector<128x128xf32>
    %dot_general3A = arith.constant dense<0.000000e+00> : vector<1000x128xf32>
    %dot_general3A_30 = tpu.matmul %mul3A_26, %get3A_29, %dot_general3A {dimension_numbers = #tpu.dot_dimension_numbers<[1], [0], [0], [1], [0, 0, 1, 1], [], []>, transpose_lhs_hint = false} : vector<1000x128xf32>, vector<128x128xf32>, vector<1000x128xf32> -> vector<1000x128xf32>
    %swap3A = arith.constant 0 : index
    %swap3A_31 = arith.constant 0 : index
    %swap3A_32 = vector.load %arg5[%swap3A, %swap3A_31] : memref<1000x128xf32, #tpu.memory_space<vmem>>, vector<1000x128xf32>
    tpu.vector_store %arg5[%swap3A, %swap3A_31], %dot_general3A_30 {strides = array<i32>} : memref<1000x128xf32, #tpu.memory_space<vmem>>, vector<1000x128xf32>,
    return
  }
  func.func @transform_0(%arg0: i32) -> (i32, i32, i32) {
    %c0_i32 = arith.constant 0 : i32
    %c0_i32_0 = arith.constant 0 : i32
    %c0_i32_1 = arith.constant 0 : i32
    return %c0_i32, %arg0, %c0_i32_0 : i32, i32, i32
  }
  func.func @transform_1(%arg0: i32) -> (i32, i32) {
    %c0_i32 = arith.constant 0 : i32
    %c0_i32_0 = arith.constant 0 : i32
    return %arg0, %c0_i32 : i32, i32
  }
  func.func @transform_2(%arg0: i32) -> (i32, i32) {
    %c0_i32 = arith.constant 0 : i32
    %c0_i32_0 = arith.constant 0 : i32
    return %arg0, %c0_i32 : i32, i32
  }
  func.func @transform_3(%arg0: i32) -> (i32, i32) {
    %c0_i32 = arith.constant 0 : i32
    %c0_i32_0 = arith.constant 0 : i32
    %c0_i32_1 = arith.constant 0 : i32
    return %c0_i32, %c0_i32_0 : i32, i32
  }
  func.func @transform_4(%arg0: i32) -> (i32, i32) {
    %c0_i32 = arith.constant 0 : i32
    %c0_i32_0 = arith.constant 0 : i32
    return %arg0, %c0_i32 : i32, i32
  }
}

module attributes {stable_mosaic.version = 14 : i64} {
  func.func @_head_body(%arg0: i32, %arg1: memref<2x1000x128xf32, #tpu.memory_space<vmem>>, %arg2: memref<1000x1xf32, #tpu.memory_space<vmem>>, %arg3: memref<128x64xf32, #tpu.memory_space<vmem>>, %arg4: memref<1x64xf32, #tpu.memory_space<vmem>>, %arg5: memref<64x1xf32, #tpu.memory_space<vmem>>, %arg6: memref<1x1xf32, #tpu.memory_space<vmem>>, %arg7: memref<1000x1xf32, #tpu.memory_space<vmem>>) attributes {dimension_semantics = [#tpu.dimension_semantics<arbitrary>], iteration_bounds = array<i64: 10>, scalar_prefetch = 0 : i64, scratch_operands = 0 : i64, tpu.core_type = #tpu.core_type<tc>, window_params = [{transform_indices = @transform_0, window_bounds = array<i64: 2, 1000, 128>}, {transform_indices = @transform_1, window_bounds = array<i64: 1000, 1>}, {pipeline_mode = #tpu.pipeline_mode<synchronous>, transform_indices = @transform_2, window_bounds = array<i64: 128, 64>}, {pipeline_mode = #tpu.pipeline_mode<synchronous>, transform_indices = @transform_3, window_bounds = array<i64: 1, 64>}, {pipeline_mode = #tpu.pipeline_mode<synchronous>, transform_indices = @transform_4, window_bounds = array<i64: 64, 1>}, {pipeline_mode = #tpu.pipeline_mode<synchronous>, transform_indices = @transform_5, window_bounds = array<i64: 1, 1>}, {transform_indices = @transform_6, window_bounds = array<i64: 1000, 1>}]} {
    %get3A = arith.constant 0 : index
    %get3A_0 = arith.constant 0 : index
    %get3A_1 = arith.constant 0 : index
    %get3A_2 = vector.load %arg1[%get3A, %get3A_0, %get3A_1] : memref<2x1000x128xf32, #tpu.memory_space<vmem>>, vector<1x1000x128xf32>
    %get3A_3 = vector.shape_cast %get3A_2 : vector<1x1000x128xf32> to vector<1000x128xf32>
    %get3A_4 = arith.constant 1 : index
    %get3A_5 = arith.constant 0 : index
    %get3A_6 = arith.constant 0 : index
    %get3A_7 = vector.load %arg1[%get3A_4, %get3A_5, %get3A_6] : memref<2x1000x128xf32, #tpu.memory_space<vmem>>, vector<1x1000x128xf32>
    %get3A_8 = vector.shape_cast %get3A_7 : vector<1x1000x128xf32> to vector<1000x128xf32>
    %add3A = arith.addf %get3A_3, %get3A_8 : vector<1000x128xf32>
    %get3A_9 = arith.constant 0 : index
    %get3A_10 = arith.constant 0 : index
    %get3A_11 = vector.load %arg2[%get3A_9, %get3A_10] : memref<1000x1xf32, #tpu.memory_space<vmem>>, vector<1000x1xf32>
    %max3A = arith.constant 1.000000e+00 : f32
    %max3A_12 = vector.broadcast %max3A : f32 to vector<1000x1xf32>
    %max3A_13 = arith.maximumf %get3A_11, %max3A_12 : vector<1000x1xf32>
    %rsqrt3A = math.rsqrt %max3A_13 : vector<1000x1xf32>
    %mul3A = vector.broadcast %rsqrt3A : vector<1000x1xf32> to vector<1000x128xf32>
    %mul3A_14 = arith.mulf %add3A, %mul3A : vector<1000x128xf32>
    %get3A_15 = arith.constant 0 : index
    %get3A_16 = arith.constant 0 : index
    %get3A_17 = vector.load %arg3[%get3A_15, %get3A_16] : memref<128x64xf32, #tpu.memory_space<vmem>>, vector<128x64xf32>
    %dot_general3A = arith.constant dense<0.000000e+00> : vector<1000x64xf32>
    %dot_general3A_18 = tpu.matmul %mul3A_14, %get3A_17, %dot_general3A {dimension_numbers = #tpu.dot_dimension_numbers<[1], [0], [0], [1], [0, 0, 1, 1], [], []>, transpose_lhs_hint = false} : vector<1000x128xf32>, vector<128x64xf32>, vector<1000x64xf32> -> vector<1000x64xf32>
    %get3A_19 = arith.constant 0 : index
    %get3A_20 = arith.constant 0 : index
    %get3A_21 = vector.load %arg4[%get3A_19, %get3A_20] : memref<1x64xf32, #tpu.memory_space<vmem>>, vector<1x64xf32>
    %add3A_22 = vector.broadcast %get3A_21 : vector<1x64xf32> to vector<1000x64xf32>
    %add3A_23 = arith.addf %dot_general3A_18, %add3A_22 : vector<1000x64xf32>
    %max3A_24 = arith.constant 0.000000e+00 : f32
    %max3A_25 = vector.broadcast %max3A_24 : f32 to vector<1000x64xf32>
    %max3A_26 = arith.maximumf %add3A_23, %max3A_25 : vector<1000x64xf32>
    %get3A_27 = arith.constant 0 : index
    %get3A_28 = arith.constant 0 : index
    %get3A_29 = vector.load %arg5[%get3A_27, %get3A_28] : memref<64x1xf32, #tpu.memory_space<vmem>>, vector<64x1xf32>
    %dot_general3A_30 = arith.constant dense<0.000000e+00> : vector<1000x1xf32>
    %dot_general3A_31 = tpu.matmul %max3A_26, %get3A_29, %dot_general3A_30 {dimension_numbers = #tpu.dot_dimension_numbers<[1], [0], [0], [1], [0, 0, 1, 1], [], []>, transpose_lhs_hint = false} : vector<1000x64xf32>, vector<64x1xf32>, vector<1000x1xf32> -> vector<1000x1xf32>
    %get3A_32 = arith.constant 0 : index
    %get3A_33 = arith.constant 0 : index
    %get3A_34 = vector.load %arg6[%get3A_32, %get3A_33] : memref<1x1xf32, #tpu.memory_space<vmem>>, vector<1x1xf32>
    %add3A_35 = vector.broadcast %get3A_34 : vector<1x1xf32> to vector<1000x1xf32>
    %add3A_36 = arith.addf %dot_general3A_31, %add3A_35 : vector<1000x1xf32>
    %swap3A = arith.constant 0 : index
    %swap3A_37 = arith.constant 0 : index
    %swap3A_38 = vector.load %arg7[%swap3A, %swap3A_37] : memref<1000x1xf32, #tpu.memory_space<vmem>>, vector<1000x1xf32>
    tpu.vector_store %arg7[%swap3A, %swap3A_37], %add3A_36 {strides = array<i32>} : memref<1000x1xf32, #tpu.memory_space<vmem>>, vector<1000x1xf32>,
    return
  }
  func.func @transform_0(%arg0: i32) -> (i32, i32, i32) {
    %c0_i32 = arith.constant 0 : i32
    %c0_i32_0 = arith.constant 0 : i32
    %c0_i32_1 = arith.constant 0 : i32
    return %c0_i32, %arg0, %c0_i32_0 : i32, i32, i32
  }
  func.func @transform_1(%arg0: i32) -> (i32, i32) {
    %c0_i32 = arith.constant 0 : i32
    %c0_i32_0 = arith.constant 0 : i32
    return %arg0, %c0_i32 : i32, i32
  }
  func.func @transform_2(%arg0: i32) -> (i32, i32) {
    %c0_i32 = arith.constant 0 : i32
    %c0_i32_0 = arith.constant 0 : i32
    %c0_i32_1 = arith.constant 0 : i32
    return %c0_i32, %c0_i32_0 : i32, i32
  }
  func.func @transform_3(%arg0: i32) -> (i32, i32) {
    %c0_i32 = arith.constant 0 : i32
    %c0_i32_0 = arith.constant 0 : i32
    %c0_i32_1 = arith.constant 0 : i32
    return %c0_i32, %c0_i32_0 : i32, i32
  }
  func.func @transform_4(%arg0: i32) -> (i32, i32) {
    %c0_i32 = arith.constant 0 : i32
    %c0_i32_0 = arith.constant 0 : i32
    %c0_i32_1 = arith.constant 0 : i32
    return %c0_i32, %c0_i32_0 : i32, i32
  }
  func.func @transform_5(%arg0: i32) -> (i32, i32) {
    %c0_i32 = arith.constant 0 : i32
    %c0_i32_0 = arith.constant 0 : i32
    %c0_i32_1 = arith.constant 0 : i32
    return %c0_i32, %c0_i32_0 : i32, i32
  }
  func.func @transform_6(%arg0: i32) -> (i32, i32) {
    %c0_i32 = arith.constant 0 : i32
    %c0_i32_0 = arith.constant 0 : i32
    return %arg0, %c0_i32 : i32, i32
  }
}

</mosaic_0001>

<sc_bundles>
// kernel: kernel.14.cloned.1.call-start
scs
__scs_entry_jumppad:
0x0: {  	(pc) =	sbr.rel $0x88, $3  }
0x1: {  	(tag) =	ssettag $0x0;
	lr =	simm.s32 $0x1  }
0x2: {  	[smem:$0x3F97] =	sst lr;
	_ =	strace $0xD0000000  }
0x3: {  	_ = 	snop  }
0x4: {  	_ = 	snop  }
0x5: {  	_ = 	snop  }
0x6: {  	_ = 	snop  }
0x7: {  	_ = 	snop  }
__scs_overlays_trampoline_lowered:
0x8: {  	[smem:$0x3FA6] =	sst s0  }
0x9: {  	[smem:$0x3FA7] =	sst s1  }
0xa: {  	[smem:$0x3FA8] =	sst s2  }
0xb: {  	[smem:$0x3FA9] =	sst s3  }
0xc: {  	[smem:$0x3FAA] =	sst s4  }
0xd: {  	[smem:$0x3FAB] =	sst s5  }
0xe: {  	[smem:$0x3FAC] =	sst s6  }
0xf: {  	[smem:$0x3FAD] =	sst s7  }
0x10: {  	[smem:$0x3FAE] =	sst s8  }
0x11: {  	[smem:$0x3FAF] =	sst s9;
	s0 =	simm.s32 @!p0 $0x0  }
0x12: {  	s1 =	sld [smem:$0x3F95];
	s0 =	simm.s32 @p0 $0x1  }
0x13: {  	[smem:$0x3FB0] =	sst s0;
	s0 =	simm.s32 @!p1 $0x0  }
0x14: {  	s2 =	sld [smem:$0x3F94];
	s0 =	simm.s32 @p1 $0x1  }
0x15: {  	[smem:$0x3FB1] =	sst s0;
	s0 =	simm.s32 @!p2 $0x0  }
0x16: {  	s3 =	sld [smem:$0x3FDB];
	s0 =	simm.s32 @p2 $0x1  }
0x17: {  	s4 =	simm.s32 $0x1BF5;
	[smem:$0x3FB3] =	sst s0  }
0x18: {  	s0 =	sld [smem:$0x3F96];
	_ =	swait.ge [sflag:s4], $0x0  }
0x19: {  	s7 =	sld [smem:$0x3F97]  }
0x1a: {  	s8 =	sadd.s32 $0xFFFFE003, lr  }
0x1b: {  	s9 =	sadd.s32 $0xFFFFFEF7, lr;
	s5 =	simm.s32 $0xFFFFFFFF;
	p2 =	slt.u32 s8, $0xFFFFF086  }
0x1c: {  	p1 =	slt.u32 s9, $0xF7A;
	s5 =	simm.s32 @!p2 $0x0  }
0x1d: {  	s5 =	simm.s32 @p1 $0x1;
	p0 =	seq.s32 s7, s2  }
0x1e: {  	s7 =	smul.u32 @!p0 $0xF7A, s2;
	p2 =	seq.s32 @!p0 s5, $0x0  }
0x1f: {  	s9 =	smul.u32 $0xF7A, s1;
	s8 =	simm.s32 @!p0 $0x1BF5;
	p2 =	por !p2, p0  }
0x20: {  	[sflag:s8] =	ssyncset.s32 @!p0 $0xFFFFF086;
	s6 =	sadd.s32 @!p0 s3, s7;
	s7 =	simm.s32 @!p0 $0x108  }
0x21: {  	s3 =	sadd.s32 s3, s9;
	s6 =	sadd.s32 @!p0 $0x88, s6;
	s7 =	simm.s32 @p2 $0x1082  }
0x22: {  	[simem:s7], [sflag:s8] =	dma.local @!p0 [hbm:s6], $0xF7A  }
0x23: {  	s9 =	sor.u32 $0xD0000000, s2;
	s6 =	simm.s32 $0x108;
	_ =	swait.ge @!p0 [sflag:s8], $0x0  }
0x24: {  	s3 =	sadd.s32 $0x88, s3;
	s6 =	simm.s32 @!p1 $0x1082;
	[sflag:s4] =	ssyncset.s32 $0xFFFFF086  }
0x25: {  	[simem:s6], [sflag:s4] =	dma.local [hbm:s3], $0xF7A  }
0x26: {  	[smem:$0x3F97] =	sst s1;
	(tag) =	ssettag s2;
	_ =	strace s9  }
0x27: {  	s1 =	sld [smem:$0x3FA7]  }
0x28: {  	s2 =	sld [smem:$0x3FA8]  }
0x29: {  	s4 =	sld [smem:$0x3FAA]  }
0x2a: {  	p0 =	seq.s32 s5, $0x0;
	s5 =	sld [smem:$0x3FAB]  }
0x2b: {  	s6 =	sld [smem:$0x3FAC]  }
0x2c: {  	s7 =	sld [smem:$0x3FAD]  }
0x2d: {  	s3 =	simm.s32 $0x108;
	s8 =	sld [smem:$0x3FAE]  }
0x2e: {  	s3 =	simm.s32 @!p0 $0x1082;
	s9 =	sld [smem:$0x3FAF]  }
0x2f: {  	lr =	sadd.s32 s0, s3;
	s0 =	sld [smem:$0x3FA6]  }
0x30: {  	s3 =	sld [smem:$0x3FA9]  }
0x31: {  	[smem:$0x3FB2] =	sst s10  }
0x32: {  	s10 =	sld [smem:$0x3FB0];
	_ =	sdelay $0x3  }
0x33: {  	p0 =	seq.s32 s10, $0x1;
	s10 =	sld [smem:$0x3FB2];
	_ =	sdelay $0x3  }
0x34: {  	[smem:$0x3FB2] =	sst s10  }
0x35: {  	s10 =	sld [smem:$0x3FB1];
	_ =	sdelay $0x3  }
0x36: {  	p1 =	seq.s32 s10, $0x1;
	s10 =	sld [smem:$0x3FB2];
	_ =	sdelay $0x3  }
0x37: {  	[smem:$0x3FB2] =	sst s10  }
0x38: {  	s10 =	sld [smem:$0x3FB3]  }
0x39: {  	_ = 	snop;
	(pc) =	sbr.ind lr, $3  }
0x3a: {  	_ = 	snop  }
0x3b: {  	_ = 	snop  }
0x3c: {  	p2 =	seq.s32 s10, $0x1;
	s10 =	sld [smem:$0x3FB2]  }
0x3d: {  	_ =	shalt  }
0x3e: {  	_ =	shalt  }
0x3f: {  	_ =	shalt  }
0x40: {  	_ =	shalt  }
0x41: {  	_ =	shalt  }
0x42: {  	_ =	shalt  }
0x43: {  	_ =	shalt  }
0x44: {  	_ =	shalt  }
0x45: {  	_ =	shalt  }
0x46: {  	_ =	shalt  }
0x47: {  	_ =	shalt  }
0x48: {  	_ =	shalt  }
0x49: {  	_ =	shalt  }
0x4a: {  	_ =	shalt  }
0x4b: {  	_ =	shalt  }
0x4c: {  	_ =	shalt  }
0x4d: {  	_ =	shalt  }
0x4e: {  	_ =	shalt  }
0x4f: {  	_ =	shalt  }
0x50: {  	_ =	shalt  }
0x51: {  	_ =	shalt  }
0x52: {  	_ =	shalt  }
0x53: {  	_ =	shalt  }
0x54: {  	_ =	shalt  }
0x55: {  	_ =	shalt  }
0x56: {  	_ =	shalt  }
0x57: {  	_ =	shalt  }
0x58: {  	_ =	shalt  }
0x59: {  	_ =	shalt  }
0x5a: {  	_ =	shalt  }
0x5b: {  	_ =	shalt  }
0x5c: {  	_ =	shalt  }
0x5d: {  	_ =	shalt  }
0x5e: {  	_ =	shalt  }
0x5f: {  	_ =	shalt  }
0x60: {  	_ =	shalt  }
0x61: {  	_ =	shalt  }
0x62: {  	_ =	shalt  }
0x63: {  	_ =	shalt  }
0x64: {  	_ =	shalt  }
0x65: {  	_ =	shalt  }
0x66: {  	_ =	shalt  }
0x67: {  	_ =	shalt  }
0x68: {  	_ =	shalt  }
0x69: {  	_ =	shalt  }
0x6a: {  	_ =	shalt  }
0x6b: {  	_ =	shalt  }
0x6c: {  	_ =	shalt  }
0x6d: {  	_ =	shalt  }
0x6e: {  	_ =	shalt  }
0x6f: {  	_ =	shalt  }
0x70: {  	_ =	shalt  }
0x71: {  	_ =	shalt  }
0x72: {  	_ =	shalt  }
0x73: {  	_ =	shalt  }
0x74: {  	_ =	shalt  }
0x75: {  	_ =	shalt  }
0x76: {  	_ =	shalt  }
0x77: {  	_ =	shalt  }
0x78: {  	_ =	shalt  }
0x79: {  	_ =	shalt  }
0x7a: {  	_ =	shalt  }
0x7b: {  	_ =	shalt  }
0x7c: {  	_ =	shalt  }
0x7d: {  	_ =	shalt  }
0x7e: {  	_ =	shalt  }
0x7f: {  	_ =	shalt  }
0x80: {  	_ =	shalt  }
0x81: {  	_ =	shalt  }
0x82: {  	_ =	shalt  }
0x83: {  	_ =	shalt  }
0x84: {  	_ =	shalt  }
0x85: {  	_ =	shalt  }
0x86: {  	_ =	shalt  }
0x87: {  	_ =	shalt  }
.Lfunc_end0:
.L_simem_size_0:
called_computation_lowered:
.L_overlay_start_0:
0x88: {  	s2 =	sld [smem:$0x3FD9]  }
0x89: {  	s3 =	sld [smem:$0x3FFE];
	_ =	sdelay $0x1  }
0x8a: {  	s1 =	srdreg.scid  }
0x8b: {  	s0 =	sand.u32 $0x1, s1  }
0x8c: {  	s16 =	sshll.u32 s0, $0xA;
	s2 =	sadd.s32 s3, s2  }
0x8d: {  	s2 =	sadd.s32 s2, s16  }
0x8e: {  	[smem:$0x3FBE] =	sst s2  }
0x8f: {  	_ = 	snop  }
0x90: {  	(tm) =	ssettm $0x1  }
0x91: {  	s17 =	sld [smem:$0x3FFB];
	_ =	sdelay $0x3  }
0x92: {  	_ =	strace s17  }
0x93: {  	s2 =	sld [smem:$0x3FFC];
	_ =	sdelay $0x3  }
0x94: {  	_ =	strace s2  }
0x95: {  	s2 =	sld [smem:$0x3FFD];
	_ =	sdelay $0x3  }
0x96: {  	_ =	strace s2  }
0x97: {  	_ =	strace $0x8FFFFFFF  }
0x98: {  	s18 =	sld [smem:$0x3FDB];
	_ =	sdelay $0x1  }
0x99: {  	s19 =	simm.s32 $_scs_section_size  }
0x9a: {  	s4 =	simm.s32 $_size__tile_overlayer_lowered;
	s5 =	simm.s32 $_tile_overlayer_lowered  }
0x9b: {  	s22 =	simm.s32 $0x1BFF;
	s21 =	sshll.u32 s5, $0x1;
	s2 =	sadd.s32 s19, s18  }
0x9c: {  	s6 =	simm.s32 $0x0;
	s20 =	sshll.u32 s4, $0x1;
	s4 =	sadd.s32 s21, s2  }
0x9d: {  	[timem:s6], [sflag:s22] =	dma.local [hbm:s4], s20  }
0x9e: {  	_ =	swait.ge [sflag:s22], s20  }
0x9f: {  	s3 =	ssub.s32 $0x0, s20;
	[sflag:s22] =	ssyncset.done $0x0  }
0xa0: {  	[sflag:s22] =	ssyncadd.s32 s3;
	_ =	sdelay $0x1  }
0xa1: {  	s23 =	simm.s32 $0x1B8B  }
0xa2: {  	_ =	swait.ge [sflag:s23], $0x1  }
0xa3: {  	[sflag:s23] =	ssyncset.done $0x0  }
0xa4: {  	s25 =	simm.s32 $0x1B8E;
	s24 =	sld [smem:$0x3FFE];
	[sflag:s23] =	ssyncadd.s32 $0xFFFFFFFF  }
0xa5: {  	s26 =	simm.s32 $execute0_lowered;
	[smem:$0x3FD2] =	sst s25  }
0xa6: {  	s4 =	sshll.u32 s26, $0x1;
	_ =	strace $0x80000046;
	[dreg:$0x1] =	wrdreg $0xFFFFFFFF  }
0xa7: {  	s28 =	simm.s32 $_size_execute0_lowered;
	s2 =	sadd.s32 s2, s4;
	[dreg:$0x0] =	wrdreg $0x0  }
0xa8: {  	s4 =	sshll.u32 s28, $0x1;
	[dreg:$0x2] =	wrdreg s2  }
0xa9: {  	[dreg:$0x3] =	wrdreg s4  }
0xaa: {  	[dreg:$0x4] =	wrdreg $0xC0  }
0xab: {  	_ =	task [dreg:s6], $0x5FFFF  }
0xac: {  	[dreg:$0x1] =	wrdreg $0xFFFFFFFF  }
0xad: {  	[dreg:$0x0] =	wrdreg $0x60  }
0xae: {  	[dreg:$0x2] =	wrdreg s24  }
0xaf: {  	[dreg:$0x3] =	wrdreg $0x0  }
0xb0: {  	[dreg:$0x4] =	wrdreg $0x9  }
0xb1: {  	_ =	task.clear_ibuf [dreg:s6], $0x5FFFF;
	_ =	strace $0x90000046  }
0xb2: {  	s29 =	simm.s32 $0x9;
	_ =	strace $0x80000048  }
0xb3: {  	_ =	swait.ge [sflag:s29], $0x1  }
0xb4: {  	[sflag:s29] =	ssyncadd.s32 $0xFFFFFFFF  }
0xb5: {  	_ =	strace $0x90000048  }
0xb6: {  	_ =	sfence  }
0xb7: {  	s30 =	sld [smem:$0x0];
	_ =	sdelay $0x2  }
0xb8: {  	s31 =	sshll.u32 s1, $0xD;
	s1 =	sshrl.u32 s1, $0x2  }
0xb9: {  	s3 =	sand.u32 $0x4000, s31;
	s1 =	sadd.s32 s1, s30  }
0xba: {  	s0 =	sor.u32 s3, s0;
	s1 =	sshll.u32 s1, $0x11  }
0xbb: {  	s0 =	sor.u32 s1, s0  }
0xbc: {  	s0 =	sadd.s32 $0x8F2B, s0  }
0xbd: {  	[sflag:s0] =	ssyncadd.remote.s32 $0x1  }
0xbe: {  	_ =	sfence.sel $0xFFFF  }
0xbf: {  	[dreg:$0x0] =	wrdreg $0xFFFFFFFF;
	(pc) =	sbr.abs _section_cstart, $3  }
0xc0: {  	[dreg:$0x1] =	wrdreg $0xFFFFFFFF  }
0xc1: {  	_ =	task.clear_ibuf [dreg:s6], $0x2FFFF;
	_ =	strace $0x9FFFFFFF  }
0xc2: {  	(tm) =	ssettm $0x7FFFFFFF  }
0xc3: {  	_ =	shalt  }
tec
execute0_lowered:
.L_overlay_start_1:
0x0: {  	(tag) =	ssettag $0x1  }
0x1: {  	s4 =	rddreg [dreg:$0x0]  }
0x2: {  	s1 =	rddreg [dreg:$0x1]  }
0x3: {  	s0 =	rddreg [dreg:$0x2];
	s2 =	simm.s32 $0x0  }
0x4: {  	s5 =	srdreg.scid;
	s3 =	stileid.u32;
	s14 =	simm.s32 $0x0  }
0x5: {  	[smem:$0x7FF] =	sst s2;
	s7 =	sadd.s32 $0xCE00, s4;
	s5 =	sand.u32 $0x1, s5  }
0x6: {  	s6 =	sadd.s32 $0x3000, s4;
	s9 =	smul.u32 $0x280, s3;
	s10 =	sadd.s32 $0x16C00, s4  }
0x7: {  	s11 =	sadd.s32 $0x17200, s4;
	s31 =	smul.u32 $0x9C4, s3;
	s12 =	sshll.u32 s3, $0x6  }
0x8: {  	_ =	strace $0x80000047;
	s8 =	ssub.s32 $0x2, s5;
	p0 =	seq.s32 s5, $0x1  }
0x9: {  	s12 =	sor.u32 $0x1C01, s12;
	s30 =	sshrl.u32 s8, $0x1;
	s4 =	sadd.s32 s9, s1  }
0xa: {  	s9 =	sshrl.u32 s9, $0x3;
	s10 =	smov.u32 @p0 s11;
	s7 =	smov.u32 @p0 s6  }
0xb: {  	s11 =	simm.s32 $0x320;
	s8 =	ssub.s32 s8, s30;
	s6 =	sadd.s32 s10, s9  }
0xc: {  	s7 =	sadd.s32 s31, s7;
	s9 =	simm.s32 $0x1;
	s10 =	simm.s32 $0x280  }
0xd: {  	v0 =	vimm.f32 $0.0e+00;
	v1 =	vimm.f32 $1.000000000e+00;
	s13 =	sshrl.u32 s4, $0x3;
	s5 =	smax.u32 s8, $0x1;
	s8 =	simm.s32 $0x600  }
.LBB2_1:
0xe: {  	s15 =	simm.s32 $0x40;
	s16 =	simm.s32 $0x0  }
.LBB2_2:
0xf: {  	p0 =	sne.s32 s15, $0xC40;
	[tilespmem:s16+$0x600] =	vst v0;
	s16 =	smov.u32 s15;
	s15 =	sadd.s32 $0x40, s15  }
.Ltmp0:
0x10: {  	(pc) =	sbr.rel @p0 .LBB2_2-.Ltmp0, $2  }
0x11: {  	_ =	sdelay $0x2  }
0x12: {  	s16 =	sshra.s32 s16, $0x2  }
0x13: {  	[tilespmem:s16+$0x600] =	vst v0  }
0x14: {  	[spmem:s4] =	stream.linear.scatter [tilespmem:s8], [sflag:$0x1], $0x280, $0x38;
	[tilespmem:$0x980] =	vst v63  }
0x15: {  	_ =	swait.ge [sflag:s9], $0x280  }
0x16: {  	[sflag:s9] =	ssyncset.done $0x0  }
0x17: {  	[sflag:s9] =	ssyncadd.s32 $0xFFFFFD80  }
0x18: {  	s15 =	simm.s32 $0x40;
	s16 =	simm.s32 $0x0;
	[bflag:$0x0] =	sbarrier.arrive $0xFFFF  }
.LBB2_4:
0x19: {  	p0 =	sne.s32 s15, $0xC40;
	[tilespmem:s16+$0x600] =	vst v1;
	s16 =	smov.u32 s15;
	s15 =	sadd.s32 $0x40, s15  }
.Ltmp1:
0x1a: {  	(pc) =	sbr.rel @p0 .LBB2_4-.Ltmp1, $2  }
0x1b: {  	_ =	sdelay $0x2  }
0x1c: {  	s16 =	sshra.s32 s16, $0x2  }
0x1d: {  	[tilespmem:s16+$0x600] =	vst v1;
	s15 =	sadd.s32 $0x0, s7  }
0x1e: {  	[tilespmem:s10], [sflag:$0x1] =	stream.linear.gather [hbm4b:s15+s2], $0x320, $0x38;
	[tilespmem:$0x980] =	vst v63  }
0x1f: {  	_ =	swait.ge [sflag:s9], $0x320  }
0x20: {  	[sflag:s9] =	ssyncset.done $0x0  }
0x21: {  	[sflag:s9] =	ssyncadd.s32 $0xFFFFFCE0  }
0x22: {  	[spmem:s1] =	stream.indirect.scatter.add.f32 [tilespmem:s8], [sflag:$0x1], $0x1, s10, s11, $0xb8;
	[tilespmem:$0x980] =	vst v63  }
0x23: {  	_ =	swait.ge [sflag:s9], $0x320  }
0x24: {  	s16 =	simm.s32 $0xC8;
	s15 =	simm.s32 $0x64;
	[sflag:s9] =	ssyncset.done $0x0  }
.LBB2_6:
0x25: {  	s17 =	sadd.s32 s15, s7  }
0x26: {  	[sflag:s9] =	ssyncadd.s32 $0xFFFFFCE0;
	s15 =	smov.u32 s16;
	s18 =	sadd.s32 $0x64, s16  }
0x27: {  	[tilespmem:s10], [sflag:$0x1] =	stream.linear.gather [hbm4b:s17+s2], $0x320, $0x38;
	[tilespmem:$0x980] =	vst v63  }
0x28: {  	p0 =	sne.s32 s16, $0x960;
	_ =	swait.ge [sflag:s9], $0x320  }
.Ltmp2:
0x29: {  	[sflag:s9] =	ssyncset.done $0x0;
	(pc) =	sbr.rel @p0 .LBB2_6-.Ltmp2, $4  }
0x2a: {  	[sflag:s9] =	ssyncadd.s32 $0xFFFFFCE0  }
0x2b: {  	[spmem:s1] =	stream.indirect.scatter.add.f32 [tilespmem:s8], [sflag:$0x1], $0x1, s10, s11, $0xb8;
	[tilespmem:$0x980] =	vst v63  }
0x2c: {  	_ =	swait.ge [sflag:s9], $0x320  }
0x2d: {  	s16 =	smov.u32 s18;
	[sflag:s9] =	ssyncset.done $0x0  }
0x2e: {  	s15 =	sadd.s32 s15, s7;
	[sflag:s9] =	ssyncadd.s32 $0xFFFFFCE0  }
0x2f: {  	[tilespmem:s10], [sflag:$0x1] =	stream.linear.gather [hbm4b:s15+s2], $0x320, $0x38;
	[tilespmem:$0x980] =	vst v63  }
0x30: {  	_ =	swait.ge [sflag:s9], $0x320  }
0x31: {  	[sflag:s9] =	ssyncset.done $0x0  }
0x32: {  	[sflag:s9] =	ssyncadd.s32 $0xFFFFFCE0  }
0x33: {  	[spmem:s1] =	stream.indirect.scatter.add.f32 [tilespmem:s8], [sflag:$0x1], $0x1, s10, s11, $0xb8;
	[tilespmem:$0x980] =	vst v63  }
0x34: {  	_ =	swait.ge [sflag:s9], $0x320  }
0x35: {  	s14 =	sadd.s32 $0x1, s14;
	[sflag:s9] =	ssyncset.done $0x0  }
0x36: {  	p0 =	sne.s32 s14, s5;
	[sflag:s9] =	ssyncadd.s32 $0xFFFFFCE0  }
.Ltmp3:
0x37: {  	[bflag:$0x0] =	sbarrier.arrive $0xFFFF;
	(pc) =	sbr.rel @p0 .LBB2_1-.Ltmp3, $4  }
0x38: {  	[hbm:s6], [sflag:s12] =	dma.local [spmem:s13], $0x50  }
0x39: {  	_ =	swait.ge [sflag:s9], $0x50  }
0x3a: {  	[sflag:s9] =	ssyncset.done $0x0  }
0x3b: {  	[sflag:s9] =	ssyncadd.s32 $0xFFFFFFB0  }
0x3c: {  	_ =	sfence.sel $0x180000  }
0x3d: {  	[bflag:$0x0] =	sbarrier.arrive $0xFFFF  }
0x3e: {  	p0 =	sne.s32 s3, $0x0;
	_ =	strace $0x90000047  }
0x3f: {  	s0 =	sadd.s32 @!p0 $0x100000, s0;
	[bflag:$0x2] =	sbarrier.arrive $0xFFFF  }
0x40: {  	[sflag:s0] =	ssyncadd.tile.s32 @!p0 $0x1;
	_ =	shalt  }
.Lfunc_end2:
_tile_overlayer_lowered:
.L_overlay_start_2:
0x41: {  	(tag) =	ssettag $0x2  }
0x42: {  	s0 =	rddreg [dreg:$0x0];
	s2 =	stileid.u32  }
0x43: {  	s1 =	rddreg [dreg:$0x1];
	p0 =	sne.s32 s2, $0x0  }
0x44: {  	s3 =	rddreg [dreg:$0x2];
	[bflag:$0x3] =	sbarrier.arrive $0xFFFF;
	s2 =	simm.s32 @!p0 $0x1C01  }
0x45: {  	[timem:s3], [sflag:s2] =	dma.local @!p0 [hbm:s0], s1  }
0x46: {  	s0 =	simm.s32 @!p0 $0x1  }
0x47: {  	_ =	swait.ge @!p0 [sflag:s0], s1  }
0x48: {  	s1 =	ssub.s32 @!p0 $0x0, s1;
	[sflag:s0] =	ssyncset.done @!p0 $0x0  }
0x49: {  	[sflag:s0] =	ssyncadd.s32 @!p0 s1  }
0x4a: {  	[bflag:$0x3] =	sbarrier.arrive $0xFFFF  }
0x4b: {  	_ =	shalt  }

// kernel: kernel.17.cloned.1.call-start
scs
__scs_entry_jumppad:
0x0: {  	(pc) =	sbr.rel $0x88, $3  }
0x1: {  	(tag) =	ssettag $0x0;
	lr =	simm.s32 $0x1  }
0x2: {  	[smem:$0x3F97] =	sst lr;
	_ =	strace $0xD0000000  }
0x3: {  	_ = 	snop  }
0x4: {  	_ = 	snop  }
0x5: {  	_ = 	snop  }
0x6: {  	_ = 	snop  }
0x7: {  	_ = 	snop  }
__scs_overlays_trampoline_lowered:
0x8: {  	[smem:$0x3FA6] =	sst s0  }
0x9: {  	[smem:$0x3FA7] =	sst s1  }
0xa: {  	[smem:$0x3FA8] =	sst s2  }
0xb: {  	[smem:$0x3FA9] =	sst s3  }
0xc: {  	[smem:$0x3FAA] =	sst s4  }
0xd: {  	[smem:$0x3FAB] =	sst s5  }
0xe: {  	[smem:$0x3FAC] =	sst s6  }
0xf: {  	[smem:$0x3FAD] =	sst s7  }
0x10: {  	[smem:$0x3FAE] =	sst s8  }
0x11: {  	[smem:$0x3FAF] =	sst s9;
	s0 =	simm.s32 @!p0 $0x0  }
0x12: {  	s1 =	sld [smem:$0x3F95];
	s0 =	simm.s32 @p0 $0x1  }
0x13: {  	[smem:$0x3FB0] =	sst s0;
	s0 =	simm.s32 @!p1 $0x0  }
0x14: {  	s2 =	sld [smem:$0x3F94];
	s0 =	simm.s32 @p1 $0x1  }
0x15: {  	[smem:$0x3FB1] =	sst s0;
	s0 =	simm.s32 @!p2 $0x0  }
0x16: {  	s3 =	sld [smem:$0x3FDB];
	s0 =	simm.s32 @p2 $0x1  }
0x17: {  	s4 =	simm.s32 $0x1BF5;
	[smem:$0x3FB3] =	sst s0  }
0x18: {  	s0 =	sld [smem:$0x3F96];
	_ =	swait.ge [sflag:s4], $0x0  }
0x19: {  	s7 =	sld [smem:$0x3F97]  }
0x1a: {  	s8 =	sadd.s32 $0xFFFFE003, lr  }
0x1b: {  	s9 =	sadd.s32 $0xFFFFFEF7, lr;
	s5 =	simm.s32 $0xFFFFFFFF;
	p2 =	slt.u32 s8, $0xFFFFF086  }
0x1c: {  	p1 =	slt.u32 s9, $0xF7A;
	s5 =	simm.s32 @!p2 $0x0  }
0x1d: {  	s5 =	simm.s32 @p1 $0x1;
	p0 =	seq.s32 s7, s2  }
0x1e: {  	s7 =	smul.u32 @!p0 $0xF7A, s2;
	p2 =	seq.s32 @!p0 s5, $0x0  }
0x1f: {  	s9 =	smul.u32 $0xF7A, s1;
	s8 =	simm.s32 @!p0 $0x1BF5;
	p2 =	por !p2, p0  }
0x20: {  	[sflag:s8] =	ssyncset.s32 @!p0 $0xFFFFF086;
	s6 =	sadd.s32 @!p0 s3, s7;
	s7 =	simm.s32 @!p0 $0x108  }
0x21: {  	s3 =	sadd.s32 s3, s9;
	s6 =	sadd.s32 @!p0 $0x88, s6;
	s7 =	simm.s32 @p2 $0x1082  }
0x22: {  	[simem:s7], [sflag:s8] =	dma.local @!p0 [hbm:s6], $0xF7A  }
0x23: {  	s9 =	sor.u32 $0xD0000000, s2;
	s6 =	simm.s32 $0x108;
	_ =	swait.ge @!p0 [sflag:s8], $0x0  }
0x24: {  	s3 =	sadd.s32 $0x88, s3;
	s6 =	simm.s32 @!p1 $0x1082;
	[sflag:s4] =	ssyncset.s32 $0xFFFFF086  }
0x25: {  	[simem:s6], [sflag:s4] =	dma.local [hbm:s3], $0xF7A  }
0x26: {  	[smem:$0x3F97] =	sst s1;
	(tag) =	ssettag s2;
	_ =	strace s9  }
0x27: {  	s1 =	sld [smem:$0x3FA7]  }
0x28: {  	s2 =	sld [smem:$0x3FA8]  }
0x29: {  	s4 =	sld [smem:$0x3FAA]  }
0x2a: {  	p0 =	seq.s32 s5, $0x0;
	s5 =	sld [smem:$0x3FAB]  }
0x2b: {  	s6 =	sld [smem:$0x3FAC]  }
0x2c: {  	s7 =	sld [smem:$0x3FAD]  }
0x2d: {  	s3 =	simm.s32 $0x108;
	s8 =	sld [smem:$0x3FAE]  }
0x2e: {  	s3 =	simm.s32 @!p0 $0x1082;
	s9 =	sld [smem:$0x3FAF]  }
0x2f: {  	lr =	sadd.s32 s0, s3;
	s0 =	sld [smem:$0x3FA6]  }
0x30: {  	s3 =	sld [smem:$0x3FA9]  }
0x31: {  	[smem:$0x3FB2] =	sst s10  }
0x32: {  	s10 =	sld [smem:$0x3FB0];
	_ =	sdelay $0x3  }
0x33: {  	p0 =	seq.s32 s10, $0x1;
	s10 =	sld [smem:$0x3FB2];
	_ =	sdelay $0x3  }
0x34: {  	[smem:$0x3FB2] =	sst s10  }
0x35: {  	s10 =	sld [smem:$0x3FB1];
	_ =	sdelay $0x3  }
0x36: {  	p1 =	seq.s32 s10, $0x1;
	s10 =	sld [smem:$0x3FB2];
	_ =	sdelay $0x3  }
0x37: {  	[smem:$0x3FB2] =	sst s10  }
0x38: {  	s10 =	sld [smem:$0x3FB3]  }
0x39: {  	_ = 	snop;
	(pc) =	sbr.ind lr, $3  }
0x3a: {  	_ = 	snop  }
0x3b: {  	_ = 	snop  }
0x3c: {  	p2 =	seq.s32 s10, $0x1;
	s10 =	sld [smem:$0x3FB2]  }
0x3d: {  	_ =	shalt  }
0x3e: {  	_ =	shalt  }
0x3f: {  	_ =	shalt  }
0x40: {  	_ =	shalt  }
0x41: {  	_ =	shalt  }
0x42: {  	_ =	shalt  }
0x43: {  	_ =	shalt  }
0x44: {  	_ =	shalt  }
0x45: {  	_ =	shalt  }
0x46: {  	_ =	shalt  }
0x47: {  	_ =	shalt  }
0x48: {  	_ =	shalt  }
0x49: {  	_ =	shalt  }
0x4a: {  	_ =	shalt  }
0x4b: {  	_ =	shalt  }
0x4c: {  	_ =	shalt  }
0x4d: {  	_ =	shalt  }
0x4e: {  	_ =	shalt  }
0x4f: {  	_ =	shalt  }
0x50: {  	_ =	shalt  }
0x51: {  	_ =	shalt  }
0x52: {  	_ =	shalt  }
0x53: {  	_ =	shalt  }
0x54: {  	_ =	shalt  }
0x55: {  	_ =	shalt  }
0x56: {  	_ =	shalt  }
0x57: {  	_ =	shalt  }
0x58: {  	_ =	shalt  }
0x59: {  	_ =	shalt  }
0x5a: {  	_ =	shalt  }
0x5b: {  	_ =	shalt  }
0x5c: {  	_ =	shalt  }
0x5d: {  	_ =	shalt  }
0x5e: {  	_ =	shalt  }
0x5f: {  	_ =	shalt  }
0x60: {  	_ =	shalt  }
0x61: {  	_ =	shalt  }
0x62: {  	_ =	shalt  }
0x63: {  	_ =	shalt  }
0x64: {  	_ =	shalt  }
0x65: {  	_ =	shalt  }
0x66: {  	_ =	shalt  }
0x67: {  	_ =	shalt  }
0x68: {  	_ =	shalt  }
0x69: {  	_ =	shalt  }
0x6a: {  	_ =	shalt  }
0x6b: {  	_ =	shalt  }
0x6c: {  	_ =	shalt  }
0x6d: {  	_ =	shalt  }
0x6e: {  	_ =	shalt  }
0x6f: {  	_ =	shalt  }
0x70: {  	_ =	shalt  }
0x71: {  	_ =	shalt  }
0x72: {  	_ =	shalt  }
0x73: {  	_ =	shalt  }
0x74: {  	_ =	shalt  }
0x75: {  	_ =	shalt  }
0x76: {  	_ =	shalt  }
0x77: {  	_ =	shalt  }
0x78: {  	_ =	shalt  }
0x79: {  	_ =	shalt  }
0x7a: {  	_ =	shalt  }
0x7b: {  	_ =	shalt  }
0x7c: {  	_ =	shalt  }
0x7d: {  	_ =	shalt  }
0x7e: {  	_ =	shalt  }
0x7f: {  	_ =	shalt  }
0x80: {  	_ =	shalt  }
0x81: {  	_ =	shalt  }
0x82: {  	_ =	shalt  }
0x83: {  	_ =	shalt  }
0x84: {  	_ =	shalt  }
0x85: {  	_ =	shalt  }
0x86: {  	_ =	shalt  }
0x87: {  	_ =	shalt  }
.Lfunc_end0:
.L_simem_size_0:
called_computation.1_lowered:
.L_overlay_start_0:
0x88: {  	s2 =	sld [smem:$0x3FD9]  }
0x89: {  	s3 =	sld [smem:$0x3FFE];
	_ =	sdelay $0x1  }
0x8a: {  	s1 =	srdreg.scid  }
0x8b: {  	s0 =	sand.u32 $0x1, s1  }
0x8c: {  	s16 =	sshll.u32 s0, $0xA;
	s2 =	sadd.s32 s3, s2  }
0x8d: {  	s2 =	sadd.s32 s2, s16  }
0x8e: {  	[smem:$0x3FBE] =	sst s2  }
0x8f: {  	_ = 	snop  }
0x90: {  	(tm) =	ssettm $0x1  }
0x91: {  	s17 =	sld [smem:$0x3FFB];
	_ =	sdelay $0x3  }
0x92: {  	_ =	strace s17  }
0x93: {  	s2 =	sld [smem:$0x3FFC];
	_ =	sdelay $0x3  }
0x94: {  	_ =	strace s2  }
0x95: {  	s2 =	sld [smem:$0x3FFD];
	_ =	sdelay $0x3  }
0x96: {  	_ =	strace s2  }
0x97: {  	_ =	strace $0x8FFFFFFF  }
0x98: {  	s18 =	sld [smem:$0x3FDB];
	_ =	sdelay $0x1  }
0x99: {  	s19 =	simm.s32 $_scs_section_size  }
0x9a: {  	s4 =	simm.s32 $_size__tile_overlayer_lowered;
	s5 =	simm.s32 $_tile_overlayer_lowered  }
0x9b: {  	s22 =	simm.s32 $0x1BFF;
	s21 =	sshll.u32 s5, $0x1;
	s2 =	sadd.s32 s19, s18  }
0x9c: {  	s6 =	simm.s32 $0x0;
	s20 =	sshll.u32 s4, $0x1;
	s4 =	sadd.s32 s21, s2  }
0x9d: {  	[timem:s6], [sflag:s22] =	dma.local [hbm:s4], s20  }
0x9e: {  	_ =	swait.ge [sflag:s22], s20  }
0x9f: {  	s3 =	ssub.s32 $0x0, s20;
	[sflag:s22] =	ssyncset.done $0x0  }
0xa0: {  	[sflag:s22] =	ssyncadd.s32 s3;
	_ =	sdelay $0x1  }
0xa1: {  	s23 =	simm.s32 $0x1B8B  }
0xa2: {  	_ =	swait.ge [sflag:s23], $0x1  }
0xa3: {  	[sflag:s23] =	ssyncset.done $0x0  }
0xa4: {  	s25 =	simm.s32 $0x1B8E;
	s24 =	sld [smem:$0x3FFE];
	[sflag:s23] =	ssyncadd.s32 $0xFFFFFFFF  }
0xa5: {  	s26 =	simm.s32 $execute0_lowered;
	[smem:$0x3FD2] =	sst s25  }
0xa6: {  	s4 =	sshll.u32 s26, $0x1;
	_ =	strace $0x80000049;
	[dreg:$0x1] =	wrdreg $0xFFFFFFFF  }
0xa7: {  	s28 =	simm.s32 $_size_execute0_lowered;
	s2 =	sadd.s32 s2, s4;
	[dreg:$0x0] =	wrdreg $0x0  }
0xa8: {  	s4 =	sshll.u32 s28, $0x1;
	[dreg:$0x2] =	wrdreg s2  }
0xa9: {  	[dreg:$0x3] =	wrdreg s4  }
0xaa: {  	[dreg:$0x4] =	wrdreg $0xC0  }
0xab: {  	_ =	task [dreg:s6], $0x5FFFF  }
0xac: {  	[dreg:$0x1] =	wrdreg $0xFFFFFFFF  }
0xad: {  	[dreg:$0x0] =	wrdreg $0x60  }
0xae: {  	[dreg:$0x2] =	wrdreg s24  }
0xaf: {  	[dreg:$0x3] =	wrdreg $0x0  }
0xb0: {  	[dreg:$0x4] =	wrdreg $0x9  }
0xb1: {  	_ =	task.clear_ibuf [dreg:s6], $0x5FFFF;
	_ =	strace $0x90000049  }
0xb2: {  	s29 =	simm.s32 $0x9;
	_ =	strace $0x8000004B  }
0xb3: {  	_ =	swait.ge [sflag:s29], $0x1  }
0xb4: {  	[sflag:s29] =	ssyncadd.s32 $0xFFFFFFFF  }
0xb5: {  	_ =	strace $0x9000004B  }
0xb6: {  	_ =	sfence  }
0xb7: {  	s30 =	sld [smem:$0x0];
	_ =	sdelay $0x2  }
0xb8: {  	s31 =	sshll.u32 s1, $0xD;
	s1 =	sshrl.u32 s1, $0x2  }
0xb9: {  	s3 =	sand.u32 $0x4000, s31;
	s1 =	sadd.s32 s1, s30  }
0xba: {  	s0 =	sor.u32 s3, s0;
	s1 =	sshll.u32 s1, $0x11  }
0xbb: {  	s0 =	sor.u32 s1, s0  }
0xbc: {  	s0 =	sadd.s32 $0x8F2B, s0  }
0xbd: {  	[sflag:s0] =	ssyncadd.remote.s32 $0x1  }
0xbe: {  	_ =	sfence.sel $0xFFFF  }
0xbf: {  	[dreg:$0x0] =	wrdreg $0xFFFFFFFF;
	(pc) =	sbr.abs _section_cstart, $3  }
0xc0: {  	[dreg:$0x1] =	wrdreg $0xFFFFFFFF  }
0xc1: {  	_ =	task.clear_ibuf [dreg:s6], $0x2FFFF;
	_ =	strace $0x9FFFFFFF  }
0xc2: {  	(tm) =	ssettm $0x7FFFFFFF  }
0xc3: {  	_ =	shalt  }
tec
execute0_lowered:
.L_overlay_start_1:
0x0: {  	(tag) =	ssettag $0x1  }
0x1: {  	s0 =	rddreg [dreg:$0x0]  }
0x2: {  	s1 =	rddreg [dreg:$0x1]  }
0x3: {  	s2 =	srdreg.scid;
	s3 =	simm.s32 $0x0;
	s11 =	stileid.u32  }
0x4: {  	s28 =	simm.s32 $0x18400;
	s29 =	simm.s32 $0x14300;
	s30 =	simm.s32 $0x8  }
0x5: {  	s31 =	simm.s32 $0x14180;
	s2 =	sand.u32 $0x1, s2;
	s6 =	smul.u32 $0x14000, s11  }
0x6: {  	[smem:$0x7FF] =	sst s3;
	s4 =	sadd.s32 $0x2B200, s0;
	s17 =	smul.u32 $0x50000, s11  }
0x7: {  	s8 =	sadd.s32 $0x17800, s0;
	s19 =	sshll.u32 s11, $0x5;
	s24 =	smul.u32 $0x9C0, s11  }
0x8: {  	s5 =	smul.u32 $0x140000, s2;
	_ =	strace $0x8000004A;
	s7 =	sshll.u32 s2, $0x4  }
0x9: {  	s16 =	ssub.s32 $0x2, s2;
	s20 =	sadd.s32 s19, s8;
	s21 =	smul.u32 $0x9C00, s2  }
0xa: {  	s19 =	simm.s32 $0x14400;
	s2 =	simm.s32 $0x3;
	s14 =	sor.u32 s11, s7  }
0xb: {  	s10 =	sshrl.u32 s16, $0x1;
	s5 =	sadd.s32 s6, s5;
	s7 =	smul.u32 $0x9C0, s14  }
0xc: {  	s9 =	smul.u32 $0x4E00, s14;
	p0 =	sgt.u32 s14, $0x3;
	s5 =	sshrl.u32 s5, $0x3  }
0xd: {  	s6 =	simm.s32 $0x14280;
	s0 =	sadd.s32 s5, s0;
	s12 =	sadd.s32 s8, s7  }
0xe: {  	s5 =	ssub.s32 s16, s10;
	s9 =	sshrl.u32 s9, $0x3;
	s7 =	sshrl.u32 s17, $0x2  }
0xf: {  	s17 =	simm.s32 $0x14000;
	s10 =	simm.s32 $0x0;
	[dreg:$0x3] =	wrdreg s12  }
0x10: {  	s18 =	sadd.s32 $0x20, s12;
	s9 =	sadd.s32 s8, s9;
	s7 =	sadd.s32 s7, s1  }
0x11: {  	s0 =	sadd.s32 $0x52400, s0;
	s22 =	smax.u32 s5, $0x1;
	[dreg:$0x4] =	wrdreg s18  }
0x12: {  	s5 =	simm.s32 $0x4;
	s9 =	sadd.s32 $0x40, s9;
	[dreg:$0x7] =	wrdreg s0  }
0x13: {  	[dreg:$0x8] =	wrdreg s22;
	s23 =	sadd.s32 $0x4000, s7;
	s25 =	sadd.s32 $0x8000, s7  }
0x14: {  	s26 =	sadd.s32 $0xC000, s7;
	s0 =	sadd.s32 s21, s8;
	[dreg:$0x5] =	wrdreg s9  }
0x15: {  	s15 =	sadd.s32 $0x10000, s7;
	s18 =	simm.s32 $0x14100;
	[dreg:$0x9] =	wrdreg s23  }
0x16: {  	s21 =	simm.s32 $0x1;
	s22 =	simm.s32 $0x80;
	[dreg:$0xa] =	wrdreg s25  }
0x17: {  	s8 =	simm.s32 $0x6;
	s9 =	sadd.s32 $0x13800, s20;
	[dreg:$0xb] =	wrdreg s26  }
0x18: {  	s16 =	sadd.s32 s24, s0;
	s20 =	simm.s32 $0x9;
	s23 =	simm.s32 $0x14200  }
0x19: {  	s24 =	simm.s32 $0x7;
	s25 =	simm.s32 $0x14080;
	s26 =	simm.s32 $0x2  }
0x1a: {  	v0 =	vimm.f32 $0.0e+00;
	s0 =	simm.s32 $0x5;
	[dreg:$0x6] =	wrdreg s9;
	s9 =	simm.s32 $0x14380  }
.LBB2_1:
0x1b: {  	s11 =	rddreg [dreg:$0x3]  }
0x1c: {  	[tilespmem:s17], [sflag:$0x1] =	stream.linear.gather [hbm4b:s11+s3], $0x100, $0x38;
	[tilespmem:$0x1C400] =	vst v63  }
0x1d: {  	s14 =	rddreg [dreg:$0x4];
	s12 =	simm.s32 $0x200;
	s11 =	simm.s32 $0x0  }
0x1e: {  	[tilespmem:s18], [sflag:$0x2] =	stream.linear.gather [hbm4b:s14+s3], $0x100, $0x38;
	[tilespmem:$0x1C400] =	vst v63  }
.LBB2_2:
0x1f: {  	p1 =	sne.s32 s12, $0xFE00;
	[tilespmem:s11+$0x14470] =	vst v0  }
0x20: {  	[tilespmem:s11+$0x14400] =	vst v0  }
0x21: {  	[tilespmem:s11+$0x14410] =	vst v0  }
.Ltmp0:
0x22: {  	[tilespmem:s11+$0x14420] =	vst v0;
	(pc) =	sbr.rel @p1 .LBB2_2-.Ltmp0, $4  }
0x23: {  	[tilespmem:s11+$0x14430] =	vst v0  }
0x24: {  	[tilespmem:s11+$0x14440] =	vst v0  }
0x25: {  	[tilespmem:s11+$0x14450] =	vst v0  }
0x26: {  	[tilespmem:s11+$0x14460] =	vst v0;
	s11 =	sshra.s32 s12, $0x2;
	s12 =	sadd.s32 $0x200, s12  }
0x27: {  	[tilespmem:s11+$0x14470] =	vst v0  }
0x28: {  	[tilespmem:s11+$0x14400] =	vst v0  }
0x29: {  	[tilespmem:s11+$0x14410] =	vst v0  }
0x2a: {  	[tilespmem:s11+$0x14420] =	vst v0  }
0x2b: {  	[tilespmem:s11+$0x14430] =	vst v0  }
0x2c: {  	[tilespmem:s11+$0x14440] =	vst v0  }
0x2d: {  	[tilespmem:s11+$0x14450] =	vst v0  }
0x2e: {  	[tilespmem:s11+$0x14460] =	vst v0  }
0x2f: {  	[spmem:s7] =	stream.linear.scatter [tilespmem:s19], [sflag:$0x9], $0x4000, $0x38;
	[tilespmem:$0x1C400] =	vst v63  }
0x30: {  	_ =	swait.ge [sflag:s20], $0x4000  }
0x31: {  	[sflag:s20] =	ssyncset.done $0x0  }
0x32: {  	s13 =	rddreg [dreg:$0x9];
	[sflag:s20] =	ssyncadd.s32 $0xFFFFC000  }
0x33: {  	[spmem:s13] =	stream.linear.scatter [tilespmem:s19], [sflag:$0x9], $0x4000, $0x38;
	[tilespmem:$0x1C400] =	vst v63  }
0x34: {  	_ =	swait.ge [sflag:s20], $0x4000  }
0x35: {  	[sflag:s20] =	ssyncset.done $0x0  }
0x36: {  	s14 =	rddreg [dreg:$0xa];
	[sflag:s20] =	ssyncadd.s32 $0xFFFFC000  }
0x37: {  	[spmem:s14] =	stream.linear.scatter [tilespmem:s19], [sflag:$0x9], $0x4000, $0x38;
	[tilespmem:$0x1C400] =	vst v63  }
0x38: {  	_ =	swait.ge [sflag:s20], $0x4000  }
0x39: {  	[sflag:s20] =	ssyncset.done $0x0  }
0x3a: {  	s12 =	rddreg [dreg:$0xb];
	[sflag:s20] =	ssyncadd.s32 $0xFFFFC000  }
0x3b: {  	[spmem:s12] =	stream.linear.scatter [tilespmem:s19], [sflag:$0x9], $0x4000, $0x38;
	[tilespmem:$0x1C400] =	vst v63  }
0x3c: {  	_ =	swait.ge [sflag:s20], $0x4000  }
0x3d: {  	[sflag:s20] =	ssyncset.done $0x0  }
0x3e: {  	[sflag:s20] =	ssyncadd.s32 $0xFFFFC000  }
0x3f: {  	[spmem:s15] =	stream.linear.scatter [tilespmem:s19], [sflag:$0x9], $0x4000, $0x38;
	[tilespmem:$0x1C400] =	vst v63  }
0x40: {  	_ =	swait.ge [sflag:s20], $0x4000  }
0x41: {  	[sflag:s20] =	ssyncset.done $0x0  }
0x42: {  	[sflag:s20] =	ssyncadd.s32 $0xFFFFC000  }
0x43: {  	_ =	swait.ge [sflag:s21], $0x100  }
0x44: {  	[sflag:s21] =	ssyncset.done $0x0  }
0x45: {  	[sflag:s21] =	ssyncadd.s32 $0xFFFFFF00  }
0x46: {  	[tilespmem:s19], [sflag:$0x7] =	stream.indirect.gather [hbm4b:s4+s22], $0x80, s17, s22, $0xb8;
	[tilespmem:$0x1C400] =	vst v63  }
0x47: {  	s13 =	simm.s32 $0x0;
	s12 =	rddreg [dreg:$0x5]  }
0x48: {  	[tilespmem:s23], [sflag:$0x3] =	stream.linear.gather [hbm4b:s12+s13], $0x100, $0x38;
	[tilespmem:$0x1C400] =	vst v63  }
0x49: {  	[bflag:$0x0] =	sbarrier.arrive $0xFFFF  }
0x4a: {  	_ =	swait.ge [sflag:s24], $0x4000  }
0x4b: {  	p1 =	por $0x1, $0x1;
	[sflag:s24] =	ssyncset.done $0x0  }
0x4c: {  	s11 =	simm.s32 @!p1 $0x6;
	[sflag:s24] =	ssyncadd.s32 $0xFFFFC000  }
0x4d: {  	[spmem:s1] =	stream.indirect.scatter.add.f32 [tilespmem:s19], [sflag:$0x5], $0x80, s25, s22, $0xb8;
	[tilespmem:$0x1C400] =	vst v63  }
0x4e: {  	_ =	swait.ge @!p1 [sflag:s11], $0x4000  }
0x4f: {  	[sflag:s11] =	ssyncset.done @!p1 $0x0  }
0x50: {  	[sflag:s11] =	ssyncadd.s32 @!p1 $0xFFFFC000  }
0x51: {  	_ =	swait.ge [sflag:s26], $0x100  }
0x52: {  	[sflag:s26] =	ssyncset.done $0x0  }
0x53: {  	s12 =	sadd.s32 $0x0, s16;
	[sflag:s26] =	ssyncadd.s32 $0xFFFFFF00  }
0x54: {  	[tilespmem:s28], [sflag:$0x8] =	stream.indirect.gather [hbm4b:s4+s22], $0x80, s18, s22, $0xb8;
	[tilespmem:$0x1C400] =	vst v63  }
0x55: {  	s14 =	sadd.s32 $0x60, s12  }
0x56: {  	[tilespmem:s29], [sflag:$0x4] =	stream.linear.gather [hbm4b:s14+s3], $0x100, $0x38;
	[tilespmem:$0x1C400] =	vst v63  }
0x57: {  	_ =	swait.ge [sflag:s30], $0x4000  }
0x58: {  	[sflag:s30] =	ssyncset.done $0x0  }
0x59: {  	[sflag:s30] =	ssyncadd.s32 $0xFFFFC000  }
0x5a: {  	[spmem:s1] =	stream.indirect.scatter.add.f32 [tilespmem:s28], [sflag:$0x6], $0x80, s31, s22, $0xb8;
	[tilespmem:$0x1C400] =	vst v63  }
0x5b: {  	_ =	swait.ge [sflag:s0], $0x4000  }
0x5c: {  	[sflag:s0] =	ssyncset.done $0x0  }
0x5d: {  	[sflag:s0] =	ssyncadd.s32 $0xFFFFC000  }
0x5e: {  	_ =	swait.ge [sflag:s2], $0x100  }
0x5f: {  	[sflag:s2] =	ssyncset.done $0x0  }
0x60: {  	[sflag:s2] =	ssyncadd.s32 $0xFFFFFF00  }
0x61: {  	[tilespmem:s19], [sflag:$0x7] =	stream.indirect.gather [hbm4b:s4+s22], $0x80, s23, s22, $0xb8;
	[tilespmem:$0x1C400] =	vst v63  }
0x62: {  	s13 =	sadd.s32 $0x80, s12  }
0x63: {  	[tilespmem:s17], [sflag:$0x1] =	stream.linear.gather [hbm4b:s13+s3], $0x100, $0x38;
	[tilespmem:$0x1C400] =	vst v63  }
0x64: {  	_ =	swait.ge [sflag:s24], $0x4000  }
0x65: {  	[sflag:s24] =	ssyncset.done $0x0  }
0x66: {  	[sflag:s24] =	ssyncadd.s32 $0xFFFFC000  }
0x67: {  	[spmem:s1] =	stream.indirect.scatter.add.f32 [tilespmem:s19], [sflag:$0x5], $0x80, s6, s22, $0xb8;
	[tilespmem:$0x1C400] =	vst v63  }
0x68: {  	_ =	swait.ge [sflag:s8], $0x4000  }
0x69: {  	[sflag:s8] =	ssyncset.done $0x0  }
0x6a: {  	[sflag:s8] =	ssyncadd.s32 $0xFFFFC000  }
0x6b: {  	_ =	swait.ge [sflag:s5], $0x100  }
0x6c: {  	[sflag:s5] =	ssyncset.done $0x0  }
0x6d: {  	[sflag:s5] =	ssyncadd.s32 $0xFFFFFF00  }
0x6e: {  	[tilespmem:s28], [sflag:$0x8] =	stream.indirect.gather [hbm4b:s4+s22], $0x80, s29, s22, $0xb8;
	[tilespmem:$0x1C400] =	vst v63  }
0x6f: {  	s14 =	sadd.s32 $0xA0, s12  }
0x70: {  	[tilespmem:s18], [sflag:$0x2] =	stream.linear.gather [hbm4b:s14+s3], $0x100, $0x38;
	[tilespmem:$0x1C400] =	vst v63  }
0x71: {  	_ =	swait.ge [sflag:s30], $0x4000  }
0x72: {  	[sflag:s30] =	ssyncset.done $0x0  }
0x73: {  	[sflag:s30] =	ssyncadd.s32 $0xFFFFC000  }
0x74: {  	[spmem:s1] =	stream.indirect.scatter.add.f32 [tilespmem:s28], [sflag:$0x6], $0x80, s9, s22, $0xb8;
	[tilespmem:$0x1C400] =	vst v63  }
0x75: {  	_ =	swait.ge [sflag:s0], $0x4000  }
0x76: {  	[sflag:s0] =	ssyncset.done $0x0  }
0x77: {  	[sflag:s0] =	ssyncadd.s32 $0xFFFFC000  }
0x78: {  	_ =	swait.ge [sflag:s21], $0x100  }
0x79: {  	[sflag:s21] =	ssyncset.done $0x0  }
0x7a: {  	s11 =	simm.s32 $0x80;
	s12 =	sadd.s32 $0xC0, s12;
	[sflag:s21] =	ssyncadd.s32 $0xFFFFFF00  }
0x7b: {  	[tilespmem:s19], [sflag:$0x7] =	stream.indirect.gather [hbm4b:s4+s22], $0x80, s17, s22, $0xb8;
	[tilespmem:$0x1C400] =	vst v63  }
.LBB2_4:
0x7c: {  	s13 =	smov.u32 s11;
	s11 =	sadd.s32 $0x80, s11  }
0x7d: {  	[tilespmem:s23], [sflag:$0x3] =	stream.linear.gather [hbm4b:s12+s3], $0x100, $0x38;
	[tilespmem:$0x1C400] =	vst v63  }
0x7e: {  	p1 =	sne.s32 s11, $0x980;
	_ =	swait.ge [sflag:s24], $0x4000  }
0x7f: {  	p2 =	seq.s32 s13, $0x0;
	[sflag:s24] =	ssyncset.done $0x0  }
0x80: {  	s12 =	simm.s32 @!p2 $0x6;
	[sflag:s24] =	ssyncadd.s32 $0xFFFFC000  }
0x81: {  	[spmem:s1] =	stream.indirect.scatter.add.f32 [tilespmem:s19], [sflag:$0x5], $0x80, s25, s22, $0xb8;
	[tilespmem:$0x1C400] =	vst v63  }
0x82: {  	_ =	swait.ge @!p2 [sflag:s12], $0x4000  }
0x83: {  	[sflag:s12] =	ssyncset.done @!p2 $0x0  }
0x84: {  	[sflag:s12] =	ssyncadd.s32 @!p2 $0xFFFFC000  }
0x85: {  	_ =	swait.ge [sflag:s26], $0x100  }
0x86: {  	[sflag:s26] =	ssyncset.done $0x0  }
0x87: {  	s12 =	sadd.s32 s13, s16;
	[sflag:s26] =	ssyncadd.s32 $0xFFFFFF00  }
0x88: {  	[tilespmem:s28], [sflag:$0x8] =	stream.indirect.gather [hbm4b:s4+s22], $0x80, s18, s22, $0xb8;
	[tilespmem:$0x1C400] =	vst v63  }
0x89: {  	s13 =	sadd.s32 $0x60, s12  }
0x8a: {  	[tilespmem:s29], [sflag:$0x4] =	stream.linear.gather [hbm4b:s13+s3], $0x100, $0x38;
	[tilespmem:$0x1C400] =	vst v63  }
0x8b: {  	_ =	swait.ge [sflag:s30], $0x4000  }
0x8c: {  	[sflag:s30] =	ssyncset.done $0x0  }
0x8d: {  	[sflag:s30] =	ssyncadd.s32 $0xFFFFC000  }
0x8e: {  	[spmem:s1] =	stream.indirect.scatter.add.f32 [tilespmem:s28], [sflag:$0x6], $0x80, s31, s22, $0xb8;
	[tilespmem:$0x1C400] =	vst v63  }
0x8f: {  	_ =	swait.ge [sflag:s0], $0x4000  }
0x90: {  	[sflag:s0] =	ssyncset.done $0x0  }
0x91: {  	[sflag:s0] =	ssyncadd.s32 $0xFFFFC000  }
0x92: {  	_ =	swait.ge [sflag:s2], $0x100  }
0x93: {  	[sflag:s2] =	ssyncset.done $0x0  }
0x94: {  	s13 =	sadd.s32 $0x80, s12;
	[sflag:s2] =	ssyncadd.s32 $0xFFFFFF00  }
0x95: {  	[tilespmem:s19], [sflag:$0x7] =	stream.indirect.gather [hbm4b:s4+s22], $0x80, s23, s22, $0xb8;
	[tilespmem:$0x1C400] =	vst v63  }
0x96: {  	_ = 	snop  }
0x97: {  	[tilespmem:s17], [sflag:$0x1] =	stream.linear.gather [hbm4b:s13+s3], $0x100, $0x38;
	[tilespmem:$0x1C400] =	vst v63  }
0x98: {  	_ =	swait.ge [sflag:s24], $0x4000  }
0x99: {  	[sflag:s24] =	ssyncset.done $0x0  }
0x9a: {  	[sflag:s24] =	ssyncadd.s32 $0xFFFFC000  }
0x9b: {  	[spmem:s1] =	stream.indirect.scatter.add.f32 [tilespmem:s19], [sflag:$0x5], $0x80, s6, s22, $0xb8;
	[tilespmem:$0x1C400] =	vst v63  }
0x9c: {  	_ =	swait.ge [sflag:s8], $0x4000  }
0x9d: {  	[sflag:s8] =	ssyncset.done $0x0  }
0x9e: {  	[sflag:s8] =	ssyncadd.s32 $0xFFFFC000  }
0x9f: {  	_ =	swait.ge [sflag:s5], $0x100  }
0xa0: {  	[sflag:s5] =	ssyncset.done $0x0  }
0xa1: {  	s13 =	sadd.s32 $0xA0, s12;
	[sflag:s5] =	ssyncadd.s32 $0xFFFFFF00  }
0xa2: {  	[tilespmem:s28], [sflag:$0x8] =	stream.indirect.gather [hbm4b:s4+s22], $0x80, s29, s22, $0xb8;
	[tilespmem:$0x1C400] =	vst v63  }
0xa3: {  	_ = 	snop  }
0xa4: {  	[tilespmem:s18], [sflag:$0x2] =	stream.linear.gather [hbm4b:s13+s3], $0x100, $0x38;
	[tilespmem:$0x1C400] =	vst v63  }
0xa5: {  	_ =	swait.ge [sflag:s30], $0x4000  }
0xa6: {  	[sflag:s30] =	ssyncset.done $0x0  }
0xa7: {  	[sflag:s30] =	ssyncadd.s32 $0xFFFFC000  }
0xa8: {  	[spmem:s1] =	stream.indirect.scatter.add.f32 [tilespmem:s28], [sflag:$0x6], $0x80, s9, s22, $0xb8;
	[tilespmem:$0x1C400] =	vst v63  }
0xa9: {  	_ =	swait.ge [sflag:s0], $0x4000  }
0xaa: {  	[sflag:s0] =	ssyncset.done $0x0  }
.Ltmp1:
0xab: {  	[sflag:s0] =	ssyncadd.s32 $0xFFFFC000;
	(pc) =	sbr.rel @p1 .LBB2_4-.Ltmp1, $4  }
0xac: {  	_ =	swait.ge [sflag:s21], $0x100  }
0xad: {  	[sflag:s21] =	ssyncset.done $0x0  }
0xae: {  	s12 =	sadd.s32 $0xC0, s12;
	[sflag:s21] =	ssyncadd.s32 $0xFFFFFF00  }
0xaf: {  	[tilespmem:s19], [sflag:$0x7] =	stream.indirect.gather [hbm4b:s4+s22], $0x80, s17, s22, $0xb8;
	[tilespmem:$0x1C400] =	vst v63  }
0xb0: {  	[tilespmem:s23], [sflag:$0x3] =	stream.linear.gather [hbm4b:s12+s3], $0x100, $0x38;
	[tilespmem:$0x1C400] =	vst v63  }
0xb1: {  	_ =	swait.ge [sflag:s24], $0x4000  }
0xb2: {  	[sflag:s24] =	ssyncset.done $0x0  }
0xb3: {  	[sflag:s24] =	ssyncadd.s32 $0xFFFFC000  }
0xb4: {  	[spmem:s1] =	stream.indirect.scatter.add.f32 [tilespmem:s19], [sflag:$0x5], $0x80, s25, s22, $0xb8;
	[tilespmem:$0x1C400] =	vst v63  }
0xb5: {  	_ =	swait.ge [sflag:s8], $0x4000  }
0xb6: {  	[sflag:s8] =	ssyncset.done $0x0  }
0xb7: {  	[sflag:s8] =	ssyncadd.s32 $0xFFFFC000  }
0xb8: {  	_ =	swait.ge [sflag:s26], $0x100  }
0xb9: {  	[sflag:s26] =	ssyncset.done $0x0  }
0xba: {  	[sflag:s26] =	ssyncadd.s32 $0xFFFFFF00  }
0xbb: {  	[tilespmem:s28], [sflag:$0x8] =	stream.indirect.gather [hbm4b:s4+s22], $0x80, s18, s22, $0xb8;
	[tilespmem:$0x1C400] =	vst v63  }
0xbc: {  	_ =	swait.ge [sflag:s30], $0x4000  }
0xbd: {  	[sflag:s30] =	ssyncset.done $0x0  }
0xbe: {  	[sflag:s30] =	ssyncadd.s32 $0xFFFFC000  }
0xbf: {  	[spmem:s1] =	stream.indirect.scatter.add.f32 [tilespmem:s28], [sflag:$0x6], $0x80, s31, s22, $0xb8;
	[tilespmem:$0x1C400] =	vst v63  }
0xc0: {  	_ =	swait.ge [sflag:s0], $0x4000  }
0xc1: {  	[sflag:s0] =	ssyncset.done $0x0  }
0xc2: {  	[sflag:s0] =	ssyncadd.s32 $0xFFFFC000  }
0xc3: {  	_ =	swait.ge [sflag:s8], $0x4000  }
0xc4: {  	s11 =	simm.s32 @!p0 $0x0;
	[sflag:s8] =	ssyncset.done $0x0  }
0xc5: {  	s12 =	simm.s32 @!p0 $0x14000;
	s13 =	rddreg [dreg:$0x6];
	[sflag:s8] =	ssyncadd.s32 $0xFFFFC000  }
0xc6: {  	[tilespmem:s12], [sflag:$0x9] =	stream.linear.gather @!p0 [hbm4b:s13+s11], $0x100, $0x38;
	[tilespmem:$0x1C400] =	vst v63  }
0xc7: {  	s11 =	simm.s32 @!p0 $0x9  }
0xc8: {  	_ =	swait.ge @!p0 [sflag:s11], $0x100  }
0xc9: {  	[sflag:s11] =	ssyncset.done @!p0 $0x0  }
0xca: {  	s14 =	simm.s32 @!p0 $0x14400;
	s13 =	simm.s32 @!p0 $0x80;
	[sflag:s11] =	ssyncadd.s32 @!p0 $0xFFFFFF00  }
0xcb: {  	[tilespmem:s14], [sflag:$0x9] =	stream.indirect.gather @!p0 [hbm4b:s4+s13], $0x80, s12, s13, $0xb8;
	[tilespmem:$0x1C400] =	vst v63  }
0xcc: {  	_ =	swait.ge @!p0 [sflag:s11], $0x4000  }
0xcd: {  	[sflag:s11] =	ssyncset.done @!p0 $0x0  }
0xce: {  	s12 =	simm.s32 @!p0 $0x14080;
	[sflag:s11] =	ssyncadd.s32 @!p0 $0xFFFFC000  }
0xcf: {  	[spmem:s1] =	stream.indirect.scatter.add.f32 @!p0 [tilespmem:s14], [sflag:$0x9], $0x80, s12, s13, $0xb8;
	[tilespmem:$0x1C400] =	vst v63  }
0xd0: {  	_ =	swait.ge @!p0 [sflag:s11], $0x4000  }
0xd1: {  	[sflag:s11] =	ssyncset.done @!p0 $0x0  }
0xd2: {  	s12 =	stileid.u32;
	[sflag:s11] =	ssyncadd.s32 @!p0 $0xFFFFC000  }
0xd3: {  	s11 =	sshll.u32 s12, $0x6;
	[bflag:$0x0] =	sbarrier.arrive $0xFFFF  }
0xd4: {  	s13 =	sshrl.u32 s7, $0x3;
	s11 =	sor.u32 $0x1C09, s11;
	s14 =	rddreg [dreg:$0x7]  }
0xd5: {  	[hbm:s14], [sflag:s11] =	dma.local [spmem:s13], $0x2800  }
0xd6: {  	_ =	swait.ge [sflag:s20], $0x2800  }
0xd7: {  	s10 =	sadd.s32 $0x1, s10;
	s14 =	rddreg [dreg:$0x8]  }
0xd8: {  	p1 =	sne.s32 s10, s14  }
.Ltmp2:
0xd9: {  	_ = 	snop;
	(pc) =	sbr.rel @p1 .LBB2_1-.Ltmp2, $3  }
0xda: {  	_ =	sdelay $0x1  }
0xdb: {  	[sflag:s20] =	ssyncset.done $0x0  }
0xdc: {  	[sflag:s20] =	ssyncadd.s32 $0xFFFFD800  }
0xdd: {  	_ =	sfence.sel $0x180000  }
0xde: {  	[bflag:$0x0] =	sbarrier.arrive $0xFFFF  }
0xdf: {  	_ =	strace $0x9000004A  }
0xe0: {  	s0 =	stileid.u32;
	[bflag:$0x2] =	sbarrier.arrive $0xFFFF  }
0xe1: {  	p0 =	sne.s32 s0, $0x0;
	s0 =	rddreg [dreg:$0x2]  }
0xe2: {  	s0 =	sadd.s32 @!p0 $0x100000, s0  }
0xe3: {  	[sflag:s0] =	ssyncadd.tile.s32 @!p0 $0x1;
	_ =	shalt  }
.Lfunc_end2:
_tile_overlayer_lowered:
.L_overlay_start_2:
0xe4: {  	(tag) =	ssettag $0x2  }
0xe5: {  	s0 =	rddreg [dreg:$0x0];
	s2 =	stileid.u32  }
0xe6: {  	s1 =	rddreg [dreg:$0x1];
	p0 =	sne.s32 s2, $0x0  }
0xe7: {  	s3 =	rddreg [dreg:$0x2];
	[bflag:$0x3] =	sbarrier.arrive $0xFFFF;
	s2 =	simm.s32 @!p0 $0x1C09  }
0xe8: {  	[timem:s3], [sflag:s2] =	dma.local @!p0 [hbm:s0], s1  }
0xe9: {  	s0 =	simm.s32 @!p0 $0x9  }
0xea: {  	_ =	swait.ge @!p0 [sflag:s0], s1  }
0xeb: {  	s1 =	ssub.s32 @!p0 $0x0, s1;
	[sflag:s0] =	ssyncset.done @!p0 $0x0  }
0xec: {  	[sflag:s0] =	ssyncadd.s32 @!p0 s1  }
0xed: {  	[bflag:$0x3] =	sbarrier.arrive $0xFFFF  }
0xee: {  	_ =	shalt  }

// kernel: kernel.20.cloned.1.call-start
scs
__scs_entry_jumppad:
0x0: {  	(pc) =	sbr.rel $0x88, $3  }
0x1: {  	(tag) =	ssettag $0x0;
	lr =	simm.s32 $0x1  }
0x2: {  	[smem:$0x3F97] =	sst lr;
	_ =	strace $0xD0000000  }
0x3: {  	_ = 	snop  }
0x4: {  	_ = 	snop  }
0x5: {  	_ = 	snop  }
0x6: {  	_ = 	snop  }
0x7: {  	_ = 	snop  }
__scs_overlays_trampoline_lowered:
0x8: {  	[smem:$0x3FA6] =	sst s0  }
0x9: {  	[smem:$0x3FA7] =	sst s1  }
0xa: {  	[smem:$0x3FA8] =	sst s2  }
0xb: {  	[smem:$0x3FA9] =	sst s3  }
0xc: {  	[smem:$0x3FAA] =	sst s4  }
0xd: {  	[smem:$0x3FAB] =	sst s5  }
0xe: {  	[smem:$0x3FAC] =	sst s6  }
0xf: {  	[smem:$0x3FAD] =	sst s7  }
0x10: {  	[smem:$0x3FAE] =	sst s8  }
0x11: {  	[smem:$0x3FAF] =	sst s9;
	s0 =	simm.s32 @!p0 $0x0  }
0x12: {  	s1 =	sld [smem:$0x3F95];
	s0 =	simm.s32 @p0 $0x1  }
0x13: {  	[smem:$0x3FB0] =	sst s0;
	s0 =	simm.s32 @!p1 $0x0  }
0x14: {  	s2 =	sld [smem:$0x3F94];
	s0 =	simm.s32 @p1 $0x1  }
0x15: {  	[smem:$0x3FB1] =	sst s0;
	s0 =	simm.s32 @!p2 $0x0  }
0x16: {  	s3 =	sld [smem:$0x3FDB];
	s0 =	simm.s32 @p2 $0x1  }
0x17: {  	s4 =	simm.s32 $0x1BF5;
	[smem:$0x3FB3] =	sst s0  }
0x18: {  	s0 =	sld [smem:$0x3F96];
	_ =	swait.ge [sflag:s4], $0x0  }
0x19: {  	s7 =	sld [smem:$0x3F97]  }
0x1a: {  	s8 =	sadd.s32 $0xFFFFE003, lr  }
0x1b: {  	s9 =	sadd.s32 $0xFFFFFEF7, lr;
	s5 =	simm.s32 $0xFFFFFFFF;
	p2 =	slt.u32 s8, $0xFFFFF086  }
0x1c: {  	p1 =	slt.u32 s9, $0xF7A;
	s5 =	simm.s32 @!p2 $0x0  }
0x1d: {  	s5 =	simm.s32 @p1 $0x1;
	p0 =	seq.s32 s7, s2  }
0x1e: {  	s7 =	smul.u32 @!p0 $0xF7A, s2;
	p2 =	seq.s32 @!p0 s5, $0x0  }
0x1f: {  	s9 =	smul.u32 $0xF7A, s1;
	s8 =	simm.s32 @!p0 $0x1BF5;
	p2 =	por !p2, p0  }
0x20: {  	[sflag:s8] =	ssyncset.s32 @!p0 $0xFFFFF086;
	s6 =	sadd.s32 @!p0 s3, s7;
	s7 =	simm.s32 @!p0 $0x108  }
0x21: {  	s3 =	sadd.s32 s3, s9;
	s6 =	sadd.s32 @!p0 $0x88, s6;
	s7 =	simm.s32 @p2 $0x1082  }
0x22: {  	[simem:s7], [sflag:s8] =	dma.local @!p0 [hbm:s6], $0xF7A  }
0x23: {  	s9 =	sor.u32 $0xD0000000, s2;
	s6 =	simm.s32 $0x108;
	_ =	swait.ge @!p0 [sflag:s8], $0x0  }
0x24: {  	s3 =	sadd.s32 $0x88, s3;
	s6 =	simm.s32 @!p1 $0x1082;
	[sflag:s4] =	ssyncset.s32 $0xFFFFF086  }
0x25: {  	[simem:s6], [sflag:s4] =	dma.local [hbm:s3], $0xF7A  }
0x26: {  	[smem:$0x3F97] =	sst s1;
	(tag) =	ssettag s2;
	_ =	strace s9  }
0x27: {  	s1 =	sld [smem:$0x3FA7]  }
0x28: {  	s2 =	sld [smem:$0x3FA8]  }
0x29: {  	s4 =	sld [smem:$0x3FAA]  }
0x2a: {  	p0 =	seq.s32 s5, $0x0;
	s5 =	sld [smem:$0x3FAB]  }
0x2b: {  	s6 =	sld [smem:$0x3FAC]  }
0x2c: {  	s7 =	sld [smem:$0x3FAD]  }
0x2d: {  	s3 =	simm.s32 $0x108;
	s8 =	sld [smem:$0x3FAE]  }
0x2e: {  	s3 =	simm.s32 @!p0 $0x1082;
	s9 =	sld [smem:$0x3FAF]  }
0x2f: {  	lr =	sadd.s32 s0, s3;
	s0 =	sld [smem:$0x3FA6]  }
0x30: {  	s3 =	sld [smem:$0x3FA9]  }
0x31: {  	[smem:$0x3FB2] =	sst s10  }
0x32: {  	s10 =	sld [smem:$0x3FB0];
	_ =	sdelay $0x3  }
0x33: {  	p0 =	seq.s32 s10, $0x1;
	s10 =	sld [smem:$0x3FB2];
	_ =	sdelay $0x3  }
0x34: {  	[smem:$0x3FB2] =	sst s10  }
0x35: {  	s10 =	sld [smem:$0x3FB1];
	_ =	sdelay $0x3  }
0x36: {  	p1 =	seq.s32 s10, $0x1;
	s10 =	sld [smem:$0x3FB2];
	_ =	sdelay $0x3  }
0x37: {  	[smem:$0x3FB2] =	sst s10  }
0x38: {  	s10 =	sld [smem:$0x3FB3]  }
0x39: {  	_ = 	snop;
	(pc) =	sbr.ind lr, $3  }
0x3a: {  	_ = 	snop  }
0x3b: {  	_ = 	snop  }
0x3c: {  	p2 =	seq.s32 s10, $0x1;
	s10 =	sld [smem:$0x3FB2]  }
0x3d: {  	_ =	shalt  }
0x3e: {  	_ =	shalt  }
0x3f: {  	_ =	shalt  }
0x40: {  	_ =	shalt  }
0x41: {  	_ =	shalt  }
0x42: {  	_ =	shalt  }
0x43: {  	_ =	shalt  }
0x44: {  	_ =	shalt  }
0x45: {  	_ =	shalt  }
0x46: {  	_ =	shalt  }
0x47: {  	_ =	shalt  }
0x48: {  	_ =	shalt  }
0x49: {  	_ =	shalt  }
0x4a: {  	_ =	shalt  }
0x4b: {  	_ =	shalt  }
0x4c: {  	_ =	shalt  }
0x4d: {  	_ =	shalt  }
0x4e: {  	_ =	shalt  }
0x4f: {  	_ =	shalt  }
0x50: {  	_ =	shalt  }
0x51: {  	_ =	shalt  }
0x52: {  	_ =	shalt  }
0x53: {  	_ =	shalt  }
0x54: {  	_ =	shalt  }
0x55: {  	_ =	shalt  }
0x56: {  	_ =	shalt  }
0x57: {  	_ =	shalt  }
0x58: {  	_ =	shalt  }
0x59: {  	_ =	shalt  }
0x5a: {  	_ =	shalt  }
0x5b: {  	_ =	shalt  }
0x5c: {  	_ =	shalt  }
0x5d: {  	_ =	shalt  }
0x5e: {  	_ =	shalt  }
0x5f: {  	_ =	shalt  }
0x60: {  	_ =	shalt  }
0x61: {  	_ =	shalt  }
0x62: {  	_ =	shalt  }
0x63: {  	_ =	shalt  }
0x64: {  	_ =	shalt  }
0x65: {  	_ =	shalt  }
0x66: {  	_ =	shalt  }
0x67: {  	_ =	shalt  }
0x68: {  	_ =	shalt  }
0x69: {  	_ =	shalt  }
0x6a: {  	_ =	shalt  }
0x6b: {  	_ =	shalt  }
0x6c: {  	_ =	shalt  }
0x6d: {  	_ =	shalt  }
0x6e: {  	_ =	shalt  }
0x6f: {  	_ =	shalt  }
0x70: {  	_ =	shalt  }
0x71: {  	_ =	shalt  }
0x72: {  	_ =	shalt  }
0x73: {  	_ =	shalt  }
0x74: {  	_ =	shalt  }
0x75: {  	_ =	shalt  }
0x76: {  	_ =	shalt  }
0x77: {  	_ =	shalt  }
0x78: {  	_ =	shalt  }
0x79: {  	_ =	shalt  }
0x7a: {  	_ =	shalt  }
0x7b: {  	_ =	shalt  }
0x7c: {  	_ =	shalt  }
0x7d: {  	_ =	shalt  }
0x7e: {  	_ =	shalt  }
0x7f: {  	_ =	shalt  }
0x80: {  	_ =	shalt  }
0x81: {  	_ =	shalt  }
0x82: {  	_ =	shalt  }
0x83: {  	_ =	shalt  }
0x84: {  	_ =	shalt  }
0x85: {  	_ =	shalt  }
0x86: {  	_ =	shalt  }
0x87: {  	_ =	shalt  }
.Lfunc_end0:
.L_simem_size_0:
called_computation.2_lowered:
.L_overlay_start_0:
0x88: {  	s2 =	sld [smem:$0x3FD9]  }
0x89: {  	s3 =	sld [smem:$0x3FFE];
	_ =	sdelay $0x1  }
0x8a: {  	s1 =	srdreg.scid  }
0x8b: {  	s0 =	sand.u32 $0x1, s1  }
0x8c: {  	s16 =	sshll.u32 s0, $0xA;
	s2 =	sadd.s32 s3, s2  }
0x8d: {  	s2 =	sadd.s32 s2, s16  }
0x8e: {  	[smem:$0x3FBE] =	sst s2  }
0x8f: {  	_ = 	snop  }
0x90: {  	(tm) =	ssettm $0x1  }
0x91: {  	s17 =	sld [smem:$0x3FFB];
	_ =	sdelay $0x3  }
0x92: {  	_ =	strace s17  }
0x93: {  	s2 =	sld [smem:$0x3FFC];
	_ =	sdelay $0x3  }
0x94: {  	_ =	strace s2  }
0x95: {  	s2 =	sld [smem:$0x3FFD];
	_ =	sdelay $0x3  }
0x96: {  	_ =	strace s2  }
0x97: {  	_ =	strace $0x8FFFFFFF  }
0x98: {  	s18 =	sld [smem:$0x3FDB];
	_ =	sdelay $0x1  }
0x99: {  	s19 =	simm.s32 $_scs_section_size  }
0x9a: {  	s4 =	simm.s32 $_size__tile_overlayer_lowered;
	s5 =	simm.s32 $_tile_overlayer_lowered  }
0x9b: {  	s22 =	simm.s32 $0x1BFF;
	s21 =	sshll.u32 s5, $0x1;
	s2 =	sadd.s32 s19, s18  }
0x9c: {  	s6 =	simm.s32 $0x0;
	s20 =	sshll.u32 s4, $0x1;
	s4 =	sadd.s32 s21, s2  }
0x9d: {  	[timem:s6], [sflag:s22] =	dma.local [hbm:s4], s20  }
0x9e: {  	_ =	swait.ge [sflag:s22], s20  }
0x9f: {  	s3 =	ssub.s32 $0x0, s20;
	[sflag:s22] =	ssyncset.done $0x0  }
0xa0: {  	[sflag:s22] =	ssyncadd.s32 s3;
	_ =	sdelay $0x1  }
0xa1: {  	s23 =	simm.s32 $0x1B8B  }
0xa2: {  	_ =	swait.ge [sflag:s23], $0x1  }
0xa3: {  	[sflag:s23] =	ssyncset.done $0x0  }
0xa4: {  	s25 =	simm.s32 $0x1B8E;
	s24 =	sld [smem:$0x3FFE];
	[sflag:s23] =	ssyncadd.s32 $0xFFFFFFFF  }
0xa5: {  	s26 =	simm.s32 $execute0_lowered;
	[smem:$0x3FD2] =	sst s25  }
0xa6: {  	s4 =	sshll.u32 s26, $0x1;
	_ =	strace $0x8000004C;
	[dreg:$0x1] =	wrdreg $0xFFFFFFFF  }
0xa7: {  	s28 =	simm.s32 $_size_execute0_lowered;
	s2 =	sadd.s32 s2, s4;
	[dreg:$0x0] =	wrdreg $0x0  }
0xa8: {  	s4 =	sshll.u32 s28, $0x1;
	[dreg:$0x2] =	wrdreg s2  }
0xa9: {  	[dreg:$0x3] =	wrdreg s4  }
0xaa: {  	[dreg:$0x4] =	wrdreg $0xC0  }
0xab: {  	_ =	task [dreg:s6], $0x5FFFF  }
0xac: {  	[dreg:$0x1] =	wrdreg $0xFFFFFFFF  }
0xad: {  	[dreg:$0x0] =	wrdreg $0x60  }
0xae: {  	[dreg:$0x2] =	wrdreg s24  }
0xaf: {  	[dreg:$0x3] =	wrdreg $0x0  }
0xb0: {  	[dreg:$0x4] =	wrdreg $0x9  }
0xb1: {  	_ =	task.clear_ibuf [dreg:s6], $0x5FFFF;
	_ =	strace $0x9000004C  }
0xb2: {  	s29 =	simm.s32 $0x9;
	_ =	strace $0x8000004E  }
0xb3: {  	_ =	swait.ge [sflag:s29], $0x1  }
0xb4: {  	[sflag:s29] =	ssyncadd.s32 $0xFFFFFFFF  }
0xb5: {  	_ =	strace $0x9000004E  }
0xb6: {  	_ =	sfence  }
0xb7: {  	s30 =	sld [smem:$0x0];
	_ =	sdelay $0x2  }
0xb8: {  	s31 =	sshll.u32 s1, $0xD;
	s1 =	sshrl.u32 s1, $0x2  }
0xb9: {  	s3 =	sand.u32 $0x4000, s31;
	s1 =	sadd.s32 s1, s30  }
0xba: {  	s0 =	sor.u32 s3, s0;
	s1 =	sshll.u32 s1, $0x11  }
0xbb: {  	s0 =	sor.u32 s1, s0  }
0xbc: {  	s0 =	sadd.s32 $0x8F2B, s0  }
0xbd: {  	[sflag:s0] =	ssyncadd.remote.s32 $0x1  }
0xbe: {  	_ =	sfence.sel $0xFFFF  }
0xbf: {  	[dreg:$0x0] =	wrdreg $0xFFFFFFFF;
	(pc) =	sbr.abs _section_cstart, $3  }
0xc0: {  	[dreg:$0x1] =	wrdreg $0xFFFFFFFF  }
0xc1: {  	_ =	task.clear_ibuf [dreg:s6], $0x2FFFF;
	_ =	strace $0x9FFFFFFF  }
0xc2: {  	(tm) =	ssettm $0x7FFFFFFF  }
0xc3: {  	_ =	shalt  }
tec
execute0_lowered:
.L_overlay_start_1:
0x0: {  	(tag) =	ssettag $0x1  }
0x1: {  	s0 =	rddreg [dreg:$0x0]  }
0x2: {  	s1 =	rddreg [dreg:$0x1]  }
0x3: {  	s2 =	srdreg.scid;
	s3 =	simm.s32 $0x0;
	s11 =	stileid.u32  }
0x4: {  	s28 =	simm.s32 $0x18400;
	s29 =	simm.s32 $0x14300;
	s30 =	simm.s32 $0x8  }
0x5: {  	s31 =	simm.s32 $0x14180;
	s2 =	sand.u32 $0x1, s2;
	s6 =	smul.u32 $0x14000, s11  }
0x6: {  	[smem:$0x7FF] =	sst s3;
	s4 =	sadd.s32 $0x2B200, s0;
	s17 =	smul.u32 $0x50000, s11  }
0x7: {  	s8 =	sadd.s32 $0x17800, s0;
	s19 =	sshll.u32 s11, $0x5;
	s24 =	smul.u32 $0x9C0, s11  }
0x8: {  	s5 =	smul.u32 $0x140000, s2;
	_ =	strace $0x8000004D;
	s7 =	sshll.u32 s2, $0x4  }
0x9: {  	s16 =	ssub.s32 $0x2, s2;
	s20 =	sadd.s32 s19, s8;
	s21 =	smul.u32 $0x9C00, s2  }
0xa: {  	s19 =	simm.s32 $0x14400;
	s2 =	simm.s32 $0x3;
	s14 =	sor.u32 s11, s7  }
0xb: {  	s10 =	sshrl.u32 s16, $0x1;
	s5 =	sadd.s32 s6, s5;
	s7 =	smul.u32 $0x9C0, s14  }
0xc: {  	s9 =	smul.u32 $0x4E00, s14;
	p0 =	sgt.u32 s14, $0x3;
	s5 =	sshrl.u32 s5, $0x3  }
0xd: {  	s6 =	simm.s32 $0x14280;
	s0 =	sadd.s32 s5, s0;
	s12 =	sadd.s32 s8, s7  }
0xe: {  	s5 =	ssub.s32 s16, s10;
	s9 =	sshrl.u32 s9, $0x3;
	s7 =	sshrl.u32 s17, $0x2  }
0xf: {  	s17 =	simm.s32 $0x14000;
	s10 =	simm.s32 $0x0;
	[dreg:$0x3] =	wrdreg s12  }
0x10: {  	s18 =	sadd.s32 $0x20, s12;
	s9 =	sadd.s32 s8, s9;
	s7 =	sadd.s32 s7, s1  }
0x11: {  	s0 =	sadd.s32 $0x52400, s0;
	s22 =	smax.u32 s5, $0x1;
	[dreg:$0x4] =	wrdreg s18  }
0x12: {  	s5 =	simm.s32 $0x4;
	s9 =	sadd.s32 $0x40, s9;
	[dreg:$0x7] =	wrdreg s0  }
0x13: {  	[dreg:$0x8] =	wrdreg s22;
	s23 =	sadd.s32 $0x4000, s7;
	s25 =	sadd.s32 $0x8000, s7  }
0x14: {  	s26 =	sadd.s32 $0xC000, s7;
	s0 =	sadd.s32 s21, s8;
	[dreg:$0x5] =	wrdreg s9  }
0x15: {  	s15 =	sadd.s32 $0x10000, s7;
	s18 =	simm.s32 $0x14100;
	[dreg:$0x9] =	wrdreg s23  }
0x16: {  	s21 =	simm.s32 $0x1;
	s22 =	simm.s32 $0x80;
	[dreg:$0xa] =	wrdreg s25  }
0x17: {  	s8 =	simm.s32 $0x6;
	s9 =	sadd.s32 $0x13800, s20;
	[dreg:$0xb] =	wrdreg s26  }
0x18: {  	s16 =	sadd.s32 s24, s0;
	s20 =	simm.s32 $0x9;
	s23 =	simm.s32 $0x14200  }
0x19: {  	s24 =	simm.s32 $0x7;
	s25 =	simm.s32 $0x14080;
	s26 =	simm.s32 $0x2  }
0x1a: {  	v0 =	vimm.f32 $0.0e+00;
	s0 =	simm.s32 $0x5;
	[dreg:$0x6] =	wrdreg s9;
	s9 =	simm.s32 $0x14380  }
.LBB2_1:
0x1b: {  	s11 =	rddreg [dreg:$0x3]  }
0x1c: {  	[tilespmem:s17], [sflag:$0x1] =	stream.linear.gather [hbm4b:s11+s3], $0x100, $0x38;
	[tilespmem:$0x1C400] =	vst v63  }
0x1d: {  	s14 =	rddreg [dreg:$0x4];
	s12 =	simm.s32 $0x200;
	s11 =	simm.s32 $0x0  }
0x1e: {  	[tilespmem:s18], [sflag:$0x2] =	stream.linear.gather [hbm4b:s14+s3], $0x100, $0x38;
	[tilespmem:$0x1C400] =	vst v63  }
.LBB2_2:
0x1f: {  	p1 =	sne.s32 s12, $0xFE00;
	[tilespmem:s11+$0x14470] =	vst v0  }
0x20: {  	[tilespmem:s11+$0x14400] =	vst v0  }
0x21: {  	[tilespmem:s11+$0x14410] =	vst v0  }
.Ltmp0:
0x22: {  	[tilespmem:s11+$0x14420] =	vst v0;
	(pc) =	sbr.rel @p1 .LBB2_2-.Ltmp0, $4  }
0x23: {  	[tilespmem:s11+$0x14430] =	vst v0  }
0x24: {  	[tilespmem:s11+$0x14440] =	vst v0  }
0x25: {  	[tilespmem:s11+$0x14450] =	vst v0  }
0x26: {  	[tilespmem:s11+$0x14460] =	vst v0;
	s11 =	sshra.s32 s12, $0x2;
	s12 =	sadd.s32 $0x200, s12  }
0x27: {  	[tilespmem:s11+$0x14470] =	vst v0  }
0x28: {  	[tilespmem:s11+$0x14400] =	vst v0  }
0x29: {  	[tilespmem:s11+$0x14410] =	vst v0  }
0x2a: {  	[tilespmem:s11+$0x14420] =	vst v0  }
0x2b: {  	[tilespmem:s11+$0x14430] =	vst v0  }
0x2c: {  	[tilespmem:s11+$0x14440] =	vst v0  }
0x2d: {  	[tilespmem:s11+$0x14450] =	vst v0  }
0x2e: {  	[tilespmem:s11+$0x14460] =	vst v0  }
0x2f: {  	[spmem:s7] =	stream.linear.scatter [tilespmem:s19], [sflag:$0x9], $0x4000, $0x38;
	[tilespmem:$0x1C400] =	vst v63  }
0x30: {  	_ =	swait.ge [sflag:s20], $0x4000  }
0x31: {  	[sflag:s20] =	ssyncset.done $0x0  }
0x32: {  	s13 =	rddreg [dreg:$0x9];
	[sflag:s20] =	ssyncadd.s32 $0xFFFFC000  }
0x33: {  	[spmem:s13] =	stream.linear.scatter [tilespmem:s19], [sflag:$0x9], $0x4000, $0x38;
	[tilespmem:$0x1C400] =	vst v63  }
0x34: {  	_ =	swait.ge [sflag:s20], $0x4000  }
0x35: {  	[sflag:s20] =	ssyncset.done $0x0  }
0x36: {  	s14 =	rddreg [dreg:$0xa];
	[sflag:s20] =	ssyncadd.s32 $0xFFFFC000  }
0x37: {  	[spmem:s14] =	stream.linear.scatter [tilespmem:s19], [sflag:$0x9], $0x4000, $0x38;
	[tilespmem:$0x1C400] =	vst v63  }
0x38: {  	_ =	swait.ge [sflag:s20], $0x4000  }
0x39: {  	[sflag:s20] =	ssyncset.done $0x0  }
0x3a: {  	s12 =	rddreg [dreg:$0xb];
	[sflag:s20] =	ssyncadd.s32 $0xFFFFC000  }
0x3b: {  	[spmem:s12] =	stream.linear.scatter [tilespmem:s19], [sflag:$0x9], $0x4000, $0x38;
	[tilespmem:$0x1C400] =	vst v63  }
0x3c: {  	_ =	swait.ge [sflag:s20], $0x4000  }
0x3d: {  	[sflag:s20] =	ssyncset.done $0x0  }
0x3e: {  	[sflag:s20] =	ssyncadd.s32 $0xFFFFC000  }
0x3f: {  	[spmem:s15] =	stream.linear.scatter [tilespmem:s19], [sflag:$0x9], $0x4000, $0x38;
	[tilespmem:$0x1C400] =	vst v63  }
0x40: {  	_ =	swait.ge [sflag:s20], $0x4000  }
0x41: {  	[sflag:s20] =	ssyncset.done $0x0  }
0x42: {  	[sflag:s20] =	ssyncadd.s32 $0xFFFFC000  }
0x43: {  	_ =	swait.ge [sflag:s21], $0x100  }
0x44: {  	[sflag:s21] =	ssyncset.done $0x0  }
0x45: {  	[sflag:s21] =	ssyncadd.s32 $0xFFFFFF00  }
0x46: {  	[tilespmem:s19], [sflag:$0x7] =	stream.indirect.gather [hbm4b:s4+s22], $0x80, s17, s22, $0xb8;
	[tilespmem:$0x1C400] =	vst v63  }
0x47: {  	s13 =	simm.s32 $0x0;
	s12 =	rddreg [dreg:$0x5]  }
0x48: {  	[tilespmem:s23], [sflag:$0x3] =	stream.linear.gather [hbm4b:s12+s13], $0x100, $0x38;
	[tilespmem:$0x1C400] =	vst v63  }
0x49: {  	[bflag:$0x0] =	sbarrier.arrive $0xFFFF  }
0x4a: {  	_ =	swait.ge [sflag:s24], $0x4000  }
0x4b: {  	p1 =	por $0x1, $0x1;
	[sflag:s24] =	ssyncset.done $0x0  }
0x4c: {  	s11 =	simm.s32 @!p1 $0x6;
	[sflag:s24] =	ssyncadd.s32 $0xFFFFC000  }
0x4d: {  	[spmem:s1] =	stream.indirect.scatter.add.f32 [tilespmem:s19], [sflag:$0x5], $0x80, s25, s22, $0xb8;
	[tilespmem:$0x1C400] =	vst v63  }
0x4e: {  	_ =	swait.ge @!p1 [sflag:s11], $0x4000  }
0x4f: {  	[sflag:s11] =	ssyncset.done @!p1 $0x0  }
0x50: {  	[sflag:s11] =	ssyncadd.s32 @!p1 $0xFFFFC000  }
0x51: {  	_ =	swait.ge [sflag:s26], $0x100  }
0x52: {  	[sflag:s26] =	ssyncset.done $0x0  }
0x53: {  	s12 =	sadd.s32 $0x0, s16;
	[sflag:s26] =	ssyncadd.s32 $0xFFFFFF00  }
0x54: {  	[tilespmem:s28], [sflag:$0x8] =	stream.indirect.gather [hbm4b:s4+s22], $0x80, s18, s22, $0xb8;
	[tilespmem:$0x1C400] =	vst v63  }
0x55: {  	s14 =	sadd.s32 $0x60, s12  }
0x56: {  	[tilespmem:s29], [sflag:$0x4] =	stream.linear.gather [hbm4b:s14+s3], $0x100, $0x38;
	[tilespmem:$0x1C400] =	vst v63  }
0x57: {  	_ =	swait.ge [sflag:s30], $0x4000  }
0x58: {  	[sflag:s30] =	ssyncset.done $0x0  }
0x59: {  	[sflag:s30] =	ssyncadd.s32 $0xFFFFC000  }
0x5a: {  	[spmem:s1] =	stream.indirect.scatter.add.f32 [tilespmem:s28], [sflag:$0x6], $0x80, s31, s22, $0xb8;
	[tilespmem:$0x1C400] =	vst v63  }
0x5b: {  	_ =	swait.ge [sflag:s0], $0x4000  }
0x5c: {  	[sflag:s0] =	ssyncset.done $0x0  }
0x5d: {  	[sflag:s0] =	ssyncadd.s32 $0xFFFFC000  }
0x5e: {  	_ =	swait.ge [sflag:s2], $0x100  }
0x5f: {  	[sflag:s2] =	ssyncset.done $0x0  }
0x60: {  	[sflag:s2] =	ssyncadd.s32 $0xFFFFFF00  }
0x61: {  	[tilespmem:s19], [sflag:$0x7] =	stream.indirect.gather [hbm4b:s4+s22], $0x80, s23, s22, $0xb8;
	[tilespmem:$0x1C400] =	vst v63  }
0x62: {  	s13 =	sadd.s32 $0x80, s12  }
0x63: {  	[tilespmem:s17], [sflag:$0x1] =	stream.linear.gather [hbm4b:s13+s3], $0x100, $0x38;
	[tilespmem:$0x1C400] =	vst v63  }
0x64: {  	_ =	swait.ge [sflag:s24], $0x4000  }
0x65: {  	[sflag:s24] =	ssyncset.done $0x0  }
0x66: {  	[sflag:s24] =	ssyncadd.s32 $0xFFFFC000  }
0x67: {  	[spmem:s1] =	stream.indirect.scatter.add.f32 [tilespmem:s19], [sflag:$0x5], $0x80, s6, s22, $0xb8;
	[tilespmem:$0x1C400] =	vst v63  }
0x68: {  	_ =	swait.ge [sflag:s8], $0x4000  }
0x69: {  	[sflag:s8] =	ssyncset.done $0x0  }
0x6a: {  	[sflag:s8] =	ssyncadd.s32 $0xFFFFC000  }
0x6b: {  	_ =	swait.ge [sflag:s5], $0x100  }
0x6c: {  	[sflag:s5] =	ssyncset.done $0x0  }
0x6d: {  	[sflag:s5] =	ssyncadd.s32 $0xFFFFFF00  }
0x6e: {  	[tilespmem:s28], [sflag:$0x8] =	stream.indirect.gather [hbm4b:s4+s22], $0x80, s29, s22, $0xb8;
	[tilespmem:$0x1C400] =	vst v63  }
0x6f: {  	s14 =	sadd.s32 $0xA0, s12  }
0x70: {  	[tilespmem:s18], [sflag:$0x2] =	stream.linear.gather [hbm4b:s14+s3], $0x100, $0x38;
	[tilespmem:$0x1C400] =	vst v63  }
0x71: {  	_ =	swait.ge [sflag:s30], $0x4000  }
0x72: {  	[sflag:s30] =	ssyncset.done $0x0  }
0x73: {  	[sflag:s30] =	ssyncadd.s32 $0xFFFFC000  }
0x74: {  	[spmem:s1] =	stream.indirect.scatter.add.f32 [tilespmem:s28], [sflag:$0x6], $0x80, s9, s22, $0xb8;
	[tilespmem:$0x1C400] =	vst v63  }
0x75: {  	_ =	swait.ge [sflag:s0], $0x4000  }
0x76: {  	[sflag:s0] =	ssyncset.done $0x0  }
0x77: {  	[sflag:s0] =	ssyncadd.s32 $0xFFFFC000  }
0x78: {  	_ =	swait.ge [sflag:s21], $0x100  }
0x79: {  	[sflag:s21] =	ssyncset.done $0x0  }
0x7a: {  	s11 =	simm.s32 $0x80;
	s12 =	sadd.s32 $0xC0, s12;
	[sflag:s21] =	ssyncadd.s32 $0xFFFFFF00  }
0x7b: {  	[tilespmem:s19], [sflag:$0x7] =	stream.indirect.gather [hbm4b:s4+s22], $0x80, s17, s22, $0xb8;
	[tilespmem:$0x1C400] =	vst v63  }
.LBB2_4:
0x7c: {  	s13 =	smov.u32 s11;
	s11 =	sadd.s32 $0x80, s11  }
0x7d: {  	[tilespmem:s23], [sflag:$0x3] =	stream.linear.gather [hbm4b:s12+s3], $0x100, $0x38;
	[tilespmem:$0x1C400] =	vst v63  }
0x7e: {  	p1 =	sne.s32 s11, $0x980;
	_ =	swait.ge [sflag:s24], $0x4000  }
0x7f: {  	p2 =	seq.s32 s13, $0x0;
	[sflag:s24] =	ssyncset.done $0x0  }
0x80: {  	s12 =	simm.s32 @!p2 $0x6;
	[sflag:s24] =	ssyncadd.s32 $0xFFFFC000  }
0x81: {  	[spmem:s1] =	stream.indirect.scatter.add.f32 [tilespmem:s19], [sflag:$0x5], $0x80, s25, s22, $0xb8;
	[tilespmem:$0x1C400] =	vst v63  }
0x82: {  	_ =	swait.ge @!p2 [sflag:s12], $0x4000  }
0x83: {  	[sflag:s12] =	ssyncset.done @!p2 $0x0  }
0x84: {  	[sflag:s12] =	ssyncadd.s32 @!p2 $0xFFFFC000  }
0x85: {  	_ =	swait.ge [sflag:s26], $0x100  }
0x86: {  	[sflag:s26] =	ssyncset.done $0x0  }
0x87: {  	s12 =	sadd.s32 s13, s16;
	[sflag:s26] =	ssyncadd.s32 $0xFFFFFF00  }
0x88: {  	[tilespmem:s28], [sflag:$0x8] =	stream.indirect.gather [hbm4b:s4+s22], $0x80, s18, s22, $0xb8;
	[tilespmem:$0x1C400] =	vst v63  }
0x89: {  	s13 =	sadd.s32 $0x60, s12  }
0x8a: {  	[tilespmem:s29], [sflag:$0x4] =	stream.linear.gather [hbm4b:s13+s3], $0x100, $0x38;
	[tilespmem:$0x1C400] =	vst v63  }
0x8b: {  	_ =	swait.ge [sflag:s30], $0x4000  }
0x8c: {  	[sflag:s30] =	ssyncset.done $0x0  }
0x8d: {  	[sflag:s30] =	ssyncadd.s32 $0xFFFFC000  }
0x8e: {  	[spmem:s1] =	stream.indirect.scatter.add.f32 [tilespmem:s28], [sflag:$0x6], $0x80, s31, s22, $0xb8;
	[tilespmem:$0x1C400] =	vst v63  }
0x8f: {  	_ =	swait.ge [sflag:s0], $0x4000  }
0x90: {  	[sflag:s0] =	ssyncset.done $0x0  }
0x91: {  	[sflag:s0] =	ssyncadd.s32 $0xFFFFC000  }
0x92: {  	_ =	swait.ge [sflag:s2], $0x100  }
0x93: {  	[sflag:s2] =	ssyncset.done $0x0  }
0x94: {  	s13 =	sadd.s32 $0x80, s12;
	[sflag:s2] =	ssyncadd.s32 $0xFFFFFF00  }
0x95: {  	[tilespmem:s19], [sflag:$0x7] =	stream.indirect.gather [hbm4b:s4+s22], $0x80, s23, s22, $0xb8;
	[tilespmem:$0x1C400] =	vst v63  }
0x96: {  	_ = 	snop  }
0x97: {  	[tilespmem:s17], [sflag:$0x1] =	stream.linear.gather [hbm4b:s13+s3], $0x100, $0x38;
	[tilespmem:$0x1C400] =	vst v63  }
0x98: {  	_ =	swait.ge [sflag:s24], $0x4000  }
0x99: {  	[sflag:s24] =	ssyncset.done $0x0  }
0x9a: {  	[sflag:s24] =	ssyncadd.s32 $0xFFFFC000  }
0x9b: {  	[spmem:s1] =	stream.indirect.scatter.add.f32 [tilespmem:s19], [sflag:$0x5], $0x80, s6, s22, $0xb8;
	[tilespmem:$0x1C400] =	vst v63  }
0x9c: {  	_ =	swait.ge [sflag:s8], $0x4000  }
0x9d: {  	[sflag:s8] =	ssyncset.done $0x0  }
0x9e: {  	[sflag:s8] =	ssyncadd.s32 $0xFFFFC000  }
0x9f: {  	_ =	swait.ge [sflag:s5], $0x100  }
0xa0: {  	[sflag:s5] =	ssyncset.done $0x0  }
0xa1: {  	s13 =	sadd.s32 $0xA0, s12;
	[sflag:s5] =	ssyncadd.s32 $0xFFFFFF00  }
0xa2: {  	[tilespmem:s28], [sflag:$0x8] =	stream.indirect.gather [hbm4b:s4+s22], $0x80, s29, s22, $0xb8;
	[tilespmem:$0x1C400] =	vst v63  }
0xa3: {  	_ = 	snop  }
0xa4: {  	[tilespmem:s18], [sflag:$0x2] =	stream.linear.gather [hbm4b:s13+s3], $0x100, $0x38;
	[tilespmem:$0x1C400] =	vst v63  }
0xa5: {  	_ =	swait.ge [sflag:s30], $0x4000  }
0xa6: {  	[sflag:s30] =	ssyncset.done $0x0  }
0xa7: {  	[sflag:s30] =	ssyncadd.s32 $0xFFFFC000  }
0xa8: {  	[spmem:s1] =	stream.indirect.scatter.add.f32 [tilespmem:s28], [sflag:$0x6], $0x80, s9, s22, $0xb8;
	[tilespmem:$0x1C400] =	vst v63  }
0xa9: {  	_ =	swait.ge [sflag:s0], $0x4000  }
0xaa: {  	[sflag:s0] =	ssyncset.done $0x0  }
.Ltmp1:
0xab: {  	[sflag:s0] =	ssyncadd.s32 $0xFFFFC000;
	(pc) =	sbr.rel @p1 .LBB2_4-.Ltmp1, $4  }
0xac: {  	_ =	swait.ge [sflag:s21], $0x100  }
0xad: {  	[sflag:s21] =	ssyncset.done $0x0  }
0xae: {  	s12 =	sadd.s32 $0xC0, s12;
	[sflag:s21] =	ssyncadd.s32 $0xFFFFFF00  }
0xaf: {  	[tilespmem:s19], [sflag:$0x7] =	stream.indirect.gather [hbm4b:s4+s22], $0x80, s17, s22, $0xb8;
	[tilespmem:$0x1C400] =	vst v63  }
0xb0: {  	[tilespmem:s23], [sflag:$0x3] =	stream.linear.gather [hbm4b:s12+s3], $0x100, $0x38;
	[tilespmem:$0x1C400] =	vst v63  }
0xb1: {  	_ =	swait.ge [sflag:s24], $0x4000  }
0xb2: {  	[sflag:s24] =	ssyncset.done $0x0  }
0xb3: {  	[sflag:s24] =	ssyncadd.s32 $0xFFFFC000  }
0xb4: {  	[spmem:s1] =	stream.indirect.scatter.add.f32 [tilespmem:s19], [sflag:$0x5], $0x80, s25, s22, $0xb8;
	[tilespmem:$0x1C400] =	vst v63  }
0xb5: {  	_ =	swait.ge [sflag:s8], $0x4000  }
0xb6: {  	[sflag:s8] =	ssyncset.done $0x0  }
0xb7: {  	[sflag:s8] =	ssyncadd.s32 $0xFFFFC000  }
0xb8: {  	_ =	swait.ge [sflag:s26], $0x100  }
0xb9: {  	[sflag:s26] =	ssyncset.done $0x0  }
0xba: {  	[sflag:s26] =	ssyncadd.s32 $0xFFFFFF00  }
0xbb: {  	[tilespmem:s28], [sflag:$0x8] =	stream.indirect.gather [hbm4b:s4+s22], $0x80, s18, s22, $0xb8;
	[tilespmem:$0x1C400] =	vst v63  }
0xbc: {  	_ =	swait.ge [sflag:s30], $0x4000  }
0xbd: {  	[sflag:s30] =	ssyncset.done $0x0  }
0xbe: {  	[sflag:s30] =	ssyncadd.s32 $0xFFFFC000  }
0xbf: {  	[spmem:s1] =	stream.indirect.scatter.add.f32 [tilespmem:s28], [sflag:$0x6], $0x80, s31, s22, $0xb8;
	[tilespmem:$0x1C400] =	vst v63  }
0xc0: {  	_ =	swait.ge [sflag:s0], $0x4000  }
0xc1: {  	[sflag:s0] =	ssyncset.done $0x0  }
0xc2: {  	[sflag:s0] =	ssyncadd.s32 $0xFFFFC000  }
0xc3: {  	_ =	swait.ge [sflag:s8], $0x4000  }
0xc4: {  	s11 =	simm.s32 @!p0 $0x0;
	[sflag:s8] =	ssyncset.done $0x0  }
0xc5: {  	s12 =	simm.s32 @!p0 $0x14000;
	s13 =	rddreg [dreg:$0x6];
	[sflag:s8] =	ssyncadd.s32 $0xFFFFC000  }
0xc6: {  	[tilespmem:s12], [sflag:$0x9] =	stream.linear.gather @!p0 [hbm4b:s13+s11], $0x100, $0x38;
	[tilespmem:$0x1C400] =	vst v63  }
0xc7: {  	s11 =	simm.s32 @!p0 $0x9  }
0xc8: {  	_ =	swait.ge @!p0 [sflag:s11], $0x100  }
0xc9: {  	[sflag:s11] =	ssyncset.done @!p0 $0x0  }
0xca: {  	s14 =	simm.s32 @!p0 $0x14400;
	s13 =	simm.s32 @!p0 $0x80;
	[sflag:s11] =	ssyncadd.s32 @!p0 $0xFFFFFF00  }
0xcb: {  	[tilespmem:s14], [sflag:$0x9] =	stream.indirect.gather @!p0 [hbm4b:s4+s13], $0x80, s12, s13, $0xb8;
	[tilespmem:$0x1C400] =	vst v63  }
0xcc: {  	_ =	swait.ge @!p0 [sflag:s11], $0x4000  }
0xcd: {  	[sflag:s11] =	ssyncset.done @!p0 $0x0  }
0xce: {  	s12 =	simm.s32 @!p0 $0x14080;
	[sflag:s11] =	ssyncadd.s32 @!p0 $0xFFFFC000  }
0xcf: {  	[spmem:s1] =	stream.indirect.scatter.add.f32 @!p0 [tilespmem:s14], [sflag:$0x9], $0x80, s12, s13, $0xb8;
	[tilespmem:$0x1C400] =	vst v63  }
0xd0: {  	_ =	swait.ge @!p0 [sflag:s11], $0x4000  }
0xd1: {  	[sflag:s11] =	ssyncset.done @!p0 $0x0  }
0xd2: {  	s12 =	stileid.u32;
	[sflag:s11] =	ssyncadd.s32 @!p0 $0xFFFFC000  }
0xd3: {  	s11 =	sshll.u32 s12, $0x6;
	[bflag:$0x0] =	sbarrier.arrive $0xFFFF  }
0xd4: {  	s13 =	sshrl.u32 s7, $0x3;
	s11 =	sor.u32 $0x1C09, s11;
	s14 =	rddreg [dreg:$0x7]  }
0xd5: {  	[hbm:s14], [sflag:s11] =	dma.local [spmem:s13], $0x2800  }
0xd6: {  	_ =	swait.ge [sflag:s20], $0x2800  }
0xd7: {  	s10 =	sadd.s32 $0x1, s10;
	s14 =	rddreg [dreg:$0x8]  }
0xd8: {  	p1 =	sne.s32 s10, s14  }
.Ltmp2:
0xd9: {  	_ = 	snop;
	(pc) =	sbr.rel @p1 .LBB2_1-.Ltmp2, $3  }
0xda: {  	_ =	sdelay $0x1  }
0xdb: {  	[sflag:s20] =	ssyncset.done $0x0  }
0xdc: {  	[sflag:s20] =	ssyncadd.s32 $0xFFFFD800  }
0xdd: {  	_ =	sfence.sel $0x180000  }
0xde: {  	[bflag:$0x0] =	sbarrier.arrive $0xFFFF  }
0xdf: {  	_ =	strace $0x9000004D  }
0xe0: {  	s0 =	stileid.u32;
	[bflag:$0x2] =	sbarrier.arrive $0xFFFF  }
0xe1: {  	p0 =	sne.s32 s0, $0x0;
	s0 =	rddreg [dreg:$0x2]  }
0xe2: {  	s0 =	sadd.s32 @!p0 $0x100000, s0  }
0xe3: {  	[sflag:s0] =	ssyncadd.tile.s32 @!p0 $0x1;
	_ =	shalt  }
.Lfunc_end2:
_tile_overlayer_lowered:
.L_overlay_start_2:
0xe4: {  	(tag) =	ssettag $0x2  }
0xe5: {  	s0 =	rddreg [dreg:$0x0];
	s2 =	stileid.u32  }
0xe6: {  	s1 =	rddreg [dreg:$0x1];
	p0 =	sne.s32 s2, $0x0  }
0xe7: {  	s3 =	rddreg [dreg:$0x2];
	[bflag:$0x3] =	sbarrier.arrive $0xFFFF;
	s2 =	simm.s32 @!p0 $0x1C09  }
0xe8: {  	[timem:s3], [sflag:s2] =	dma.local @!p0 [hbm:s0], s1  }
0xe9: {  	s0 =	simm.s32 @!p0 $0x9  }
0xea: {  	_ =	swait.ge @!p0 [sflag:s0], s1  }
0xeb: {  	s1 =	ssub.s32 @!p0 $0x0, s1;
	[sflag:s0] =	ssyncset.done @!p0 $0x0  }
0xec: {  	[sflag:s0] =	ssyncadd.s32 @!p0 s1  }
0xed: {  	[bflag:$0x3] =	sbarrier.arrive $0xFFFF  }
0xee: {  	_ =	shalt  }

// kernel: kernel.23.cloned.1.call-start
scs
__scs_entry_jumppad:
0x0: {  	(pc) =	sbr.rel $0x88, $3  }
0x1: {  	(tag) =	ssettag $0x0;
	lr =	simm.s32 $0x1  }
0x2: {  	[smem:$0x3F97] =	sst lr;
	_ =	strace $0xD0000000  }
0x3: {  	_ = 	snop  }
0x4: {  	_ = 	snop  }
0x5: {  	_ = 	snop  }
0x6: {  	_ = 	snop  }
0x7: {  	_ = 	snop  }
__scs_overlays_trampoline_lowered:
0x8: {  	[smem:$0x3FA6] =	sst s0  }
0x9: {  	[smem:$0x3FA7] =	sst s1  }
0xa: {  	[smem:$0x3FA8] =	sst s2  }
0xb: {  	[smem:$0x3FA9] =	sst s3  }
0xc: {  	[smem:$0x3FAA] =	sst s4  }
0xd: {  	[smem:$0x3FAB] =	sst s5  }
0xe: {  	[smem:$0x3FAC] =	sst s6  }
0xf: {  	[smem:$0x3FAD] =	sst s7  }
0x10: {  	[smem:$0x3FAE] =	sst s8  }
0x11: {  	[smem:$0x3FAF] =	sst s9;
	s0 =	simm.s32 @!p0 $0x0  }
0x12: {  	s1 =	sld [smem:$0x3F95];
	s0 =	simm.s32 @p0 $0x1  }
0x13: {  	[smem:$0x3FB0] =	sst s0;
	s0 =	simm.s32 @!p1 $0x0  }
0x14: {  	s2 =	sld [smem:$0x3F94];
	s0 =	simm.s32 @p1 $0x1  }
0x15: {  	[smem:$0x3FB1] =	sst s0;
	s0 =	simm.s32 @!p2 $0x0  }
0x16: {  	s3 =	sld [smem:$0x3FDB];
	s0 =	simm.s32 @p2 $0x1  }
0x17: {  	s4 =	simm.s32 $0x1BF5;
	[smem:$0x3FB3] =	sst s0  }
0x18: {  	s0 =	sld [smem:$0x3F96];
	_ =	swait.ge [sflag:s4], $0x0  }
0x19: {  	s7 =	sld [smem:$0x3F97]  }
0x1a: {  	s8 =	sadd.s32 $0xFFFFE003, lr  }
0x1b: {  	s9 =	sadd.s32 $0xFFFFFEF7, lr;
	s5 =	simm.s32 $0xFFFFFFFF;
	p2 =	slt.u32 s8, $0xFFFFF086  }
0x1c: {  	p1 =	slt.u32 s9, $0xF7A;
	s5 =	simm.s32 @!p2 $0x0  }
0x1d: {  	s5 =	simm.s32 @p1 $0x1;
	p0 =	seq.s32 s7, s2  }
0x1e: {  	s7 =	smul.u32 @!p0 $0xF7A, s2;
	p2 =	seq.s32 @!p0 s5, $0x0  }
0x1f: {  	s9 =	smul.u32 $0xF7A, s1;
	s8 =	simm.s32 @!p0 $0x1BF5;
	p2 =	por !p2, p0  }
0x20: {  	[sflag:s8] =	ssyncset.s32 @!p0 $0xFFFFF086;
	s6 =	sadd.s32 @!p0 s3, s7;
	s7 =	simm.s32 @!p0 $0x108  }
0x21: {  	s3 =	sadd.s32 s3, s9;
	s6 =	sadd.s32 @!p0 $0x88, s6;
	s7 =	simm.s32 @p2 $0x1082  }
0x22: {  	[simem:s7], [sflag:s8] =	dma.local @!p0 [hbm:s6], $0xF7A  }
0x23: {  	s9 =	sor.u32 $0xD0000000, s2;
	s6 =	simm.s32 $0x108;
	_ =	swait.ge @!p0 [sflag:s8], $0x0  }
0x24: {  	s3 =	sadd.s32 $0x88, s3;
	s6 =	simm.s32 @!p1 $0x1082;
	[sflag:s4] =	ssyncset.s32 $0xFFFFF086  }
0x25: {  	[simem:s6], [sflag:s4] =	dma.local [hbm:s3], $0xF7A  }
0x26: {  	[smem:$0x3F97] =	sst s1;
	(tag) =	ssettag s2;
	_ =	strace s9  }
0x27: {  	s1 =	sld [smem:$0x3FA7]  }
0x28: {  	s2 =	sld [smem:$0x3FA8]  }
0x29: {  	s4 =	sld [smem:$0x3FAA]  }
0x2a: {  	p0 =	seq.s32 s5, $0x0;
	s5 =	sld [smem:$0x3FAB]  }
0x2b: {  	s6 =	sld [smem:$0x3FAC]  }
0x2c: {  	s7 =	sld [smem:$0x3FAD]  }
0x2d: {  	s3 =	simm.s32 $0x108;
	s8 =	sld [smem:$0x3FAE]  }
0x2e: {  	s3 =	simm.s32 @!p0 $0x1082;
	s9 =	sld [smem:$0x3FAF]  }
0x2f: {  	lr =	sadd.s32 s0, s3;
	s0 =	sld [smem:$0x3FA6]  }
0x30: {  	s3 =	sld [smem:$0x3FA9]  }
0x31: {  	[smem:$0x3FB2] =	sst s10  }
0x32: {  	s10 =	sld [smem:$0x3FB0];
	_ =	sdelay $0x3  }
0x33: {  	p0 =	seq.s32 s10, $0x1;
	s10 =	sld [smem:$0x3FB2];
	_ =	sdelay $0x3  }
0x34: {  	[smem:$0x3FB2] =	sst s10  }
0x35: {  	s10 =	sld [smem:$0x3FB1];
	_ =	sdelay $0x3  }
0x36: {  	p1 =	seq.s32 s10, $0x1;
	s10 =	sld [smem:$0x3FB2];
	_ =	sdelay $0x3  }
0x37: {  	[smem:$0x3FB2] =	sst s10  }
0x38: {  	s10 =	sld [smem:$0x3FB3]  }
0x39: {  	_ = 	snop;
	(pc) =	sbr.ind lr, $3  }
0x3a: {  	_ = 	snop  }
0x3b: {  	_ = 	snop  }
0x3c: {  	p2 =	seq.s32 s10, $0x1;
	s10 =	sld [smem:$0x3FB2]  }
0x3d: {  	_ =	shalt  }
0x3e: {  	_ =	shalt  }
0x3f: {  	_ =	shalt  }
0x40: {  	_ =	shalt  }
0x41: {  	_ =	shalt  }
0x42: {  	_ =	shalt  }
0x43: {  	_ =	shalt  }
0x44: {  	_ =	shalt  }
0x45: {  	_ =	shalt  }
0x46: {  	_ =	shalt  }
0x47: {  	_ =	shalt  }
0x48: {  	_ =	shalt  }
0x49: {  	_ =	shalt  }
0x4a: {  	_ =	shalt  }
0x4b: {  	_ =	shalt  }
0x4c: {  	_ =	shalt  }
0x4d: {  	_ =	shalt  }
0x4e: {  	_ =	shalt  }
0x4f: {  	_ =	shalt  }
0x50: {  	_ =	shalt  }
0x51: {  	_ =	shalt  }
0x52: {  	_ =	shalt  }
0x53: {  	_ =	shalt  }
0x54: {  	_ =	shalt  }
0x55: {  	_ =	shalt  }
0x56: {  	_ =	shalt  }
0x57: {  	_ =	shalt  }
0x58: {  	_ =	shalt  }
0x59: {  	_ =	shalt  }
0x5a: {  	_ =	shalt  }
0x5b: {  	_ =	shalt  }
0x5c: {  	_ =	shalt  }
0x5d: {  	_ =	shalt  }
0x5e: {  	_ =	shalt  }
0x5f: {  	_ =	shalt  }
0x60: {  	_ =	shalt  }
0x61: {  	_ =	shalt  }
0x62: {  	_ =	shalt  }
0x63: {  	_ =	shalt  }
0x64: {  	_ =	shalt  }
0x65: {  	_ =	shalt  }
0x66: {  	_ =	shalt  }
0x67: {  	_ =	shalt  }
0x68: {  	_ =	shalt  }
0x69: {  	_ =	shalt  }
0x6a: {  	_ =	shalt  }
0x6b: {  	_ =	shalt  }
0x6c: {  	_ =	shalt  }
0x6d: {  	_ =	shalt  }
0x6e: {  	_ =	shalt  }
0x6f: {  	_ =	shalt  }
0x70: {  	_ =	shalt  }
0x71: {  	_ =	shalt  }
0x72: {  	_ =	shalt  }
0x73: {  	_ =	shalt  }
0x74: {  	_ =	shalt  }
0x75: {  	_ =	shalt  }
0x76: {  	_ =	shalt  }
0x77: {  	_ =	shalt  }
0x78: {  	_ =	shalt  }
0x79: {  	_ =	shalt  }
0x7a: {  	_ =	shalt  }
0x7b: {  	_ =	shalt  }
0x7c: {  	_ =	shalt  }
0x7d: {  	_ =	shalt  }
0x7e: {  	_ =	shalt  }
0x7f: {  	_ =	shalt  }
0x80: {  	_ =	shalt  }
0x81: {  	_ =	shalt  }
0x82: {  	_ =	shalt  }
0x83: {  	_ =	shalt  }
0x84: {  	_ =	shalt  }
0x85: {  	_ =	shalt  }
0x86: {  	_ =	shalt  }
0x87: {  	_ =	shalt  }
.Lfunc_end0:
.L_simem_size_0:
called_computation.3_lowered:
.L_overlay_start_0:
0x88: {  	s2 =	sld [smem:$0x3FD9]  }
0x89: {  	s3 =	sld [smem:$0x3FFE];
	_ =	sdelay $0x1  }
0x8a: {  	s1 =	srdreg.scid  }
0x8b: {  	s0 =	sand.u32 $0x1, s1  }
0x8c: {  	s16 =	sshll.u32 s0, $0xA;
	s2 =	sadd.s32 s3, s2  }
0x8d: {  	s2 =	sadd.s32 s2, s16  }
0x8e: {  	[smem:$0x3FBE] =	sst s2  }
0x8f: {  	_ = 	snop  }
0x90: {  	(tm) =	ssettm $0x1  }
0x91: {  	s17 =	sld [smem:$0x3FFB];
	_ =	sdelay $0x3  }
0x92: {  	_ =	strace s17  }
0x93: {  	s2 =	sld [smem:$0x3FFC];
	_ =	sdelay $0x3  }
0x94: {  	_ =	strace s2  }
0x95: {  	s2 =	sld [smem:$0x3FFD];
	_ =	sdelay $0x3  }
0x96: {  	_ =	strace s2  }
0x97: {  	_ =	strace $0x8FFFFFFF  }
0x98: {  	s18 =	sld [smem:$0x3FDB];
	_ =	sdelay $0x1  }
0x99: {  	s19 =	simm.s32 $_scs_section_size  }
0x9a: {  	s4 =	simm.s32 $_size__tile_overlayer_lowered;
	s5 =	simm.s32 $_tile_overlayer_lowered  }
0x9b: {  	s22 =	simm.s32 $0x1BFF;
	s21 =	sshll.u32 s5, $0x1;
	s2 =	sadd.s32 s19, s18  }
0x9c: {  	s6 =	simm.s32 $0x0;
	s20 =	sshll.u32 s4, $0x1;
	s4 =	sadd.s32 s21, s2  }
0x9d: {  	[timem:s6], [sflag:s22] =	dma.local [hbm:s4], s20  }
0x9e: {  	_ =	swait.ge [sflag:s22], s20  }
0x9f: {  	s3 =	ssub.s32 $0x0, s20;
	[sflag:s22] =	ssyncset.done $0x0  }
0xa0: {  	[sflag:s22] =	ssyncadd.s32 s3;
	_ =	sdelay $0x1  }
0xa1: {  	s23 =	simm.s32 $0x1B8B  }
0xa2: {  	_ =	swait.ge [sflag:s23], $0x1  }
0xa3: {  	[sflag:s23] =	ssyncset.done $0x0  }
0xa4: {  	s25 =	simm.s32 $0x1B8E;
	s24 =	sld [smem:$0x3FFE];
	[sflag:s23] =	ssyncadd.s32 $0xFFFFFFFF  }
0xa5: {  	s26 =	simm.s32 $execute0_lowered;
	[smem:$0x3FD2] =	sst s25  }
0xa6: {  	s4 =	sshll.u32 s26, $0x1;
	_ =	strace $0x8000004F;
	[dreg:$0x1] =	wrdreg $0xFFFFFFFF  }
0xa7: {  	s28 =	simm.s32 $_size_execute0_lowered;
	s2 =	sadd.s32 s2, s4;
	[dreg:$0x0] =	wrdreg $0x0  }
0xa8: {  	s4 =	sshll.u32 s28, $0x1;
	[dreg:$0x2] =	wrdreg s2  }
0xa9: {  	[dreg:$0x3] =	wrdreg s4  }
0xaa: {  	[dreg:$0x4] =	wrdreg $0xC0  }
0xab: {  	_ =	task [dreg:s6], $0x5FFFF  }
0xac: {  	[dreg:$0x1] =	wrdreg $0xFFFFFFFF  }
0xad: {  	[dreg:$0x0] =	wrdreg $0x60  }
0xae: {  	[dreg:$0x2] =	wrdreg s24  }
0xaf: {  	[dreg:$0x3] =	wrdreg $0x0  }
0xb0: {  	[dreg:$0x4] =	wrdreg $0x9  }
0xb1: {  	_ =	task.clear_ibuf [dreg:s6], $0x5FFFF;
	_ =	strace $0x9000004F  }
0xb2: {  	s29 =	simm.s32 $0x9;
	_ =	strace $0x80000051  }
0xb3: {  	_ =	swait.ge [sflag:s29], $0x1  }
0xb4: {  	[sflag:s29] =	ssyncadd.s32 $0xFFFFFFFF  }
0xb5: {  	_ =	strace $0x90000051  }
0xb6: {  	_ =	sfence  }
0xb7: {  	s30 =	sld [smem:$0x0];
	_ =	sdelay $0x2  }
0xb8: {  	s31 =	sshll.u32 s1, $0xD;
	s1 =	sshrl.u32 s1, $0x2  }
0xb9: {  	s3 =	sand.u32 $0x4000, s31;
	s1 =	sadd.s32 s1, s30  }
0xba: {  	s0 =	sor.u32 s3, s0;
	s1 =	sshll.u32 s1, $0x11  }
0xbb: {  	s0 =	sor.u32 s1, s0  }
0xbc: {  	s0 =	sadd.s32 $0x8F2B, s0  }
0xbd: {  	[sflag:s0] =	ssyncadd.remote.s32 $0x1  }
0xbe: {  	_ =	sfence.sel $0xFFFF  }
0xbf: {  	[dreg:$0x0] =	wrdreg $0xFFFFFFFF;
	(pc) =	sbr.abs _section_cstart, $3  }
0xc0: {  	[dreg:$0x1] =	wrdreg $0xFFFFFFFF  }
0xc1: {  	_ =	task.clear_ibuf [dreg:s6], $0x2FFFF;
	_ =	strace $0x9FFFFFFF  }
0xc2: {  	(tm) =	ssettm $0x7FFFFFFF  }
0xc3: {  	_ =	shalt  }
tec
execute0_lowered:
.L_overlay_start_1:
0x0: {  	(tag) =	ssettag $0x1  }
0x1: {  	s0 =	rddreg [dreg:$0x0]  }
0x2: {  	s1 =	rddreg [dreg:$0x1]  }
0x3: {  	s2 =	srdreg.scid;
	s3 =	simm.s32 $0x0;
	s11 =	stileid.u32  }
0x4: {  	s28 =	simm.s32 $0x18400;
	s29 =	simm.s32 $0x14300;
	s30 =	simm.s32 $0x8  }
0x5: {  	s31 =	simm.s32 $0x14180;
	s2 =	sand.u32 $0x1, s2;
	s6 =	smul.u32 $0x14000, s11  }
0x6: {  	[smem:$0x7FF] =	sst s3;
	s4 =	sadd.s32 $0x2B200, s0;
	s17 =	smul.u32 $0x50000, s11  }
0x7: {  	s8 =	sadd.s32 $0x17800, s0;
	s19 =	sshll.u32 s11, $0x5;
	s24 =	smul.u32 $0x9C0, s11  }
0x8: {  	s5 =	smul.u32 $0x140000, s2;
	_ =	strace $0x80000050;
	s7 =	sshll.u32 s2, $0x4  }
0x9: {  	s16 =	ssub.s32 $0x2, s2;
	s20 =	sadd.s32 s19, s8;
	s21 =	smul.u32 $0x9C00, s2  }
0xa: {  	s19 =	simm.s32 $0x14400;
	s2 =	simm.s32 $0x3;
	s14 =	sor.u32 s11, s7  }
0xb: {  	s10 =	sshrl.u32 s16, $0x1;
	s5 =	sadd.s32 s6, s5;
	s7 =	smul.u32 $0x9C0, s14  }
0xc: {  	s9 =	smul.u32 $0x4E00, s14;
	p0 =	sgt.u32 s14, $0x3;
	s5 =	sshrl.u32 s5, $0x3  }
0xd: {  	s6 =	simm.s32 $0x14280;
	s0 =	sadd.s32 s5, s0;
	s12 =	sadd.s32 s8, s7  }
0xe: {  	s5 =	ssub.s32 s16, s10;
	s9 =	sshrl.u32 s9, $0x3;
	s7 =	sshrl.u32 s17, $0x2  }
0xf: {  	s17 =	simm.s32 $0x14000;
	s10 =	simm.s32 $0x0;
	[dreg:$0x3] =	wrdreg s12  }
0x10: {  	s18 =	sadd.s32 $0x20, s12;
	s9 =	sadd.s32 s8, s9;
	s7 =	sadd.s32 s7, s1  }
0x11: {  	s0 =	sadd.s32 $0x52400, s0;
	s22 =	smax.u32 s5, $0x1;
	[dreg:$0x4] =	wrdreg s18  }
0x12: {  	s5 =	simm.s32 $0x4;
	s9 =	sadd.s32 $0x40, s9;
	[dreg:$0x7] =	wrdreg s0  }
0x13: {  	[dreg:$0x8] =	wrdreg s22;
	s23 =	sadd.s32 $0x4000, s7;
	s25 =	sadd.s32 $0x8000, s7  }
0x14: {  	s26 =	sadd.s32 $0xC000, s7;
	s0 =	sadd.s32 s21, s8;
	[dreg:$0x5] =	wrdreg s9  }
0x15: {  	s15 =	sadd.s32 $0x10000, s7;
	s18 =	simm.s32 $0x14100;
	[dreg:$0x9] =	wrdreg s23  }
0x16: {  	s21 =	simm.s32 $0x1;
	s22 =	simm.s32 $0x80;
	[dreg:$0xa] =	wrdreg s25  }
0x17: {  	s8 =	simm.s32 $0x6;
	s9 =	sadd.s32 $0x13800, s20;
	[dreg:$0xb] =	wrdreg s26  }
0x18: {  	s16 =	sadd.s32 s24, s0;
	s20 =	simm.s32 $0x9;
	s23 =	simm.s32 $0x14200  }
0x19: {  	s24 =	simm.s32 $0x7;
	s25 =	simm.s32 $0x14080;
	s26 =	simm.s32 $0x2  }
0x1a: {  	v0 =	vimm.f32 $0.0e+00;
	s0 =	simm.s32 $0x5;
	[dreg:$0x6] =	wrdreg s9;
	s9 =	simm.s32 $0x14380  }
.LBB2_1:
0x1b: {  	s11 =	rddreg [dreg:$0x3]  }
0x1c: {  	[tilespmem:s17], [sflag:$0x1] =	stream.linear.gather [hbm4b:s11+s3], $0x100, $0x38;
	[tilespmem:$0x1C400] =	vst v63  }
0x1d: {  	s14 =	rddreg [dreg:$0x4];
	s12 =	simm.s32 $0x200;
	s11 =	simm.s32 $0x0  }
0x1e: {  	[tilespmem:s18], [sflag:$0x2] =	stream.linear.gather [hbm4b:s14+s3], $0x100, $0x38;
	[tilespmem:$0x1C400] =	vst v63  }
.LBB2_2:
0x1f: {  	p1 =	sne.s32 s12, $0xFE00;
	[tilespmem:s11+$0x14470] =	vst v0  }
0x20: {  	[tilespmem:s11+$0x14400] =	vst v0  }
0x21: {  	[tilespmem:s11+$0x14410] =	vst v0  }
.Ltmp0:
0x22: {  	[tilespmem:s11+$0x14420] =	vst v0;
	(pc) =	sbr.rel @p1 .LBB2_2-.Ltmp0, $4  }
0x23: {  	[tilespmem:s11+$0x14430] =	vst v0  }
0x24: {  	[tilespmem:s11+$0x14440] =	vst v0  }
0x25: {  	[tilespmem:s11+$0x14450] =	vst v0  }
0x26: {  	[tilespmem:s11+$0x14460] =	vst v0;
	s11 =	sshra.s32 s12, $0x2;
	s12 =	sadd.s32 $0x200, s12  }
0x27: {  	[tilespmem:s11+$0x14470] =	vst v0  }
0x28: {  	[tilespmem:s11+$0x14400] =	vst v0  }
0x29: {  	[tilespmem:s11+$0x14410] =	vst v0  }
0x2a: {  	[tilespmem:s11+$0x14420] =	vst v0  }
0x2b: {  	[tilespmem:s11+$0x14430] =	vst v0  }
0x2c: {  	[tilespmem:s11+$0x14440] =	vst v0  }
0x2d: {  	[tilespmem:s11+$0x14450] =	vst v0  }
0x2e: {  	[tilespmem:s11+$0x14460] =	vst v0  }
0x2f: {  	[spmem:s7] =	stream.linear.scatter [tilespmem:s19], [sflag:$0x9], $0x4000, $0x38;
	[tilespmem:$0x1C400] =	vst v63  }
0x30: {  	_ =	swait.ge [sflag:s20], $0x4000  }
0x31: {  	[sflag:s20] =	ssyncset.done $0x0  }
0x32: {  	s13 =	rddreg [dreg:$0x9];
	[sflag:s20] =	ssyncadd.s32 $0xFFFFC000  }
0x33: {  	[spmem:s13] =	stream.linear.scatter [tilespmem:s19], [sflag:$0x9], $0x4000, $0x38;
	[tilespmem:$0x1C400] =	vst v63  }
0x34: {  	_ =	swait.ge [sflag:s20], $0x4000  }
0x35: {  	[sflag:s20] =	ssyncset.done $0x0  }
0x36: {  	s14 =	rddreg [dreg:$0xa];
	[sflag:s20] =	ssyncadd.s32 $0xFFFFC000  }
0x37: {  	[spmem:s14] =	stream.linear.scatter [tilespmem:s19], [sflag:$0x9], $0x4000, $0x38;
	[tilespmem:$0x1C400] =	vst v63  }
0x38: {  	_ =	swait.ge [sflag:s20], $0x4000  }
0x39: {  	[sflag:s20] =	ssyncset.done $0x0  }
0x3a: {  	s12 =	rddreg [dreg:$0xb];
	[sflag:s20] =	ssyncadd.s32 $0xFFFFC000  }
0x3b: {  	[spmem:s12] =	stream.linear.scatter [tilespmem:s19], [sflag:$0x9], $0x4000, $0x38;
	[tilespmem:$0x1C400] =	vst v63  }
0x3c: {  	_ =	swait.ge [sflag:s20], $0x4000  }
0x3d: {  	[sflag:s20] =	ssyncset.done $0x0  }
0x3e: {  	[sflag:s20] =	ssyncadd.s32 $0xFFFFC000  }
0x3f: {  	[spmem:s15] =	stream.linear.scatter [tilespmem:s19], [sflag:$0x9], $0x4000, $0x38;
	[tilespmem:$0x1C400] =	vst v63  }
0x40: {  	_ =	swait.ge [sflag:s20], $0x4000  }
0x41: {  	[sflag:s20] =	ssyncset.done $0x0  }
0x42: {  	[sflag:s20] =	ssyncadd.s32 $0xFFFFC000  }
0x43: {  	_ =	swait.ge [sflag:s21], $0x100  }
0x44: {  	[sflag:s21] =	ssyncset.done $0x0  }
0x45: {  	[sflag:s21] =	ssyncadd.s32 $0xFFFFFF00  }
0x46: {  	[tilespmem:s19], [sflag:$0x7] =	stream.indirect.gather [hbm4b:s4+s22], $0x80, s17, s22, $0xb8;
	[tilespmem:$0x1C400] =	vst v63  }
0x47: {  	s13 =	simm.s32 $0x0;
	s12 =	rddreg [dreg:$0x5]  }
0x48: {  	[tilespmem:s23], [sflag:$0x3] =	stream.linear.gather [hbm4b:s12+s13], $0x100, $0x38;
	[tilespmem:$0x1C400] =	vst v63  }
0x49: {  	[bflag:$0x0] =	sbarrier.arrive $0xFFFF  }
0x4a: {  	_ =	swait.ge [sflag:s24], $0x4000  }
0x4b: {  	p1 =	por $0x1, $0x1;
	[sflag:s24] =	ssyncset.done $0x0  }
0x4c: {  	s11 =	simm.s32 @!p1 $0x6;
	[sflag:s24] =	ssyncadd.s32 $0xFFFFC000  }
0x4d: {  	[spmem:s1] =	stream.indirect.scatter.add.f32 [tilespmem:s19], [sflag:$0x5], $0x80, s25, s22, $0xb8;
	[tilespmem:$0x1C400] =	vst v63  }
0x4e: {  	_ =	swait.ge @!p1 [sflag:s11], $0x4000  }
0x4f: {  	[sflag:s11] =	ssyncset.done @!p1 $0x0  }
0x50: {  	[sflag:s11] =	ssyncadd.s32 @!p1 $0xFFFFC000  }
0x51: {  	_ =	swait.ge [sflag:s26], $0x100  }
0x52: {  	[sflag:s26] =	ssyncset.done $0x0  }
0x53: {  	s12 =	sadd.s32 $0x0, s16;
	[sflag:s26] =	ssyncadd.s32 $0xFFFFFF00  }
0x54: {  	[tilespmem:s28], [sflag:$0x8] =	stream.indirect.gather [hbm4b:s4+s22], $0x80, s18, s22, $0xb8;
	[tilespmem:$0x1C400] =	vst v63  }
0x55: {  	s14 =	sadd.s32 $0x60, s12  }
0x56: {  	[tilespmem:s29], [sflag:$0x4] =	stream.linear.gather [hbm4b:s14+s3], $0x100, $0x38;
	[tilespmem:$0x1C400] =	vst v63  }
0x57: {  	_ =	swait.ge [sflag:s30], $0x4000  }
0x58: {  	[sflag:s30] =	ssyncset.done $0x0  }
0x59: {  	[sflag:s30] =	ssyncadd.s32 $0xFFFFC000  }
0x5a: {  	[spmem:s1] =	stream.indirect.scatter.add.f32 [tilespmem:s28], [sflag:$0x6], $0x80, s31, s22, $0xb8;
	[tilespmem:$0x1C400] =	vst v63  }
0x5b: {  	_ =	swait.ge [sflag:s0], $0x4000  }
0x5c: {  	[sflag:s0] =	ssyncset.done $0x0  }
0x5d: {  	[sflag:s0] =	ssyncadd.s32 $0xFFFFC000  }
0x5e: {  	_ =	swait.ge [sflag:s2], $0x100  }
0x5f: {  	[sflag:s2] =	ssyncset.done $0x0  }
0x60: {  	[sflag:s2] =	ssyncadd.s32 $0xFFFFFF00  }
0x61: {  	[tilespmem:s19], [sflag:$0x7] =	stream.indirect.gather [hbm4b:s4+s22], $0x80, s23, s22, $0xb8;
	[tilespmem:$0x1C400] =	vst v63  }
0x62: {  	s13 =	sadd.s32 $0x80, s12  }
0x63: {  	[tilespmem:s17], [sflag:$0x1] =	stream.linear.gather [hbm4b:s13+s3], $0x100, $0x38;
	[tilespmem:$0x1C400] =	vst v63  }
0x64: {  	_ =	swait.ge [sflag:s24], $0x4000  }
0x65: {  	[sflag:s24] =	ssyncset.done $0x0  }
0x66: {  	[sflag:s24] =	ssyncadd.s32 $0xFFFFC000  }
0x67: {  	[spmem:s1] =	stream.indirect.scatter.add.f32 [tilespmem:s19], [sflag:$0x5], $0x80, s6, s22, $0xb8;
	[tilespmem:$0x1C400] =	vst v63  }
0x68: {  	_ =	swait.ge [sflag:s8], $0x4000  }
0x69: {  	[sflag:s8] =	ssyncset.done $0x0  }
0x6a: {  	[sflag:s8] =	ssyncadd.s32 $0xFFFFC000  }
0x6b: {  	_ =	swait.ge [sflag:s5], $0x100  }
0x6c: {  	[sflag:s5] =	ssyncset.done $0x0  }
0x6d: {  	[sflag:s5] =	ssyncadd.s32 $0xFFFFFF00  }
0x6e: {  	[tilespmem:s28], [sflag:$0x8] =	stream.indirect.gather [hbm4b:s4+s22], $0x80, s29, s22, $0xb8;
	[tilespmem:$0x1C400] =	vst v63  }
0x6f: {  	s14 =	sadd.s32 $0xA0, s12  }
0x70: {  	[tilespmem:s18], [sflag:$0x2] =	stream.linear.gather [hbm4b:s14+s3], $0x100, $0x38;
	[tilespmem:$0x1C400] =	vst v63  }
0x71: {  	_ =	swait.ge [sflag:s30], $0x4000  }
0x72: {  	[sflag:s30] =	ssyncset.done $0x0  }
0x73: {  	[sflag:s30] =	ssyncadd.s32 $0xFFFFC000  }
0x74: {  	[spmem:s1] =	stream.indirect.scatter.add.f32 [tilespmem:s28], [sflag:$0x6], $0x80, s9, s22, $0xb8;
	[tilespmem:$0x1C400] =	vst v63  }
0x75: {  	_ =	swait.ge [sflag:s0], $0x4000  }
0x76: {  	[sflag:s0] =	ssyncset.done $0x0  }
0x77: {  	[sflag:s0] =	ssyncadd.s32 $0xFFFFC000  }
0x78: {  	_ =	swait.ge [sflag:s21], $0x100  }
0x79: {  	[sflag:s21] =	ssyncset.done $0x0  }
0x7a: {  	s11 =	simm.s32 $0x80;
	s12 =	sadd.s32 $0xC0, s12;
	[sflag:s21] =	ssyncadd.s32 $0xFFFFFF00  }
0x7b: {  	[tilespmem:s19], [sflag:$0x7] =	stream.indirect.gather [hbm4b:s4+s22], $0x80, s17, s22, $0xb8;
	[tilespmem:$0x1C400] =	vst v63  }
.LBB2_4:
0x7c: {  	s13 =	smov.u32 s11;
	s11 =	sadd.s32 $0x80, s11  }
0x7d: {  	[tilespmem:s23], [sflag:$0x3] =	stream.linear.gather [hbm4b:s12+s3], $0x100, $0x38;
	[tilespmem:$0x1C400] =	vst v63  }
0x7e: {  	p1 =	sne.s32 s11, $0x980;
	_ =	swait.ge [sflag:s24], $0x4000  }
0x7f: {  	p2 =	seq.s32 s13, $0x0;
	[sflag:s24] =	ssyncset.done $0x0  }
0x80: {  	s12 =	simm.s32 @!p2 $0x6;
	[sflag:s24] =	ssyncadd.s32 $0xFFFFC000  }
0x81: {  	[spmem:s1] =	stream.indirect.scatter.add.f32 [tilespmem:s19], [sflag:$0x5], $0x80, s25, s22, $0xb8;
	[tilespmem:$0x1C400] =	vst v63  }
0x82: {  	_ =	swait.ge @!p2 [sflag:s12], $0x4000  }
0x83: {  	[sflag:s12] =	ssyncset.done @!p2 $0x0  }
0x84: {  	[sflag:s12] =	ssyncadd.s32 @!p2 $0xFFFFC000  }
0x85: {  	_ =	swait.ge [sflag:s26], $0x100  }
0x86: {  	[sflag:s26] =	ssyncset.done $0x0  }
0x87: {  	s12 =	sadd.s32 s13, s16;
	[sflag:s26] =	ssyncadd.s32 $0xFFFFFF00  }
0x88: {  	[tilespmem:s28], [sflag:$0x8] =	stream.indirect.gather [hbm4b:s4+s22], $0x80, s18, s22, $0xb8;
	[tilespmem:$0x1C400] =	vst v63  }
0x89: {  	s13 =	sadd.s32 $0x60, s12  }
0x8a: {  	[tilespmem:s29], [sflag:$0x4] =	stream.linear.gather [hbm4b:s13+s3], $0x100, $0x38;
	[tilespmem:$0x1C400] =	vst v63  }
0x8b: {  	_ =	swait.ge [sflag:s30], $0x4000  }
0x8c: {  	[sflag:s30] =	ssyncset.done $0x0  }
0x8d: {  	[sflag:s30] =	ssyncadd.s32 $0xFFFFC000  }
0x8e: {  	[spmem:s1] =	stream.indirect.scatter.add.f32 [tilespmem:s28], [sflag:$0x6], $0x80, s31, s22, $0xb8;
	[tilespmem:$0x1C400] =	vst v63  }
0x8f: {  	_ =	swait.ge [sflag:s0], $0x4000  }
0x90: {  	[sflag:s0] =	ssyncset.done $0x0  }
0x91: {  	[sflag:s0] =	ssyncadd.s32 $0xFFFFC000  }
0x92: {  	_ =	swait.ge [sflag:s2], $0x100  }
0x93: {  	[sflag:s2] =	ssyncset.done $0x0  }
0x94: {  	s13 =	sadd.s32 $0x80, s12;
	[sflag:s2] =	ssyncadd.s32 $0xFFFFFF00  }
0x95: {  	[tilespmem:s19], [sflag:$0x7] =	stream.indirect.gather [hbm4b:s4+s22], $0x80, s23, s22, $0xb8;
	[tilespmem:$0x1C400] =	vst v63  }
0x96: {  	_ = 	snop  }
0x97: {  	[tilespmem:s17], [sflag:$0x1] =	stream.linear.gather [hbm4b:s13+s3], $0x100, $0x38;
	[tilespmem:$0x1C400] =	vst v63  }
0x98: {  	_ =	swait.ge [sflag:s24], $0x4000  }
0x99: {  	[sflag:s24] =	ssyncset.done $0x0  }
0x9a: {  	[sflag:s24] =	ssyncadd.s32 $0xFFFFC000  }
0x9b: {  	[spmem:s1] =	stream.indirect.scatter.add.f32 [tilespmem:s19], [sflag:$0x5], $0x80, s6, s22, $0xb8;
	[tilespmem:$0x1C400] =	vst v63  }
0x9c: {  	_ =	swait.ge [sflag:s8], $0x4000  }
0x9d: {  	[sflag:s8] =	ssyncset.done $0x0  }
0x9e: {  	[sflag:s8] =	ssyncadd.s32 $0xFFFFC000  }
0x9f: {  	_ =	swait.ge [sflag:s5], $0x100  }
0xa0: {  	[sflag:s5] =	ssyncset.done $0x0  }
0xa1: {  	s13 =	sadd.s32 $0xA0, s12;
	[sflag:s5] =	ssyncadd.s32 $0xFFFFFF00  }
0xa2: {  	[tilespmem:s28], [sflag:$0x8] =	stream.indirect.gather [hbm4b:s4+s22], $0x80, s29, s22, $0xb8;
	[tilespmem:$0x1C400] =	vst v63  }
0xa3: {  	_ = 	snop  }
0xa4: {  	[tilespmem:s18], [sflag:$0x2] =	stream.linear.gather [hbm4b:s13+s3], $0x100, $0x38;
	[tilespmem:$0x1C400] =	vst v63  }
0xa5: {  	_ =	swait.ge [sflag:s30], $0x4000  }
0xa6: {  	[sflag:s30] =	ssyncset.done $0x0  }
0xa7: {  	[sflag:s30] =	ssyncadd.s32 $0xFFFFC000  }
0xa8: {  	[spmem:s1] =	stream.indirect.scatter.add.f32 [tilespmem:s28], [sflag:$0x6], $0x80, s9, s22, $0xb8;
	[tilespmem:$0x1C400] =	vst v63  }
0xa9: {  	_ =	swait.ge [sflag:s0], $0x4000  }
0xaa: {  	[sflag:s0] =	ssyncset.done $0x0  }
.Ltmp1:
0xab: {  	[sflag:s0] =	ssyncadd.s32 $0xFFFFC000;
	(pc) =	sbr.rel @p1 .LBB2_4-.Ltmp1, $4  }
0xac: {  	_ =	swait.ge [sflag:s21], $0x100  }
0xad: {  	[sflag:s21] =	ssyncset.done $0x0  }
0xae: {  	s12 =	sadd.s32 $0xC0, s12;
	[sflag:s21] =	ssyncadd.s32 $0xFFFFFF00  }
0xaf: {  	[tilespmem:s19], [sflag:$0x7] =	stream.indirect.gather [hbm4b:s4+s22], $0x80, s17, s22, $0xb8;
	[tilespmem:$0x1C400] =	vst v63  }
0xb0: {  	[tilespmem:s23], [sflag:$0x3] =	stream.linear.gather [hbm4b:s12+s3], $0x100, $0x38;
	[tilespmem:$0x1C400] =	vst v63  }
0xb1: {  	_ =	swait.ge [sflag:s24], $0x4000  }
0xb2: {  	[sflag:s24] =	ssyncset.done $0x0  }
0xb3: {  	[sflag:s24] =	ssyncadd.s32 $0xFFFFC000  }
0xb4: {  	[spmem:s1] =	stream.indirect.scatter.add.f32 [tilespmem:s19], [sflag:$0x5], $0x80, s25, s22, $0xb8;
	[tilespmem:$0x1C400] =	vst v63  }
0xb5: {  	_ =	swait.ge [sflag:s8], $0x4000  }
0xb6: {  	[sflag:s8] =	ssyncset.done $0x0  }
0xb7: {  	[sflag:s8] =	ssyncadd.s32 $0xFFFFC000  }
0xb8: {  	_ =	swait.ge [sflag:s26], $0x100  }
0xb9: {  	[sflag:s26] =	ssyncset.done $0x0  }
0xba: {  	[sflag:s26] =	ssyncadd.s32 $0xFFFFFF00  }
0xbb: {  	[tilespmem:s28], [sflag:$0x8] =	stream.indirect.gather [hbm4b:s4+s22], $0x80, s18, s22, $0xb8;
	[tilespmem:$0x1C400] =	vst v63  }
0xbc: {  	_ =	swait.ge [sflag:s30], $0x4000  }
0xbd: {  	[sflag:s30] =	ssyncset.done $0x0  }
0xbe: {  	[sflag:s30] =	ssyncadd.s32 $0xFFFFC000  }
0xbf: {  	[spmem:s1] =	stream.indirect.scatter.add.f32 [tilespmem:s28], [sflag:$0x6], $0x80, s31, s22, $0xb8;
	[tilespmem:$0x1C400] =	vst v63  }
0xc0: {  	_ =	swait.ge [sflag:s0], $0x4000  }
0xc1: {  	[sflag:s0] =	ssyncset.done $0x0  }
0xc2: {  	[sflag:s0] =	ssyncadd.s32 $0xFFFFC000  }
0xc3: {  	_ =	swait.ge [sflag:s8], $0x4000  }
0xc4: {  	s11 =	simm.s32 @!p0 $0x0;
	[sflag:s8] =	ssyncset.done $0x0  }
0xc5: {  	s12 =	simm.s32 @!p0 $0x14000;
	s13 =	rddreg [dreg:$0x6];
	[sflag:s8] =	ssyncadd.s32 $0xFFFFC000  }
0xc6: {  	[tilespmem:s12], [sflag:$0x9] =	stream.linear.gather @!p0 [hbm4b:s13+s11], $0x100, $0x38;
	[tilespmem:$0x1C400] =	vst v63  }
0xc7: {  	s11 =	simm.s32 @!p0 $0x9  }
0xc8: {  	_ =	swait.ge @!p0 [sflag:s11], $0x100  }
0xc9: {  	[sflag:s11] =	ssyncset.done @!p0 $0x0  }
0xca: {  	s14 =	simm.s32 @!p0 $0x14400;
	s13 =	simm.s32 @!p0 $0x80;
	[sflag:s11] =	ssyncadd.s32 @!p0 $0xFFFFFF00  }
0xcb: {  	[tilespmem:s14], [sflag:$0x9] =	stream.indirect.gather @!p0 [hbm4b:s4+s13], $0x80, s12, s13, $0xb8;
	[tilespmem:$0x1C400] =	vst v63  }
0xcc: {  	_ =	swait.ge @!p0 [sflag:s11], $0x4000  }
0xcd: {  	[sflag:s11] =	ssyncset.done @!p0 $0x0  }
0xce: {  	s12 =	simm.s32 @!p0 $0x14080;
	[sflag:s11] =	ssyncadd.s32 @!p0 $0xFFFFC000  }
0xcf: {  	[spmem:s1] =	stream.indirect.scatter.add.f32 @!p0 [tilespmem:s14], [sflag:$0x9], $0x80, s12, s13, $0xb8;
	[tilespmem:$0x1C400] =	vst v63  }
0xd0: {  	_ =	swait.ge @!p0 [sflag:s11], $0x4000  }
0xd1: {  	[sflag:s11] =	ssyncset.done @!p0 $0x0  }
0xd2: {  	s12 =	stileid.u32;
	[sflag:s11] =	ssyncadd.s32 @!p0 $0xFFFFC000  }
0xd3: {  	s11 =	sshll.u32 s12, $0x6;
	[bflag:$0x0] =	sbarrier.arrive $0xFFFF  }
0xd4: {  	s13 =	sshrl.u32 s7, $0x3;
	s11 =	sor.u32 $0x1C09, s11;
	s14 =	rddreg [dreg:$0x7]  }
0xd5: {  	[hbm:s14], [sflag:s11] =	dma.local [spmem:s13], $0x2800  }
0xd6: {  	_ =	swait.ge [sflag:s20], $0x2800  }
0xd7: {  	s10 =	sadd.s32 $0x1, s10;
	s14 =	rddreg [dreg:$0x8]  }
0xd8: {  	p1 =	sne.s32 s10, s14  }
.Ltmp2:
0xd9: {  	_ = 	snop;
	(pc) =	sbr.rel @p1 .LBB2_1-.Ltmp2, $3  }
0xda: {  	_ =	sdelay $0x1  }
0xdb: {  	[sflag:s20] =	ssyncset.done $0x0  }
0xdc: {  	[sflag:s20] =	ssyncadd.s32 $0xFFFFD800  }
0xdd: {  	_ =	sfence.sel $0x180000  }
0xde: {  	[bflag:$0x0] =	sbarrier.arrive $0xFFFF  }
0xdf: {  	_ =	strace $0x90000050  }
0xe0: {  	s0 =	stileid.u32;
	[bflag:$0x2] =	sbarrier.arrive $0xFFFF  }
0xe1: {  	p0 =	sne.s32 s0, $0x0;
	s0 =	rddreg [dreg:$0x2]  }
0xe2: {  	s0 =	sadd.s32 @!p0 $0x100000, s0  }
0xe3: {  	[sflag:s0] =	ssyncadd.tile.s32 @!p0 $0x1;
	_ =	shalt  }
.Lfunc_end2:
_tile_overlayer_lowered:
.L_overlay_start_2:
0xe4: {  	(tag) =	ssettag $0x2  }
0xe5: {  	s0 =	rddreg [dreg:$0x0];
	s2 =	stileid.u32  }
0xe6: {  	s1 =	rddreg [dreg:$0x1];
	p0 =	sne.s32 s2, $0x0  }
0xe7: {  	s3 =	rddreg [dreg:$0x2];
	[bflag:$0x3] =	sbarrier.arrive $0xFFFF;
	s2 =	simm.s32 @!p0 $0x1C09  }
0xe8: {  	[timem:s3], [sflag:s2] =	dma.local @!p0 [hbm:s0], s1  }
0xe9: {  	s0 =	simm.s32 @!p0 $0x9  }
0xea: {  	_ =	swait.ge @!p0 [sflag:s0], s1  }
0xeb: {  	s1 =	ssub.s32 @!p0 $0x0, s1;
	[sflag:s0] =	ssyncset.done @!p0 $0x0  }
0xec: {  	[sflag:s0] =	ssyncadd.s32 @!p0 s1  }
0xed: {  	[bflag:$0x3] =	sbarrier.arrive $0xFFFF  }
0xee: {  	_ =	shalt  }

</sc_bundles>
